<compile_context>
chip_gen: v7x
topology: tpu7x:2x2x1
jax: 0.10.2.dev20260603
libtpu: 0.0.44.dev20260713+nightly
codegen_flags: <defaults>
</compile_context>

<pallas_src>
import functools

import jax
import jax.numpy as jnp
from jax import lax
from jax.experimental import pallas as pl
from jax.experimental.pallas import tpu as pltpu
from jax.experimental.pallas import tpu_sc as plsc

MAXLEN_ = 200
EMBED_ = 64
BATCH_ = 4096
LANES_ = 16
SPLIT_ = 96
REST_ = MAXLEN_ - SPLIT_
NB_ = 4


def kernel(x, token_table, pos_table):
    info = plsc.get_sparse_core_info()
    nc, ns = info.num_cores, info.num_subcores
    nw = nc * ns
    rows_per_w = BATCH_ // nw
    nch = rows_per_w

    mesh = plsc.VectorSubcoreMesh(core_axis_name="c", subcore_axis_name="s")

    scratch = (
        [pltpu.VMEM((SPLIT_,), jnp.int32) for _ in range(NB_)]
        + [pltpu.VMEM((REST_,), jnp.int32) for _ in range(NB_)]
        + [pltpu.VMEM((MAXLEN_, EMBED_), jnp.float32) for _ in range(NB_)]
        + [pltpu.VMEM((MAXLEN_, EMBED_), jnp.float32)]
        + [pltpu.SemaphoreType.DMA for _ in range(3 * NB_)]
    )

    @functools.partial(
        pl.kernel,
        mesh=mesh,
        compiler_params=pltpu.CompilerParams(use_tc_tiling_on_sc=False),
        out_type=jax.ShapeDtypeStruct((BATCH_, MAXLEN_, 128), jnp.float32),
        scratch_types=scratch,
    )
    def emb_kernel(x_hbm, tt_hbm, pt_hbm, out_hbm, *refs):
        ia = refs[0:NB_]
        ib = refs[NB_ : 2 * NB_]
        tok = refs[2 * NB_ : 3 * NB_]
        pos = refs[3 * NB_]
        isem = refs[3 * NB_ + 1 : 3 * NB_ + 1 + NB_]
        gsem = refs[3 * NB_ + 1 + NB_ : 3 * NB_ + 1 + 2 * NB_]
        osem = refs[3 * NB_ + 1 + 2 * NB_ : 3 * NB_ + 1 + 3 * NB_]

        wid = lax.axis_index("s") * nc + lax.axis_index("c")
        base = wid * rows_per_w

        def issue_idx(c, b):
            off = (base + c) * MAXLEN_
            pltpu.async_copy(x_hbm.at[pl.ds(off, SPLIT_)], ia[b], isem[b])
            pltpu.async_copy(x_hbm.at[pl.ds(off + SPLIT_, REST_)], ib[b], isem[b])

        def wait_idx(b):
            pltpu.make_async_copy(x_hbm.at[pl.ds(0, SPLIT_)], ia[b], isem[b]).wait()
            pltpu.make_async_copy(x_hbm.at[pl.ds(0, REST_)], ib[b], isem[b]).wait()

        def issue_gather(b):
            pltpu.async_copy(tt_hbm.at[ia[b]], tok[b].at[pl.ds(0, SPLIT_)], gsem[b])
            pltpu.async_copy(
                tt_hbm.at[ib[b]], tok[b].at[pl.ds(SPLIT_, REST_)], gsem[b]
            )

        def wait_gather(b):
            pltpu.make_async_copy(
                tt_hbm.at[ia[b]], tok[b].at[pl.ds(0, SPLIT_)], gsem[b]
            ).wait()
            pltpu.make_async_copy(
                tt_hbm.at[ib[b]], tok[b].at[pl.ds(SPLIT_, REST_)], gsem[b]
            ).wait()

        def issue_out(c, b):
            pltpu.async_copy(
                tok[b], out_hbm.at[base + c, :, pl.ds(0, EMBED_)], osem[b]
            )

        def wait_out(b):
            pltpu.make_async_copy(
                tok[b], out_hbm.at[base, :, pl.ds(0, EMBED_)], osem[b]
            ).wait()

        def add(b):
            tok_b = tok[b]

            def add_rows(i2, carry):
                for r in range(2):
                    i = i2 * 2 + r
                    for j in range(EMBED_ // LANES_):
                        sl = pl.ds(j * LANES_, LANES_)
                        tok_b[i, sl] = tok_b[i, sl] + pos[i, sl]
                return carry

            lax.fori_loop(0, MAXLEN_ // 2, add_rows, 0)

        def step(c, b, *, with_out_wait):
            issue_idx(c + 2, (b + 2) % NB_)
            wait_idx((b + 1) % NB_)
            if with_out_wait:
                wait_out((b + 1) % NB_)
            issue_gather((b + 1) % NB_)
            wait_gather(b)
            add(b)
            issue_out(c, b)

        pltpu.sync_copy(pt_hbm, pos)

        issue_idx(0, 0)
        issue_idx(1, 1)
        wait_idx(0)
        issue_gather(0)
        step(0, 0, with_out_wait=False)
        step(1, 1, with_out_wait=False)
        step(2, 2, with_out_wait=False)
        step(3, 3, with_out_wait=True)

        def group(g, carry):
            c0 = g * NB_
            for b in range(NB_):
                step(c0 + b, b, with_out_wait=True)
            return carry

        lax.fori_loop(1, nch // NB_ - 1, group, 0)

        c0 = nch - NB_
        issue_idx(c0 + 2, 2)
        wait_idx(1)
        wait_out(1)
        issue_gather(1)
        wait_gather(0)
        add(0)
        issue_out(c0, 0)
        issue_idx(c0 + 3, 3)
        wait_idx(2)
        wait_out(2)
        issue_gather(2)
        wait_gather(1)
        add(1)
        issue_out(c0 + 1, 1)
        wait_idx(3)
        wait_out(3)
        issue_gather(3)
        wait_gather(2)
        add(2)
        issue_out(c0 + 2, 2)
        wait_gather(3)
        add(3)
        issue_out(c0 + 3, 3)
        for b in range(NB_):
            wait_out(b)

    out128 = emb_kernel(x.astype(jnp.int32).reshape(-1), token_table, pos_table)
    return out128[:, :, :EMBED_]

# --- scband reference (transcript-rebuilt; emitter-appended) ---
"""Pipeline reference for scband-token-and-position-embedding-69561290326766 (READ-ONLY COPY).

The authoritative reference and input builder live on the scoring server;
editing this copy changes nothing except your own understanding.
"""

import jax, jax.numpy as jnp
import numpy as np

MAXLEN = 200
VOCAB = 1000000
EMBED = 64
BATCH = 4096

def setup_inputs(seed: int = 0) -> dict:
    key = jax.random.key(seed)
    k1, k2, k3 = jax.random.split(key, 3)
    x = jax.random.randint(k1, (BATCH, MAXLEN), 0, VOCAB, dtype=jnp.int64 if jax.config.jax_enable_x64 else jnp.int32)
    token_table = jax.random.normal(k2, (VOCAB, EMBED), dtype=jnp.float32) * 0.02
    pos_table = jax.random.normal(k3, (MAXLEN, EMBED), dtype=jnp.float32) * 0.02
    return {"x": x, "token_table": token_table, "pos_table": pos_table}

def reference(x, token_table, pos_table):
    positions = jnp.arange(0, MAXLEN)
    pos_emb = jnp.take(pos_table, positions, axis=0)  # [MAXLEN, EMBED]
    tok_emb = jnp.take(token_table, x, axis=0)        # [BATCH, MAXLEN, EMBED]
    return tok_emb + pos_emb[None, :, :]

if __name__ == "__main__":
    import jax
    _d = setup_inputs()
    print(jax.jit(kernel)(*tuple(_d.values())))

</pallas_src>

<mosaic_0001>
#map = affine_map<(d0, d1) -> (0)>
#map1 = affine_map<(d0, d1) -> (0, 0)>
#map2 = affine_map<(d0, d1) -> (0, 0, 0)>
module attributes {stable_mosaic.version = 14 : i64} {
  func.func @emb_kernel(%arg0: i32, %arg1: i32, %arg2: memref<819200xi32, #tpu.memory_space<hbm>>, %arg3: memref<1000000x64xf32, #tpu.memory_space<hbm>>, %arg4: memref<200x64xf32, #tpu.memory_space<hbm>>, %arg5: memref<4096x200x128xf32, #tpu.memory_space<hbm>>, %arg6: memref<96xi32, #tpu.memory_space<vmem>>, %arg7: memref<96xi32, #tpu.memory_space<vmem>>, %arg8: memref<96xi32, #tpu.memory_space<vmem>>, %arg9: memref<96xi32, #tpu.memory_space<vmem>>, %arg10: memref<104xi32, #tpu.memory_space<vmem>>, %arg11: memref<104xi32, #tpu.memory_space<vmem>>, %arg12: memref<104xi32, #tpu.memory_space<vmem>>, %arg13: memref<104xi32, #tpu.memory_space<vmem>>, %arg14: memref<200x64xf32, #tpu.memory_space<vmem>>, %arg15: memref<200x64xf32, #tpu.memory_space<vmem>>, %arg16: memref<200x64xf32, #tpu.memory_space<vmem>>, %arg17: memref<200x64xf32, #tpu.memory_space<vmem>>, %arg18: memref<200x64xf32, #tpu.memory_space<vmem>>, %arg19: memref<!tpu.dma_semaphore, #tpu.memory_space<semaphore_mem>>, %arg20: memref<!tpu.dma_semaphore, #tpu.memory_space<semaphore_mem>>, %arg21: memref<!tpu.dma_semaphore, #tpu.memory_space<semaphore_mem>>, %arg22: memref<!tpu.dma_semaphore, #tpu.memory_space<semaphore_mem>>, %arg23: memref<!tpu.dma_semaphore, #tpu.memory_space<semaphore_mem>>, %arg24: memref<!tpu.dma_semaphore, #tpu.memory_space<semaphore_mem>>, %arg25: memref<!tpu.dma_semaphore, #tpu.memory_space<semaphore_mem>>, %arg26: memref<!tpu.dma_semaphore, #tpu.memory_space<semaphore_mem>>, %arg27: memref<!tpu.dma_semaphore, #tpu.memory_space<semaphore_mem>>, %arg28: memref<!tpu.dma_semaphore, #tpu.memory_space<semaphore_mem>>, %arg29: memref<!tpu.dma_semaphore, #tpu.memory_space<semaphore_mem>>, %arg30: memref<!tpu.dma_semaphore, #tpu.memory_space<semaphore_mem>>) attributes {dimension_semantics = [#tpu.dimension_semantics<core_parallel>, #tpu.dimension_semantics<subcore_parallel>], iteration_bounds = array<i64: 2, 16>, scalar_prefetch = 0 : i64, scratch_operands = 25 : i64, tpu.core_type = #tpu.core_type<sc_vector_subcore>, window_params = [{transform_indices = #map}, {transform_indices = #map1}, {transform_indices = #map1}, {transform_indices = #map2}]} {
    %mul3A = arith.constant 2 : i32
    %mul3A_0 = arith.muli %arg1, %mul3A : i32
    %add3A = arith.addi %mul3A_0, %arg0 : i32
    %mul3A_1 = arith.constant 128 : i32
    %mul3A_2 = arith.muli %add3A, %mul3A_1 : i32
    "tpu.region"() ({
      %run_scoped3A = tpu.sem_alloc : memref<!tpu.dma_semaphore, #tpu.memory_space<semaphore_mem>>
      tpu.enqueue_dma source(%arg4 : memref<200x64xf32, #tpu.memory_space<hbm>>) target(%arg18 : memref<200x64xf32, #tpu.memory_space<vmem>>) target_semaphore(%run_scoped3A : memref<!tpu.dma_semaphore, #tpu.memory_space<semaphore_mem>>)
      tpu.wait_dma2 semaphore(%run_scoped3A : memref<!tpu.dma_semaphore, #tpu.memory_space<semaphore_mem>>) src(%arg4 : memref<200x64xf32, #tpu.memory_space<hbm>>) dst(%arg18 : memref<200x64xf32, #tpu.memory_space<vmem>>)
      tpu.yield
    }) : () -> ()
    %add3A_3 = arith.constant 0 : i32
    %add3A_4 = arith.addi %mul3A_2, %add3A_3 : i32
    %mul3A_5 = arith.constant 200 : i32
    %mul3A_6 = arith.muli %add3A_4, %mul3A_5 : i32
    %dma_start3A = tpu.memref_slice %arg2[%mul3A_6] : memref<819200xi32, #tpu.memory_space<hbm>> -> memref<96xi32, #tpu.memory_space<hbm>>
    %dma_start3A_7 = tpu.memref_slice %arg2[%mul3A_6] : memref<819200xi32, #tpu.memory_space<hbm>> -> memref<96xi32, #tpu.memory_space<hbm>>
    tpu.enqueue_dma source(%dma_start3A_7 : memref<96xi32, #tpu.memory_space<hbm>>) target(%arg6 : memref<96xi32, #tpu.memory_space<vmem>>) target_semaphore(%arg19 : memref<!tpu.dma_semaphore, #tpu.memory_space<semaphore_mem>>)
    %add3A_8 = arith.constant 96 : i32
    %add3A_9 = arith.addi %mul3A_6, %add3A_8 : i32
    %dma_start3A_10 = tpu.memref_slice %arg2[%add3A_9] : memref<819200xi32, #tpu.memory_space<hbm>> -> memref<104xi32, #tpu.memory_space<hbm>>
    %dma_start3A_11 = tpu.memref_slice %arg2[%add3A_9] : memref<819200xi32, #tpu.memory_space<hbm>> -> memref<104xi32, #tpu.memory_space<hbm>>
    tpu.enqueue_dma source(%dma_start3A_11 : memref<104xi32, #tpu.memory_space<hbm>>) target(%arg10 : memref<104xi32, #tpu.memory_space<vmem>>) target_semaphore(%arg19 : memref<!tpu.dma_semaphore, #tpu.memory_space<semaphore_mem>>)
    %add3A_12 = arith.constant 1 : i32
    %add3A_13 = arith.addi %mul3A_2, %add3A_12 : i32
    %mul3A_14 = arith.constant 200 : i32
    %mul3A_15 = arith.muli %add3A_13, %mul3A_14 : i32
    %dma_start3A_16 = tpu.memref_slice %arg2[%mul3A_15] : memref<819200xi32, #tpu.memory_space<hbm>> -> memref<96xi32, #tpu.memory_space<hbm>>
    %dma_start3A_17 = tpu.memref_slice %arg2[%mul3A_15] : memref<819200xi32, #tpu.memory_space<hbm>> -> memref<96xi32, #tpu.memory_space<hbm>>
    tpu.enqueue_dma source(%dma_start3A_17 : memref<96xi32, #tpu.memory_space<hbm>>) target(%arg7 : memref<96xi32, #tpu.memory_space<vmem>>) target_semaphore(%arg20 : memref<!tpu.dma_semaphore, #tpu.memory_space<semaphore_mem>>)
    %add3A_18 = arith.constant 96 : i32
    %add3A_19 = arith.addi %mul3A_15, %add3A_18 : i32
    %dma_start3A_20 = tpu.memref_slice %arg2[%add3A_19] : memref<819200xi32, #tpu.memory_space<hbm>> -> memref<104xi32, #tpu.memory_space<hbm>>
    %dma_start3A_21 = tpu.memref_slice %arg2[%add3A_19] : memref<819200xi32, #tpu.memory_space<hbm>> -> memref<104xi32, #tpu.memory_space<hbm>>
    tpu.enqueue_dma source(%dma_start3A_21 : memref<104xi32, #tpu.memory_space<hbm>>) target(%arg11 : memref<104xi32, #tpu.memory_space<vmem>>) target_semaphore(%arg20 : memref<!tpu.dma_semaphore, #tpu.memory_space<semaphore_mem>>)
    %dma_wait3A = arith.constant 0 : i32
    %dma_wait3A_22 = tpu.memref_slice %arg2[%dma_wait3A] : memref<819200xi32, #tpu.memory_space<hbm>> -> memref<96xi32, #tpu.memory_space<hbm>>
    %dma_wait3A_23 = arith.constant 0 : i32
    %dma_wait3A_24 = tpu.memref_slice %arg2[%dma_wait3A_23] : memref<819200xi32, #tpu.memory_space<hbm>> -> memref<96xi32, #tpu.memory_space<hbm>>
    tpu.wait_dma2 semaphore(%arg19 : memref<!tpu.dma_semaphore, #tpu.memory_space<semaphore_mem>>) src(%dma_wait3A_24 : memref<96xi32, #tpu.memory_space<hbm>>) dst(%arg6 : memref<96xi32, #tpu.memory_space<vmem>>)
    %dma_wait3A_25 = arith.constant 0 : i32
    %dma_wait3A_26 = tpu.memref_slice %arg2[%dma_wait3A_25] : memref<819200xi32, #tpu.memory_space<hbm>> -> memref<104xi32, #tpu.memory_space<hbm>>
    %dma_wait3A_27 = arith.constant 0 : i32
    %dma_wait3A_28 = tpu.memref_slice %arg2[%dma_wait3A_27] : memref<819200xi32, #tpu.memory_space<hbm>> -> memref<104xi32, #tpu.memory_space<hbm>>
    tpu.wait_dma2 semaphore(%arg19 : memref<!tpu.dma_semaphore, #tpu.memory_space<semaphore_mem>>) src(%dma_wait3A_28 : memref<104xi32, #tpu.memory_space<hbm>>) dst(%arg10 : memref<104xi32, #tpu.memory_space<vmem>>)
    %dma_start3A_29 = arith.constant 0 : i32
    %dma_start3A_30 = arith.constant 0 : i32
    %dma_start3A_31 = tpu.memref_slice %arg14[%dma_start3A_29, %dma_start3A_30] : memref<200x64xf32, #tpu.memory_space<vmem>> -> memref<96x64xf32, #tpu.memory_space<vmem>>
    %dma_start3A_32 = arith.constant 0 : i32
    %dma_start3A_33 = arith.constant 0 : i32
    %dma_start3A_34 = tpu.memref_slice %arg3[%dma_start3A_32, %dma_start3A_33] : memref<1000000x64xf32, #tpu.memory_space<hbm>> -> memref<1000000x64xf32, #tpu.memory_space<hbm>>
    tpu.enqueue_indirect_dma source(%dma_start3A_34 : memref<1000000x64xf32, #tpu.memory_space<hbm>>) target(%dma_start3A_31 : memref<96x64xf32, #tpu.memory_space<vmem>>) offsets(%arg6 : memref<96xi32, #tpu.memory_space<vmem>>) semaphore(%arg23 : memref<!tpu.dma_semaphore, #tpu.memory_space<semaphore_mem>>)
    %dma_start3A_35 = arith.constant 96 : i32
    %dma_start3A_36 = arith.constant 0 : i32
    %dma_start3A_37 = tpu.memref_slice %arg14[%dma_start3A_35, %dma_start3A_36] : memref<200x64xf32, #tpu.memory_space<vmem>> -> memref<104x64xf32, #tpu.memory_space<vmem>>
    %dma_start3A_38 = arith.constant 0 : i32
    %dma_start3A_39 = arith.constant 0 : i32
    %dma_start3A_40 = tpu.memref_slice %arg3[%dma_start3A_38, %dma_start3A_39] : memref<1000000x64xf32, #tpu.memory_space<hbm>> -> memref<1000000x64xf32, #tpu.memory_space<hbm>>
    tpu.enqueue_indirect_dma source(%dma_start3A_40 : memref<1000000x64xf32, #tpu.memory_space<hbm>>) target(%dma_start3A_37 : memref<104x64xf32, #tpu.memory_space<vmem>>) offsets(%arg10 : memref<104xi32, #tpu.memory_space<vmem>>) semaphore(%arg23 : memref<!tpu.dma_semaphore, #tpu.memory_space<semaphore_mem>>)
    %add3A_41 = arith.constant 2 : i32
    %add3A_42 = arith.addi %mul3A_2, %add3A_41 : i32
    %mul3A_43 = arith.constant 200 : i32
    %mul3A_44 = arith.muli %add3A_42, %mul3A_43 : i32
    %dma_start3A_45 = tpu.memref_slice %arg2[%mul3A_44] : memref<819200xi32, #tpu.memory_space<hbm>> -> memref<96xi32, #tpu.memory_space<hbm>>
    %dma_start3A_46 = tpu.memref_slice %arg2[%mul3A_44] : memref<819200xi32, #tpu.memory_space<hbm>> -> memref<96xi32, #tpu.memory_space<hbm>>
    tpu.enqueue_dma source(%dma_start3A_46 : memref<96xi32, #tpu.memory_space<hbm>>) target(%arg8 : memref<96xi32, #tpu.memory_space<vmem>>) target_semaphore(%arg21 : memref<!tpu.dma_semaphore, #tpu.memory_space<semaphore_mem>>)
    %add3A_47 = arith.constant 96 : i32
    %add3A_48 = arith.addi %mul3A_44, %add3A_47 : i32
    %dma_start3A_49 = tpu.memref_slice %arg2[%add3A_48] : memref<819200xi32, #tpu.memory_space<hbm>> -> memref<104xi32, #tpu.memory_space<hbm>>
    %dma_start3A_50 = tpu.memref_slice %arg2[%add3A_48] : memref<819200xi32, #tpu.memory_space<hbm>> -> memref<104xi32, #tpu.memory_space<hbm>>
    tpu.enqueue_dma source(%dma_start3A_50 : memref<104xi32, #tpu.memory_space<hbm>>) target(%arg12 : memref<104xi32, #tpu.memory_space<vmem>>) target_semaphore(%arg21 : memref<!tpu.dma_semaphore, #tpu.memory_space<semaphore_mem>>)
    %dma_wait3A_51 = arith.constant 0 : i32
    %dma_wait3A_52 = tpu.memref_slice %arg2[%dma_wait3A_51] : memref<819200xi32, #tpu.memory_space<hbm>> -> memref<96xi32, #tpu.memory_space<hbm>>
    %dma_wait3A_53 = arith.constant 0 : i32
    %dma_wait3A_54 = tpu.memref_slice %arg2[%dma_wait3A_53] : memref<819200xi32, #tpu.memory_space<hbm>> -> memref<96xi32, #tpu.memory_space<hbm>>
    tpu.wait_dma2 semaphore(%arg20 : memref<!tpu.dma_semaphore, #tpu.memory_space<semaphore_mem>>) src(%dma_wait3A_54 : memref<96xi32, #tpu.memory_space<hbm>>) dst(%arg7 : memref<96xi32, #tpu.memory_space<vmem>>)
    %dma_wait3A_55 = arith.constant 0 : i32
    %dma_wait3A_56 = tpu.memref_slice %arg2[%dma_wait3A_55] : memref<819200xi32, #tpu.memory_space<hbm>> -> memref<104xi32, #tpu.memory_space<hbm>>
    %dma_wait3A_57 = arith.constant 0 : i32
    %dma_wait3A_58 = tpu.memref_slice %arg2[%dma_wait3A_57] : memref<819200xi32, #tpu.memory_space<hbm>> -> memref<104xi32, #tpu.memory_space<hbm>>
    tpu.wait_dma2 semaphore(%arg20 : memref<!tpu.dma_semaphore, #tpu.memory_space<semaphore_mem>>) src(%dma_wait3A_58 : memref<104xi32, #tpu.memory_space<hbm>>) dst(%arg11 : memref<104xi32, #tpu.memory_space<vmem>>)
    %dma_start3A_59 = arith.constant 0 : i32
    %dma_start3A_60 = arith.constant 0 : i32
    %dma_start3A_61 = tpu.memref_slice %arg15[%dma_start3A_59, %dma_start3A_60] : memref<200x64xf32, #tpu.memory_space<vmem>> -> memref<96x64xf32, #tpu.memory_space<vmem>>
    %dma_start3A_62 = arith.constant 0 : i32
    %dma_start3A_63 = arith.constant 0 : i32
    %dma_start3A_64 = tpu.memref_slice %arg3[%dma_start3A_62, %dma_start3A_63] : memref<1000000x64xf32, #tpu.memory_space<hbm>> -> memref<1000000x64xf32, #tpu.memory_space<hbm>>
    tpu.enqueue_indirect_dma source(%dma_start3A_64 : memref<1000000x64xf32, #tpu.memory_space<hbm>>) target(%dma_start3A_61 : memref<96x64xf32, #tpu.memory_space<vmem>>) offsets(%arg7 : memref<96xi32, #tpu.memory_space<vmem>>) semaphore(%arg24 : memref<!tpu.dma_semaphore, #tpu.memory_space<semaphore_mem>>)
    %dma_start3A_65 = arith.constant 96 : i32
    %dma_start3A_66 = arith.constant 0 : i32
    %dma_start3A_67 = tpu.memref_slice %arg15[%dma_start3A_65, %dma_start3A_66] : memref<200x64xf32, #tpu.memory_space<vmem>> -> memref<104x64xf32, #tpu.memory_space<vmem>>
    %dma_start3A_68 = arith.constant 0 : i32
    %dma_start3A_69 = arith.constant 0 : i32
    %dma_start3A_70 = tpu.memref_slice %arg3[%dma_start3A_68, %dma_start3A_69] : memref<1000000x64xf32, #tpu.memory_space<hbm>> -> memref<1000000x64xf32, #tpu.memory_space<hbm>>
    tpu.enqueue_indirect_dma source(%dma_start3A_70 : memref<1000000x64xf32, #tpu.memory_space<hbm>>) target(%dma_start3A_67 : memref<104x64xf32, #tpu.memory_space<vmem>>) offsets(%arg11 : memref<104xi32, #tpu.memory_space<vmem>>) semaphore(%arg24 : memref<!tpu.dma_semaphore, #tpu.memory_space<semaphore_mem>>)
    %dma_wait3A_71 = arith.constant 0 : i32
    %dma_wait3A_72 = arith.constant 0 : i32
    %dma_wait3A_73 = tpu.memref_slice %arg14[%dma_wait3A_71, %dma_wait3A_72] : memref<200x64xf32, #tpu.memory_space<vmem>> -> memref<96x64xf32, #tpu.memory_space<vmem>>
    %dma_wait3A_74 = arith.constant 0 : i32
    %dma_wait3A_75 = arith.constant 0 : i32
    %dma_wait3A_76 = tpu.memref_slice %arg3[%dma_wait3A_74, %dma_wait3A_75] : memref<1000000x64xf32, #tpu.memory_space<hbm>> -> memref<1000000x64xf32, #tpu.memory_space<hbm>>
    tpu.wait_indirect_dma semaphore(%arg23 : memref<!tpu.dma_semaphore, #tpu.memory_space<semaphore_mem>>) src(%dma_wait3A_76 : memref<1000000x64xf32, #tpu.memory_space<hbm>>) dst(%dma_wait3A_73 : memref<96x64xf32, #tpu.memory_space<vmem>>)
    %dma_wait3A_77 = arith.constant 96 : i32
    %dma_wait3A_78 = arith.constant 0 : i32
    %dma_wait3A_79 = tpu.memref_slice %arg14[%dma_wait3A_77, %dma_wait3A_78] : memref<200x64xf32, #tpu.memory_space<vmem>> -> memref<104x64xf32, #tpu.memory_space<vmem>>
    %dma_wait3A_80 = arith.constant 0 : i32
    %dma_wait3A_81 = arith.constant 0 : i32
    %dma_wait3A_82 = tpu.memref_slice %arg3[%dma_wait3A_80, %dma_wait3A_81] : memref<1000000x64xf32, #tpu.memory_space<hbm>> -> memref<1000000x64xf32, #tpu.memory_space<hbm>>
    tpu.wait_indirect_dma semaphore(%arg23 : memref<!tpu.dma_semaphore, #tpu.memory_space<semaphore_mem>>) src(%dma_wait3A_82 : memref<1000000x64xf32, #tpu.memory_space<hbm>>) dst(%dma_wait3A_79 : memref<104x64xf32, #tpu.memory_space<vmem>>)
    %scan3A = arith.constant 0 : i32
    %scan3A_83 = arith.constant 0 : i32
    %scan3A_84 = arith.constant 100 : i32
    %scan3A_85 = arith.addi %scan3A_83, %scan3A_84 : i32
    %scan3A_86 = arith.constant 1 : i32
    scf.for %scan3A_534 = %scan3A_83 to %scan3A_85 step %scan3A_86  : i32 {
      %mul3A_535 = arith.constant 2 : i32
      %mul3A_536 = arith.muli %scan3A_534, %mul3A_535 : i32
      %add3A_537 = arith.constant 0 : i32
      %add3A_538 = arith.addi %mul3A_536, %add3A_537 : i32
      %get3A = arith.index_cast %add3A_538 : i32 to index
      %get3A_539 = arith.constant 0 : index
      %get3A_540 = tpu.vector_load %arg14[%get3A, %get3A_539] {strides = array<i32>} : memref<200x64xf32, #tpu.memory_space<vmem>>, vector<1x16xf32>,
      %get3A_541 = vector.shape_cast %get3A_540 : vector<1x16xf32> to vector<16xf32>
      %get3A_542 = arith.index_cast %add3A_538 : i32 to index
      %get3A_543 = arith.constant 0 : index
      %get3A_544 = tpu.vector_load %arg18[%get3A_542, %get3A_543] {strides = array<i32>} : memref<200x64xf32, #tpu.memory_space<vmem>>, vector<1x16xf32>,
      %get3A_545 = vector.shape_cast %get3A_544 : vector<1x16xf32> to vector<16xf32>
      %add3A_546 = arith.addf %get3A_541, %get3A_545 : vector<16xf32>
      %swap3A = arith.index_cast %add3A_538 : i32 to index
      %swap3A_547 = arith.constant 0 : index
      %swap3A_548 = tpu.vector_load %arg14[%swap3A, %swap3A_547] {strides = array<i32>} : memref<200x64xf32, #tpu.memory_space<vmem>>, vector<1x16xf32>,
      %swap3A_549 = vector.shape_cast %swap3A_548 : vector<1x16xf32> to vector<16xf32>
      %swap3A_550 = vector.shape_cast %add3A_546 : vector<16xf32> to vector<1x16xf32>
      tpu.vector_store %arg14[%swap3A, %swap3A_547], %swap3A_550 {strides = array<i32>} : memref<200x64xf32, #tpu.memory_space<vmem>>, vector<1x16xf32>,
      %get3A_551 = arith.index_cast %add3A_538 : i32 to index
      %get3A_552 = arith.constant 16 : index
      %get3A_553 = tpu.vector_load %arg14[%get3A_551, %get3A_552] {strides = array<i32>} : memref<200x64xf32, #tpu.memory_space<vmem>>, vector<1x16xf32>,
      %get3A_554 = vector.shape_cast %get3A_553 : vector<1x16xf32> to vector<16xf32>
      %get3A_555 = arith.index_cast %add3A_538 : i32 to index
      %get3A_556 = arith.constant 16 : index
      %get3A_557 = tpu.vector_load %arg18[%get3A_555, %get3A_556] {strides = array<i32>} : memref<200x64xf32, #tpu.memory_space<vmem>>, vector<1x16xf32>,
      %get3A_558 = vector.shape_cast %get3A_557 : vector<1x16xf32> to vector<16xf32>
      %add3A_559 = arith.addf %get3A_554, %get3A_558 : vector<16xf32>
      %swap3A_560 = arith.index_cast %add3A_538 : i32 to index
      %swap3A_561 = arith.constant 16 : index
      %swap3A_562 = tpu.vector_load %arg14[%swap3A_560, %swap3A_561] {strides = array<i32>} : memref<200x64xf32, #tpu.memory_space<vmem>>, vector<1x16xf32>,
      %swap3A_563 = vector.shape_cast %swap3A_562 : vector<1x16xf32> to vector<16xf32>
      %swap3A_564 = vector.shape_cast %add3A_559 : vector<16xf32> to vector<1x16xf32>
      tpu.vector_store %arg14[%swap3A_560, %swap3A_561], %swap3A_564 {strides = array<i32>} : memref<200x64xf32, #tpu.memory_space<vmem>>, vector<1x16xf32>,
      %get3A_565 = arith.index_cast %add3A_538 : i32 to index
      %get3A_566 = arith.constant 32 : index
      %get3A_567 = tpu.vector_load %arg14[%get3A_565, %get3A_566] {strides = array<i32>} : memref<200x64xf32, #tpu.memory_space<vmem>>, vector<1x16xf32>,
      %get3A_568 = vector.shape_cast %get3A_567 : vector<1x16xf32> to vector<16xf32>
      %get3A_569 = arith.index_cast %add3A_538 : i32 to index
      %get3A_570 = arith.constant 32 : index
      %get3A_571 = tpu.vector_load %arg18[%get3A_569, %get3A_570] {strides = array<i32>} : memref<200x64xf32, #tpu.memory_space<vmem>>, vector<1x16xf32>,
      %get3A_572 = vector.shape_cast %get3A_571 : vector<1x16xf32> to vector<16xf32>
      %add3A_573 = arith.addf %get3A_568, %get3A_572 : vector<16xf32>
      %swap3A_574 = arith.index_cast %add3A_538 : i32 to index
      %swap3A_575 = arith.constant 32 : index
      %swap3A_576 = tpu.vector_load %arg14[%swap3A_574, %swap3A_575] {strides = array<i32>} : memref<200x64xf32, #tpu.memory_space<vmem>>, vector<1x16xf32>,
      %swap3A_577 = vector.shape_cast %swap3A_576 : vector<1x16xf32> to vector<16xf32>
      %swap3A_578 = vector.shape_cast %add3A_573 : vector<16xf32> to vector<1x16xf32>
      tpu.vector_store %arg14[%swap3A_574, %swap3A_575], %swap3A_578 {strides = array<i32>} : memref<200x64xf32, #tpu.memory_space<vmem>>, vector<1x16xf32>,
      %get3A_579 = arith.index_cast %add3A_538 : i32 to index
      %get3A_580 = arith.constant 48 : index
      %get3A_581 = tpu.vector_load %arg14[%get3A_579, %get3A_580] {strides = array<i32>} : memref<200x64xf32, #tpu.memory_space<vmem>>, vector<1x16xf32>,
      %get3A_582 = vector.shape_cast %get3A_581 : vector<1x16xf32> to vector<16xf32>
      %get3A_583 = arith.index_cast %add3A_538 : i32 to index
      %get3A_584 = arith.constant 48 : index
      %get3A_585 = tpu.vector_load %arg18[%get3A_583, %get3A_584] {strides = array<i32>} : memref<200x64xf32, #tpu.memory_space<vmem>>, vector<1x16xf32>,
      %get3A_586 = vector.shape_cast %get3A_585 : vector<1x16xf32> to vector<16xf32>
      %add3A_587 = arith.addf %get3A_582, %get3A_586 : vector<16xf32>
      %swap3A_588 = arith.index_cast %add3A_538 : i32 to index
      %swap3A_589 = arith.constant 48 : index
      %swap3A_590 = tpu.vector_load %arg14[%swap3A_588, %swap3A_589] {strides = array<i32>} : memref<200x64xf32, #tpu.memory_space<vmem>>, vector<1x16xf32>,
      %swap3A_591 = vector.shape_cast %swap3A_590 : vector<1x16xf32> to vector<16xf32>
      %swap3A_592 = vector.shape_cast %add3A_587 : vector<16xf32> to vector<1x16xf32>
      tpu.vector_store %arg14[%swap3A_588, %swap3A_589], %swap3A_592 {strides = array<i32>} : memref<200x64xf32, #tpu.memory_space<vmem>>, vector<1x16xf32>,
      %mul3A_593 = arith.constant 2 : i32
      %mul3A_594 = arith.muli %scan3A_534, %mul3A_593 : i32
      %add3A_595 = arith.constant 1 : i32
      %add3A_596 = arith.addi %mul3A_594, %add3A_595 : i32
      %get3A_597 = arith.index_cast %add3A_596 : i32 to index
      %get3A_598 = arith.constant 0 : index
      %get3A_599 = tpu.vector_load %arg14[%get3A_597, %get3A_598] {strides = array<i32>} : memref<200x64xf32, #tpu.memory_space<vmem>>, vector<1x16xf32>,
      %get3A_600 = vector.shape_cast %get3A_599 : vector<1x16xf32> to vector<16xf32>
      %get3A_601 = arith.index_cast %add3A_596 : i32 to index
      %get3A_602 = arith.constant 0 : index
      %get3A_603 = tpu.vector_load %arg18[%get3A_601, %get3A_602] {strides = array<i32>} : memref<200x64xf32, #tpu.memory_space<vmem>>, vector<1x16xf32>,
      %get3A_604 = vector.shape_cast %get3A_603 : vector<1x16xf32> to vector<16xf32>
      %add3A_605 = arith.addf %get3A_600, %get3A_604 : vector<16xf32>
      %swap3A_606 = arith.index_cast %add3A_596 : i32 to index
      %swap3A_607 = arith.constant 0 : index
      %swap3A_608 = tpu.vector_load %arg14[%swap3A_606, %swap3A_607] {strides = array<i32>} : memref<200x64xf32, #tpu.memory_space<vmem>>, vector<1x16xf32>,
      %swap3A_609 = vector.shape_cast %swap3A_608 : vector<1x16xf32> to vector<16xf32>
      %swap3A_610 = vector.shape_cast %add3A_605 : vector<16xf32> to vector<1x16xf32>
      tpu.vector_store %arg14[%swap3A_606, %swap3A_607], %swap3A_610 {strides = array<i32>} : memref<200x64xf32, #tpu.memory_space<vmem>>, vector<1x16xf32>,
      %get3A_611 = arith.index_cast %add3A_596 : i32 to index
      %get3A_612 = arith.constant 16 : index
      %get3A_613 = tpu.vector_load %arg14[%get3A_611, %get3A_612] {strides = array<i32>} : memref<200x64xf32, #tpu.memory_space<vmem>>, vector<1x16xf32>,
      %get3A_614 = vector.shape_cast %get3A_613 : vector<1x16xf32> to vector<16xf32>
      %get3A_615 = arith.index_cast %add3A_596 : i32 to index
      %get3A_616 = arith.constant 16 : index
      %get3A_617 = tpu.vector_load %arg18[%get3A_615, %get3A_616] {strides = array<i32>} : memref<200x64xf32, #tpu.memory_space<vmem>>, vector<1x16xf32>,
      %get3A_618 = vector.shape_cast %get3A_617 : vector<1x16xf32> to vector<16xf32>
      %add3A_619 = arith.addf %get3A_614, %get3A_618 : vector<16xf32>
      %swap3A_620 = arith.index_cast %add3A_596 : i32 to index
      %swap3A_621 = arith.constant 16 : index
      %swap3A_622 = tpu.vector_load %arg14[%swap3A_620, %swap3A_621] {strides = array<i32>} : memref<200x64xf32, #tpu.memory_space<vmem>>, vector<1x16xf32>,
      %swap3A_623 = vector.shape_cast %swap3A_622 : vector<1x16xf32> to vector<16xf32>
      %swap3A_624 = vector.shape_cast %add3A_619 : vector<16xf32> to vector<1x16xf32>
      tpu.vector_store %arg14[%swap3A_620, %swap3A_621], %swap3A_624 {strides = array<i32>} : memref<200x64xf32, #tpu.memory_space<vmem>>, vector<1x16xf32>,
      %get3A_625 = arith.index_cast %add3A_596 : i32 to index
      %get3A_626 = arith.constant 32 : index
      %get3A_627 = tpu.vector_load %arg14[%get3A_625, %get3A_626] {strides = array<i32>} : memref<200x64xf32, #tpu.memory_space<vmem>>, vector<1x16xf32>,
      %get3A_628 = vector.shape_cast %get3A_627 : vector<1x16xf32> to vector<16xf32>
      %get3A_629 = arith.index_cast %add3A_596 : i32 to index
      %get3A_630 = arith.constant 32 : index
      %get3A_631 = tpu.vector_load %arg18[%get3A_629, %get3A_630] {strides = array<i32>} : memref<200x64xf32, #tpu.memory_space<vmem>>, vector<1x16xf32>,
      %get3A_632 = vector.shape_cast %get3A_631 : vector<1x16xf32> to vector<16xf32>
      %add3A_633 = arith.addf %get3A_628, %get3A_632 : vector<16xf32>
      %swap3A_634 = arith.index_cast %add3A_596 : i32 to index
      %swap3A_635 = arith.constant 32 : index
      %swap3A_636 = tpu.vector_load %arg14[%swap3A_634, %swap3A_635] {strides = array<i32>} : memref<200x64xf32, #tpu.memory_space<vmem>>, vector<1x16xf32>,
      %swap3A_637 = vector.shape_cast %swap3A_636 : vector<1x16xf32> to vector<16xf32>
      %swap3A_638 = vector.shape_cast %add3A_633 : vector<16xf32> to vector<1x16xf32>
      tpu.vector_store %arg14[%swap3A_634, %swap3A_635], %swap3A_638 {strides = array<i32>} : memref<200x64xf32, #tpu.memory_space<vmem>>, vector<1x16xf32>,
      %get3A_639 = arith.index_cast %add3A_596 : i32 to index
      %get3A_640 = arith.constant 48 : index
      %get3A_641 = tpu.vector_load %arg14[%get3A_639, %get3A_640] {strides = array<i32>} : memref<200x64xf32, #tpu.memory_space<vmem>>, vector<1x16xf32>,
      %get3A_642 = vector.shape_cast %get3A_641 : vector<1x16xf32> to vector<16xf32>
      %get3A_643 = arith.index_cast %add3A_596 : i32 to index
      %get3A_644 = arith.constant 48 : index
      %get3A_645 = tpu.vector_load %arg18[%get3A_643, %get3A_644] {strides = array<i32>} : memref<200x64xf32, #tpu.memory_space<vmem>>, vector<1x16xf32>,
      %get3A_646 = vector.shape_cast %get3A_645 : vector<1x16xf32> to vector<16xf32>
      %add3A_647 = arith.addf %get3A_642, %get3A_646 : vector<16xf32>
      %swap3A_648 = arith.index_cast %add3A_596 : i32 to index
      %swap3A_649 = arith.constant 48 : index
      %swap3A_650 = tpu.vector_load %arg14[%swap3A_648, %swap3A_649] {strides = array<i32>} : memref<200x64xf32, #tpu.memory_space<vmem>>, vector<1x16xf32>,
      %swap3A_651 = vector.shape_cast %swap3A_650 : vector<1x16xf32> to vector<16xf32>
      %swap3A_652 = vector.shape_cast %add3A_647 : vector<16xf32> to vector<1x16xf32>
      tpu.vector_store %arg14[%swap3A_648, %swap3A_649], %swap3A_652 {strides = array<i32>} : memref<200x64xf32, #tpu.memory_space<vmem>>, vector<1x16xf32>,
    }
    %scan3A_87 = arith.constant 100 : i32
    %add3A_88 = arith.constant 0 : i32
    %add3A_89 = arith.addi %mul3A_2, %add3A_88 : i32
    %dma_start3A_90 = arith.constant 0 : i32
    %dma_start3A_91 = arith.constant 0 : i32
    %dma_start3A_92 = tpu.memref_slice %arg5[%add3A_89, %dma_start3A_90, %dma_start3A_91] : memref<4096x200x128xf32, #tpu.memory_space<hbm>> -> memref<1x200x64xf32, #tpu.memory_space<hbm>>
    %dma_start3A_93 = tpu.memref_squeeze %dma_start3A_92 : memref<1x200x64xf32, #tpu.memory_space<hbm>> -> memref<200x64xf32, #tpu.memory_space<hbm>>
    %dma_start3A_94 = arith.constant 0 : i32
    %dma_start3A_95 = arith.constant 0 : i32
    %dma_start3A_96 = tpu.memref_slice %arg5[%add3A_89, %dma_start3A_94, %dma_start3A_95] : memref<4096x200x128xf32, #tpu.memory_space<hbm>> -> memref<1x200x64xf32, #tpu.memory_space<hbm>>
    %dma_start3A_97 = tpu.memref_squeeze %dma_start3A_96 : memref<1x200x64xf32, #tpu.memory_space<hbm>> -> memref<200x64xf32, #tpu.memory_space<hbm>>
    tpu.enqueue_dma source(%arg14 : memref<200x64xf32, #tpu.memory_space<vmem>>) target(%dma_start3A_97 : memref<200x64xf32, #tpu.memory_space<hbm>>) target_semaphore(%arg27 : memref<!tpu.dma_semaphore, #tpu.memory_space<semaphore_mem>>)
    %add3A_98 = arith.constant 3 : i32
    %add3A_99 = arith.addi %mul3A_2, %add3A_98 : i32
    %mul3A_100 = arith.constant 200 : i32
    %mul3A_101 = arith.muli %add3A_99, %mul3A_100 : i32
    %dma_start3A_102 = tpu.memref_slice %arg2[%mul3A_101] : memref<819200xi32, #tpu.memory_space<hbm>> -> memref<96xi32, #tpu.memory_space<hbm>>
    %dma_start3A_103 = tpu.memref_slice %arg2[%mul3A_101] : memref<819200xi32, #tpu.memory_space<hbm>> -> memref<96xi32, #tpu.memory_space<hbm>>
    tpu.enqueue_dma source(%dma_start3A_103 : memref<96xi32, #tpu.memory_space<hbm>>) target(%arg9 : memref<96xi32, #tpu.memory_space<vmem>>) target_semaphore(%arg22 : memref<!tpu.dma_semaphore, #tpu.memory_space<semaphore_mem>>)
    %add3A_104 = arith.constant 96 : i32
    %add3A_105 = arith.addi %mul3A_101, %add3A_104 : i32
    %dma_start3A_106 = tpu.memref_slice %arg2[%add3A_105] : memref<819200xi32, #tpu.memory_space<hbm>> -> memref<104xi32, #tpu.memory_space<hbm>>
    %dma_start3A_107 = tpu.memref_slice %arg2[%add3A_105] : memref<819200xi32, #tpu.memory_space<hbm>> -> memref<104xi32, #tpu.memory_space<hbm>>
    tpu.enqueue_dma source(%dma_start3A_107 : memref<104xi32, #tpu.memory_space<hbm>>) target(%arg13 : memref<104xi32, #tpu.memory_space<vmem>>) target_semaphore(%arg22 : memref<!tpu.dma_semaphore, #tpu.memory_space<semaphore_mem>>)
    %dma_wait3A_108 = arith.constant 0 : i32
    %dma_wait3A_109 = tpu.memref_slice %arg2[%dma_wait3A_108] : memref<819200xi32, #tpu.memory_space<hbm>> -> memref<96xi32, #tpu.memory_space<hbm>>
    %dma_wait3A_110 = arith.constant 0 : i32
    %dma_wait3A_111 = tpu.memref_slice %arg2[%dma_wait3A_110] : memref<819200xi32, #tpu.memory_space<hbm>> -> memref<96xi32, #tpu.memory_space<hbm>>
    tpu.wait_dma2 semaphore(%arg21 : memref<!tpu.dma_semaphore, #tpu.memory_space<semaphore_mem>>) src(%dma_wait3A_111 : memref<96xi32, #tpu.memory_space<hbm>>) dst(%arg8 : memref<96xi32, #tpu.memory_space<vmem>>)
    %dma_wait3A_112 = arith.constant 0 : i32
    %dma_wait3A_113 = tpu.memref_slice %arg2[%dma_wait3A_112] : memref<819200xi32, #tpu.memory_space<hbm>> -> memref<104xi32, #tpu.memory_space<hbm>>
    %dma_wait3A_114 = arith.constant 0 : i32
    %dma_wait3A_115 = tpu.memref_slice %arg2[%dma_wait3A_114] : memref<819200xi32, #tpu.memory_space<hbm>> -> memref<104xi32, #tpu.memory_space<hbm>>
    tpu.wait_dma2 semaphore(%arg21 : memref<!tpu.dma_semaphore, #tpu.memory_space<semaphore_mem>>) src(%dma_wait3A_115 : memref<104xi32, #tpu.memory_space<hbm>>) dst(%arg12 : memref<104xi32, #tpu.memory_space<vmem>>)
    %dma_start3A_116 = arith.constant 0 : i32
    %dma_start3A_117 = arith.constant 0 : i32
    %dma_start3A_118 = tpu.memref_slice %arg16[%dma_start3A_116, %dma_start3A_117] : memref<200x64xf32, #tpu.memory_space<vmem>> -> memref<96x64xf32, #tpu.memory_space<vmem>>
    %dma_start3A_119 = arith.constant 0 : i32
    %dma_start3A_120 = arith.constant 0 : i32
    %dma_start3A_121 = tpu.memref_slice %arg3[%dma_start3A_119, %dma_start3A_120] : memref<1000000x64xf32, #tpu.memory_space<hbm>> -> memref<1000000x64xf32, #tpu.memory_space<hbm>>
    tpu.enqueue_indirect_dma source(%dma_start3A_121 : memref<1000000x64xf32, #tpu.memory_space<hbm>>) target(%dma_start3A_118 : memref<96x64xf32, #tpu.memory_space<vmem>>) offsets(%arg8 : memref<96xi32, #tpu.memory_space<vmem>>) semaphore(%arg25 : memref<!tpu.dma_semaphore, #tpu.memory_space<semaphore_mem>>)
    %dma_start3A_122 = arith.constant 96 : i32
    %dma_start3A_123 = arith.constant 0 : i32
    %dma_start3A_124 = tpu.memref_slice %arg16[%dma_start3A_122, %dma_start3A_123] : memref<200x64xf32, #tpu.memory_space<vmem>> -> memref<104x64xf32, #tpu.memory_space<vmem>>
    %dma_start3A_125 = arith.constant 0 : i32
    %dma_start3A_126 = arith.constant 0 : i32
    %dma_start3A_127 = tpu.memref_slice %arg3[%dma_start3A_125, %dma_start3A_126] : memref<1000000x64xf32, #tpu.memory_space<hbm>> -> memref<1000000x64xf32, #tpu.memory_space<hbm>>
    tpu.enqueue_indirect_dma source(%dma_start3A_127 : memref<1000000x64xf32, #tpu.memory_space<hbm>>) target(%dma_start3A_124 : memref<104x64xf32, #tpu.memory_space<vmem>>) offsets(%arg12 : memref<104xi32, #tpu.memory_space<vmem>>) semaphore(%arg25 : memref<!tpu.dma_semaphore, #tpu.memory_space<semaphore_mem>>)
    %dma_wait3A_128 = arith.constant 0 : i32
    %dma_wait3A_129 = arith.constant 0 : i32
    %dma_wait3A_130 = tpu.memref_slice %arg15[%dma_wait3A_128, %dma_wait3A_129] : memref<200x64xf32, #tpu.memory_space<vmem>> -> memref<96x64xf32, #tpu.memory_space<vmem>>
    %dma_wait3A_131 = arith.constant 0 : i32
    %dma_wait3A_132 = arith.constant 0 : i32
    %dma_wait3A_133 = tpu.memref_slice %arg3[%dma_wait3A_131, %dma_wait3A_132] : memref<1000000x64xf32, #tpu.memory_space<hbm>> -> memref<1000000x64xf32, #tpu.memory_space<hbm>>
    tpu.wait_indirect_dma semaphore(%arg24 : memref<!tpu.dma_semaphore, #tpu.memory_space<semaphore_mem>>) src(%dma_wait3A_133 : memref<1000000x64xf32, #tpu.memory_space<hbm>>) dst(%dma_wait3A_130 : memref<96x64xf32, #tpu.memory_space<vmem>>)
    %dma_wait3A_134 = arith.constant 96 : i32
    %dma_wait3A_135 = arith.constant 0 : i32
    %dma_wait3A_136 = tpu.memref_slice %arg15[%dma_wait3A_134, %dma_wait3A_135] : memref<200x64xf32, #tpu.memory_space<vmem>> -> memref<104x64xf32, #tpu.memory_space<vmem>>
    %dma_wait3A_137 = arith.constant 0 : i32
    %dma_wait3A_138 = arith.constant 0 : i32
    %dma_wait3A_139 = tpu.memref_slice %arg3[%dma_wait3A_137, %dma_wait3A_138] : memref<1000000x64xf32, #tpu.memory_space<hbm>> -> memref<1000000x64xf32, #tpu.memory_space<hbm>>
    tpu.wait_indirect_dma semaphore(%arg24 : memref<!tpu.dma_semaphore, #tpu.memory_space<semaphore_mem>>) src(%dma_wait3A_139 : memref<1000000x64xf32, #tpu.memory_space<hbm>>) dst(%dma_wait3A_136 : memref<104x64xf32, #tpu.memory_space<vmem>>)
    %scan3A_140 = arith.constant 0 : i32
    %scan3A_141 = arith.constant 0 : i32
    %scan3A_142 = arith.constant 100 : i32
    %scan3A_143 = arith.addi %scan3A_141, %scan3A_142 : i32
    %scan3A_144 = arith.constant 1 : i32
    scf.for %scan3A_534 = %scan3A_141 to %scan3A_143 step %scan3A_144  : i32 {
      %mul3A_535 = arith.constant 2 : i32
      %mul3A_536 = arith.muli %scan3A_534, %mul3A_535 : i32
      %add3A_537 = arith.constant 0 : i32
      %add3A_538 = arith.addi %mul3A_536, %add3A_537 : i32
      %get3A = arith.index_cast %add3A_538 : i32 to index
      %get3A_539 = arith.constant 0 : index
      %get3A_540 = tpu.vector_load %arg15[%get3A, %get3A_539] {strides = array<i32>} : memref<200x64xf32, #tpu.memory_space<vmem>>, vector<1x16xf32>,
      %get3A_541 = vector.shape_cast %get3A_540 : vector<1x16xf32> to vector<16xf32>
      %get3A_542 = arith.index_cast %add3A_538 : i32 to index
      %get3A_543 = arith.constant 0 : index
      %get3A_544 = tpu.vector_load %arg18[%get3A_542, %get3A_543] {strides = array<i32>} : memref<200x64xf32, #tpu.memory_space<vmem>>, vector<1x16xf32>,
      %get3A_545 = vector.shape_cast %get3A_544 : vector<1x16xf32> to vector<16xf32>
      %add3A_546 = arith.addf %get3A_541, %get3A_545 : vector<16xf32>
      %swap3A = arith.index_cast %add3A_538 : i32 to index
      %swap3A_547 = arith.constant 0 : index
      %swap3A_548 = tpu.vector_load %arg15[%swap3A, %swap3A_547] {strides = array<i32>} : memref<200x64xf32, #tpu.memory_space<vmem>>, vector<1x16xf32>,
      %swap3A_549 = vector.shape_cast %swap3A_548 : vector<1x16xf32> to vector<16xf32>
      %swap3A_550 = vector.shape_cast %add3A_546 : vector<16xf32> to vector<1x16xf32>
      tpu.vector_store %arg15[%swap3A, %swap3A_547], %swap3A_550 {strides = array<i32>} : memref<200x64xf32, #tpu.memory_space<vmem>>, vector<1x16xf32>,
      %get3A_551 = arith.index_cast %add3A_538 : i32 to index
      %get3A_552 = arith.constant 16 : index
      %get3A_553 = tpu.vector_load %arg15[%get3A_551, %get3A_552] {strides = array<i32>} : memref<200x64xf32, #tpu.memory_space<vmem>>, vector<1x16xf32>,
      %get3A_554 = vector.shape_cast %get3A_553 : vector<1x16xf32> to vector<16xf32>
      %get3A_555 = arith.index_cast %add3A_538 : i32 to index
      %get3A_556 = arith.constant 16 : index
      %get3A_557 = tpu.vector_load %arg18[%get3A_555, %get3A_556] {strides = array<i32>} : memref<200x64xf32, #tpu.memory_space<vmem>>, vector<1x16xf32>,
      %get3A_558 = vector.shape_cast %get3A_557 : vector<1x16xf32> to vector<16xf32>
      %add3A_559 = arith.addf %get3A_554, %get3A_558 : vector<16xf32>
      %swap3A_560 = arith.index_cast %add3A_538 : i32 to index
      %swap3A_561 = arith.constant 16 : index
      %swap3A_562 = tpu.vector_load %arg15[%swap3A_560, %swap3A_561] {strides = array<i32>} : memref<200x64xf32, #tpu.memory_space<vmem>>, vector<1x16xf32>,
      %swap3A_563 = vector.shape_cast %swap3A_562 : vector<1x16xf32> to vector<16xf32>
      %swap3A_564 = vector.shape_cast %add3A_559 : vector<16xf32> to vector<1x16xf32>
      tpu.vector_store %arg15[%swap3A_560, %swap3A_561], %swap3A_564 {strides = array<i32>} : memref<200x64xf32, #tpu.memory_space<vmem>>, vector<1x16xf32>,
      %get3A_565 = arith.index_cast %add3A_538 : i32 to index
      %get3A_566 = arith.constant 32 : index
      %get3A_567 = tpu.vector_load %arg15[%get3A_565, %get3A_566] {strides = array<i32>} : memref<200x64xf32, #tpu.memory_space<vmem>>, vector<1x16xf32>,
      %get3A_568 = vector.shape_cast %get3A_567 : vector<1x16xf32> to vector<16xf32>
      %get3A_569 = arith.index_cast %add3A_538 : i32 to index
      %get3A_570 = arith.constant 32 : index
      %get3A_571 = tpu.vector_load %arg18[%get3A_569, %get3A_570] {strides = array<i32>} : memref<200x64xf32, #tpu.memory_space<vmem>>, vector<1x16xf32>,
      %get3A_572 = vector.shape_cast %get3A_571 : vector<1x16xf32> to vector<16xf32>
      %add3A_573 = arith.addf %get3A_568, %get3A_572 : vector<16xf32>
      %swap3A_574 = arith.index_cast %add3A_538 : i32 to index
      %swap3A_575 = arith.constant 32 : index
      %swap3A_576 = tpu.vector_load %arg15[%swap3A_574, %swap3A_575] {strides = array<i32>} : memref<200x64xf32, #tpu.memory_space<vmem>>, vector<1x16xf32>,
      %swap3A_577 = vector.shape_cast %swap3A_576 : vector<1x16xf32> to vector<16xf32>
      %swap3A_578 = vector.shape_cast %add3A_573 : vector<16xf32> to vector<1x16xf32>
      tpu.vector_store %arg15[%swap3A_574, %swap3A_575], %swap3A_578 {strides = array<i32>} : memref<200x64xf32, #tpu.memory_space<vmem>>, vector<1x16xf32>,
      %get3A_579 = arith.index_cast %add3A_538 : i32 to index
      %get3A_580 = arith.constant 48 : index
      %get3A_581 = tpu.vector_load %arg15[%get3A_579, %get3A_580] {strides = array<i32>} : memref<200x64xf32, #tpu.memory_space<vmem>>, vector<1x16xf32>,
      %get3A_582 = vector.shape_cast %get3A_581 : vector<1x16xf32> to vector<16xf32>
      %get3A_583 = arith.index_cast %add3A_538 : i32 to index
      %get3A_584 = arith.constant 48 : index
      %get3A_585 = tpu.vector_load %arg18[%get3A_583, %get3A_584] {strides = array<i32>} : memref<200x64xf32, #tpu.memory_space<vmem>>, vector<1x16xf32>,
      %get3A_586 = vector.shape_cast %get3A_585 : vector<1x16xf32> to vector<16xf32>
      %add3A_587 = arith.addf %get3A_582, %get3A_586 : vector<16xf32>
      %swap3A_588 = arith.index_cast %add3A_538 : i32 to index
      %swap3A_589 = arith.constant 48 : index
      %swap3A_590 = tpu.vector_load %arg15[%swap3A_588, %swap3A_589] {strides = array<i32>} : memref<200x64xf32, #tpu.memory_space<vmem>>, vector<1x16xf32>,
      %swap3A_591 = vector.shape_cast %swap3A_590 : vector<1x16xf32> to vector<16xf32>
      %swap3A_592 = vector.shape_cast %add3A_587 : vector<16xf32> to vector<1x16xf32>
      tpu.vector_store %arg15[%swap3A_588, %swap3A_589], %swap3A_592 {strides = array<i32>} : memref<200x64xf32, #tpu.memory_space<vmem>>, vector<1x16xf32>,
      %mul3A_593 = arith.constant 2 : i32
      %mul3A_594 = arith.muli %scan3A_534, %mul3A_593 : i32
      %add3A_595 = arith.constant 1 : i32
      %add3A_596 = arith.addi %mul3A_594, %add3A_595 : i32
      %get3A_597 = arith.index_cast %add3A_596 : i32 to index
      %get3A_598 = arith.constant 0 : index
      %get3A_599 = tpu.vector_load %arg15[%get3A_597, %get3A_598] {strides = array<i32>} : memref<200x64xf32, #tpu.memory_space<vmem>>, vector<1x16xf32>,
      %get3A_600 = vector.shape_cast %get3A_599 : vector<1x16xf32> to vector<16xf32>
      %get3A_601 = arith.index_cast %add3A_596 : i32 to index
      %get3A_602 = arith.constant 0 : index
      %get3A_603 = tpu.vector_load %arg18[%get3A_601, %get3A_602] {strides = array<i32>} : memref<200x64xf32, #tpu.memory_space<vmem>>, vector<1x16xf32>,
      %get3A_604 = vector.shape_cast %get3A_603 : vector<1x16xf32> to vector<16xf32>
      %add3A_605 = arith.addf %get3A_600, %get3A_604 : vector<16xf32>
      %swap3A_606 = arith.index_cast %add3A_596 : i32 to index
      %swap3A_607 = arith.constant 0 : index
      %swap3A_608 = tpu.vector_load %arg15[%swap3A_606, %swap3A_607] {strides = array<i32>} : memref<200x64xf32, #tpu.memory_space<vmem>>, vector<1x16xf32>,
      %swap3A_609 = vector.shape_cast %swap3A_608 : vector<1x16xf32> to vector<16xf32>
      %swap3A_610 = vector.shape_cast %add3A_605 : vector<16xf32> to vector<1x16xf32>
      tpu.vector_store %arg15[%swap3A_606, %swap3A_607], %swap3A_610 {strides = array<i32>} : memref<200x64xf32, #tpu.memory_space<vmem>>, vector<1x16xf32>,
      %get3A_611 = arith.index_cast %add3A_596 : i32 to index
      %get3A_612 = arith.constant 16 : index
      %get3A_613 = tpu.vector_load %arg15[%get3A_611, %get3A_612] {strides = array<i32>} : memref<200x64xf32, #tpu.memory_space<vmem>>, vector<1x16xf32>,
      %get3A_614 = vector.shape_cast %get3A_613 : vector<1x16xf32> to vector<16xf32>
      %get3A_615 = arith.index_cast %add3A_596 : i32 to index
      %get3A_616 = arith.constant 16 : index
      %get3A_617 = tpu.vector_load %arg18[%get3A_615, %get3A_616] {strides = array<i32>} : memref<200x64xf32, #tpu.memory_space<vmem>>, vector<1x16xf32>,
      %get3A_618 = vector.shape_cast %get3A_617 : vector<1x16xf32> to vector<16xf32>
      %add3A_619 = arith.addf %get3A_614, %get3A_618 : vector<16xf32>
      %swap3A_620 = arith.index_cast %add3A_596 : i32 to index
      %swap3A_621 = arith.constant 16 : index
      %swap3A_622 = tpu.vector_load %arg15[%swap3A_620, %swap3A_621] {strides = array<i32>} : memref<200x64xf32, #tpu.memory_space<vmem>>, vector<1x16xf32>,
      %swap3A_623 = vector.shape_cast %swap3A_622 : vector<1x16xf32> to vector<16xf32>
      %swap3A_624 = vector.shape_cast %add3A_619 : vector<16xf32> to vector<1x16xf32>
      tpu.vector_store %arg15[%swap3A_620, %swap3A_621], %swap3A_624 {strides = array<i32>} : memref<200x64xf32, #tpu.memory_space<vmem>>, vector<1x16xf32>,
      %get3A_625 = arith.index_cast %add3A_596 : i32 to index
      %get3A_626 = arith.constant 32 : index
      %get3A_627 = tpu.vector_load %arg15[%get3A_625, %get3A_626] {strides = array<i32>} : memref<200x64xf32, #tpu.memory_space<vmem>>, vector<1x16xf32>,
      %get3A_628 = vector.shape_cast %get3A_627 : vector<1x16xf32> to vector<16xf32>
      %get3A_629 = arith.index_cast %add3A_596 : i32 to index
      %get3A_630 = arith.constant 32 : index
      %get3A_631 = tpu.vector_load %arg18[%get3A_629, %get3A_630] {strides = array<i32>} : memref<200x64xf32, #tpu.memory_space<vmem>>, vector<1x16xf32>,
      %get3A_632 = vector.shape_cast %get3A_631 : vector<1x16xf32> to vector<16xf32>
      %add3A_633 = arith.addf %get3A_628, %get3A_632 : vector<16xf32>
      %swap3A_634 = arith.index_cast %add3A_596 : i32 to index
      %swap3A_635 = arith.constant 32 : index
      %swap3A_636 = tpu.vector_load %arg15[%swap3A_634, %swap3A_635] {strides = array<i32>} : memref<200x64xf32, #tpu.memory_space<vmem>>, vector<1x16xf32>,
      %swap3A_637 = vector.shape_cast %swap3A_636 : vector<1x16xf32> to vector<16xf32>
      %swap3A_638 = vector.shape_cast %add3A_633 : vector<16xf32> to vector<1x16xf32>
      tpu.vector_store %arg15[%swap3A_634, %swap3A_635], %swap3A_638 {strides = array<i32>} : memref<200x64xf32, #tpu.memory_space<vmem>>, vector<1x16xf32>,
      %get3A_639 = arith.index_cast %add3A_596 : i32 to index
      %get3A_640 = arith.constant 48 : index
      %get3A_641 = tpu.vector_load %arg15[%get3A_639, %get3A_640] {strides = array<i32>} : memref<200x64xf32, #tpu.memory_space<vmem>>, vector<1x16xf32>,
      %get3A_642 = vector.shape_cast %get3A_641 : vector<1x16xf32> to vector<16xf32>
      %get3A_643 = arith.index_cast %add3A_596 : i32 to index
      %get3A_644 = arith.constant 48 : index
      %get3A_645 = tpu.vector_load %arg18[%get3A_643, %get3A_644] {strides = array<i32>} : memref<200x64xf32, #tpu.memory_space<vmem>>, vector<1x16xf32>,
      %get3A_646 = vector.shape_cast %get3A_645 : vector<1x16xf32> to vector<16xf32>
      %add3A_647 = arith.addf %get3A_642, %get3A_646 : vector<16xf32>
      %swap3A_648 = arith.index_cast %add3A_596 : i32 to index
      %swap3A_649 = arith.constant 48 : index
      %swap3A_650 = tpu.vector_load %arg15[%swap3A_648, %swap3A_649] {strides = array<i32>} : memref<200x64xf32, #tpu.memory_space<vmem>>, vector<1x16xf32>,
      %swap3A_651 = vector.shape_cast %swap3A_650 : vector<1x16xf32> to vector<16xf32>
      %swap3A_652 = vector.shape_cast %add3A_647 : vector<16xf32> to vector<1x16xf32>
      tpu.vector_store %arg15[%swap3A_648, %swap3A_649], %swap3A_652 {strides = array<i32>} : memref<200x64xf32, #tpu.memory_space<vmem>>, vector<1x16xf32>,
    }
    %scan3A_145 = arith.constant 100 : i32
    %add3A_146 = arith.constant 1 : i32
    %add3A_147 = arith.addi %mul3A_2, %add3A_146 : i32
    %dma_start3A_148 = arith.constant 0 : i32
    %dma_start3A_149 = arith.constant 0 : i32
    %dma_start3A_150 = tpu.memref_slice %arg5[%add3A_147, %dma_start3A_148, %dma_start3A_149] : memref<4096x200x128xf32, #tpu.memory_space<hbm>> -> memref<1x200x64xf32, #tpu.memory_space<hbm>>
    %dma_start3A_151 = tpu.memref_squeeze %dma_start3A_150 : memref<1x200x64xf32, #tpu.memory_space<hbm>> -> memref<200x64xf32, #tpu.memory_space<hbm>>
    %dma_start3A_152 = arith.constant 0 : i32
    %dma_start3A_153 = arith.constant 0 : i32
    %dma_start3A_154 = tpu.memref_slice %arg5[%add3A_147, %dma_start3A_152, %dma_start3A_153] : memref<4096x200x128xf32, #tpu.memory_space<hbm>> -> memref<1x200x64xf32, #tpu.memory_space<hbm>>
    %dma_start3A_155 = tpu.memref_squeeze %dma_start3A_154 : memref<1x200x64xf32, #tpu.memory_space<hbm>> -> memref<200x64xf32, #tpu.memory_space<hbm>>
    tpu.enqueue_dma source(%arg15 : memref<200x64xf32, #tpu.memory_space<vmem>>) target(%dma_start3A_155 : memref<200x64xf32, #tpu.memory_space<hbm>>) target_semaphore(%arg28 : memref<!tpu.dma_semaphore, #tpu.memory_space<semaphore_mem>>)
    %add3A_156 = arith.constant 4 : i32
    %add3A_157 = arith.addi %mul3A_2, %add3A_156 : i32
    %mul3A_158 = arith.constant 200 : i32
    %mul3A_159 = arith.muli %add3A_157, %mul3A_158 : i32
    %dma_start3A_160 = tpu.memref_slice %arg2[%mul3A_159] : memref<819200xi32, #tpu.memory_space<hbm>> -> memref<96xi32, #tpu.memory_space<hbm>>
    %dma_start3A_161 = tpu.memref_slice %arg2[%mul3A_159] : memref<819200xi32, #tpu.memory_space<hbm>> -> memref<96xi32, #tpu.memory_space<hbm>>
    tpu.enqueue_dma source(%dma_start3A_161 : memref<96xi32, #tpu.memory_space<hbm>>) target(%arg6 : memref<96xi32, #tpu.memory_space<vmem>>) target_semaphore(%arg19 : memref<!tpu.dma_semaphore, #tpu.memory_space<semaphore_mem>>)
    %add3A_162 = arith.constant 96 : i32
    %add3A_163 = arith.addi %mul3A_159, %add3A_162 : i32
    %dma_start3A_164 = tpu.memref_slice %arg2[%add3A_163] : memref<819200xi32, #tpu.memory_space<hbm>> -> memref<104xi32, #tpu.memory_space<hbm>>
    %dma_start3A_165 = tpu.memref_slice %arg2[%add3A_163] : memref<819200xi32, #tpu.memory_space<hbm>> -> memref<104xi32, #tpu.memory_space<hbm>>
    tpu.enqueue_dma source(%dma_start3A_165 : memref<104xi32, #tpu.memory_space<hbm>>) target(%arg10 : memref<104xi32, #tpu.memory_space<vmem>>) target_semaphore(%arg19 : memref<!tpu.dma_semaphore, #tpu.memory_space<semaphore_mem>>)
    %dma_wait3A_166 = arith.constant 0 : i32
    %dma_wait3A_167 = tpu.memref_slice %arg2[%dma_wait3A_166] : memref<819200xi32, #tpu.memory_space<hbm>> -> memref<96xi32, #tpu.memory_space<hbm>>
    %dma_wait3A_168 = arith.constant 0 : i32
    %dma_wait3A_169 = tpu.memref_slice %arg2[%dma_wait3A_168] : memref<819200xi32, #tpu.memory_space<hbm>> -> memref<96xi32, #tpu.memory_space<hbm>>
    tpu.wait_dma2 semaphore(%arg22 : memref<!tpu.dma_semaphore, #tpu.memory_space<semaphore_mem>>) src(%dma_wait3A_169 : memref<96xi32, #tpu.memory_space<hbm>>) dst(%arg9 : memref<96xi32, #tpu.memory_space<vmem>>)
    %dma_wait3A_170 = arith.constant 0 : i32
    %dma_wait3A_171 = tpu.memref_slice %arg2[%dma_wait3A_170] : memref<819200xi32, #tpu.memory_space<hbm>> -> memref<104xi32, #tpu.memory_space<hbm>>
    %dma_wait3A_172 = arith.constant 0 : i32
    %dma_wait3A_173 = tpu.memref_slice %arg2[%dma_wait3A_172] : memref<819200xi32, #tpu.memory_space<hbm>> -> memref<104xi32, #tpu.memory_space<hbm>>
    tpu.wait_dma2 semaphore(%arg22 : memref<!tpu.dma_semaphore, #tpu.memory_space<semaphore_mem>>) src(%dma_wait3A_173 : memref<104xi32, #tpu.memory_space<hbm>>) dst(%arg13 : memref<104xi32, #tpu.memory_space<vmem>>)
    %dma_start3A_174 = arith.constant 0 : i32
    %dma_start3A_175 = arith.constant 0 : i32
    %dma_start3A_176 = tpu.memref_slice %arg17[%dma_start3A_174, %dma_start3A_175] : memref<200x64xf32, #tpu.memory_space<vmem>> -> memref<96x64xf32, #tpu.memory_space<vmem>>
    %dma_start3A_177 = arith.constant 0 : i32
    %dma_start3A_178 = arith.constant 0 : i32
    %dma_start3A_179 = tpu.memref_slice %arg3[%dma_start3A_177, %dma_start3A_178] : memref<1000000x64xf32, #tpu.memory_space<hbm>> -> memref<1000000x64xf32, #tpu.memory_space<hbm>>
    tpu.enqueue_indirect_dma source(%dma_start3A_179 : memref<1000000x64xf32, #tpu.memory_space<hbm>>) target(%dma_start3A_176 : memref<96x64xf32, #tpu.memory_space<vmem>>) offsets(%arg9 : memref<96xi32, #tpu.memory_space<vmem>>) semaphore(%arg26 : memref<!tpu.dma_semaphore, #tpu.memory_space<semaphore_mem>>)
    %dma_start3A_180 = arith.constant 96 : i32
    %dma_start3A_181 = arith.constant 0 : i32
    %dma_start3A_182 = tpu.memref_slice %arg17[%dma_start3A_180, %dma_start3A_181] : memref<200x64xf32, #tpu.memory_space<vmem>> -> memref<104x64xf32, #tpu.memory_space<vmem>>
    %dma_start3A_183 = arith.constant 0 : i32
    %dma_start3A_184 = arith.constant 0 : i32
    %dma_start3A_185 = tpu.memref_slice %arg3[%dma_start3A_183, %dma_start3A_184] : memref<1000000x64xf32, #tpu.memory_space<hbm>> -> memref<1000000x64xf32, #tpu.memory_space<hbm>>
    tpu.enqueue_indirect_dma source(%dma_start3A_185 : memref<1000000x64xf32, #tpu.memory_space<hbm>>) target(%dma_start3A_182 : memref<104x64xf32, #tpu.memory_space<vmem>>) offsets(%arg13 : memref<104xi32, #tpu.memory_space<vmem>>) semaphore(%arg26 : memref<!tpu.dma_semaphore, #tpu.memory_space<semaphore_mem>>)
    %dma_wait3A_186 = arith.constant 0 : i32
    %dma_wait3A_187 = arith.constant 0 : i32
    %dma_wait3A_188 = tpu.memref_slice %arg16[%dma_wait3A_186, %dma_wait3A_187] : memref<200x64xf32, #tpu.memory_space<vmem>> -> memref<96x64xf32, #tpu.memory_space<vmem>>
    %dma_wait3A_189 = arith.constant 0 : i32
    %dma_wait3A_190 = arith.constant 0 : i32
    %dma_wait3A_191 = tpu.memref_slice %arg3[%dma_wait3A_189, %dma_wait3A_190] : memref<1000000x64xf32, #tpu.memory_space<hbm>> -> memref<1000000x64xf32, #tpu.memory_space<hbm>>
    tpu.wait_indirect_dma semaphore(%arg25 : memref<!tpu.dma_semaphore, #tpu.memory_space<semaphore_mem>>) src(%dma_wait3A_191 : memref<1000000x64xf32, #tpu.memory_space<hbm>>) dst(%dma_wait3A_188 : memref<96x64xf32, #tpu.memory_space<vmem>>)
    %dma_wait3A_192 = arith.constant 96 : i32
    %dma_wait3A_193 = arith.constant 0 : i32
    %dma_wait3A_194 = tpu.memref_slice %arg16[%dma_wait3A_192, %dma_wait3A_193] : memref<200x64xf32, #tpu.memory_space<vmem>> -> memref<104x64xf32, #tpu.memory_space<vmem>>
    %dma_wait3A_195 = arith.constant 0 : i32
    %dma_wait3A_196 = arith.constant 0 : i32
    %dma_wait3A_197 = tpu.memref_slice %arg3[%dma_wait3A_195, %dma_wait3A_196] : memref<1000000x64xf32, #tpu.memory_space<hbm>> -> memref<1000000x64xf32, #tpu.memory_space<hbm>>
    tpu.wait_indirect_dma semaphore(%arg25 : memref<!tpu.dma_semaphore, #tpu.memory_space<semaphore_mem>>) src(%dma_wait3A_197 : memref<1000000x64xf32, #tpu.memory_space<hbm>>) dst(%dma_wait3A_194 : memref<104x64xf32, #tpu.memory_space<vmem>>)
    %scan3A_198 = arith.constant 0 : i32
    %scan3A_199 = arith.constant 0 : i32
    %scan3A_200 = arith.constant 100 : i32
    %scan3A_201 = arith.addi %scan3A_199, %scan3A_200 : i32
    %scan3A_202 = arith.constant 1 : i32
    scf.for %scan3A_534 = %scan3A_199 to %scan3A_201 step %scan3A_202  : i32 {
      %mul3A_535 = arith.constant 2 : i32
      %mul3A_536 = arith.muli %scan3A_534, %mul3A_535 : i32
      %add3A_537 = arith.constant 0 : i32
      %add3A_538 = arith.addi %mul3A_536, %add3A_537 : i32
      %get3A = arith.index_cast %add3A_538 : i32 to index
      %get3A_539 = arith.constant 0 : index
      %get3A_540 = tpu.vector_load %arg16[%get3A, %get3A_539] {strides = array<i32>} : memref<200x64xf32, #tpu.memory_space<vmem>>, vector<1x16xf32>,
      %get3A_541 = vector.shape_cast %get3A_540 : vector<1x16xf32> to vector<16xf32>
      %get3A_542 = arith.index_cast %add3A_538 : i32 to index
      %get3A_543 = arith.constant 0 : index
      %get3A_544 = tpu.vector_load %arg18[%get3A_542, %get3A_543] {strides = array<i32>} : memref<200x64xf32, #tpu.memory_space<vmem>>, vector<1x16xf32>,
      %get3A_545 = vector.shape_cast %get3A_544 : vector<1x16xf32> to vector<16xf32>
      %add3A_546 = arith.addf %get3A_541, %get3A_545 : vector<16xf32>
      %swap3A = arith.index_cast %add3A_538 : i32 to index
      %swap3A_547 = arith.constant 0 : index
      %swap3A_548 = tpu.vector_load %arg16[%swap3A, %swap3A_547] {strides = array<i32>} : memref<200x64xf32, #tpu.memory_space<vmem>>, vector<1x16xf32>,
      %swap3A_549 = vector.shape_cast %swap3A_548 : vector<1x16xf32> to vector<16xf32>
      %swap3A_550 = vector.shape_cast %add3A_546 : vector<16xf32> to vector<1x16xf32>
      tpu.vector_store %arg16[%swap3A, %swap3A_547], %swap3A_550 {strides = array<i32>} : memref<200x64xf32, #tpu.memory_space<vmem>>, vector<1x16xf32>,
      %get3A_551 = arith.index_cast %add3A_538 : i32 to index
      %get3A_552 = arith.constant 16 : index
      %get3A_553 = tpu.vector_load %arg16[%get3A_551, %get3A_552] {strides = array<i32>} : memref<200x64xf32, #tpu.memory_space<vmem>>, vector<1x16xf32>,
      %get3A_554 = vector.shape_cast %get3A_553 : vector<1x16xf32> to vector<16xf32>
      %get3A_555 = arith.index_cast %add3A_538 : i32 to index
      %get3A_556 = arith.constant 16 : index
      %get3A_557 = tpu.vector_load %arg18[%get3A_555, %get3A_556] {strides = array<i32>} : memref<200x64xf32, #tpu.memory_space<vmem>>, vector<1x16xf32>,
      %get3A_558 = vector.shape_cast %get3A_557 : vector<1x16xf32> to vector<16xf32>
      %add3A_559 = arith.addf %get3A_554, %get3A_558 : vector<16xf32>
      %swap3A_560 = arith.index_cast %add3A_538 : i32 to index
      %swap3A_561 = arith.constant 16 : index
      %swap3A_562 = tpu.vector_load %arg16[%swap3A_560, %swap3A_561] {strides = array<i32>} : memref<200x64xf32, #tpu.memory_space<vmem>>, vector<1x16xf32>,
      %swap3A_563 = vector.shape_cast %swap3A_562 : vector<1x16xf32> to vector<16xf32>
      %swap3A_564 = vector.shape_cast %add3A_559 : vector<16xf32> to vector<1x16xf32>
      tpu.vector_store %arg16[%swap3A_560, %swap3A_561], %swap3A_564 {strides = array<i32>} : memref<200x64xf32, #tpu.memory_space<vmem>>, vector<1x16xf32>,
      %get3A_565 = arith.index_cast %add3A_538 : i32 to index
      %get3A_566 = arith.constant 32 : index
      %get3A_567 = tpu.vector_load %arg16[%get3A_565, %get3A_566] {strides = array<i32>} : memref<200x64xf32, #tpu.memory_space<vmem>>, vector<1x16xf32>,
      %get3A_568 = vector.shape_cast %get3A_567 : vector<1x16xf32> to vector<16xf32>
      %get3A_569 = arith.index_cast %add3A_538 : i32 to index
      %get3A_570 = arith.constant 32 : index
      %get3A_571 = tpu.vector_load %arg18[%get3A_569, %get3A_570] {strides = array<i32>} : memref<200x64xf32, #tpu.memory_space<vmem>>, vector<1x16xf32>,
      %get3A_572 = vector.shape_cast %get3A_571 : vector<1x16xf32> to vector<16xf32>
      %add3A_573 = arith.addf %get3A_568, %get3A_572 : vector<16xf32>
      %swap3A_574 = arith.index_cast %add3A_538 : i32 to index
      %swap3A_575 = arith.constant 32 : index
      %swap3A_576 = tpu.vector_load %arg16[%swap3A_574, %swap3A_575] {strides = array<i32>} : memref<200x64xf32, #tpu.memory_space<vmem>>, vector<1x16xf32>,
      %swap3A_577 = vector.shape_cast %swap3A_576 : vector<1x16xf32> to vector<16xf32>
      %swap3A_578 = vector.shape_cast %add3A_573 : vector<16xf32> to vector<1x16xf32>
      tpu.vector_store %arg16[%swap3A_574, %swap3A_575], %swap3A_578 {strides = array<i32>} : memref<200x64xf32, #tpu.memory_space<vmem>>, vector<1x16xf32>,
      %get3A_579 = arith.index_cast %add3A_538 : i32 to index
      %get3A_580 = arith.constant 48 : index
      %get3A_581 = tpu.vector_load %arg16[%get3A_579, %get3A_580] {strides = array<i32>} : memref<200x64xf32, #tpu.memory_space<vmem>>, vector<1x16xf32>,
      %get3A_582 = vector.shape_cast %get3A_581 : vector<1x16xf32> to vector<16xf32>
      %get3A_583 = arith.index_cast %add3A_538 : i32 to index
      %get3A_584 = arith.constant 48 : index
      %get3A_585 = tpu.vector_load %arg18[%get3A_583, %get3A_584] {strides = array<i32>} : memref<200x64xf32, #tpu.memory_space<vmem>>, vector<1x16xf32>,
      %get3A_586 = vector.shape_cast %get3A_585 : vector<1x16xf32> to vector<16xf32>
      %add3A_587 = arith.addf %get3A_582, %get3A_586 : vector<16xf32>
      %swap3A_588 = arith.index_cast %add3A_538 : i32 to index
      %swap3A_589 = arith.constant 48 : index
      %swap3A_590 = tpu.vector_load %arg16[%swap3A_588, %swap3A_589] {strides = array<i32>} : memref<200x64xf32, #tpu.memory_space<vmem>>, vector<1x16xf32>,
      %swap3A_591 = vector.shape_cast %swap3A_590 : vector<1x16xf32> to vector<16xf32>
      %swap3A_592 = vector.shape_cast %add3A_587 : vector<16xf32> to vector<1x16xf32>
      tpu.vector_store %arg16[%swap3A_588, %swap3A_589], %swap3A_592 {strides = array<i32>} : memref<200x64xf32, #tpu.memory_space<vmem>>, vector<1x16xf32>,
      %mul3A_593 = arith.constant 2 : i32
      %mul3A_594 = arith.muli %scan3A_534, %mul3A_593 : i32
      %add3A_595 = arith.constant 1 : i32
      %add3A_596 = arith.addi %mul3A_594, %add3A_595 : i32
      %get3A_597 = arith.index_cast %add3A_596 : i32 to index
      %get3A_598 = arith.constant 0 : index
      %get3A_599 = tpu.vector_load %arg16[%get3A_597, %get3A_598] {strides = array<i32>} : memref<200x64xf32, #tpu.memory_space<vmem>>, vector<1x16xf32>,
      %get3A_600 = vector.shape_cast %get3A_599 : vector<1x16xf32> to vector<16xf32>
      %get3A_601 = arith.index_cast %add3A_596 : i32 to index
      %get3A_602 = arith.constant 0 : index
      %get3A_603 = tpu.vector_load %arg18[%get3A_601, %get3A_602] {strides = array<i32>} : memref<200x64xf32, #tpu.memory_space<vmem>>, vector<1x16xf32>,
      %get3A_604 = vector.shape_cast %get3A_603 : vector<1x16xf32> to vector<16xf32>
      %add3A_605 = arith.addf %get3A_600, %get3A_604 : vector<16xf32>
      %swap3A_606 = arith.index_cast %add3A_596 : i32 to index
      %swap3A_607 = arith.constant 0 : index
      %swap3A_608 = tpu.vector_load %arg16[%swap3A_606, %swap3A_607] {strides = array<i32>} : memref<200x64xf32, #tpu.memory_space<vmem>>, vector<1x16xf32>,
      %swap3A_609 = vector.shape_cast %swap3A_608 : vector<1x16xf32> to vector<16xf32>
      %swap3A_610 = vector.shape_cast %add3A_605 : vector<16xf32> to vector<1x16xf32>
      tpu.vector_store %arg16[%swap3A_606, %swap3A_607], %swap3A_610 {strides = array<i32>} : memref<200x64xf32, #tpu.memory_space<vmem>>, vector<1x16xf32>,
      %get3A_611 = arith.index_cast %add3A_596 : i32 to index
      %get3A_612 = arith.constant 16 : index
      %get3A_613 = tpu.vector_load %arg16[%get3A_611, %get3A_612] {strides = array<i32>} : memref<200x64xf32, #tpu.memory_space<vmem>>, vector<1x16xf32>,
      %get3A_614 = vector.shape_cast %get3A_613 : vector<1x16xf32> to vector<16xf32>
      %get3A_615 = arith.index_cast %add3A_596 : i32 to index
      %get3A_616 = arith.constant 16 : index
      %get3A_617 = tpu.vector_load %arg18[%get3A_615, %get3A_616] {strides = array<i32>} : memref<200x64xf32, #tpu.memory_space<vmem>>, vector<1x16xf32>,
      %get3A_618 = vector.shape_cast %get3A_617 : vector<1x16xf32> to vector<16xf32>
      %add3A_619 = arith.addf %get3A_614, %get3A_618 : vector<16xf32>
      %swap3A_620 = arith.index_cast %add3A_596 : i32 to index
      %swap3A_621 = arith.constant 16 : index
      %swap3A_622 = tpu.vector_load %arg16[%swap3A_620, %swap3A_621] {strides = array<i32>} : memref<200x64xf32, #tpu.memory_space<vmem>>, vector<1x16xf32>,
      %swap3A_623 = vector.shape_cast %swap3A_622 : vector<1x16xf32> to vector<16xf32>
      %swap3A_624 = vector.shape_cast %add3A_619 : vector<16xf32> to vector<1x16xf32>
      tpu.vector_store %arg16[%swap3A_620, %swap3A_621], %swap3A_624 {strides = array<i32>} : memref<200x64xf32, #tpu.memory_space<vmem>>, vector<1x16xf32>,
      %get3A_625 = arith.index_cast %add3A_596 : i32 to index
      %get3A_626 = arith.constant 32 : index
      %get3A_627 = tpu.vector_load %arg16[%get3A_625, %get3A_626] {strides = array<i32>} : memref<200x64xf32, #tpu.memory_space<vmem>>, vector<1x16xf32>,
      %get3A_628 = vector.shape_cast %get3A_627 : vector<1x16xf32> to vector<16xf32>
      %get3A_629 = arith.index_cast %add3A_596 : i32 to index
      %get3A_630 = arith.constant 32 : index
      %get3A_631 = tpu.vector_load %arg18[%get3A_629, %get3A_630] {strides = array<i32>} : memref<200x64xf32, #tpu.memory_space<vmem>>, vector<1x16xf32>,
      %get3A_632 = vector.shape_cast %get3A_631 : vector<1x16xf32> to vector<16xf32>
      %add3A_633 = arith.addf %get3A_628, %get3A_632 : vector<16xf32>
      %swap3A_634 = arith.index_cast %add3A_596 : i32 to index
      %swap3A_635 = arith.constant 32 : index
      %swap3A_636 = tpu.vector_load %arg16[%swap3A_634, %swap3A_635] {strides = array<i32>} : memref<200x64xf32, #tpu.memory_space<vmem>>, vector<1x16xf32>,
      %swap3A_637 = vector.shape_cast %swap3A_636 : vector<1x16xf32> to vector<16xf32>
      %swap3A_638 = vector.shape_cast %add3A_633 : vector<16xf32> to vector<1x16xf32>
      tpu.vector_store %arg16[%swap3A_634, %swap3A_635], %swap3A_638 {strides = array<i32>} : memref<200x64xf32, #tpu.memory_space<vmem>>, vector<1x16xf32>,
      %get3A_639 = arith.index_cast %add3A_596 : i32 to index
      %get3A_640 = arith.constant 48 : index
      %get3A_641 = tpu.vector_load %arg16[%get3A_639, %get3A_640] {strides = array<i32>} : memref<200x64xf32, #tpu.memory_space<vmem>>, vector<1x16xf32>,
      %get3A_642 = vector.shape_cast %get3A_641 : vector<1x16xf32> to vector<16xf32>
      %get3A_643 = arith.index_cast %add3A_596 : i32 to index
      %get3A_644 = arith.constant 48 : index
      %get3A_645 = tpu.vector_load %arg18[%get3A_643, %get3A_644] {strides = array<i32>} : memref<200x64xf32, #tpu.memory_space<vmem>>, vector<1x16xf32>,
      %get3A_646 = vector.shape_cast %get3A_645 : vector<1x16xf32> to vector<16xf32>
      %add3A_647 = arith.addf %get3A_642, %get3A_646 : vector<16xf32>
      %swap3A_648 = arith.index_cast %add3A_596 : i32 to index
      %swap3A_649 = arith.constant 48 : index
      %swap3A_650 = tpu.vector_load %arg16[%swap3A_648, %swap3A_649] {strides = array<i32>} : memref<200x64xf32, #tpu.memory_space<vmem>>, vector<1x16xf32>,
      %swap3A_651 = vector.shape_cast %swap3A_650 : vector<1x16xf32> to vector<16xf32>
      %swap3A_652 = vector.shape_cast %add3A_647 : vector<16xf32> to vector<1x16xf32>
      tpu.vector_store %arg16[%swap3A_648, %swap3A_649], %swap3A_652 {strides = array<i32>} : memref<200x64xf32, #tpu.memory_space<vmem>>, vector<1x16xf32>,
    }
    %scan3A_203 = arith.constant 100 : i32
    %add3A_204 = arith.constant 2 : i32
    %add3A_205 = arith.addi %mul3A_2, %add3A_204 : i32
    %dma_start3A_206 = arith.constant 0 : i32
    %dma_start3A_207 = arith.constant 0 : i32
    %dma_start3A_208 = tpu.memref_slice %arg5[%add3A_205, %dma_start3A_206, %dma_start3A_207] : memref<4096x200x128xf32, #tpu.memory_space<hbm>> -> memref<1x200x64xf32, #tpu.memory_space<hbm>>
    %dma_start3A_209 = tpu.memref_squeeze %dma_start3A_208 : memref<1x200x64xf32, #tpu.memory_space<hbm>> -> memref<200x64xf32, #tpu.memory_space<hbm>>
    %dma_start3A_210 = arith.constant 0 : i32
    %dma_start3A_211 = arith.constant 0 : i32
    %dma_start3A_212 = tpu.memref_slice %arg5[%add3A_205, %dma_start3A_210, %dma_start3A_211] : memref<4096x200x128xf32, #tpu.memory_space<hbm>> -> memref<1x200x64xf32, #tpu.memory_space<hbm>>
    %dma_start3A_213 = tpu.memref_squeeze %dma_start3A_212 : memref<1x200x64xf32, #tpu.memory_space<hbm>> -> memref<200x64xf32, #tpu.memory_space<hbm>>
    tpu.enqueue_dma source(%arg16 : memref<200x64xf32, #tpu.memory_space<vmem>>) target(%dma_start3A_213 : memref<200x64xf32, #tpu.memory_space<hbm>>) target_semaphore(%arg29 : memref<!tpu.dma_semaphore, #tpu.memory_space<semaphore_mem>>)
    %add3A_214 = arith.constant 5 : i32
    %add3A_215 = arith.addi %mul3A_2, %add3A_214 : i32
    %mul3A_216 = arith.constant 200 : i32
    %mul3A_217 = arith.muli %add3A_215, %mul3A_216 : i32
    %dma_start3A_218 = tpu.memref_slice %arg2[%mul3A_217] : memref<819200xi32, #tpu.memory_space<hbm>> -> memref<96xi32, #tpu.memory_space<hbm>>
    %dma_start3A_219 = tpu.memref_slice %arg2[%mul3A_217] : memref<819200xi32, #tpu.memory_space<hbm>> -> memref<96xi32, #tpu.memory_space<hbm>>
    tpu.enqueue_dma source(%dma_start3A_219 : memref<96xi32, #tpu.memory_space<hbm>>) target(%arg7 : memref<96xi32, #tpu.memory_space<vmem>>) target_semaphore(%arg20 : memref<!tpu.dma_semaphore, #tpu.memory_space<semaphore_mem>>)
    %add3A_220 = arith.constant 96 : i32
    %add3A_221 = arith.addi %mul3A_217, %add3A_220 : i32
    %dma_start3A_222 = tpu.memref_slice %arg2[%add3A_221] : memref<819200xi32, #tpu.memory_space<hbm>> -> memref<104xi32, #tpu.memory_space<hbm>>
    %dma_start3A_223 = tpu.memref_slice %arg2[%add3A_221] : memref<819200xi32, #tpu.memory_space<hbm>> -> memref<104xi32, #tpu.memory_space<hbm>>
    tpu.enqueue_dma source(%dma_start3A_223 : memref<104xi32, #tpu.memory_space<hbm>>) target(%arg11 : memref<104xi32, #tpu.memory_space<vmem>>) target_semaphore(%arg20 : memref<!tpu.dma_semaphore, #tpu.memory_space<semaphore_mem>>)
    %dma_wait3A_224 = arith.constant 0 : i32
    %dma_wait3A_225 = tpu.memref_slice %arg2[%dma_wait3A_224] : memref<819200xi32, #tpu.memory_space<hbm>> -> memref<96xi32, #tpu.memory_space<hbm>>
    %dma_wait3A_226 = arith.constant 0 : i32
    %dma_wait3A_227 = tpu.memref_slice %arg2[%dma_wait3A_226] : memref<819200xi32, #tpu.memory_space<hbm>> -> memref<96xi32, #tpu.memory_space<hbm>>
    tpu.wait_dma2 semaphore(%arg19 : memref<!tpu.dma_semaphore, #tpu.memory_space<semaphore_mem>>) src(%dma_wait3A_227 : memref<96xi32, #tpu.memory_space<hbm>>) dst(%arg6 : memref<96xi32, #tpu.memory_space<vmem>>)
    %dma_wait3A_228 = arith.constant 0 : i32
    %dma_wait3A_229 = tpu.memref_slice %arg2[%dma_wait3A_228] : memref<819200xi32, #tpu.memory_space<hbm>> -> memref<104xi32, #tpu.memory_space<hbm>>
    %dma_wait3A_230 = arith.constant 0 : i32
    %dma_wait3A_231 = tpu.memref_slice %arg2[%dma_wait3A_230] : memref<819200xi32, #tpu.memory_space<hbm>> -> memref<104xi32, #tpu.memory_space<hbm>>
    tpu.wait_dma2 semaphore(%arg19 : memref<!tpu.dma_semaphore, #tpu.memory_space<semaphore_mem>>) src(%dma_wait3A_231 : memref<104xi32, #tpu.memory_space<hbm>>) dst(%arg10 : memref<104xi32, #tpu.memory_space<vmem>>)
    %dma_wait3A_232 = arith.constant 0 : i32
    %dma_wait3A_233 = arith.constant 0 : i32
    %dma_wait3A_234 = tpu.memref_slice %arg5[%mul3A_2, %dma_wait3A_232, %dma_wait3A_233] : memref<4096x200x128xf32, #tpu.memory_space<hbm>> -> memref<1x200x64xf32, #tpu.memory_space<hbm>>
    %dma_wait3A_235 = tpu.memref_squeeze %dma_wait3A_234 : memref<1x200x64xf32, #tpu.memory_space<hbm>> -> memref<200x64xf32, #tpu.memory_space<hbm>>
    %dma_wait3A_236 = arith.constant 0 : i32
    %dma_wait3A_237 = arith.constant 0 : i32
    %dma_wait3A_238 = tpu.memref_slice %arg5[%mul3A_2, %dma_wait3A_236, %dma_wait3A_237] : memref<4096x200x128xf32, #tpu.memory_space<hbm>> -> memref<1x200x64xf32, #tpu.memory_space<hbm>>
    %dma_wait3A_239 = tpu.memref_squeeze %dma_wait3A_238 : memref<1x200x64xf32, #tpu.memory_space<hbm>> -> memref<200x64xf32, #tpu.memory_space<hbm>>
    tpu.wait_dma2 semaphore(%arg27 : memref<!tpu.dma_semaphore, #tpu.memory_space<semaphore_mem>>) src(%arg14 : memref<200x64xf32, #tpu.memory_space<vmem>>) dst(%dma_wait3A_239 : memref<200x64xf32, #tpu.memory_space<hbm>>)
    %dma_start3A_240 = arith.constant 0 : i32
    %dma_start3A_241 = arith.constant 0 : i32
    %dma_start3A_242 = tpu.memref_slice %arg14[%dma_start3A_240, %dma_start3A_241] : memref<200x64xf32, #tpu.memory_space<vmem>> -> memref<96x64xf32, #tpu.memory_space<vmem>>
    %dma_start3A_243 = arith.constant 0 : i32
    %dma_start3A_244 = arith.constant 0 : i32
    %dma_start3A_245 = tpu.memref_slice %arg3[%dma_start3A_243, %dma_start3A_244] : memref<1000000x64xf32, #tpu.memory_space<hbm>> -> memref<1000000x64xf32, #tpu.memory_space<hbm>>
    tpu.enqueue_indirect_dma source(%dma_start3A_245 : memref<1000000x64xf32, #tpu.memory_space<hbm>>) target(%dma_start3A_242 : memref<96x64xf32, #tpu.memory_space<vmem>>) offsets(%arg6 : memref<96xi32, #tpu.memory_space<vmem>>) semaphore(%arg23 : memref<!tpu.dma_semaphore, #tpu.memory_space<semaphore_mem>>)
    %dma_start3A_246 = arith.constant 96 : i32
    %dma_start3A_247 = arith.constant 0 : i32
    %dma_start3A_248 = tpu.memref_slice %arg14[%dma_start3A_246, %dma_start3A_247] : memref<200x64xf32, #tpu.memory_space<vmem>> -> memref<104x64xf32, #tpu.memory_space<vmem>>
    %dma_start3A_249 = arith.constant 0 : i32
    %dma_start3A_250 = arith.constant 0 : i32
    %dma_start3A_251 = tpu.memref_slice %arg3[%dma_start3A_249, %dma_start3A_250] : memref<1000000x64xf32, #tpu.memory_space<hbm>> -> memref<1000000x64xf32, #tpu.memory_space<hbm>>
    tpu.enqueue_indirect_dma source(%dma_start3A_251 : memref<1000000x64xf32, #tpu.memory_space<hbm>>) target(%dma_start3A_248 : memref<104x64xf32, #tpu.memory_space<vmem>>) offsets(%arg10 : memref<104xi32, #tpu.memory_space<vmem>>) semaphore(%arg23 : memref<!tpu.dma_semaphore, #tpu.memory_space<semaphore_mem>>)
    %dma_wait3A_252 = arith.constant 0 : i32
    %dma_wait3A_253 = arith.constant 0 : i32
    %dma_wait3A_254 = tpu.memref_slice %arg17[%dma_wait3A_252, %dma_wait3A_253] : memref<200x64xf32, #tpu.memory_space<vmem>> -> memref<96x64xf32, #tpu.memory_space<vmem>>
    %dma_wait3A_255 = arith.constant 0 : i32
    %dma_wait3A_256 = arith.constant 0 : i32
    %dma_wait3A_257 = tpu.memref_slice %arg3[%dma_wait3A_255, %dma_wait3A_256] : memref<1000000x64xf32, #tpu.memory_space<hbm>> -> memref<1000000x64xf32, #tpu.memory_space<hbm>>
    tpu.wait_indirect_dma semaphore(%arg26 : memref<!tpu.dma_semaphore, #tpu.memory_space<semaphore_mem>>) src(%dma_wait3A_257 : memref<1000000x64xf32, #tpu.memory_space<hbm>>) dst(%dma_wait3A_254 : memref<96x64xf32, #tpu.memory_space<vmem>>)
    %dma_wait3A_258 = arith.constant 96 : i32
    %dma_wait3A_259 = arith.constant 0 : i32
    %dma_wait3A_260 = tpu.memref_slice %arg17[%dma_wait3A_258, %dma_wait3A_259] : memref<200x64xf32, #tpu.memory_space<vmem>> -> memref<104x64xf32, #tpu.memory_space<vmem>>
    %dma_wait3A_261 = arith.constant 0 : i32
    %dma_wait3A_262 = arith.constant 0 : i32
    %dma_wait3A_263 = tpu.memref_slice %arg3[%dma_wait3A_261, %dma_wait3A_262] : memref<1000000x64xf32, #tpu.memory_space<hbm>> -> memref<1000000x64xf32, #tpu.memory_space<hbm>>
    tpu.wait_indirect_dma semaphore(%arg26 : memref<!tpu.dma_semaphore, #tpu.memory_space<semaphore_mem>>) src(%dma_wait3A_263 : memref<1000000x64xf32, #tpu.memory_space<hbm>>) dst(%dma_wait3A_260 : memref<104x64xf32, #tpu.memory_space<vmem>>)
    %scan3A_264 = arith.constant 0 : i32
    %scan3A_265 = arith.constant 0 : i32
    %scan3A_266 = arith.constant 100 : i32
    %scan3A_267 = arith.addi %scan3A_265, %scan3A_266 : i32
    %scan3A_268 = arith.constant 1 : i32
    scf.for %scan3A_534 = %scan3A_265 to %scan3A_267 step %scan3A_268  : i32 {
      %mul3A_535 = arith.constant 2 : i32
      %mul3A_536 = arith.muli %scan3A_534, %mul3A_535 : i32
      %add3A_537 = arith.constant 0 : i32
      %add3A_538 = arith.addi %mul3A_536, %add3A_537 : i32
      %get3A = arith.index_cast %add3A_538 : i32 to index
      %get3A_539 = arith.constant 0 : index
      %get3A_540 = tpu.vector_load %arg17[%get3A, %get3A_539] {strides = array<i32>} : memref<200x64xf32, #tpu.memory_space<vmem>>, vector<1x16xf32>,
      %get3A_541 = vector.shape_cast %get3A_540 : vector<1x16xf32> to vector<16xf32>
      %get3A_542 = arith.index_cast %add3A_538 : i32 to index
      %get3A_543 = arith.constant 0 : index
      %get3A_544 = tpu.vector_load %arg18[%get3A_542, %get3A_543] {strides = array<i32>} : memref<200x64xf32, #tpu.memory_space<vmem>>, vector<1x16xf32>,
      %get3A_545 = vector.shape_cast %get3A_544 : vector<1x16xf32> to vector<16xf32>
      %add3A_546 = arith.addf %get3A_541, %get3A_545 : vector<16xf32>
      %swap3A = arith.index_cast %add3A_538 : i32 to index
      %swap3A_547 = arith.constant 0 : index
      %swap3A_548 = tpu.vector_load %arg17[%swap3A, %swap3A_547] {strides = array<i32>} : memref<200x64xf32, #tpu.memory_space<vmem>>, vector<1x16xf32>,
      %swap3A_549 = vector.shape_cast %swap3A_548 : vector<1x16xf32> to vector<16xf32>
      %swap3A_550 = vector.shape_cast %add3A_546 : vector<16xf32> to vector<1x16xf32>
      tpu.vector_store %arg17[%swap3A, %swap3A_547], %swap3A_550 {strides = array<i32>} : memref<200x64xf32, #tpu.memory_space<vmem>>, vector<1x16xf32>,
      %get3A_551 = arith.index_cast %add3A_538 : i32 to index
      %get3A_552 = arith.constant 16 : index
      %get3A_553 = tpu.vector_load %arg17[%get3A_551, %get3A_552] {strides = array<i32>} : memref<200x64xf32, #tpu.memory_space<vmem>>, vector<1x16xf32>,
      %get3A_554 = vector.shape_cast %get3A_553 : vector<1x16xf32> to vector<16xf32>
      %get3A_555 = arith.index_cast %add3A_538 : i32 to index
      %get3A_556 = arith.constant 16 : index
      %get3A_557 = tpu.vector_load %arg18[%get3A_555, %get3A_556] {strides = array<i32>} : memref<200x64xf32, #tpu.memory_space<vmem>>, vector<1x16xf32>,
      %get3A_558 = vector.shape_cast %get3A_557 : vector<1x16xf32> to vector<16xf32>
      %add3A_559 = arith.addf %get3A_554, %get3A_558 : vector<16xf32>
      %swap3A_560 = arith.index_cast %add3A_538 : i32 to index
      %swap3A_561 = arith.constant 16 : index
      %swap3A_562 = tpu.vector_load %arg17[%swap3A_560, %swap3A_561] {strides = array<i32>} : memref<200x64xf32, #tpu.memory_space<vmem>>, vector<1x16xf32>,
      %swap3A_563 = vector.shape_cast %swap3A_562 : vector<1x16xf32> to vector<16xf32>
      %swap3A_564 = vector.shape_cast %add3A_559 : vector<16xf32> to vector<1x16xf32>
      tpu.vector_store %arg17[%swap3A_560, %swap3A_561], %swap3A_564 {strides = array<i32>} : memref<200x64xf32, #tpu.memory_space<vmem>>, vector<1x16xf32>,
      %get3A_565 = arith.index_cast %add3A_538 : i32 to index
      %get3A_566 = arith.constant 32 : index
      %get3A_567 = tpu.vector_load %arg17[%get3A_565, %get3A_566] {strides = array<i32>} : memref<200x64xf32, #tpu.memory_space<vmem>>, vector<1x16xf32>,
      %get3A_568 = vector.shape_cast %get3A_567 : vector<1x16xf32> to vector<16xf32>
      %get3A_569 = arith.index_cast %add3A_538 : i32 to index
      %get3A_570 = arith.constant 32 : index
      %get3A_571 = tpu.vector_load %arg18[%get3A_569, %get3A_570] {strides = array<i32>} : memref<200x64xf32, #tpu.memory_space<vmem>>, vector<1x16xf32>,
      %get3A_572 = vector.shape_cast %get3A_571 : vector<1x16xf32> to vector<16xf32>
      %add3A_573 = arith.addf %get3A_568, %get3A_572 : vector<16xf32>
      %swap3A_574 = arith.index_cast %add3A_538 : i32 to index
      %swap3A_575 = arith.constant 32 : index
      %swap3A_576 = tpu.vector_load %arg17[%swap3A_574, %swap3A_575] {strides = array<i32>} : memref<200x64xf32, #tpu.memory_space<vmem>>, vector<1x16xf32>,
      %swap3A_577 = vector.shape_cast %swap3A_576 : vector<1x16xf32> to vector<16xf32>
      %swap3A_578 = vector.shape_cast %add3A_573 : vector<16xf32> to vector<1x16xf32>
      tpu.vector_store %arg17[%swap3A_574, %swap3A_575], %swap3A_578 {strides = array<i32>} : memref<200x64xf32, #tpu.memory_space<vmem>>, vector<1x16xf32>,
      %get3A_579 = arith.index_cast %add3A_538 : i32 to index
      %get3A_580 = arith.constant 48 : index
      %get3A_581 = tpu.vector_load %arg17[%get3A_579, %get3A_580] {strides = array<i32>} : memref<200x64xf32, #tpu.memory_space<vmem>>, vector<1x16xf32>,
      %get3A_582 = vector.shape_cast %get3A_581 : vector<1x16xf32> to vector<16xf32>
      %get3A_583 = arith.index_cast %add3A_538 : i32 to index
      %get3A_584 = arith.constant 48 : index
      %get3A_585 = tpu.vector_load %arg18[%get3A_583, %get3A_584] {strides = array<i32>} : memref<200x64xf32, #tpu.memory_space<vmem>>, vector<1x16xf32>,
      %get3A_586 = vector.shape_cast %get3A_585 : vector<1x16xf32> to vector<16xf32>
      %add3A_587 = arith.addf %get3A_582, %get3A_586 : vector<16xf32>
      %swap3A_588 = arith.index_cast %add3A_538 : i32 to index
      %swap3A_589 = arith.constant 48 : index
      %swap3A_590 = tpu.vector_load %arg17[%swap3A_588, %swap3A_589] {strides = array<i32>} : memref<200x64xf32, #tpu.memory_space<vmem>>, vector<1x16xf32>,
      %swap3A_591 = vector.shape_cast %swap3A_590 : vector<1x16xf32> to vector<16xf32>
      %swap3A_592 = vector.shape_cast %add3A_587 : vector<16xf32> to vector<1x16xf32>
      tpu.vector_store %arg17[%swap3A_588, %swap3A_589], %swap3A_592 {strides = array<i32>} : memref<200x64xf32, #tpu.memory_space<vmem>>, vector<1x16xf32>,
      %mul3A_593 = arith.constant 2 : i32
      %mul3A_594 = arith.muli %scan3A_534, %mul3A_593 : i32
      %add3A_595 = arith.constant 1 : i32
      %add3A_596 = arith.addi %mul3A_594, %add3A_595 : i32
      %get3A_597 = arith.index_cast %add3A_596 : i32 to index
      %get3A_598 = arith.constant 0 : index
      %get3A_599 = tpu.vector_load %arg17[%get3A_597, %get3A_598] {strides = array<i32>} : memref<200x64xf32, #tpu.memory_space<vmem>>, vector<1x16xf32>,
      %get3A_600 = vector.shape_cast %get3A_599 : vector<1x16xf32> to vector<16xf32>
      %get3A_601 = arith.index_cast %add3A_596 : i32 to index
      %get3A_602 = arith.constant 0 : index
      %get3A_603 = tpu.vector_load %arg18[%get3A_601, %get3A_602] {strides = array<i32>} : memref<200x64xf32, #tpu.memory_space<vmem>>, vector<1x16xf32>,
      %get3A_604 = vector.shape_cast %get3A_603 : vector<1x16xf32> to vector<16xf32>
      %add3A_605 = arith.addf %get3A_600, %get3A_604 : vector<16xf32>
      %swap3A_606 = arith.index_cast %add3A_596 : i32 to index
      %swap3A_607 = arith.constant 0 : index
      %swap3A_608 = tpu.vector_load %arg17[%swap3A_606, %swap3A_607] {strides = array<i32>} : memref<200x64xf32, #tpu.memory_space<vmem>>, vector<1x16xf32>,
      %swap3A_609 = vector.shape_cast %swap3A_608 : vector<1x16xf32> to vector<16xf32>
      %swap3A_610 = vector.shape_cast %add3A_605 : vector<16xf32> to vector<1x16xf32>
      tpu.vector_store %arg17[%swap3A_606, %swap3A_607], %swap3A_610 {strides = array<i32>} : memref<200x64xf32, #tpu.memory_space<vmem>>, vector<1x16xf32>,
      %get3A_611 = arith.index_cast %add3A_596 : i32 to index
      %get3A_612 = arith.constant 16 : index
      %get3A_613 = tpu.vector_load %arg17[%get3A_611, %get3A_612] {strides = array<i32>} : memref<200x64xf32, #tpu.memory_space<vmem>>, vector<1x16xf32>,
      %get3A_614 = vector.shape_cast %get3A_613 : vector<1x16xf32> to vector<16xf32>
      %get3A_615 = arith.index_cast %add3A_596 : i32 to index
      %get3A_616 = arith.constant 16 : index
      %get3A_617 = tpu.vector_load %arg18[%get3A_615, %get3A_616] {strides = array<i32>} : memref<200x64xf32, #tpu.memory_space<vmem>>, vector<1x16xf32>,
      %get3A_618 = vector.shape_cast %get3A_617 : vector<1x16xf32> to vector<16xf32>
      %add3A_619 = arith.addf %get3A_614, %get3A_618 : vector<16xf32>
      %swap3A_620 = arith.index_cast %add3A_596 : i32 to index
      %swap3A_621 = arith.constant 16 : index
      %swap3A_622 = tpu.vector_load %arg17[%swap3A_620, %swap3A_621] {strides = array<i32>} : memref<200x64xf32, #tpu.memory_space<vmem>>, vector<1x16xf32>,
      %swap3A_623 = vector.shape_cast %swap3A_622 : vector<1x16xf32> to vector<16xf32>
      %swap3A_624 = vector.shape_cast %add3A_619 : vector<16xf32> to vector<1x16xf32>
      tpu.vector_store %arg17[%swap3A_620, %swap3A_621], %swap3A_624 {strides = array<i32>} : memref<200x64xf32, #tpu.memory_space<vmem>>, vector<1x16xf32>,
      %get3A_625 = arith.index_cast %add3A_596 : i32 to index
      %get3A_626 = arith.constant 32 : index
      %get3A_627 = tpu.vector_load %arg17[%get3A_625, %get3A_626] {strides = array<i32>} : memref<200x64xf32, #tpu.memory_space<vmem>>, vector<1x16xf32>,
      %get3A_628 = vector.shape_cast %get3A_627 : vector<1x16xf32> to vector<16xf32>
      %get3A_629 = arith.index_cast %add3A_596 : i32 to index
      %get3A_630 = arith.constant 32 : index
      %get3A_631 = tpu.vector_load %arg18[%get3A_629, %get3A_630] {strides = array<i32>} : memref<200x64xf32, #tpu.memory_space<vmem>>, vector<1x16xf32>,
      %get3A_632 = vector.shape_cast %get3A_631 : vector<1x16xf32> to vector<16xf32>
      %add3A_633 = arith.addf %get3A_628, %get3A_632 : vector<16xf32>
      %swap3A_634 = arith.index_cast %add3A_596 : i32 to index
      %swap3A_635 = arith.constant 32 : index
      %swap3A_636 = tpu.vector_load %arg17[%swap3A_634, %swap3A_635] {strides = array<i32>} : memref<200x64xf32, #tpu.memory_space<vmem>>, vector<1x16xf32>,
      %swap3A_637 = vector.shape_cast %swap3A_636 : vector<1x16xf32> to vector<16xf32>
      %swap3A_638 = vector.shape_cast %add3A_633 : vector<16xf32> to vector<1x16xf32>
      tpu.vector_store %arg17[%swap3A_634, %swap3A_635], %swap3A_638 {strides = array<i32>} : memref<200x64xf32, #tpu.memory_space<vmem>>, vector<1x16xf32>,
      %get3A_639 = arith.index_cast %add3A_596 : i32 to index
      %get3A_640 = arith.constant 48 : index
      %get3A_641 = tpu.vector_load %arg17[%get3A_639, %get3A_640] {strides = array<i32>} : memref<200x64xf32, #tpu.memory_space<vmem>>, vector<1x16xf32>,
      %get3A_642 = vector.shape_cast %get3A_641 : vector<1x16xf32> to vector<16xf32>
      %get3A_643 = arith.index_cast %add3A_596 : i32 to index
      %get3A_644 = arith.constant 48 : index
      %get3A_645 = tpu.vector_load %arg18[%get3A_643, %get3A_644] {strides = array<i32>} : memref<200x64xf32, #tpu.memory_space<vmem>>, vector<1x16xf32>,
      %get3A_646 = vector.shape_cast %get3A_645 : vector<1x16xf32> to vector<16xf32>
      %add3A_647 = arith.addf %get3A_642, %get3A_646 : vector<16xf32>
      %swap3A_648 = arith.index_cast %add3A_596 : i32 to index
      %swap3A_649 = arith.constant 48 : index
      %swap3A_650 = tpu.vector_load %arg17[%swap3A_648, %swap3A_649] {strides = array<i32>} : memref<200x64xf32, #tpu.memory_space<vmem>>, vector<1x16xf32>,
      %swap3A_651 = vector.shape_cast %swap3A_650 : vector<1x16xf32> to vector<16xf32>
      %swap3A_652 = vector.shape_cast %add3A_647 : vector<16xf32> to vector<1x16xf32>
      tpu.vector_store %arg17[%swap3A_648, %swap3A_649], %swap3A_652 {strides = array<i32>} : memref<200x64xf32, #tpu.memory_space<vmem>>, vector<1x16xf32>,
    }
    %scan3A_269 = arith.constant 100 : i32
    %add3A_270 = arith.constant 3 : i32
    %add3A_271 = arith.addi %mul3A_2, %add3A_270 : i32
    %dma_start3A_272 = arith.constant 0 : i32
    %dma_start3A_273 = arith.constant 0 : i32
    %dma_start3A_274 = tpu.memref_slice %arg5[%add3A_271, %dma_start3A_272, %dma_start3A_273] : memref<4096x200x128xf32, #tpu.memory_space<hbm>> -> memref<1x200x64xf32, #tpu.memory_space<hbm>>
    %dma_start3A_275 = tpu.memref_squeeze %dma_start3A_274 : memref<1x200x64xf32, #tpu.memory_space<hbm>> -> memref<200x64xf32, #tpu.memory_space<hbm>>
    %dma_start3A_276 = arith.constant 0 : i32
    %dma_start3A_277 = arith.constant 0 : i32
    %dma_start3A_278 = tpu.memref_slice %arg5[%add3A_271, %dma_start3A_276, %dma_start3A_277] : memref<4096x200x128xf32, #tpu.memory_space<hbm>> -> memref<1x200x64xf32, #tpu.memory_space<hbm>>
    %dma_start3A_279 = tpu.memref_squeeze %dma_start3A_278 : memref<1x200x64xf32, #tpu.memory_space<hbm>> -> memref<200x64xf32, #tpu.memory_space<hbm>>
    tpu.enqueue_dma source(%arg17 : memref<200x64xf32, #tpu.memory_space<vmem>>) target(%dma_start3A_279 : memref<200x64xf32, #tpu.memory_space<hbm>>) target_semaphore(%arg30 : memref<!tpu.dma_semaphore, #tpu.memory_space<semaphore_mem>>)
    %scan3A_280 = arith.constant 0 : i32
    %scan3A_281 = arith.constant 1 : i32
    %scan3A_282 = arith.constant 30 : i32
    %scan3A_283 = arith.addi %scan3A_281, %scan3A_282 : i32
    %scan3A_284 = arith.constant 1 : i32
    scf.for %scan3A_534 = %scan3A_281 to %scan3A_283 step %scan3A_284  : i32 {
      %mul3A_535 = arith.constant 4 : i32
      %mul3A_536 = arith.muli %scan3A_534, %mul3A_535 : i32
      %add3A_537 = arith.constant 0 : i32
      %add3A_538 = arith.addi %mul3A_536, %add3A_537 : i32
      %add3A_539 = arith.constant 2 : i32
      %add3A_540 = arith.addi %add3A_538, %add3A_539 : i32
      %add3A_541 = arith.addi %mul3A_2, %add3A_540 : i32
      %mul3A_542 = arith.constant 200 : i32
      %mul3A_543 = arith.muli %add3A_541, %mul3A_542 : i32
      %dma_start3A_544 = tpu.memref_slice %arg2[%mul3A_543] : memref<819200xi32, #tpu.memory_space<hbm>> -> memref<96xi32, #tpu.memory_space<hbm>>
      %dma_start3A_545 = tpu.memref_slice %arg2[%mul3A_543] : memref<819200xi32, #tpu.memory_space<hbm>> -> memref<96xi32, #tpu.memory_space<hbm>>
      tpu.enqueue_dma source(%dma_start3A_545 : memref<96xi32, #tpu.memory_space<hbm>>) target(%arg8 : memref<96xi32, #tpu.memory_space<vmem>>) target_semaphore(%arg21 : memref<!tpu.dma_semaphore, #tpu.memory_space<semaphore_mem>>)
      %add3A_546 = arith.constant 96 : i32
      %add3A_547 = arith.addi %mul3A_543, %add3A_546 : i32
      %dma_start3A_548 = tpu.memref_slice %arg2[%add3A_547] : memref<819200xi32, #tpu.memory_space<hbm>> -> memref<104xi32, #tpu.memory_space<hbm>>
      %dma_start3A_549 = tpu.memref_slice %arg2[%add3A_547] : memref<819200xi32, #tpu.memory_space<hbm>> -> memref<104xi32, #tpu.memory_space<hbm>>
      tpu.enqueue_dma source(%dma_start3A_549 : memref<104xi32, #tpu.memory_space<hbm>>) target(%arg12 : memref<104xi32, #tpu.memory_space<vmem>>) target_semaphore(%arg21 : memref<!tpu.dma_semaphore, #tpu.memory_space<semaphore_mem>>)
      %dma_wait3A_550 = arith.constant 0 : i32
      %dma_wait3A_551 = tpu.memref_slice %arg2[%dma_wait3A_550] : memref<819200xi32, #tpu.memory_space<hbm>> -> memref<96xi32, #tpu.memory_space<hbm>>
      %dma_wait3A_552 = arith.constant 0 : i32
      %dma_wait3A_553 = tpu.memref_slice %arg2[%dma_wait3A_552] : memref<819200xi32, #tpu.memory_space<hbm>> -> memref<96xi32, #tpu.memory_space<hbm>>
      tpu.wait_dma2 semaphore(%arg20 : memref<!tpu.dma_semaphore, #tpu.memory_space<semaphore_mem>>) src(%dma_wait3A_553 : memref<96xi32, #tpu.memory_space<hbm>>) dst(%arg7 : memref<96xi32, #tpu.memory_space<vmem>>)
      %dma_wait3A_554 = arith.constant 0 : i32
      %dma_wait3A_555 = tpu.memref_slice %arg2[%dma_wait3A_554] : memref<819200xi32, #tpu.memory_space<hbm>> -> memref<104xi32, #tpu.memory_space<hbm>>
      %dma_wait3A_556 = arith.constant 0 : i32
      %dma_wait3A_557 = tpu.memref_slice %arg2[%dma_wait3A_556] : memref<819200xi32, #tpu.memory_space<hbm>> -> memref<104xi32, #tpu.memory_space<hbm>>
      tpu.wait_dma2 semaphore(%arg20 : memref<!tpu.dma_semaphore, #tpu.memory_space<semaphore_mem>>) src(%dma_wait3A_557 : memref<104xi32, #tpu.memory_space<hbm>>) dst(%arg11 : memref<104xi32, #tpu.memory_space<vmem>>)
      %dma_wait3A_558 = arith.constant 0 : i32
      %dma_wait3A_559 = arith.constant 0 : i32
      %dma_wait3A_560 = tpu.memref_slice %arg5[%mul3A_2, %dma_wait3A_558, %dma_wait3A_559] : memref<4096x200x128xf32, #tpu.memory_space<hbm>> -> memref<1x200x64xf32, #tpu.memory_space<hbm>>
      %dma_wait3A_561 = tpu.memref_squeeze %dma_wait3A_560 : memref<1x200x64xf32, #tpu.memory_space<hbm>> -> memref<200x64xf32, #tpu.memory_space<hbm>>
      %dma_wait3A_562 = arith.constant 0 : i32
      %dma_wait3A_563 = arith.constant 0 : i32
      %dma_wait3A_564 = tpu.memref_slice %arg5[%mul3A_2, %dma_wait3A_562, %dma_wait3A_563] : memref<4096x200x128xf32, #tpu.memory_space<hbm>> -> memref<1x200x64xf32, #tpu.memory_space<hbm>>
      %dma_wait3A_565 = tpu.memref_squeeze %dma_wait3A_564 : memref<1x200x64xf32, #tpu.memory_space<hbm>> -> memref<200x64xf32, #tpu.memory_space<hbm>>
      tpu.wait_dma2 semaphore(%arg28 : memref<!tpu.dma_semaphore, #tpu.memory_space<semaphore_mem>>) src(%arg15 : memref<200x64xf32, #tpu.memory_space<vmem>>) dst(%dma_wait3A_565 : memref<200x64xf32, #tpu.memory_space<hbm>>)
      %dma_start3A_566 = arith.constant 0 : i32
      %dma_start3A_567 = arith.constant 0 : i32
      %dma_start3A_568 = tpu.memref_slice %arg15[%dma_start3A_566, %dma_start3A_567] : memref<200x64xf32, #tpu.memory_space<vmem>> -> memref<96x64xf32, #tpu.memory_space<vmem>>
      %dma_start3A_569 = arith.constant 0 : i32
      %dma_start3A_570 = arith.constant 0 : i32
      %dma_start3A_571 = tpu.memref_slice %arg3[%dma_start3A_569, %dma_start3A_570] : memref<1000000x64xf32, #tpu.memory_space<hbm>> -> memref<1000000x64xf32, #tpu.memory_space<hbm>>
      tpu.enqueue_indirect_dma source(%dma_start3A_571 : memref<1000000x64xf32, #tpu.memory_space<hbm>>) target(%dma_start3A_568 : memref<96x64xf32, #tpu.memory_space<vmem>>) offsets(%arg7 : memref<96xi32, #tpu.memory_space<vmem>>) semaphore(%arg24 : memref<!tpu.dma_semaphore, #tpu.memory_space<semaphore_mem>>)
      %dma_start3A_572 = arith.constant 96 : i32
      %dma_start3A_573 = arith.constant 0 : i32
      %dma_start3A_574 = tpu.memref_slice %arg15[%dma_start3A_572, %dma_start3A_573] : memref<200x64xf32, #tpu.memory_space<vmem>> -> memref<104x64xf32, #tpu.memory_space<vmem>>
      %dma_start3A_575 = arith.constant 0 : i32
      %dma_start3A_576 = arith.constant 0 : i32
      %dma_start3A_577 = tpu.memref_slice %arg3[%dma_start3A_575, %dma_start3A_576] : memref<1000000x64xf32, #tpu.memory_space<hbm>> -> memref<1000000x64xf32, #tpu.memory_space<hbm>>
      tpu.enqueue_indirect_dma source(%dma_start3A_577 : memref<1000000x64xf32, #tpu.memory_space<hbm>>) target(%dma_start3A_574 : memref<104x64xf32, #tpu.memory_space<vmem>>) offsets(%arg11 : memref<104xi32, #tpu.memory_space<vmem>>) semaphore(%arg24 : memref<!tpu.dma_semaphore, #tpu.memory_space<semaphore_mem>>)
      %dma_wait3A_578 = arith.constant 0 : i32
      %dma_wait3A_579 = arith.constant 0 : i32
      %dma_wait3A_580 = tpu.memref_slice %arg14[%dma_wait3A_578, %dma_wait3A_579] : memref<200x64xf32, #tpu.memory_space<vmem>> -> memref<96x64xf32, #tpu.memory_space<vmem>>
      %dma_wait3A_581 = arith.constant 0 : i32
      %dma_wait3A_582 = arith.constant 0 : i32
      %dma_wait3A_583 = tpu.memref_slice %arg3[%dma_wait3A_581, %dma_wait3A_582] : memref<1000000x64xf32, #tpu.memory_space<hbm>> -> memref<1000000x64xf32, #tpu.memory_space<hbm>>
      tpu.wait_indirect_dma semaphore(%arg23 : memref<!tpu.dma_semaphore, #tpu.memory_space<semaphore_mem>>) src(%dma_wait3A_583 : memref<1000000x64xf32, #tpu.memory_space<hbm>>) dst(%dma_wait3A_580 : memref<96x64xf32, #tpu.memory_space<vmem>>)
      %dma_wait3A_584 = arith.constant 96 : i32
      %dma_wait3A_585 = arith.constant 0 : i32
      %dma_wait3A_586 = tpu.memref_slice %arg14[%dma_wait3A_584, %dma_wait3A_585] : memref<200x64xf32, #tpu.memory_space<vmem>> -> memref<104x64xf32, #tpu.memory_space<vmem>>
      %dma_wait3A_587 = arith.constant 0 : i32
      %dma_wait3A_588 = arith.constant 0 : i32
      %dma_wait3A_589 = tpu.memref_slice %arg3[%dma_wait3A_587, %dma_wait3A_588] : memref<1000000x64xf32, #tpu.memory_space<hbm>> -> memref<1000000x64xf32, #tpu.memory_space<hbm>>
      tpu.wait_indirect_dma semaphore(%arg23 : memref<!tpu.dma_semaphore, #tpu.memory_space<semaphore_mem>>) src(%dma_wait3A_589 : memref<1000000x64xf32, #tpu.memory_space<hbm>>) dst(%dma_wait3A_586 : memref<104x64xf32, #tpu.memory_space<vmem>>)
      %scan3A_590 = arith.constant 0 : i32
      %scan3A_591 = arith.constant 0 : i32
      %scan3A_592 = arith.constant 100 : i32
      %scan3A_593 = arith.addi %scan3A_591, %scan3A_592 : i32
      %scan3A_594 = arith.constant 1 : i32
      scf.for %scan3A_809 = %scan3A_591 to %scan3A_593 step %scan3A_594  : i32 {
        %mul3A_810 = arith.constant 2 : i32
        %mul3A_811 = arith.muli %scan3A_809, %mul3A_810 : i32
        %add3A_812 = arith.constant 0 : i32
        %add3A_813 = arith.addi %mul3A_811, %add3A_812 : i32
        %get3A = arith.index_cast %add3A_813 : i32 to index
        %get3A_814 = arith.constant 0 : index
        %get3A_815 = tpu.vector_load %arg14[%get3A, %get3A_814] {strides = array<i32>} : memref<200x64xf32, #tpu.memory_space<vmem>>, vector<1x16xf32>,
        %get3A_816 = vector.shape_cast %get3A_815 : vector<1x16xf32> to vector<16xf32>
        %get3A_817 = arith.index_cast %add3A_813 : i32 to index
        %get3A_818 = arith.constant 0 : index
        %get3A_819 = tpu.vector_load %arg18[%get3A_817, %get3A_818] {strides = array<i32>} : memref<200x64xf32, #tpu.memory_space<vmem>>, vector<1x16xf32>,
        %get3A_820 = vector.shape_cast %get3A_819 : vector<1x16xf32> to vector<16xf32>
        %add3A_821 = arith.addf %get3A_816, %get3A_820 : vector<16xf32>
        %swap3A = arith.index_cast %add3A_813 : i32 to index
        %swap3A_822 = arith.constant 0 : index
        %swap3A_823 = tpu.vector_load %arg14[%swap3A, %swap3A_822] {strides = array<i32>} : memref<200x64xf32, #tpu.memory_space<vmem>>, vector<1x16xf32>,
        %swap3A_824 = vector.shape_cast %swap3A_823 : vector<1x16xf32> to vector<16xf32>
        %swap3A_825 = vector.shape_cast %add3A_821 : vector<16xf32> to vector<1x16xf32>
        tpu.vector_store %arg14[%swap3A, %swap3A_822], %swap3A_825 {strides = array<i32>} : memref<200x64xf32, #tpu.memory_space<vmem>>, vector<1x16xf32>,
        %get3A_826 = arith.index_cast %add3A_813 : i32 to index
        %get3A_827 = arith.constant 16 : index
        %get3A_828 = tpu.vector_load %arg14[%get3A_826, %get3A_827] {strides = array<i32>} : memref<200x64xf32, #tpu.memory_space<vmem>>, vector<1x16xf32>,
        %get3A_829 = vector.shape_cast %get3A_828 : vector<1x16xf32> to vector<16xf32>
        %get3A_830 = arith.index_cast %add3A_813 : i32 to index
        %get3A_831 = arith.constant 16 : index
        %get3A_832 = tpu.vector_load %arg18[%get3A_830, %get3A_831] {strides = array<i32>} : memref<200x64xf32, #tpu.memory_space<vmem>>, vector<1x16xf32>,
        %get3A_833 = vector.shape_cast %get3A_832 : vector<1x16xf32> to vector<16xf32>
        %add3A_834 = arith.addf %get3A_829, %get3A_833 : vector<16xf32>
        %swap3A_835 = arith.index_cast %add3A_813 : i32 to index
        %swap3A_836 = arith.constant 16 : index
        %swap3A_837 = tpu.vector_load %arg14[%swap3A_835, %swap3A_836] {strides = array<i32>} : memref<200x64xf32, #tpu.memory_space<vmem>>, vector<1x16xf32>,
        %swap3A_838 = vector.shape_cast %swap3A_837 : vector<1x16xf32> to vector<16xf32>
        %swap3A_839 = vector.shape_cast %add3A_834 : vector<16xf32> to vector<1x16xf32>
        tpu.vector_store %arg14[%swap3A_835, %swap3A_836], %swap3A_839 {strides = array<i32>} : memref<200x64xf32, #tpu.memory_space<vmem>>, vector<1x16xf32>,
        %get3A_840 = arith.index_cast %add3A_813 : i32 to index
        %get3A_841 = arith.constant 32 : index
        %get3A_842 = tpu.vector_load %arg14[%get3A_840, %get3A_841] {strides = array<i32>} : memref<200x64xf32, #tpu.memory_space<vmem>>, vector<1x16xf32>,
        %get3A_843 = vector.shape_cast %get3A_842 : vector<1x16xf32> to vector<16xf32>
        %get3A_844 = arith.index_cast %add3A_813 : i32 to index
        %get3A_845 = arith.constant 32 : index
        %get3A_846 = tpu.vector_load %arg18[%get3A_844, %get3A_845] {strides = array<i32>} : memref<200x64xf32, #tpu.memory_space<vmem>>, vector<1x16xf32>,
        %get3A_847 = vector.shape_cast %get3A_846 : vector<1x16xf32> to vector<16xf32>
        %add3A_848 = arith.addf %get3A_843, %get3A_847 : vector<16xf32>
        %swap3A_849 = arith.index_cast %add3A_813 : i32 to index
        %swap3A_850 = arith.constant 32 : index
        %swap3A_851 = tpu.vector_load %arg14[%swap3A_849, %swap3A_850] {strides = array<i32>} : memref<200x64xf32, #tpu.memory_space<vmem>>, vector<1x16xf32>,
        %swap3A_852 = vector.shape_cast %swap3A_851 : vector<1x16xf32> to vector<16xf32>
        %swap3A_853 = vector.shape_cast %add3A_848 : vector<16xf32> to vector<1x16xf32>
        tpu.vector_store %arg14[%swap3A_849, %swap3A_850], %swap3A_853 {strides = array<i32>} : memref<200x64xf32, #tpu.memory_space<vmem>>, vector<1x16xf32>,
        %get3A_854 = arith.index_cast %add3A_813 : i32 to index
        %get3A_855 = arith.constant 48 : index
        %get3A_856 = tpu.vector_load %arg14[%get3A_854, %get3A_855] {strides = array<i32>} : memref<200x64xf32, #tpu.memory_space<vmem>>, vector<1x16xf32>,
        %get3A_857 = vector.shape_cast %get3A_856 : vector<1x16xf32> to vector<16xf32>
        %get3A_858 = arith.index_cast %add3A_813 : i32 to index
        %get3A_859 = arith.constant 48 : index
        %get3A_860 = tpu.vector_load %arg18[%get3A_858, %get3A_859] {strides = array<i32>} : memref<200x64xf32, #tpu.memory_space<vmem>>, vector<1x16xf32>,
        %get3A_861 = vector.shape_cast %get3A_860 : vector<1x16xf32> to vector<16xf32>
        %add3A_862 = arith.addf %get3A_857, %get3A_861 : vector<16xf32>
        %swap3A_863 = arith.index_cast %add3A_813 : i32 to index
        %swap3A_864 = arith.constant 48 : index
        %swap3A_865 = tpu.vector_load %arg14[%swap3A_863, %swap3A_864] {strides = array<i32>} : memref<200x64xf32, #tpu.memory_space<vmem>>, vector<1x16xf32>,
        %swap3A_866 = vector.shape_cast %swap3A_865 : vector<1x16xf32> to vector<16xf32>
        %swap3A_867 = vector.shape_cast %add3A_862 : vector<16xf32> to vector<1x16xf32>
        tpu.vector_store %arg14[%swap3A_863, %swap3A_864], %swap3A_867 {strides = array<i32>} : memref<200x64xf32, #tpu.memory_space<vmem>>, vector<1x16xf32>,
        %mul3A_868 = arith.constant 2 : i32
        %mul3A_869 = arith.muli %scan3A_809, %mul3A_868 : i32
        %add3A_870 = arith.constant 1 : i32
        %add3A_871 = arith.addi %mul3A_869, %add3A_870 : i32
        %get3A_872 = arith.index_cast %add3A_871 : i32 to index
        %get3A_873 = arith.constant 0 : index
        %get3A_874 = tpu.vector_load %arg14[%get3A_872, %get3A_873] {strides = array<i32>} : memref<200x64xf32, #tpu.memory_space<vmem>>, vector<1x16xf32>,
        %get3A_875 = vector.shape_cast %get3A_874 : vector<1x16xf32> to vector<16xf32>
        %get3A_876 = arith.index_cast %add3A_871 : i32 to index
        %get3A_877 = arith.constant 0 : index
        %get3A_878 = tpu.vector_load %arg18[%get3A_876, %get3A_877] {strides = array<i32>} : memref<200x64xf32, #tpu.memory_space<vmem>>, vector<1x16xf32>,
        %get3A_879 = vector.shape_cast %get3A_878 : vector<1x16xf32> to vector<16xf32>
        %add3A_880 = arith.addf %get3A_875, %get3A_879 : vector<16xf32>
        %swap3A_881 = arith.index_cast %add3A_871 : i32 to index
        %swap3A_882 = arith.constant 0 : index
        %swap3A_883 = tpu.vector_load %arg14[%swap3A_881, %swap3A_882] {strides = array<i32>} : memref<200x64xf32, #tpu.memory_space<vmem>>, vector<1x16xf32>,
        %swap3A_884 = vector.shape_cast %swap3A_883 : vector<1x16xf32> to vector<16xf32>
        %swap3A_885 = vector.shape_cast %add3A_880 : vector<16xf32> to vector<1x16xf32>
        tpu.vector_store %arg14[%swap3A_881, %swap3A_882], %swap3A_885 {strides = array<i32>} : memref<200x64xf32, #tpu.memory_space<vmem>>, vector<1x16xf32>,
        %get3A_886 = arith.index_cast %add3A_871 : i32 to index
        %get3A_887 = arith.constant 16 : index
        %get3A_888 = tpu.vector_load %arg14[%get3A_886, %get3A_887] {strides = array<i32>} : memref<200x64xf32, #tpu.memory_space<vmem>>, vector<1x16xf32>,
        %get3A_889 = vector.shape_cast %get3A_888 : vector<1x16xf32> to vector<16xf32>
        %get3A_890 = arith.index_cast %add3A_871 : i32 to index
        %get3A_891 = arith.constant 16 : index
        %get3A_892 = tpu.vector_load %arg18[%get3A_890, %get3A_891] {strides = array<i32>} : memref<200x64xf32, #tpu.memory_space<vmem>>, vector<1x16xf32>,
        %get3A_893 = vector.shape_cast %get3A_892 : vector<1x16xf32> to vector<16xf32>
        %add3A_894 = arith.addf %get3A_889, %get3A_893 : vector<16xf32>
        %swap3A_895 = arith.index_cast %add3A_871 : i32 to index
        %swap3A_896 = arith.constant 16 : index
        %swap3A_897 = tpu.vector_load %arg14[%swap3A_895, %swap3A_896] {strides = array<i32>} : memref<200x64xf32, #tpu.memory_space<vmem>>, vector<1x16xf32>,
        %swap3A_898 = vector.shape_cast %swap3A_897 : vector<1x16xf32> to vector<16xf32>
        %swap3A_899 = vector.shape_cast %add3A_894 : vector<16xf32> to vector<1x16xf32>
        tpu.vector_store %arg14[%swap3A_895, %swap3A_896], %swap3A_899 {strides = array<i32>} : memref<200x64xf32, #tpu.memory_space<vmem>>, vector<1x16xf32>,
        %get3A_900 = arith.index_cast %add3A_871 : i32 to index
        %get3A_901 = arith.constant 32 : index
        %get3A_902 = tpu.vector_load %arg14[%get3A_900, %get3A_901] {strides = array<i32>} : memref<200x64xf32, #tpu.memory_space<vmem>>, vector<1x16xf32>,
        %get3A_903 = vector.shape_cast %get3A_902 : vector<1x16xf32> to vector<16xf32>
        %get3A_904 = arith.index_cast %add3A_871 : i32 to index
        %get3A_905 = arith.constant 32 : index
        %get3A_906 = tpu.vector_load %arg18[%get3A_904, %get3A_905] {strides = array<i32>} : memref<200x64xf32, #tpu.memory_space<vmem>>, vector<1x16xf32>,
        %get3A_907 = vector.shape_cast %get3A_906 : vector<1x16xf32> to vector<16xf32>
        %add3A_908 = arith.addf %get3A_903, %get3A_907 : vector<16xf32>
        %swap3A_909 = arith.index_cast %add3A_871 : i32 to index
        %swap3A_910 = arith.constant 32 : index
        %swap3A_911 = tpu.vector_load %arg14[%swap3A_909, %swap3A_910] {strides = array<i32>} : memref<200x64xf32, #tpu.memory_space<vmem>>, vector<1x16xf32>,
        %swap3A_912 = vector.shape_cast %swap3A_911 : vector<1x16xf32> to vector<16xf32>
        %swap3A_913 = vector.shape_cast %add3A_908 : vector<16xf32> to vector<1x16xf32>
        tpu.vector_store %arg14[%swap3A_909, %swap3A_910], %swap3A_913 {strides = array<i32>} : memref<200x64xf32, #tpu.memory_space<vmem>>, vector<1x16xf32>,
        %get3A_914 = arith.index_cast %add3A_871 : i32 to index
        %get3A_915 = arith.constant 48 : index
        %get3A_916 = tpu.vector_load %arg14[%get3A_914, %get3A_915] {strides = array<i32>} : memref<200x64xf32, #tpu.memory_space<vmem>>, vector<1x16xf32>,
        %get3A_917 = vector.shape_cast %get3A_916 : vector<1x16xf32> to vector<16xf32>
        %get3A_918 = arith.index_cast %add3A_871 : i32 to index
        %get3A_919 = arith.constant 48 : index
        %get3A_920 = tpu.vector_load %arg18[%get3A_918, %get3A_919] {strides = array<i32>} : memref<200x64xf32, #tpu.memory_space<vmem>>, vector<1x16xf32>,
        %get3A_921 = vector.shape_cast %get3A_920 : vector<1x16xf32> to vector<16xf32>
        %add3A_922 = arith.addf %get3A_917, %get3A_921 : vector<16xf32>
        %swap3A_923 = arith.index_cast %add3A_871 : i32 to index
        %swap3A_924 = arith.constant 48 : index
        %swap3A_925 = tpu.vector_load %arg14[%swap3A_923, %swap3A_924] {strides = array<i32>} : memref<200x64xf32, #tpu.memory_space<vmem>>, vector<1x16xf32>,
        %swap3A_926 = vector.shape_cast %swap3A_925 : vector<1x16xf32> to vector<16xf32>
        %swap3A_927 = vector.shape_cast %add3A_922 : vector<16xf32> to vector<1x16xf32>
        tpu.vector_store %arg14[%swap3A_923, %swap3A_924], %swap3A_927 {strides = array<i32>} : memref<200x64xf32, #tpu.memory_space<vmem>>, vector<1x16xf32>,
      }
      %scan3A_595 = arith.constant 100 : i32
      %add3A_596 = arith.addi %mul3A_2, %add3A_538 : i32
      %dma_start3A_597 = arith.constant 0 : i32
      %dma_start3A_598 = arith.constant 0 : i32
      %dma_start3A_599 = tpu.memref_slice %arg5[%add3A_596, %dma_start3A_597, %dma_start3A_598] : memref<4096x200x128xf32, #tpu.memory_space<hbm>> -> memref<1x200x64xf32, #tpu.memory_space<hbm>>
      %dma_start3A_600 = tpu.memref_squeeze %dma_start3A_599 : memref<1x200x64xf32, #tpu.memory_space<hbm>> -> memref<200x64xf32, #tpu.memory_space<hbm>>
      %dma_start3A_601 = arith.constant 0 : i32
      %dma_start3A_602 = arith.constant 0 : i32
      %dma_start3A_603 = tpu.memref_slice %arg5[%add3A_596, %dma_start3A_601, %dma_start3A_602] : memref<4096x200x128xf32, #tpu.memory_space<hbm>> -> memref<1x200x64xf32, #tpu.memory_space<hbm>>
      %dma_start3A_604 = tpu.memref_squeeze %dma_start3A_603 : memref<1x200x64xf32, #tpu.memory_space<hbm>> -> memref<200x64xf32, #tpu.memory_space<hbm>>
      tpu.enqueue_dma source(%arg14 : memref<200x64xf32, #tpu.memory_space<vmem>>) target(%dma_start3A_604 : memref<200x64xf32, #tpu.memory_space<hbm>>) target_semaphore(%arg27 : memref<!tpu.dma_semaphore, #tpu.memory_space<semaphore_mem>>)
      %add3A_605 = arith.constant 1 : i32
      %add3A_606 = arith.addi %mul3A_536, %add3A_605 : i32
      %add3A_607 = arith.constant 2 : i32
      %add3A_608 = arith.addi %add3A_606, %add3A_607 : i32
      %add3A_609 = arith.addi %mul3A_2, %add3A_608 : i32
      %mul3A_610 = arith.constant 200 : i32
      %mul3A_611 = arith.muli %add3A_609, %mul3A_610 : i32
      %dma_start3A_612 = tpu.memref_slice %arg2[%mul3A_611] : memref<819200xi32, #tpu.memory_space<hbm>> -> memref<96xi32, #tpu.memory_space<hbm>>
      %dma_start3A_613 = tpu.memref_slice %arg2[%mul3A_611] : memref<819200xi32, #tpu.memory_space<hbm>> -> memref<96xi32, #tpu.memory_space<hbm>>
      tpu.enqueue_dma source(%dma_start3A_613 : memref<96xi32, #tpu.memory_space<hbm>>) target(%arg9 : memref<96xi32, #tpu.memory_space<vmem>>) target_semaphore(%arg22 : memref<!tpu.dma_semaphore, #tpu.memory_space<semaphore_mem>>)
      %add3A_614 = arith.constant 96 : i32
      %add3A_615 = arith.addi %mul3A_611, %add3A_614 : i32
      %dma_start3A_616 = tpu.memref_slice %arg2[%add3A_615] : memref<819200xi32, #tpu.memory_space<hbm>> -> memref<104xi32, #tpu.memory_space<hbm>>
      %dma_start3A_617 = tpu.memref_slice %arg2[%add3A_615] : memref<819200xi32, #tpu.memory_space<hbm>> -> memref<104xi32, #tpu.memory_space<hbm>>
      tpu.enqueue_dma source(%dma_start3A_617 : memref<104xi32, #tpu.memory_space<hbm>>) target(%arg13 : memref<104xi32, #tpu.memory_space<vmem>>) target_semaphore(%arg22 : memref<!tpu.dma_semaphore, #tpu.memory_space<semaphore_mem>>)
      %dma_wait3A_618 = arith.constant 0 : i32
      %dma_wait3A_619 = tpu.memref_slice %arg2[%dma_wait3A_618] : memref<819200xi32, #tpu.memory_space<hbm>> -> memref<96xi32, #tpu.memory_space<hbm>>
      %dma_wait3A_620 = arith.constant 0 : i32
      %dma_wait3A_621 = tpu.memref_slice %arg2[%dma_wait3A_620] : memref<819200xi32, #tpu.memory_space<hbm>> -> memref<96xi32, #tpu.memory_space<hbm>>
      tpu.wait_dma2 semaphore(%arg21 : memref<!tpu.dma_semaphore, #tpu.memory_space<semaphore_mem>>) src(%dma_wait3A_621 : memref<96xi32, #tpu.memory_space<hbm>>) dst(%arg8 : memref<96xi32, #tpu.memory_space<vmem>>)
      %dma_wait3A_622 = arith.constant 0 : i32
      %dma_wait3A_623 = tpu.memref_slice %arg2[%dma_wait3A_622] : memref<819200xi32, #tpu.memory_space<hbm>> -> memref<104xi32, #tpu.memory_space<hbm>>
      %dma_wait3A_624 = arith.constant 0 : i32
      %dma_wait3A_625 = tpu.memref_slice %arg2[%dma_wait3A_624] : memref<819200xi32, #tpu.memory_space<hbm>> -> memref<104xi32, #tpu.memory_space<hbm>>
      tpu.wait_dma2 semaphore(%arg21 : memref<!tpu.dma_semaphore, #tpu.memory_space<semaphore_mem>>) src(%dma_wait3A_625 : memref<104xi32, #tpu.memory_space<hbm>>) dst(%arg12 : memref<104xi32, #tpu.memory_space<vmem>>)
      %dma_wait3A_626 = arith.constant 0 : i32
      %dma_wait3A_627 = arith.constant 0 : i32
      %dma_wait3A_628 = tpu.memref_slice %arg5[%mul3A_2, %dma_wait3A_626, %dma_wait3A_627] : memref<4096x200x128xf32, #tpu.memory_space<hbm>> -> memref<1x200x64xf32, #tpu.memory_space<hbm>>
      %dma_wait3A_629 = tpu.memref_squeeze %dma_wait3A_628 : memref<1x200x64xf32, #tpu.memory_space<hbm>> -> memref<200x64xf32, #tpu.memory_space<hbm>>
      %dma_wait3A_630 = arith.constant 0 : i32
      %dma_wait3A_631 = arith.constant 0 : i32
      %dma_wait3A_632 = tpu.memref_slice %arg5[%mul3A_2, %dma_wait3A_630, %dma_wait3A_631] : memref<4096x200x128xf32, #tpu.memory_space<hbm>> -> memref<1x200x64xf32, #tpu.memory_space<hbm>>
      %dma_wait3A_633 = tpu.memref_squeeze %dma_wait3A_632 : memref<1x200x64xf32, #tpu.memory_space<hbm>> -> memref<200x64xf32, #tpu.memory_space<hbm>>
      tpu.wait_dma2 semaphore(%arg29 : memref<!tpu.dma_semaphore, #tpu.memory_space<semaphore_mem>>) src(%arg16 : memref<200x64xf32, #tpu.memory_space<vmem>>) dst(%dma_wait3A_633 : memref<200x64xf32, #tpu.memory_space<hbm>>)
      %dma_start3A_634 = arith.constant 0 : i32
      %dma_start3A_635 = arith.constant 0 : i32
      %dma_start3A_636 = tpu.memref_slice %arg16[%dma_start3A_634, %dma_start3A_635] : memref<200x64xf32, #tpu.memory_space<vmem>> -> memref<96x64xf32, #tpu.memory_space<vmem>>
      %dma_start3A_637 = arith.constant 0 : i32
      %dma_start3A_638 = arith.constant 0 : i32
      %dma_start3A_639 = tpu.memref_slice %arg3[%dma_start3A_637, %dma_start3A_638] : memref<1000000x64xf32, #tpu.memory_space<hbm>> -> memref<1000000x64xf32, #tpu.memory_space<hbm>>
      tpu.enqueue_indirect_dma source(%dma_start3A_639 : memref<1000000x64xf32, #tpu.memory_space<hbm>>) target(%dma_start3A_636 : memref<96x64xf32, #tpu.memory_space<vmem>>) offsets(%arg8 : memref<96xi32, #tpu.memory_space<vmem>>) semaphore(%arg25 : memref<!tpu.dma_semaphore, #tpu.memory_space<semaphore_mem>>)
      %dma_start3A_640 = arith.constant 96 : i32
      %dma_start3A_641 = arith.constant 0 : i32
      %dma_start3A_642 = tpu.memref_slice %arg16[%dma_start3A_640, %dma_start3A_641] : memref<200x64xf32, #tpu.memory_space<vmem>> -> memref<104x64xf32, #tpu.memory_space<vmem>>
      %dma_start3A_643 = arith.constant 0 : i32
      %dma_start3A_644 = arith.constant 0 : i32
      %dma_start3A_645 = tpu.memref_slice %arg3[%dma_start3A_643, %dma_start3A_644] : memref<1000000x64xf32, #tpu.memory_space<hbm>> -> memref<1000000x64xf32, #tpu.memory_space<hbm>>
      tpu.enqueue_indirect_dma source(%dma_start3A_645 : memref<1000000x64xf32, #tpu.memory_space<hbm>>) target(%dma_start3A_642 : memref<104x64xf32, #tpu.memory_space<vmem>>) offsets(%arg12 : memref<104xi32, #tpu.memory_space<vmem>>) semaphore(%arg25 : memref<!tpu.dma_semaphore, #tpu.memory_space<semaphore_mem>>)
      %dma_wait3A_646 = arith.constant 0 : i32
      %dma_wait3A_647 = arith.constant 0 : i32
      %dma_wait3A_648 = tpu.memref_slice %arg15[%dma_wait3A_646, %dma_wait3A_647] : memref<200x64xf32, #tpu.memory_space<vmem>> -> memref<96x64xf32, #tpu.memory_space<vmem>>
      %dma_wait3A_649 = arith.constant 0 : i32
      %dma_wait3A_650 = arith.constant 0 : i32
      %dma_wait3A_651 = tpu.memref_slice %arg3[%dma_wait3A_649, %dma_wait3A_650] : memref<1000000x64xf32, #tpu.memory_space<hbm>> -> memref<1000000x64xf32, #tpu.memory_space<hbm>>
      tpu.wait_indirect_dma semaphore(%arg24 : memref<!tpu.dma_semaphore, #tpu.memory_space<semaphore_mem>>) src(%dma_wait3A_651 : memref<1000000x64xf32, #tpu.memory_space<hbm>>) dst(%dma_wait3A_648 : memref<96x64xf32, #tpu.memory_space<vmem>>)
      %dma_wait3A_652 = arith.constant 96 : i32
      %dma_wait3A_653 = arith.constant 0 : i32
      %dma_wait3A_654 = tpu.memref_slice %arg15[%dma_wait3A_652, %dma_wait3A_653] : memref<200x64xf32, #tpu.memory_space<vmem>> -> memref<104x64xf32, #tpu.memory_space<vmem>>
      %dma_wait3A_655 = arith.constant 0 : i32
      %dma_wait3A_656 = arith.constant 0 : i32
      %dma_wait3A_657 = tpu.memref_slice %arg3[%dma_wait3A_655, %dma_wait3A_656] : memref<1000000x64xf32, #tpu.memory_space<hbm>> -> memref<1000000x64xf32, #tpu.memory_space<hbm>>
      tpu.wait_indirect_dma semaphore(%arg24 : memref<!tpu.dma_semaphore, #tpu.memory_space<semaphore_mem>>) src(%dma_wait3A_657 : memref<1000000x64xf32, #tpu.memory_space<hbm>>) dst(%dma_wait3A_654 : memref<104x64xf32, #tpu.memory_space<vmem>>)
      %scan3A_658 = arith.constant 0 : i32
      %scan3A_659 = arith.constant 0 : i32
      %scan3A_660 = arith.constant 100 : i32
      %scan3A_661 = arith.addi %scan3A_659, %scan3A_660 : i32
      %scan3A_662 = arith.constant 1 : i32
      scf.for %scan3A_809 = %scan3A_659 to %scan3A_661 step %scan3A_662  : i32 {
        %mul3A_810 = arith.constant 2 : i32
        %mul3A_811 = arith.muli %scan3A_809, %mul3A_810 : i32
        %add3A_812 = arith.constant 0 : i32
        %add3A_813 = arith.addi %mul3A_811, %add3A_812 : i32
        %get3A = arith.index_cast %add3A_813 : i32 to index
        %get3A_814 = arith.constant 0 : index
        %get3A_815 = tpu.vector_load %arg15[%get3A, %get3A_814] {strides = array<i32>} : memref<200x64xf32, #tpu.memory_space<vmem>>, vector<1x16xf32>,
        %get3A_816 = vector.shape_cast %get3A_815 : vector<1x16xf32> to vector<16xf32>
        %get3A_817 = arith.index_cast %add3A_813 : i32 to index
        %get3A_818 = arith.constant 0 : index
        %get3A_819 = tpu.vector_load %arg18[%get3A_817, %get3A_818] {strides = array<i32>} : memref<200x64xf32, #tpu.memory_space<vmem>>, vector<1x16xf32>,
        %get3A_820 = vector.shape_cast %get3A_819 : vector<1x16xf32> to vector<16xf32>
        %add3A_821 = arith.addf %get3A_816, %get3A_820 : vector<16xf32>
        %swap3A = arith.index_cast %add3A_813 : i32 to index
        %swap3A_822 = arith.constant 0 : index
        %swap3A_823 = tpu.vector_load %arg15[%swap3A, %swap3A_822] {strides = array<i32>} : memref<200x64xf32, #tpu.memory_space<vmem>>, vector<1x16xf32>,
        %swap3A_824 = vector.shape_cast %swap3A_823 : vector<1x16xf32> to vector<16xf32>
        %swap3A_825 = vector.shape_cast %add3A_821 : vector<16xf32> to vector<1x16xf32>
        tpu.vector_store %arg15[%swap3A, %swap3A_822], %swap3A_825 {strides = array<i32>} : memref<200x64xf32, #tpu.memory_space<vmem>>, vector<1x16xf32>,
        %get3A_826 = arith.index_cast %add3A_813 : i32 to index
        %get3A_827 = arith.constant 16 : index
        %get3A_828 = tpu.vector_load %arg15[%get3A_826, %get3A_827] {strides = array<i32>} : memref<200x64xf32, #tpu.memory_space<vmem>>, vector<1x16xf32>,
        %get3A_829 = vector.shape_cast %get3A_828 : vector<1x16xf32> to vector<16xf32>
        %get3A_830 = arith.index_cast %add3A_813 : i32 to index
        %get3A_831 = arith.constant 16 : index
        %get3A_832 = tpu.vector_load %arg18[%get3A_830, %get3A_831] {strides = array<i32>} : memref<200x64xf32, #tpu.memory_space<vmem>>, vector<1x16xf32>,
        %get3A_833 = vector.shape_cast %get3A_832 : vector<1x16xf32> to vector<16xf32>
        %add3A_834 = arith.addf %get3A_829, %get3A_833 : vector<16xf32>
        %swap3A_835 = arith.index_cast %add3A_813 : i32 to index
        %swap3A_836 = arith.constant 16 : index
        %swap3A_837 = tpu.vector_load %arg15[%swap3A_835, %swap3A_836] {strides = array<i32>} : memref<200x64xf32, #tpu.memory_space<vmem>>, vector<1x16xf32>,
        %swap3A_838 = vector.shape_cast %swap3A_837 : vector<1x16xf32> to vector<16xf32>
        %swap3A_839 = vector.shape_cast %add3A_834 : vector<16xf32> to vector<1x16xf32>
        tpu.vector_store %arg15[%swap3A_835, %swap3A_836], %swap3A_839 {strides = array<i32>} : memref<200x64xf32, #tpu.memory_space<vmem>>, vector<1x16xf32>,
        %get3A_840 = arith.index_cast %add3A_813 : i32 to index
        %get3A_841 = arith.constant 32 : index
        %get3A_842 = tpu.vector_load %arg15[%get3A_840, %get3A_841] {strides = array<i32>} : memref<200x64xf32, #tpu.memory_space<vmem>>, vector<1x16xf32>,
        %get3A_843 = vector.shape_cast %get3A_842 : vector<1x16xf32> to vector<16xf32>
        %get3A_844 = arith.index_cast %add3A_813 : i32 to index
        %get3A_845 = arith.constant 32 : index
        %get3A_846 = tpu.vector_load %arg18[%get3A_844, %get3A_845] {strides = array<i32>} : memref<200x64xf32, #tpu.memory_space<vmem>>, vector<1x16xf32>,
        %get3A_847 = vector.shape_cast %get3A_846 : vector<1x16xf32> to vector<16xf32>
        %add3A_848 = arith.addf %get3A_843, %get3A_847 : vector<16xf32>
        %swap3A_849 = arith.index_cast %add3A_813 : i32 to index
        %swap3A_850 = arith.constant 32 : index
        %swap3A_851 = tpu.vector_load %arg15[%swap3A_849, %swap3A_850] {strides = array<i32>} : memref<200x64xf32, #tpu.memory_space<vmem>>, vector<1x16xf32>,
        %swap3A_852 = vector.shape_cast %swap3A_851 : vector<1x16xf32> to vector<16xf32>
        %swap3A_853 = vector.shape_cast %add3A_848 : vector<16xf32> to vector<1x16xf32>
        tpu.vector_store %arg15[%swap3A_849, %swap3A_850], %swap3A_853 {strides = array<i32>} : memref<200x64xf32, #tpu.memory_space<vmem>>, vector<1x16xf32>,
        %get3A_854 = arith.index_cast %add3A_813 : i32 to index
        %get3A_855 = arith.constant 48 : index
        %get3A_856 = tpu.vector_load %arg15[%get3A_854, %get3A_855] {strides = array<i32>} : memref<200x64xf32, #tpu.memory_space<vmem>>, vector<1x16xf32>,
        %get3A_857 = vector.shape_cast %get3A_856 : vector<1x16xf32> to vector<16xf32>
        %get3A_858 = arith.index_cast %add3A_813 : i32 to index
        %get3A_859 = arith.constant 48 : index
        %get3A_860 = tpu.vector_load %arg18[%get3A_858, %get3A_859] {strides = array<i32>} : memref<200x64xf32, #tpu.memory_space<vmem>>, vector<1x16xf32>,
        %get3A_861 = vector.shape_cast %get3A_860 : vector<1x16xf32> to vector<16xf32>
        %add3A_862 = arith.addf %get3A_857, %get3A_861 : vector<16xf32>
        %swap3A_863 = arith.index_cast %add3A_813 : i32 to index
        %swap3A_864 = arith.constant 48 : index
        %swap3A_865 = tpu.vector_load %arg15[%swap3A_863, %swap3A_864] {strides = array<i32>} : memref<200x64xf32, #tpu.memory_space<vmem>>, vector<1x16xf32>,
        %swap3A_866 = vector.shape_cast %swap3A_865 : vector<1x16xf32> to vector<16xf32>
        %swap3A_867 = vector.shape_cast %add3A_862 : vector<16xf32> to vector<1x16xf32>
        tpu.vector_store %arg15[%swap3A_863, %swap3A_864], %swap3A_867 {strides = array<i32>} : memref<200x64xf32, #tpu.memory_space<vmem>>, vector<1x16xf32>,
        %mul3A_868 = arith.constant 2 : i32
        %mul3A_869 = arith.muli %scan3A_809, %mul3A_868 : i32
        %add3A_870 = arith.constant 1 : i32
        %add3A_871 = arith.addi %mul3A_869, %add3A_870 : i32
        %get3A_872 = arith.index_cast %add3A_871 : i32 to index
        %get3A_873 = arith.constant 0 : index
        %get3A_874 = tpu.vector_load %arg15[%get3A_872, %get3A_873] {strides = array<i32>} : memref<200x64xf32, #tpu.memory_space<vmem>>, vector<1x16xf32>,
        %get3A_875 = vector.shape_cast %get3A_874 : vector<1x16xf32> to vector<16xf32>
        %get3A_876 = arith.index_cast %add3A_871 : i32 to index
        %get3A_877 = arith.constant 0 : index
        %get3A_878 = tpu.vector_load %arg18[%get3A_876, %get3A_877] {strides = array<i32>} : memref<200x64xf32, #tpu.memory_space<vmem>>, vector<1x16xf32>,
        %get3A_879 = vector.shape_cast %get3A_878 : vector<1x16xf32> to vector<16xf32>
        %add3A_880 = arith.addf %get3A_875, %get3A_879 : vector<16xf32>
        %swap3A_881 = arith.index_cast %add3A_871 : i32 to index
        %swap3A_882 = arith.constant 0 : index
        %swap3A_883 = tpu.vector_load %arg15[%swap3A_881, %swap3A_882] {strides = array<i32>} : memref<200x64xf32, #tpu.memory_space<vmem>>, vector<1x16xf32>,
        %swap3A_884 = vector.shape_cast %swap3A_883 : vector<1x16xf32> to vector<16xf32>
        %swap3A_885 = vector.shape_cast %add3A_880 : vector<16xf32> to vector<1x16xf32>
        tpu.vector_store %arg15[%swap3A_881, %swap3A_882], %swap3A_885 {strides = array<i32>} : memref<200x64xf32, #tpu.memory_space<vmem>>, vector<1x16xf32>,
        %get3A_886 = arith.index_cast %add3A_871 : i32 to index
        %get3A_887 = arith.constant 16 : index
        %get3A_888 = tpu.vector_load %arg15[%get3A_886, %get3A_887] {strides = array<i32>} : memref<200x64xf32, #tpu.memory_space<vmem>>, vector<1x16xf32>,
        %get3A_889 = vector.shape_cast %get3A_888 : vector<1x16xf32> to vector<16xf32>
        %get3A_890 = arith.index_cast %add3A_871 : i32 to index
        %get3A_891 = arith.constant 16 : index
        %get3A_892 = tpu.vector_load %arg18[%get3A_890, %get3A_891] {strides = array<i32>} : memref<200x64xf32, #tpu.memory_space<vmem>>, vector<1x16xf32>,
        %get3A_893 = vector.shape_cast %get3A_892 : vector<1x16xf32> to vector<16xf32>
        %add3A_894 = arith.addf %get3A_889, %get3A_893 : vector<16xf32>
        %swap3A_895 = arith.index_cast %add3A_871 : i32 to index
        %swap3A_896 = arith.constant 16 : index
        %swap3A_897 = tpu.vector_load %arg15[%swap3A_895, %swap3A_896] {strides = array<i32>} : memref<200x64xf32, #tpu.memory_space<vmem>>, vector<1x16xf32>,
        %swap3A_898 = vector.shape_cast %swap3A_897 : vector<1x16xf32> to vector<16xf32>
        %swap3A_899 = vector.shape_cast %add3A_894 : vector<16xf32> to vector<1x16xf32>
        tpu.vector_store %arg15[%swap3A_895, %swap3A_896], %swap3A_899 {strides = array<i32>} : memref<200x64xf32, #tpu.memory_space<vmem>>, vector<1x16xf32>,
        %get3A_900 = arith.index_cast %add3A_871 : i32 to index
        %get3A_901 = arith.constant 32 : index
        %get3A_902 = tpu.vector_load %arg15[%get3A_900, %get3A_901] {strides = array<i32>} : memref<200x64xf32, #tpu.memory_space<vmem>>, vector<1x16xf32>,
        %get3A_903 = vector.shape_cast %get3A_902 : vector<1x16xf32> to vector<16xf32>
        %get3A_904 = arith.index_cast %add3A_871 : i32 to index
        %get3A_905 = arith.constant 32 : index
        %get3A_906 = tpu.vector_load %arg18[%get3A_904, %get3A_905] {strides = array<i32>} : memref<200x64xf32, #tpu.memory_space<vmem>>, vector<1x16xf32>,
        %get3A_907 = vector.shape_cast %get3A_906 : vector<1x16xf32> to vector<16xf32>
        %add3A_908 = arith.addf %get3A_903, %get3A_907 : vector<16xf32>
        %swap3A_909 = arith.index_cast %add3A_871 : i32 to index
        %swap3A_910 = arith.constant 32 : index
        %swap3A_911 = tpu.vector_load %arg15[%swap3A_909, %swap3A_910] {strides = array<i32>} : memref<200x64xf32, #tpu.memory_space<vmem>>, vector<1x16xf32>,
        %swap3A_912 = vector.shape_cast %swap3A_911 : vector<1x16xf32> to vector<16xf32>
        %swap3A_913 = vector.shape_cast %add3A_908 : vector<16xf32> to vector<1x16xf32>
        tpu.vector_store %arg15[%swap3A_909, %swap3A_910], %swap3A_913 {strides = array<i32>} : memref<200x64xf32, #tpu.memory_space<vmem>>, vector<1x16xf32>,
        %get3A_914 = arith.index_cast %add3A_871 : i32 to index
        %get3A_915 = arith.constant 48 : index
        %get3A_916 = tpu.vector_load %arg15[%get3A_914, %get3A_915] {strides = array<i32>} : memref<200x64xf32, #tpu.memory_space<vmem>>, vector<1x16xf32>,
        %get3A_917 = vector.shape_cast %get3A_916 : vector<1x16xf32> to vector<16xf32>
        %get3A_918 = arith.index_cast %add3A_871 : i32 to index
        %get3A_919 = arith.constant 48 : index
        %get3A_920 = tpu.vector_load %arg18[%get3A_918, %get3A_919] {strides = array<i32>} : memref<200x64xf32, #tpu.memory_space<vmem>>, vector<1x16xf32>,
        %get3A_921 = vector.shape_cast %get3A_920 : vector<1x16xf32> to vector<16xf32>
        %add3A_922 = arith.addf %get3A_917, %get3A_921 : vector<16xf32>
        %swap3A_923 = arith.index_cast %add3A_871 : i32 to index
        %swap3A_924 = arith.constant 48 : index
        %swap3A_925 = tpu.vector_load %arg15[%swap3A_923, %swap3A_924] {strides = array<i32>} : memref<200x64xf32, #tpu.memory_space<vmem>>, vector<1x16xf32>,
        %swap3A_926 = vector.shape_cast %swap3A_925 : vector<1x16xf32> to vector<16xf32>
        %swap3A_927 = vector.shape_cast %add3A_922 : vector<16xf32> to vector<1x16xf32>
        tpu.vector_store %arg15[%swap3A_923, %swap3A_924], %swap3A_927 {strides = array<i32>} : memref<200x64xf32, #tpu.memory_space<vmem>>, vector<1x16xf32>,
      }
      %scan3A_663 = arith.constant 100 : i32
      %add3A_664 = arith.addi %mul3A_2, %add3A_606 : i32
      %dma_start3A_665 = arith.constant 0 : i32
      %dma_start3A_666 = arith.constant 0 : i32
      %dma_start3A_667 = tpu.memref_slice %arg5[%add3A_664, %dma_start3A_665, %dma_start3A_666] : memref<4096x200x128xf32, #tpu.memory_space<hbm>> -> memref<1x200x64xf32, #tpu.memory_space<hbm>>
      %dma_start3A_668 = tpu.memref_squeeze %dma_start3A_667 : memref<1x200x64xf32, #tpu.memory_space<hbm>> -> memref<200x64xf32, #tpu.memory_space<hbm>>
      %dma_start3A_669 = arith.constant 0 : i32
      %dma_start3A_670 = arith.constant 0 : i32
      %dma_start3A_671 = tpu.memref_slice %arg5[%add3A_664, %dma_start3A_669, %dma_start3A_670] : memref<4096x200x128xf32, #tpu.memory_space<hbm>> -> memref<1x200x64xf32, #tpu.memory_space<hbm>>
      %dma_start3A_672 = tpu.memref_squeeze %dma_start3A_671 : memref<1x200x64xf32, #tpu.memory_space<hbm>> -> memref<200x64xf32, #tpu.memory_space<hbm>>
      tpu.enqueue_dma source(%arg15 : memref<200x64xf32, #tpu.memory_space<vmem>>) target(%dma_start3A_672 : memref<200x64xf32, #tpu.memory_space<hbm>>) target_semaphore(%arg28 : memref<!tpu.dma_semaphore, #tpu.memory_space<semaphore_mem>>)
      %add3A_673 = arith.constant 2 : i32
      %add3A_674 = arith.addi %mul3A_536, %add3A_673 : i32
      %add3A_675 = arith.constant 2 : i32
      %add3A_676 = arith.addi %add3A_674, %add3A_675 : i32
      %add3A_677 = arith.addi %mul3A_2, %add3A_676 : i32
      %mul3A_678 = arith.constant 200 : i32
      %mul3A_679 = arith.muli %add3A_677, %mul3A_678 : i32
      %dma_start3A_680 = tpu.memref_slice %arg2[%mul3A_679] : memref<819200xi32, #tpu.memory_space<hbm>> -> memref<96xi32, #tpu.memory_space<hbm>>
      %dma_start3A_681 = tpu.memref_slice %arg2[%mul3A_679] : memref<819200xi32, #tpu.memory_space<hbm>> -> memref<96xi32, #tpu.memory_space<hbm>>
      tpu.enqueue_dma source(%dma_start3A_681 : memref<96xi32, #tpu.memory_space<hbm>>) target(%arg6 : memref<96xi32, #tpu.memory_space<vmem>>) target_semaphore(%arg19 : memref<!tpu.dma_semaphore, #tpu.memory_space<semaphore_mem>>)
      %add3A_682 = arith.constant 96 : i32
      %add3A_683 = arith.addi %mul3A_679, %add3A_682 : i32
      %dma_start3A_684 = tpu.memref_slice %arg2[%add3A_683] : memref<819200xi32, #tpu.memory_space<hbm>> -> memref<104xi32, #tpu.memory_space<hbm>>
      %dma_start3A_685 = tpu.memref_slice %arg2[%add3A_683] : memref<819200xi32, #tpu.memory_space<hbm>> -> memref<104xi32, #tpu.memory_space<hbm>>
      tpu.enqueue_dma source(%dma_start3A_685 : memref<104xi32, #tpu.memory_space<hbm>>) target(%arg10 : memref<104xi32, #tpu.memory_space<vmem>>) target_semaphore(%arg19 : memref<!tpu.dma_semaphore, #tpu.memory_space<semaphore_mem>>)
      %dma_wait3A_686 = arith.constant 0 : i32
      %dma_wait3A_687 = tpu.memref_slice %arg2[%dma_wait3A_686] : memref<819200xi32, #tpu.memory_space<hbm>> -> memref<96xi32, #tpu.memory_space<hbm>>
      %dma_wait3A_688 = arith.constant 0 : i32
      %dma_wait3A_689 = tpu.memref_slice %arg2[%dma_wait3A_688] : memref<819200xi32, #tpu.memory_space<hbm>> -> memref<96xi32, #tpu.memory_space<hbm>>
      tpu.wait_dma2 semaphore(%arg22 : memref<!tpu.dma_semaphore, #tpu.memory_space<semaphore_mem>>) src(%dma_wait3A_689 : memref<96xi32, #tpu.memory_space<hbm>>) dst(%arg9 : memref<96xi32, #tpu.memory_space<vmem>>)
      %dma_wait3A_690 = arith.constant 0 : i32
      %dma_wait3A_691 = tpu.memref_slice %arg2[%dma_wait3A_690] : memref<819200xi32, #tpu.memory_space<hbm>> -> memref<104xi32, #tpu.memory_space<hbm>>
      %dma_wait3A_692 = arith.constant 0 : i32
      %dma_wait3A_693 = tpu.memref_slice %arg2[%dma_wait3A_692] : memref<819200xi32, #tpu.memory_space<hbm>> -> memref<104xi32, #tpu.memory_space<hbm>>
      tpu.wait_dma2 semaphore(%arg22 : memref<!tpu.dma_semaphore, #tpu.memory_space<semaphore_mem>>) src(%dma_wait3A_693 : memref<104xi32, #tpu.memory_space<hbm>>) dst(%arg13 : memref<104xi32, #tpu.memory_space<vmem>>)
      %dma_wait3A_694 = arith.constant 0 : i32
      %dma_wait3A_695 = arith.constant 0 : i32
      %dma_wait3A_696 = tpu.memref_slice %arg5[%mul3A_2, %dma_wait3A_694, %dma_wait3A_695] : memref<4096x200x128xf32, #tpu.memory_space<hbm>> -> memref<1x200x64xf32, #tpu.memory_space<hbm>>
      %dma_wait3A_697 = tpu.memref_squeeze %dma_wait3A_696 : memref<1x200x64xf32, #tpu.memory_space<hbm>> -> memref<200x64xf32, #tpu.memory_space<hbm>>
      %dma_wait3A_698 = arith.constant 0 : i32
      %dma_wait3A_699 = arith.constant 0 : i32
      %dma_wait3A_700 = tpu.memref_slice %arg5[%mul3A_2, %dma_wait3A_698, %dma_wait3A_699] : memref<4096x200x128xf32, #tpu.memory_space<hbm>> -> memref<1x200x64xf32, #tpu.memory_space<hbm>>
      %dma_wait3A_701 = tpu.memref_squeeze %dma_wait3A_700 : memref<1x200x64xf32, #tpu.memory_space<hbm>> -> memref<200x64xf32, #tpu.memory_space<hbm>>
      tpu.wait_dma2 semaphore(%arg30 : memref<!tpu.dma_semaphore, #tpu.memory_space<semaphore_mem>>) src(%arg17 : memref<200x64xf32, #tpu.memory_space<vmem>>) dst(%dma_wait3A_701 : memref<200x64xf32, #tpu.memory_space<hbm>>)
      %dma_start3A_702 = arith.constant 0 : i32
      %dma_start3A_703 = arith.constant 0 : i32
      %dma_start3A_704 = tpu.memref_slice %arg17[%dma_start3A_702, %dma_start3A_703] : memref<200x64xf32, #tpu.memory_space<vmem>> -> memref<96x64xf32, #tpu.memory_space<vmem>>
      %dma_start3A_705 = arith.constant 0 : i32
      %dma_start3A_706 = arith.constant 0 : i32
      %dma_start3A_707 = tpu.memref_slice %arg3[%dma_start3A_705, %dma_start3A_706] : memref<1000000x64xf32, #tpu.memory_space<hbm>> -> memref<1000000x64xf32, #tpu.memory_space<hbm>>
      tpu.enqueue_indirect_dma source(%dma_start3A_707 : memref<1000000x64xf32, #tpu.memory_space<hbm>>) target(%dma_start3A_704 : memref<96x64xf32, #tpu.memory_space<vmem>>) offsets(%arg9 : memref<96xi32, #tpu.memory_space<vmem>>) semaphore(%arg26 : memref<!tpu.dma_semaphore, #tpu.memory_space<semaphore_mem>>)
      %dma_start3A_708 = arith.constant 96 : i32
      %dma_start3A_709 = arith.constant 0 : i32
      %dma_start3A_710 = tpu.memref_slice %arg17[%dma_start3A_708, %dma_start3A_709] : memref<200x64xf32, #tpu.memory_space<vmem>> -> memref<104x64xf32, #tpu.memory_space<vmem>>
      %dma_start3A_711 = arith.constant 0 : i32
      %dma_start3A_712 = arith.constant 0 : i32
      %dma_start3A_713 = tpu.memref_slice %arg3[%dma_start3A_711, %dma_start3A_712] : memref<1000000x64xf32, #tpu.memory_space<hbm>> -> memref<1000000x64xf32, #tpu.memory_space<hbm>>
      tpu.enqueue_indirect_dma source(%dma_start3A_713 : memref<1000000x64xf32, #tpu.memory_space<hbm>>) target(%dma_start3A_710 : memref<104x64xf32, #tpu.memory_space<vmem>>) offsets(%arg13 : memref<104xi32, #tpu.memory_space<vmem>>) semaphore(%arg26 : memref<!tpu.dma_semaphore, #tpu.memory_space<semaphore_mem>>)
      %dma_wait3A_714 = arith.constant 0 : i32
      %dma_wait3A_715 = arith.constant 0 : i32
      %dma_wait3A_716 = tpu.memref_slice %arg16[%dma_wait3A_714, %dma_wait3A_715] : memref<200x64xf32, #tpu.memory_space<vmem>> -> memref<96x64xf32, #tpu.memory_space<vmem>>
      %dma_wait3A_717 = arith.constant 0 : i32
      %dma_wait3A_718 = arith.constant 0 : i32
      %dma_wait3A_719 = tpu.memref_slice %arg3[%dma_wait3A_717, %dma_wait3A_718] : memref<1000000x64xf32, #tpu.memory_space<hbm>> -> memref<1000000x64xf32, #tpu.memory_space<hbm>>
      tpu.wait_indirect_dma semaphore(%arg25 : memref<!tpu.dma_semaphore, #tpu.memory_space<semaphore_mem>>) src(%dma_wait3A_719 : memref<1000000x64xf32, #tpu.memory_space<hbm>>) dst(%dma_wait3A_716 : memref<96x64xf32, #tpu.memory_space<vmem>>)
      %dma_wait3A_720 = arith.constant 96 : i32
      %dma_wait3A_721 = arith.constant 0 : i32
      %dma_wait3A_722 = tpu.memref_slice %arg16[%dma_wait3A_720, %dma_wait3A_721] : memref<200x64xf32, #tpu.memory_space<vmem>> -> memref<104x64xf32, #tpu.memory_space<vmem>>
      %dma_wait3A_723 = arith.constant 0 : i32
      %dma_wait3A_724 = arith.constant 0 : i32
      %dma_wait3A_725 = tpu.memref_slice %arg3[%dma_wait3A_723, %dma_wait3A_724] : memref<1000000x64xf32, #tpu.memory_space<hbm>> -> memref<1000000x64xf32, #tpu.memory_space<hbm>>
      tpu.wait_indirect_dma semaphore(%arg25 : memref<!tpu.dma_semaphore, #tpu.memory_space<semaphore_mem>>) src(%dma_wait3A_725 : memref<1000000x64xf32, #tpu.memory_space<hbm>>) dst(%dma_wait3A_722 : memref<104x64xf32, #tpu.memory_space<vmem>>)
      %scan3A_726 = arith.constant 0 : i32
      %scan3A_727 = arith.constant 0 : i32
      %scan3A_728 = arith.constant 100 : i32
      %scan3A_729 = arith.addi %scan3A_727, %scan3A_728 : i32
      %scan3A_730 = arith.constant 1 : i32
      scf.for %scan3A_809 = %scan3A_727 to %scan3A_729 step %scan3A_730  : i32 {
        %mul3A_810 = arith.constant 2 : i32
        %mul3A_811 = arith.muli %scan3A_809, %mul3A_810 : i32
        %add3A_812 = arith.constant 0 : i32
        %add3A_813 = arith.addi %mul3A_811, %add3A_812 : i32
        %get3A = arith.index_cast %add3A_813 : i32 to index
        %get3A_814 = arith.constant 0 : index
        %get3A_815 = tpu.vector_load %arg16[%get3A, %get3A_814] {strides = array<i32>} : memref<200x64xf32, #tpu.memory_space<vmem>>, vector<1x16xf32>,
        %get3A_816 = vector.shape_cast %get3A_815 : vector<1x16xf32> to vector<16xf32>
        %get3A_817 = arith.index_cast %add3A_813 : i32 to index
        %get3A_818 = arith.constant 0 : index
        %get3A_819 = tpu.vector_load %arg18[%get3A_817, %get3A_818] {strides = array<i32>} : memref<200x64xf32, #tpu.memory_space<vmem>>, vector<1x16xf32>,
        %get3A_820 = vector.shape_cast %get3A_819 : vector<1x16xf32> to vector<16xf32>
        %add3A_821 = arith.addf %get3A_816, %get3A_820 : vector<16xf32>
        %swap3A = arith.index_cast %add3A_813 : i32 to index
        %swap3A_822 = arith.constant 0 : index
        %swap3A_823 = tpu.vector_load %arg16[%swap3A, %swap3A_822] {strides = array<i32>} : memref<200x64xf32, #tpu.memory_space<vmem>>, vector<1x16xf32>,
        %swap3A_824 = vector.shape_cast %swap3A_823 : vector<1x16xf32> to vector<16xf32>
        %swap3A_825 = vector.shape_cast %add3A_821 : vector<16xf32> to vector<1x16xf32>
        tpu.vector_store %arg16[%swap3A, %swap3A_822], %swap3A_825 {strides = array<i32>} : memref<200x64xf32, #tpu.memory_space<vmem>>, vector<1x16xf32>,
        %get3A_826 = arith.index_cast %add3A_813 : i32 to index
        %get3A_827 = arith.constant 16 : index
        %get3A_828 = tpu.vector_load %arg16[%get3A_826, %get3A_827] {strides = array<i32>} : memref<200x64xf32, #tpu.memory_space<vmem>>, vector<1x16xf32>,
        %get3A_829 = vector.shape_cast %get3A_828 : vector<1x16xf32> to vector<16xf32>
        %get3A_830 = arith.index_cast %add3A_813 : i32 to index
        %get3A_831 = arith.constant 16 : index
        %get3A_832 = tpu.vector_load %arg18[%get3A_830, %get3A_831] {strides = array<i32>} : memref<200x64xf32, #tpu.memory_space<vmem>>, vector<1x16xf32>,
        %get3A_833 = vector.shape_cast %get3A_832 : vector<1x16xf32> to vector<16xf32>
        %add3A_834 = arith.addf %get3A_829, %get3A_833 : vector<16xf32>
        %swap3A_835 = arith.index_cast %add3A_813 : i32 to index
        %swap3A_836 = arith.constant 16 : index
        %swap3A_837 = tpu.vector_load %arg16[%swap3A_835, %swap3A_836] {strides = array<i32>} : memref<200x64xf32, #tpu.memory_space<vmem>>, vector<1x16xf32>,
        %swap3A_838 = vector.shape_cast %swap3A_837 : vector<1x16xf32> to vector<16xf32>
        %swap3A_839 = vector.shape_cast %add3A_834 : vector<16xf32> to vector<1x16xf32>
        tpu.vector_store %arg16[%swap3A_835, %swap3A_836], %swap3A_839 {strides = array<i32>} : memref<200x64xf32, #tpu.memory_space<vmem>>, vector<1x16xf32>,
        %get3A_840 = arith.index_cast %add3A_813 : i32 to index
        %get3A_841 = arith.constant 32 : index
        %get3A_842 = tpu.vector_load %arg16[%get3A_840, %get3A_841] {strides = array<i32>} : memref<200x64xf32, #tpu.memory_space<vmem>>, vector<1x16xf32>,
        %get3A_843 = vector.shape_cast %get3A_842 : vector<1x16xf32> to vector<16xf32>
        %get3A_844 = arith.index_cast %add3A_813 : i32 to index
        %get3A_845 = arith.constant 32 : index
        %get3A_846 = tpu.vector_load %arg18[%get3A_844, %get3A_845] {strides = array<i32>} : memref<200x64xf32, #tpu.memory_space<vmem>>, vector<1x16xf32>,
        %get3A_847 = vector.shape_cast %get3A_846 : vector<1x16xf32> to vector<16xf32>
        %add3A_848 = arith.addf %get3A_843, %get3A_847 : vector<16xf32>
        %swap3A_849 = arith.index_cast %add3A_813 : i32 to index
        %swap3A_850 = arith.constant 32 : index
        %swap3A_851 = tpu.vector_load %arg16[%swap3A_849, %swap3A_850] {strides = array<i32>} : memref<200x64xf32, #tpu.memory_space<vmem>>, vector<1x16xf32>,
        %swap3A_852 = vector.shape_cast %swap3A_851 : vector<1x16xf32> to vector<16xf32>
        %swap3A_853 = vector.shape_cast %add3A_848 : vector<16xf32> to vector<1x16xf32>
        tpu.vector_store %arg16[%swap3A_849, %swap3A_850], %swap3A_853 {strides = array<i32>} : memref<200x64xf32, #tpu.memory_space<vmem>>, vector<1x16xf32>,
        %get3A_854 = arith.index_cast %add3A_813 : i32 to index
        %get3A_855 = arith.constant 48 : index
        %get3A_856 = tpu.vector_load %arg16[%get3A_854, %get3A_855] {strides = array<i32>} : memref<200x64xf32, #tpu.memory_space<vmem>>, vector<1x16xf32>,
        %get3A_857 = vector.shape_cast %get3A_856 : vector<1x16xf32> to vector<16xf32>
        %get3A_858 = arith.index_cast %add3A_813 : i32 to index
        %get3A_859 = arith.constant 48 : index
        %get3A_860 = tpu.vector_load %arg18[%get3A_858, %get3A_859] {strides = array<i32>} : memref<200x64xf32, #tpu.memory_space<vmem>>, vector<1x16xf32>,
        %get3A_861 = vector.shape_cast %get3A_860 : vector<1x16xf32> to vector<16xf32>
        %add3A_862 = arith.addf %get3A_857, %get3A_861 : vector<16xf32>
        %swap3A_863 = arith.index_cast %add3A_813 : i32 to index
        %swap3A_864 = arith.constant 48 : index
        %swap3A_865 = tpu.vector_load %arg16[%swap3A_863, %swap3A_864] {strides = array<i32>} : memref<200x64xf32, #tpu.memory_space<vmem>>, vector<1x16xf32>,
        %swap3A_866 = vector.shape_cast %swap3A_865 : vector<1x16xf32> to vector<16xf32>
        %swap3A_867 = vector.shape_cast %add3A_862 : vector<16xf32> to vector<1x16xf32>
        tpu.vector_store %arg16[%swap3A_863, %swap3A_864], %swap3A_867 {strides = array<i32>} : memref<200x64xf32, #tpu.memory_space<vmem>>, vector<1x16xf32>,
        %mul3A_868 = arith.constant 2 : i32
        %mul3A_869 = arith.muli %scan3A_809, %mul3A_868 : i32
        %add3A_870 = arith.constant 1 : i32
        %add3A_871 = arith.addi %mul3A_869, %add3A_870 : i32
        %get3A_872 = arith.index_cast %add3A_871 : i32 to index
        %get3A_873 = arith.constant 0 : index
        %get3A_874 = tpu.vector_load %arg16[%get3A_872, %get3A_873] {strides = array<i32>} : memref<200x64xf32, #tpu.memory_space<vmem>>, vector<1x16xf32>,
        %get3A_875 = vector.shape_cast %get3A_874 : vector<1x16xf32> to vector<16xf32>
        %get3A_876 = arith.index_cast %add3A_871 : i32 to index
        %get3A_877 = arith.constant 0 : index
        %get3A_878 = tpu.vector_load %arg18[%get3A_876, %get3A_877] {strides = array<i32>} : memref<200x64xf32, #tpu.memory_space<vmem>>, vector<1x16xf32>,
        %get3A_879 = vector.shape_cast %get3A_878 : vector<1x16xf32> to vector<16xf32>
        %add3A_880 = arith.addf %get3A_875, %get3A_879 : vector<16xf32>
        %swap3A_881 = arith.index_cast %add3A_871 : i32 to index
        %swap3A_882 = arith.constant 0 : index
        %swap3A_883 = tpu.vector_load %arg16[%swap3A_881, %swap3A_882] {strides = array<i32>} : memref<200x64xf32, #tpu.memory_space<vmem>>, vector<1x16xf32>,
        %swap3A_884 = vector.shape_cast %swap3A_883 : vector<1x16xf32> to vector<16xf32>
        %swap3A_885 = vector.shape_cast %add3A_880 : vector<16xf32> to vector<1x16xf32>
        tpu.vector_store %arg16[%swap3A_881, %swap3A_882], %swap3A_885 {strides = array<i32>} : memref<200x64xf32, #tpu.memory_space<vmem>>, vector<1x16xf32>,
        %get3A_886 = arith.index_cast %add3A_871 : i32 to index
        %get3A_887 = arith.constant 16 : index
        %get3A_888 = tpu.vector_load %arg16[%get3A_886, %get3A_887] {strides = array<i32>} : memref<200x64xf32, #tpu.memory_space<vmem>>, vector<1x16xf32>,
        %get3A_889 = vector.shape_cast %get3A_888 : vector<1x16xf32> to vector<16xf32>
        %get3A_890 = arith.index_cast %add3A_871 : i32 to index
        %get3A_891 = arith.constant 16 : index
        %get3A_892 = tpu.vector_load %arg18[%get3A_890, %get3A_891] {strides = array<i32>} : memref<200x64xf32, #tpu.memory_space<vmem>>, vector<1x16xf32>,
        %get3A_893 = vector.shape_cast %get3A_892 : vector<1x16xf32> to vector<16xf32>
        %add3A_894 = arith.addf %get3A_889, %get3A_893 : vector<16xf32>
        %swap3A_895 = arith.index_cast %add3A_871 : i32 to index
        %swap3A_896 = arith.constant 16 : index
        %swap3A_897 = tpu.vector_load %arg16[%swap3A_895, %swap3A_896] {strides = array<i32>} : memref<200x64xf32, #tpu.memory_space<vmem>>, vector<1x16xf32>,
        %swap3A_898 = vector.shape_cast %swap3A_897 : vector<1x16xf32> to vector<16xf32>
        %swap3A_899 = vector.shape_cast %add3A_894 : vector<16xf32> to vector<1x16xf32>
        tpu.vector_store %arg16[%swap3A_895, %swap3A_896], %swap3A_899 {strides = array<i32>} : memref<200x64xf32, #tpu.memory_space<vmem>>, vector<1x16xf32>,
        %get3A_900 = arith.index_cast %add3A_871 : i32 to index
        %get3A_901 = arith.constant 32 : index
        %get3A_902 = tpu.vector_load %arg16[%get3A_900, %get3A_901] {strides = array<i32>} : memref<200x64xf32, #tpu.memory_space<vmem>>, vector<1x16xf32>,
        %get3A_903 = vector.shape_cast %get3A_902 : vector<1x16xf32> to vector<16xf32>
        %get3A_904 = arith.index_cast %add3A_871 : i32 to index
        %get3A_905 = arith.constant 32 : index
        %get3A_906 = tpu.vector_load %arg18[%get3A_904, %get3A_905] {strides = array<i32>} : memref<200x64xf32, #tpu.memory_space<vmem>>, vector<1x16xf32>,
        %get3A_907 = vector.shape_cast %get3A_906 : vector<1x16xf32> to vector<16xf32>
        %add3A_908 = arith.addf %get3A_903, %get3A_907 : vector<16xf32>
        %swap3A_909 = arith.index_cast %add3A_871 : i32 to index
        %swap3A_910 = arith.constant 32 : index
        %swap3A_911 = tpu.vector_load %arg16[%swap3A_909, %swap3A_910] {strides = array<i32>} : memref<200x64xf32, #tpu.memory_space<vmem>>, vector<1x16xf32>,
        %swap3A_912 = vector.shape_cast %swap3A_911 : vector<1x16xf32> to vector<16xf32>
        %swap3A_913 = vector.shape_cast %add3A_908 : vector<16xf32> to vector<1x16xf32>
        tpu.vector_store %arg16[%swap3A_909, %swap3A_910], %swap3A_913 {strides = array<i32>} : memref<200x64xf32, #tpu.memory_space<vmem>>, vector<1x16xf32>,
        %get3A_914 = arith.index_cast %add3A_871 : i32 to index
        %get3A_915 = arith.constant 48 : index
        %get3A_916 = tpu.vector_load %arg16[%get3A_914, %get3A_915] {strides = array<i32>} : memref<200x64xf32, #tpu.memory_space<vmem>>, vector<1x16xf32>,
        %get3A_917 = vector.shape_cast %get3A_916 : vector<1x16xf32> to vector<16xf32>
        %get3A_918 = arith.index_cast %add3A_871 : i32 to index
        %get3A_919 = arith.constant 48 : index
        %get3A_920 = tpu.vector_load %arg18[%get3A_918, %get3A_919] {strides = array<i32>} : memref<200x64xf32, #tpu.memory_space<vmem>>, vector<1x16xf32>,
        %get3A_921 = vector.shape_cast %get3A_920 : vector<1x16xf32> to vector<16xf32>
        %add3A_922 = arith.addf %get3A_917, %get3A_921 : vector<16xf32>
        %swap3A_923 = arith.index_cast %add3A_871 : i32 to index
        %swap3A_924 = arith.constant 48 : index
        %swap3A_925 = tpu.vector_load %arg16[%swap3A_923, %swap3A_924] {strides = array<i32>} : memref<200x64xf32, #tpu.memory_space<vmem>>, vector<1x16xf32>,
        %swap3A_926 = vector.shape_cast %swap3A_925 : vector<1x16xf32> to vector<16xf32>
        %swap3A_927 = vector.shape_cast %add3A_922 : vector<16xf32> to vector<1x16xf32>
        tpu.vector_store %arg16[%swap3A_923, %swap3A_924], %swap3A_927 {strides = array<i32>} : memref<200x64xf32, #tpu.memory_space<vmem>>, vector<1x16xf32>,
      }
      %scan3A_731 = arith.constant 100 : i32
      %add3A_732 = arith.addi %mul3A_2, %add3A_674 : i32
      %dma_start3A_733 = arith.constant 0 : i32
      %dma_start3A_734 = arith.constant 0 : i32
      %dma_start3A_735 = tpu.memref_slice %arg5[%add3A_732, %dma_start3A_733, %dma_start3A_734] : memref<4096x200x128xf32, #tpu.memory_space<hbm>> -> memref<1x200x64xf32, #tpu.memory_space<hbm>>
      %dma_start3A_736 = tpu.memref_squeeze %dma_start3A_735 : memref<1x200x64xf32, #tpu.memory_space<hbm>> -> memref<200x64xf32, #tpu.memory_space<hbm>>
      %dma_start3A_737 = arith.constant 0 : i32
      %dma_start3A_738 = arith.constant 0 : i32
      %dma_start3A_739 = tpu.memref_slice %arg5[%add3A_732, %dma_start3A_737, %dma_start3A_738] : memref<4096x200x128xf32, #tpu.memory_space<hbm>> -> memref<1x200x64xf32, #tpu.memory_space<hbm>>
      %dma_start3A_740 = tpu.memref_squeeze %dma_start3A_739 : memref<1x200x64xf32, #tpu.memory_space<hbm>> -> memref<200x64xf32, #tpu.memory_space<hbm>>
      tpu.enqueue_dma source(%arg16 : memref<200x64xf32, #tpu.memory_space<vmem>>) target(%dma_start3A_740 : memref<200x64xf32, #tpu.memory_space<hbm>>) target_semaphore(%arg29 : memref<!tpu.dma_semaphore, #tpu.memory_space<semaphore_mem>>)
      %add3A_741 = arith.constant 3 : i32
      %add3A_742 = arith.addi %mul3A_536, %add3A_741 : i32
      %add3A_743 = arith.constant 2 : i32
      %add3A_744 = arith.addi %add3A_742, %add3A_743 : i32
      %add3A_745 = arith.addi %mul3A_2, %add3A_744 : i32
      %mul3A_746 = arith.constant 200 : i32
      %mul3A_747 = arith.muli %add3A_745, %mul3A_746 : i32
      %dma_start3A_748 = tpu.memref_slice %arg2[%mul3A_747] : memref<819200xi32, #tpu.memory_space<hbm>> -> memref<96xi32, #tpu.memory_space<hbm>>
      %dma_start3A_749 = tpu.memref_slice %arg2[%mul3A_747] : memref<819200xi32, #tpu.memory_space<hbm>> -> memref<96xi32, #tpu.memory_space<hbm>>
      tpu.enqueue_dma source(%dma_start3A_749 : memref<96xi32, #tpu.memory_space<hbm>>) target(%arg7 : memref<96xi32, #tpu.memory_space<vmem>>) target_semaphore(%arg20 : memref<!tpu.dma_semaphore, #tpu.memory_space<semaphore_mem>>)
      %add3A_750 = arith.constant 96 : i32
      %add3A_751 = arith.addi %mul3A_747, %add3A_750 : i32
      %dma_start3A_752 = tpu.memref_slice %arg2[%add3A_751] : memref<819200xi32, #tpu.memory_space<hbm>> -> memref<104xi32, #tpu.memory_space<hbm>>
      %dma_start3A_753 = tpu.memref_slice %arg2[%add3A_751] : memref<819200xi32, #tpu.memory_space<hbm>> -> memref<104xi32, #tpu.memory_space<hbm>>
      tpu.enqueue_dma source(%dma_start3A_753 : memref<104xi32, #tpu.memory_space<hbm>>) target(%arg11 : memref<104xi32, #tpu.memory_space<vmem>>) target_semaphore(%arg20 : memref<!tpu.dma_semaphore, #tpu.memory_space<semaphore_mem>>)
      %dma_wait3A_754 = arith.constant 0 : i32
      %dma_wait3A_755 = tpu.memref_slice %arg2[%dma_wait3A_754] : memref<819200xi32, #tpu.memory_space<hbm>> -> memref<96xi32, #tpu.memory_space<hbm>>
      %dma_wait3A_756 = arith.constant 0 : i32
      %dma_wait3A_757 = tpu.memref_slice %arg2[%dma_wait3A_756] : memref<819200xi32, #tpu.memory_space<hbm>> -> memref<96xi32, #tpu.memory_space<hbm>>
      tpu.wait_dma2 semaphore(%arg19 : memref<!tpu.dma_semaphore, #tpu.memory_space<semaphore_mem>>) src(%dma_wait3A_757 : memref<96xi32, #tpu.memory_space<hbm>>) dst(%arg6 : memref<96xi32, #tpu.memory_space<vmem>>)
      %dma_wait3A_758 = arith.constant 0 : i32
      %dma_wait3A_759 = tpu.memref_slice %arg2[%dma_wait3A_758] : memref<819200xi32, #tpu.memory_space<hbm>> -> memref<104xi32, #tpu.memory_space<hbm>>
      %dma_wait3A_760 = arith.constant 0 : i32
      %dma_wait3A_761 = tpu.memref_slice %arg2[%dma_wait3A_760] : memref<819200xi32, #tpu.memory_space<hbm>> -> memref<104xi32, #tpu.memory_space<hbm>>
      tpu.wait_dma2 semaphore(%arg19 : memref<!tpu.dma_semaphore, #tpu.memory_space<semaphore_mem>>) src(%dma_wait3A_761 : memref<104xi32, #tpu.memory_space<hbm>>) dst(%arg10 : memref<104xi32, #tpu.memory_space<vmem>>)
      %dma_wait3A_762 = arith.constant 0 : i32
      %dma_wait3A_763 = arith.constant 0 : i32
      %dma_wait3A_764 = tpu.memref_slice %arg5[%mul3A_2, %dma_wait3A_762, %dma_wait3A_763] : memref<4096x200x128xf32, #tpu.memory_space<hbm>> -> memref<1x200x64xf32, #tpu.memory_space<hbm>>
      %dma_wait3A_765 = tpu.memref_squeeze %dma_wait3A_764 : memref<1x200x64xf32, #tpu.memory_space<hbm>> -> memref<200x64xf32, #tpu.memory_space<hbm>>
      %dma_wait3A_766 = arith.constant 0 : i32
      %dma_wait3A_767 = arith.constant 0 : i32
      %dma_wait3A_768 = tpu.memref_slice %arg5[%mul3A_2, %dma_wait3A_766, %dma_wait3A_767] : memref<4096x200x128xf32, #tpu.memory_space<hbm>> -> memref<1x200x64xf32, #tpu.memory_space<hbm>>
      %dma_wait3A_769 = tpu.memref_squeeze %dma_wait3A_768 : memref<1x200x64xf32, #tpu.memory_space<hbm>> -> memref<200x64xf32, #tpu.memory_space<hbm>>
      tpu.wait_dma2 semaphore(%arg27 : memref<!tpu.dma_semaphore, #tpu.memory_space<semaphore_mem>>) src(%arg14 : memref<200x64xf32, #tpu.memory_space<vmem>>) dst(%dma_wait3A_769 : memref<200x64xf32, #tpu.memory_space<hbm>>)
      %dma_start3A_770 = arith.constant 0 : i32
      %dma_start3A_771 = arith.constant 0 : i32
      %dma_start3A_772 = tpu.memref_slice %arg14[%dma_start3A_770, %dma_start3A_771] : memref<200x64xf32, #tpu.memory_space<vmem>> -> memref<96x64xf32, #tpu.memory_space<vmem>>
      %dma_start3A_773 = arith.constant 0 : i32
      %dma_start3A_774 = arith.constant 0 : i32
      %dma_start3A_775 = tpu.memref_slice %arg3[%dma_start3A_773, %dma_start3A_774] : memref<1000000x64xf32, #tpu.memory_space<hbm>> -> memref<1000000x64xf32, #tpu.memory_space<hbm>>
      tpu.enqueue_indirect_dma source(%dma_start3A_775 : memref<1000000x64xf32, #tpu.memory_space<hbm>>) target(%dma_start3A_772 : memref<96x64xf32, #tpu.memory_space<vmem>>) offsets(%arg6 : memref<96xi32, #tpu.memory_space<vmem>>) semaphore(%arg23 : memref<!tpu.dma_semaphore, #tpu.memory_space<semaphore_mem>>)
      %dma_start3A_776 = arith.constant 96 : i32
      %dma_start3A_777 = arith.constant 0 : i32
      %dma_start3A_778 = tpu.memref_slice %arg14[%dma_start3A_776, %dma_start3A_777] : memref<200x64xf32, #tpu.memory_space<vmem>> -> memref<104x64xf32, #tpu.memory_space<vmem>>
      %dma_start3A_779 = arith.constant 0 : i32
      %dma_start3A_780 = arith.constant 0 : i32
      %dma_start3A_781 = tpu.memref_slice %arg3[%dma_start3A_779, %dma_start3A_780] : memref<1000000x64xf32, #tpu.memory_space<hbm>> -> memref<1000000x64xf32, #tpu.memory_space<hbm>>
      tpu.enqueue_indirect_dma source(%dma_start3A_781 : memref<1000000x64xf32, #tpu.memory_space<hbm>>) target(%dma_start3A_778 : memref<104x64xf32, #tpu.memory_space<vmem>>) offsets(%arg10 : memref<104xi32, #tpu.memory_space<vmem>>) semaphore(%arg23 : memref<!tpu.dma_semaphore, #tpu.memory_space<semaphore_mem>>)
      %dma_wait3A_782 = arith.constant 0 : i32
      %dma_wait3A_783 = arith.constant 0 : i32
      %dma_wait3A_784 = tpu.memref_slice %arg17[%dma_wait3A_782, %dma_wait3A_783] : memref<200x64xf32, #tpu.memory_space<vmem>> -> memref<96x64xf32, #tpu.memory_space<vmem>>
      %dma_wait3A_785 = arith.constant 0 : i32
      %dma_wait3A_786 = arith.constant 0 : i32
      %dma_wait3A_787 = tpu.memref_slice %arg3[%dma_wait3A_785, %dma_wait3A_786] : memref<1000000x64xf32, #tpu.memory_space<hbm>> -> memref<1000000x64xf32, #tpu.memory_space<hbm>>
      tpu.wait_indirect_dma semaphore(%arg26 : memref<!tpu.dma_semaphore, #tpu.memory_space<semaphore_mem>>) src(%dma_wait3A_787 : memref<1000000x64xf32, #tpu.memory_space<hbm>>) dst(%dma_wait3A_784 : memref<96x64xf32, #tpu.memory_space<vmem>>)
      %dma_wait3A_788 = arith.constant 96 : i32
      %dma_wait3A_789 = arith.constant 0 : i32
      %dma_wait3A_790 = tpu.memref_slice %arg17[%dma_wait3A_788, %dma_wait3A_789] : memref<200x64xf32, #tpu.memory_space<vmem>> -> memref<104x64xf32, #tpu.memory_space<vmem>>
      %dma_wait3A_791 = arith.constant 0 : i32
      %dma_wait3A_792 = arith.constant 0 : i32
      %dma_wait3A_793 = tpu.memref_slice %arg3[%dma_wait3A_791, %dma_wait3A_792] : memref<1000000x64xf32, #tpu.memory_space<hbm>> -> memref<1000000x64xf32, #tpu.memory_space<hbm>>
      tpu.wait_indirect_dma semaphore(%arg26 : memref<!tpu.dma_semaphore, #tpu.memory_space<semaphore_mem>>) src(%dma_wait3A_793 : memref<1000000x64xf32, #tpu.memory_space<hbm>>) dst(%dma_wait3A_790 : memref<104x64xf32, #tpu.memory_space<vmem>>)
      %scan3A_794 = arith.constant 0 : i32
      %scan3A_795 = arith.constant 0 : i32
      %scan3A_796 = arith.constant 100 : i32
      %scan3A_797 = arith.addi %scan3A_795, %scan3A_796 : i32
      %scan3A_798 = arith.constant 1 : i32
      scf.for %scan3A_809 = %scan3A_795 to %scan3A_797 step %scan3A_798  : i32 {
        %mul3A_810 = arith.constant 2 : i32
        %mul3A_811 = arith.muli %scan3A_809, %mul3A_810 : i32
        %add3A_812 = arith.constant 0 : i32
        %add3A_813 = arith.addi %mul3A_811, %add3A_812 : i32
        %get3A = arith.index_cast %add3A_813 : i32 to index
        %get3A_814 = arith.constant 0 : index
        %get3A_815 = tpu.vector_load %arg17[%get3A, %get3A_814] {strides = array<i32>} : memref<200x64xf32, #tpu.memory_space<vmem>>, vector<1x16xf32>,
        %get3A_816 = vector.shape_cast %get3A_815 : vector<1x16xf32> to vector<16xf32>
        %get3A_817 = arith.index_cast %add3A_813 : i32 to index
        %get3A_818 = arith.constant 0 : index
        %get3A_819 = tpu.vector_load %arg18[%get3A_817, %get3A_818] {strides = array<i32>} : memref<200x64xf32, #tpu.memory_space<vmem>>, vector<1x16xf32>,
        %get3A_820 = vector.shape_cast %get3A_819 : vector<1x16xf32> to vector<16xf32>
        %add3A_821 = arith.addf %get3A_816, %get3A_820 : vector<16xf32>
        %swap3A = arith.index_cast %add3A_813 : i32 to index
        %swap3A_822 = arith.constant 0 : index
        %swap3A_823 = tpu.vector_load %arg17[%swap3A, %swap3A_822] {strides = array<i32>} : memref<200x64xf32, #tpu.memory_space<vmem>>, vector<1x16xf32>,
        %swap3A_824 = vector.shape_cast %swap3A_823 : vector<1x16xf32> to vector<16xf32>
        %swap3A_825 = vector.shape_cast %add3A_821 : vector<16xf32> to vector<1x16xf32>
        tpu.vector_store %arg17[%swap3A, %swap3A_822], %swap3A_825 {strides = array<i32>} : memref<200x64xf32, #tpu.memory_space<vmem>>, vector<1x16xf32>,
        %get3A_826 = arith.index_cast %add3A_813 : i32 to index
        %get3A_827 = arith.constant 16 : index
        %get3A_828 = tpu.vector_load %arg17[%get3A_826, %get3A_827] {strides = array<i32>} : memref<200x64xf32, #tpu.memory_space<vmem>>, vector<1x16xf32>,
        %get3A_829 = vector.shape_cast %get3A_828 : vector<1x16xf32> to vector<16xf32>
        %get3A_830 = arith.index_cast %add3A_813 : i32 to index
        %get3A_831 = arith.constant 16 : index
        %get3A_832 = tpu.vector_load %arg18[%get3A_830, %get3A_831] {strides = array<i32>} : memref<200x64xf32, #tpu.memory_space<vmem>>, vector<1x16xf32>,
        %get3A_833 = vector.shape_cast %get3A_832 : vector<1x16xf32> to vector<16xf32>
        %add3A_834 = arith.addf %get3A_829, %get3A_833 : vector<16xf32>
        %swap3A_835 = arith.index_cast %add3A_813 : i32 to index
        %swap3A_836 = arith.constant 16 : index
        %swap3A_837 = tpu.vector_load %arg17[%swap3A_835, %swap3A_836] {strides = array<i32>} : memref<200x64xf32, #tpu.memory_space<vmem>>, vector<1x16xf32>,
        %swap3A_838 = vector.shape_cast %swap3A_837 : vector<1x16xf32> to vector<16xf32>
        %swap3A_839 = vector.shape_cast %add3A_834 : vector<16xf32> to vector<1x16xf32>
        tpu.vector_store %arg17[%swap3A_835, %swap3A_836], %swap3A_839 {strides = array<i32>} : memref<200x64xf32, #tpu.memory_space<vmem>>, vector<1x16xf32>,
        %get3A_840 = arith.index_cast %add3A_813 : i32 to index
        %get3A_841 = arith.constant 32 : index
        %get3A_842 = tpu.vector_load %arg17[%get3A_840, %get3A_841] {strides = array<i32>} : memref<200x64xf32, #tpu.memory_space<vmem>>, vector<1x16xf32>,
        %get3A_843 = vector.shape_cast %get3A_842 : vector<1x16xf32> to vector<16xf32>
        %get3A_844 = arith.index_cast %add3A_813 : i32 to index
        %get3A_845 = arith.constant 32 : index
        %get3A_846 = tpu.vector_load %arg18[%get3A_844, %get3A_845] {strides = array<i32>} : memref<200x64xf32, #tpu.memory_space<vmem>>, vector<1x16xf32>,
        %get3A_847 = vector.shape_cast %get3A_846 : vector<1x16xf32> to vector<16xf32>
        %add3A_848 = arith.addf %get3A_843, %get3A_847 : vector<16xf32>
        %swap3A_849 = arith.index_cast %add3A_813 : i32 to index
        %swap3A_850 = arith.constant 32 : index
        %swap3A_851 = tpu.vector_load %arg17[%swap3A_849, %swap3A_850] {strides = array<i32>} : memref<200x64xf32, #tpu.memory_space<vmem>>, vector<1x16xf32>,
        %swap3A_852 = vector.shape_cast %swap3A_851 : vector<1x16xf32> to vector<16xf32>
        %swap3A_853 = vector.shape_cast %add3A_848 : vector<16xf32> to vector<1x16xf32>
        tpu.vector_store %arg17[%swap3A_849, %swap3A_850], %swap3A_853 {strides = array<i32>} : memref<200x64xf32, #tpu.memory_space<vmem>>, vector<1x16xf32>,
        %get3A_854 = arith.index_cast %add3A_813 : i32 to index
        %get3A_855 = arith.constant 48 : index
        %get3A_856 = tpu.vector_load %arg17[%get3A_854, %get3A_855] {strides = array<i32>} : memref<200x64xf32, #tpu.memory_space<vmem>>, vector<1x16xf32>,
        %get3A_857 = vector.shape_cast %get3A_856 : vector<1x16xf32> to vector<16xf32>
        %get3A_858 = arith.index_cast %add3A_813 : i32 to index
        %get3A_859 = arith.constant 48 : index
        %get3A_860 = tpu.vector_load %arg18[%get3A_858, %get3A_859] {strides = array<i32>} : memref<200x64xf32, #tpu.memory_space<vmem>>, vector<1x16xf32>,
        %get3A_861 = vector.shape_cast %get3A_860 : vector<1x16xf32> to vector<16xf32>
        %add3A_862 = arith.addf %get3A_857, %get3A_861 : vector<16xf32>
        %swap3A_863 = arith.index_cast %add3A_813 : i32 to index
        %swap3A_864 = arith.constant 48 : index
        %swap3A_865 = tpu.vector_load %arg17[%swap3A_863, %swap3A_864] {strides = array<i32>} : memref<200x64xf32, #tpu.memory_space<vmem>>, vector<1x16xf32>,
        %swap3A_866 = vector.shape_cast %swap3A_865 : vector<1x16xf32> to vector<16xf32>
        %swap3A_867 = vector.shape_cast %add3A_862 : vector<16xf32> to vector<1x16xf32>
        tpu.vector_store %arg17[%swap3A_863, %swap3A_864], %swap3A_867 {strides = array<i32>} : memref<200x64xf32, #tpu.memory_space<vmem>>, vector<1x16xf32>,
        %mul3A_868 = arith.constant 2 : i32
        %mul3A_869 = arith.muli %scan3A_809, %mul3A_868 : i32
        %add3A_870 = arith.constant 1 : i32
        %add3A_871 = arith.addi %mul3A_869, %add3A_870 : i32
        %get3A_872 = arith.index_cast %add3A_871 : i32 to index
        %get3A_873 = arith.constant 0 : index
        %get3A_874 = tpu.vector_load %arg17[%get3A_872, %get3A_873] {strides = array<i32>} : memref<200x64xf32, #tpu.memory_space<vmem>>, vector<1x16xf32>,
        %get3A_875 = vector.shape_cast %get3A_874 : vector<1x16xf32> to vector<16xf32>
        %get3A_876 = arith.index_cast %add3A_871 : i32 to index
        %get3A_877 = arith.constant 0 : index
        %get3A_878 = tpu.vector_load %arg18[%get3A_876, %get3A_877] {strides = array<i32>} : memref<200x64xf32, #tpu.memory_space<vmem>>, vector<1x16xf32>,
        %get3A_879 = vector.shape_cast %get3A_878 : vector<1x16xf32> to vector<16xf32>
        %add3A_880 = arith.addf %get3A_875, %get3A_879 : vector<16xf32>
        %swap3A_881 = arith.index_cast %add3A_871 : i32 to index
        %swap3A_882 = arith.constant 0 : index
        %swap3A_883 = tpu.vector_load %arg17[%swap3A_881, %swap3A_882] {strides = array<i32>} : memref<200x64xf32, #tpu.memory_space<vmem>>, vector<1x16xf32>,
        %swap3A_884 = vector.shape_cast %swap3A_883 : vector<1x16xf32> to vector<16xf32>
        %swap3A_885 = vector.shape_cast %add3A_880 : vector<16xf32> to vector<1x16xf32>
        tpu.vector_store %arg17[%swap3A_881, %swap3A_882], %swap3A_885 {strides = array<i32>} : memref<200x64xf32, #tpu.memory_space<vmem>>, vector<1x16xf32>,
        %get3A_886 = arith.index_cast %add3A_871 : i32 to index
        %get3A_887 = arith.constant 16 : index
        %get3A_888 = tpu.vector_load %arg17[%get3A_886, %get3A_887] {strides = array<i32>} : memref<200x64xf32, #tpu.memory_space<vmem>>, vector<1x16xf32>,
        %get3A_889 = vector.shape_cast %get3A_888 : vector<1x16xf32> to vector<16xf32>
        %get3A_890 = arith.index_cast %add3A_871 : i32 to index
        %get3A_891 = arith.constant 16 : index
        %get3A_892 = tpu.vector_load %arg18[%get3A_890, %get3A_891] {strides = array<i32>} : memref<200x64xf32, #tpu.memory_space<vmem>>, vector<1x16xf32>,
        %get3A_893 = vector.shape_cast %get3A_892 : vector<1x16xf32> to vector<16xf32>
        %add3A_894 = arith.addf %get3A_889, %get3A_893 : vector<16xf32>
        %swap3A_895 = arith.index_cast %add3A_871 : i32 to index
        %swap3A_896 = arith.constant 16 : index
        %swap3A_897 = tpu.vector_load %arg17[%swap3A_895, %swap3A_896] {strides = array<i32>} : memref<200x64xf32, #tpu.memory_space<vmem>>, vector<1x16xf32>,
        %swap3A_898 = vector.shape_cast %swap3A_897 : vector<1x16xf32> to vector<16xf32>
        %swap3A_899 = vector.shape_cast %add3A_894 : vector<16xf32> to vector<1x16xf32>
        tpu.vector_store %arg17[%swap3A_895, %swap3A_896], %swap3A_899 {strides = array<i32>} : memref<200x64xf32, #tpu.memory_space<vmem>>, vector<1x16xf32>,
        %get3A_900 = arith.index_cast %add3A_871 : i32 to index
        %get3A_901 = arith.constant 32 : index
        %get3A_902 = tpu.vector_load %arg17[%get3A_900, %get3A_901] {strides = array<i32>} : memref<200x64xf32, #tpu.memory_space<vmem>>, vector<1x16xf32>,
        %get3A_903 = vector.shape_cast %get3A_902 : vector<1x16xf32> to vector<16xf32>
        %get3A_904 = arith.index_cast %add3A_871 : i32 to index
        %get3A_905 = arith.constant 32 : index
        %get3A_906 = tpu.vector_load %arg18[%get3A_904, %get3A_905] {strides = array<i32>} : memref<200x64xf32, #tpu.memory_space<vmem>>, vector<1x16xf32>,
        %get3A_907 = vector.shape_cast %get3A_906 : vector<1x16xf32> to vector<16xf32>
        %add3A_908 = arith.addf %get3A_903, %get3A_907 : vector<16xf32>
        %swap3A_909 = arith.index_cast %add3A_871 : i32 to index
        %swap3A_910 = arith.constant 32 : index
        %swap3A_911 = tpu.vector_load %arg17[%swap3A_909, %swap3A_910] {strides = array<i32>} : memref<200x64xf32, #tpu.memory_space<vmem>>, vector<1x16xf32>,
        %swap3A_912 = vector.shape_cast %swap3A_911 : vector<1x16xf32> to vector<16xf32>
        %swap3A_913 = vector.shape_cast %add3A_908 : vector<16xf32> to vector<1x16xf32>
        tpu.vector_store %arg17[%swap3A_909, %swap3A_910], %swap3A_913 {strides = array<i32>} : memref<200x64xf32, #tpu.memory_space<vmem>>, vector<1x16xf32>,
        %get3A_914 = arith.index_cast %add3A_871 : i32 to index
        %get3A_915 = arith.constant 48 : index
        %get3A_916 = tpu.vector_load %arg17[%get3A_914, %get3A_915] {strides = array<i32>} : memref<200x64xf32, #tpu.memory_space<vmem>>, vector<1x16xf32>,
        %get3A_917 = vector.shape_cast %get3A_916 : vector<1x16xf32> to vector<16xf32>
        %get3A_918 = arith.index_cast %add3A_871 : i32 to index
        %get3A_919 = arith.constant 48 : index
        %get3A_920 = tpu.vector_load %arg18[%get3A_918, %get3A_919] {strides = array<i32>} : memref<200x64xf32, #tpu.memory_space<vmem>>, vector<1x16xf32>,
        %get3A_921 = vector.shape_cast %get3A_920 : vector<1x16xf32> to vector<16xf32>
        %add3A_922 = arith.addf %get3A_917, %get3A_921 : vector<16xf32>
        %swap3A_923 = arith.index_cast %add3A_871 : i32 to index
        %swap3A_924 = arith.constant 48 : index
        %swap3A_925 = tpu.vector_load %arg17[%swap3A_923, %swap3A_924] {strides = array<i32>} : memref<200x64xf32, #tpu.memory_space<vmem>>, vector<1x16xf32>,
        %swap3A_926 = vector.shape_cast %swap3A_925 : vector<1x16xf32> to vector<16xf32>
        %swap3A_927 = vector.shape_cast %add3A_922 : vector<16xf32> to vector<1x16xf32>
        tpu.vector_store %arg17[%swap3A_923, %swap3A_924], %swap3A_927 {strides = array<i32>} : memref<200x64xf32, #tpu.memory_space<vmem>>, vector<1x16xf32>,
      }
      %scan3A_799 = arith.constant 100 : i32
      %add3A_800 = arith.addi %mul3A_2, %add3A_742 : i32
      %dma_start3A_801 = arith.constant 0 : i32
      %dma_start3A_802 = arith.constant 0 : i32
      %dma_start3A_803 = tpu.memref_slice %arg5[%add3A_800, %dma_start3A_801, %dma_start3A_802] : memref<4096x200x128xf32, #tpu.memory_space<hbm>> -> memref<1x200x64xf32, #tpu.memory_space<hbm>>
      %dma_start3A_804 = tpu.memref_squeeze %dma_start3A_803 : memref<1x200x64xf32, #tpu.memory_space<hbm>> -> memref<200x64xf32, #tpu.memory_space<hbm>>
      %dma_start3A_805 = arith.constant 0 : i32
      %dma_start3A_806 = arith.constant 0 : i32
      %dma_start3A_807 = tpu.memref_slice %arg5[%add3A_800, %dma_start3A_805, %dma_start3A_806] : memref<4096x200x128xf32, #tpu.memory_space<hbm>> -> memref<1x200x64xf32, #tpu.memory_space<hbm>>
      %dma_start3A_808 = tpu.memref_squeeze %dma_start3A_807 : memref<1x200x64xf32, #tpu.memory_space<hbm>> -> memref<200x64xf32, #tpu.memory_space<hbm>>
      tpu.enqueue_dma source(%arg17 : memref<200x64xf32, #tpu.memory_space<vmem>>) target(%dma_start3A_808 : memref<200x64xf32, #tpu.memory_space<hbm>>) target_semaphore(%arg30 : memref<!tpu.dma_semaphore, #tpu.memory_space<semaphore_mem>>)
    }
    %scan3A_285 = arith.constant 30 : i32
    %add3A_286 = arith.constant 126 : i32
    %add3A_287 = arith.addi %mul3A_2, %add3A_286 : i32
    %mul3A_288 = arith.constant 200 : i32
    %mul3A_289 = arith.muli %add3A_287, %mul3A_288 : i32
    %dma_start3A_290 = tpu.memref_slice %arg2[%mul3A_289] : memref<819200xi32, #tpu.memory_space<hbm>> -> memref<96xi32, #tpu.memory_space<hbm>>
    %dma_start3A_291 = tpu.memref_slice %arg2[%mul3A_289] : memref<819200xi32, #tpu.memory_space<hbm>> -> memref<96xi32, #tpu.memory_space<hbm>>
    tpu.enqueue_dma source(%dma_start3A_291 : memref<96xi32, #tpu.memory_space<hbm>>) target(%arg8 : memref<96xi32, #tpu.memory_space<vmem>>) target_semaphore(%arg21 : memref<!tpu.dma_semaphore, #tpu.memory_space<semaphore_mem>>)
    %add3A_292 = arith.constant 96 : i32
    %add3A_293 = arith.addi %mul3A_289, %add3A_292 : i32
    %dma_start3A_294 = tpu.memref_slice %arg2[%add3A_293] : memref<819200xi32, #tpu.memory_space<hbm>> -> memref<104xi32, #tpu.memory_space<hbm>>
    %dma_start3A_295 = tpu.memref_slice %arg2[%add3A_293] : memref<819200xi32, #tpu.memory_space<hbm>> -> memref<104xi32, #tpu.memory_space<hbm>>
    tpu.enqueue_dma source(%dma_start3A_295 : memref<104xi32, #tpu.memory_space<hbm>>) target(%arg12 : memref<104xi32, #tpu.memory_space<vmem>>) target_semaphore(%arg21 : memref<!tpu.dma_semaphore, #tpu.memory_space<semaphore_mem>>)
    %dma_wait3A_296 = arith.constant 0 : i32
    %dma_wait3A_297 = tpu.memref_slice %arg2[%dma_wait3A_296] : memref<819200xi32, #tpu.memory_space<hbm>> -> memref<96xi32, #tpu.memory_space<hbm>>
    %dma_wait3A_298 = arith.constant 0 : i32
    %dma_wait3A_299 = tpu.memref_slice %arg2[%dma_wait3A_298] : memref<819200xi32, #tpu.memory_space<hbm>> -> memref<96xi32, #tpu.memory_space<hbm>>
    tpu.wait_dma2 semaphore(%arg20 : memref<!tpu.dma_semaphore, #tpu.memory_space<semaphore_mem>>) src(%dma_wait3A_299 : memref<96xi32, #tpu.memory_space<hbm>>) dst(%arg7 : memref<96xi32, #tpu.memory_space<vmem>>)
    %dma_wait3A_300 = arith.constant 0 : i32
    %dma_wait3A_301 = tpu.memref_slice %arg2[%dma_wait3A_300] : memref<819200xi32, #tpu.memory_space<hbm>> -> memref<104xi32, #tpu.memory_space<hbm>>
    %dma_wait3A_302 = arith.constant 0 : i32
    %dma_wait3A_303 = tpu.memref_slice %arg2[%dma_wait3A_302] : memref<819200xi32, #tpu.memory_space<hbm>> -> memref<104xi32, #tpu.memory_space<hbm>>
    tpu.wait_dma2 semaphore(%arg20 : memref<!tpu.dma_semaphore, #tpu.memory_space<semaphore_mem>>) src(%dma_wait3A_303 : memref<104xi32, #tpu.memory_space<hbm>>) dst(%arg11 : memref<104xi32, #tpu.memory_space<vmem>>)
    %dma_wait3A_304 = arith.constant 0 : i32
    %dma_wait3A_305 = arith.constant 0 : i32
    %dma_wait3A_306 = tpu.memref_slice %arg5[%mul3A_2, %dma_wait3A_304, %dma_wait3A_305] : memref<4096x200x128xf32, #tpu.memory_space<hbm>> -> memref<1x200x64xf32, #tpu.memory_space<hbm>>
    %dma_wait3A_307 = tpu.memref_squeeze %dma_wait3A_306 : memref<1x200x64xf32, #tpu.memory_space<hbm>> -> memref<200x64xf32, #tpu.memory_space<hbm>>
    %dma_wait3A_308 = arith.constant 0 : i32
    %dma_wait3A_309 = arith.constant 0 : i32
    %dma_wait3A_310 = tpu.memref_slice %arg5[%mul3A_2, %dma_wait3A_308, %dma_wait3A_309] : memref<4096x200x128xf32, #tpu.memory_space<hbm>> -> memref<1x200x64xf32, #tpu.memory_space<hbm>>
    %dma_wait3A_311 = tpu.memref_squeeze %dma_wait3A_310 : memref<1x200x64xf32, #tpu.memory_space<hbm>> -> memref<200x64xf32, #tpu.memory_space<hbm>>
    tpu.wait_dma2 semaphore(%arg28 : memref<!tpu.dma_semaphore, #tpu.memory_space<semaphore_mem>>) src(%arg15 : memref<200x64xf32, #tpu.memory_space<vmem>>) dst(%dma_wait3A_311 : memref<200x64xf32, #tpu.memory_space<hbm>>)
    %dma_start3A_312 = arith.constant 0 : i32
    %dma_start3A_313 = arith.constant 0 : i32
    %dma_start3A_314 = tpu.memref_slice %arg15[%dma_start3A_312, %dma_start3A_313] : memref<200x64xf32, #tpu.memory_space<vmem>> -> memref<96x64xf32, #tpu.memory_space<vmem>>
    %dma_start3A_315 = arith.constant 0 : i32
    %dma_start3A_316 = arith.constant 0 : i32
    %dma_start3A_317 = tpu.memref_slice %arg3[%dma_start3A_315, %dma_start3A_316] : memref<1000000x64xf32, #tpu.memory_space<hbm>> -> memref<1000000x64xf32, #tpu.memory_space<hbm>>
    tpu.enqueue_indirect_dma source(%dma_start3A_317 : memref<1000000x64xf32, #tpu.memory_space<hbm>>) target(%dma_start3A_314 : memref<96x64xf32, #tpu.memory_space<vmem>>) offsets(%arg7 : memref<96xi32, #tpu.memory_space<vmem>>) semaphore(%arg24 : memref<!tpu.dma_semaphore, #tpu.memory_space<semaphore_mem>>)
    %dma_start3A_318 = arith.constant 96 : i32
    %dma_start3A_319 = arith.constant 0 : i32
    %dma_start3A_320 = tpu.memref_slice %arg15[%dma_start3A_318, %dma_start3A_319] : memref<200x64xf32, #tpu.memory_space<vmem>> -> memref<104x64xf32, #tpu.memory_space<vmem>>
    %dma_start3A_321 = arith.constant 0 : i32
    %dma_start3A_322 = arith.constant 0 : i32
    %dma_start3A_323 = tpu.memref_slice %arg3[%dma_start3A_321, %dma_start3A_322] : memref<1000000x64xf32, #tpu.memory_space<hbm>> -> memref<1000000x64xf32, #tpu.memory_space<hbm>>
    tpu.enqueue_indirect_dma source(%dma_start3A_323 : memref<1000000x64xf32, #tpu.memory_space<hbm>>) target(%dma_start3A_320 : memref<104x64xf32, #tpu.memory_space<vmem>>) offsets(%arg11 : memref<104xi32, #tpu.memory_space<vmem>>) semaphore(%arg24 : memref<!tpu.dma_semaphore, #tpu.memory_space<semaphore_mem>>)
    %dma_wait3A_324 = arith.constant 0 : i32
    %dma_wait3A_325 = arith.constant 0 : i32
    %dma_wait3A_326 = tpu.memref_slice %arg14[%dma_wait3A_324, %dma_wait3A_325] : memref<200x64xf32, #tpu.memory_space<vmem>> -> memref<96x64xf32, #tpu.memory_space<vmem>>
    %dma_wait3A_327 = arith.constant 0 : i32
    %dma_wait3A_328 = arith.constant 0 : i32
    %dma_wait3A_329 = tpu.memref_slice %arg3[%dma_wait3A_327, %dma_wait3A_328] : memref<1000000x64xf32, #tpu.memory_space<hbm>> -> memref<1000000x64xf32, #tpu.memory_space<hbm>>
    tpu.wait_indirect_dma semaphore(%arg23 : memref<!tpu.dma_semaphore, #tpu.memory_space<semaphore_mem>>) src(%dma_wait3A_329 : memref<1000000x64xf32, #tpu.memory_space<hbm>>) dst(%dma_wait3A_326 : memref<96x64xf32, #tpu.memory_space<vmem>>)
    %dma_wait3A_330 = arith.constant 96 : i32
    %dma_wait3A_331 = arith.constant 0 : i32
    %dma_wait3A_332 = tpu.memref_slice %arg14[%dma_wait3A_330, %dma_wait3A_331] : memref<200x64xf32, #tpu.memory_space<vmem>> -> memref<104x64xf32, #tpu.memory_space<vmem>>
    %dma_wait3A_333 = arith.constant 0 : i32
    %dma_wait3A_334 = arith.constant 0 : i32
    %dma_wait3A_335 = tpu.memref_slice %arg3[%dma_wait3A_333, %dma_wait3A_334] : memref<1000000x64xf32, #tpu.memory_space<hbm>> -> memref<1000000x64xf32, #tpu.memory_space<hbm>>
    tpu.wait_indirect_dma semaphore(%arg23 : memref<!tpu.dma_semaphore, #tpu.memory_space<semaphore_mem>>) src(%dma_wait3A_335 : memref<1000000x64xf32, #tpu.memory_space<hbm>>) dst(%dma_wait3A_332 : memref<104x64xf32, #tpu.memory_space<vmem>>)
    %scan3A_336 = arith.constant 0 : i32
    %scan3A_337 = arith.constant 0 : i32
    %scan3A_338 = arith.constant 100 : i32
    %scan3A_339 = arith.addi %scan3A_337, %scan3A_338 : i32
    %scan3A_340 = arith.constant 1 : i32
    scf.for %scan3A_534 = %scan3A_337 to %scan3A_339 step %scan3A_340  : i32 {
      %mul3A_535 = arith.constant 2 : i32
      %mul3A_536 = arith.muli %scan3A_534, %mul3A_535 : i32
      %add3A_537 = arith.constant 0 : i32
      %add3A_538 = arith.addi %mul3A_536, %add3A_537 : i32
      %get3A = arith.index_cast %add3A_538 : i32 to index
      %get3A_539 = arith.constant 0 : index
      %get3A_540 = tpu.vector_load %arg14[%get3A, %get3A_539] {strides = array<i32>} : memref<200x64xf32, #tpu.memory_space<vmem>>, vector<1x16xf32>,
      %get3A_541 = vector.shape_cast %get3A_540 : vector<1x16xf32> to vector<16xf32>
      %get3A_542 = arith.index_cast %add3A_538 : i32 to index
      %get3A_543 = arith.constant 0 : index
      %get3A_544 = tpu.vector_load %arg18[%get3A_542, %get3A_543] {strides = array<i32>} : memref<200x64xf32, #tpu.memory_space<vmem>>, vector<1x16xf32>,
      %get3A_545 = vector.shape_cast %get3A_544 : vector<1x16xf32> to vector<16xf32>
      %add3A_546 = arith.addf %get3A_541, %get3A_545 : vector<16xf32>
      %swap3A = arith.index_cast %add3A_538 : i32 to index
      %swap3A_547 = arith.constant 0 : index
      %swap3A_548 = tpu.vector_load %arg14[%swap3A, %swap3A_547] {strides = array<i32>} : memref<200x64xf32, #tpu.memory_space<vmem>>, vector<1x16xf32>,
      %swap3A_549 = vector.shape_cast %swap3A_548 : vector<1x16xf32> to vector<16xf32>
      %swap3A_550 = vector.shape_cast %add3A_546 : vector<16xf32> to vector<1x16xf32>
      tpu.vector_store %arg14[%swap3A, %swap3A_547], %swap3A_550 {strides = array<i32>} : memref<200x64xf32, #tpu.memory_space<vmem>>, vector<1x16xf32>,
      %get3A_551 = arith.index_cast %add3A_538 : i32 to index
      %get3A_552 = arith.constant 16 : index
      %get3A_553 = tpu.vector_load %arg14[%get3A_551, %get3A_552] {strides = array<i32>} : memref<200x64xf32, #tpu.memory_space<vmem>>, vector<1x16xf32>,
      %get3A_554 = vector.shape_cast %get3A_553 : vector<1x16xf32> to vector<16xf32>
      %get3A_555 = arith.index_cast %add3A_538 : i32 to index
      %get3A_556 = arith.constant 16 : index
      %get3A_557 = tpu.vector_load %arg18[%get3A_555, %get3A_556] {strides = array<i32>} : memref<200x64xf32, #tpu.memory_space<vmem>>, vector<1x16xf32>,
      %get3A_558 = vector.shape_cast %get3A_557 : vector<1x16xf32> to vector<16xf32>
      %add3A_559 = arith.addf %get3A_554, %get3A_558 : vector<16xf32>
      %swap3A_560 = arith.index_cast %add3A_538 : i32 to index
      %swap3A_561 = arith.constant 16 : index
      %swap3A_562 = tpu.vector_load %arg14[%swap3A_560, %swap3A_561] {strides = array<i32>} : memref<200x64xf32, #tpu.memory_space<vmem>>, vector<1x16xf32>,
      %swap3A_563 = vector.shape_cast %swap3A_562 : vector<1x16xf32> to vector<16xf32>
      %swap3A_564 = vector.shape_cast %add3A_559 : vector<16xf32> to vector<1x16xf32>
      tpu.vector_store %arg14[%swap3A_560, %swap3A_561], %swap3A_564 {strides = array<i32>} : memref<200x64xf32, #tpu.memory_space<vmem>>, vector<1x16xf32>,
      %get3A_565 = arith.index_cast %add3A_538 : i32 to index
      %get3A_566 = arith.constant 32 : index
      %get3A_567 = tpu.vector_load %arg14[%get3A_565, %get3A_566] {strides = array<i32>} : memref<200x64xf32, #tpu.memory_space<vmem>>, vector<1x16xf32>,
      %get3A_568 = vector.shape_cast %get3A_567 : vector<1x16xf32> to vector<16xf32>
      %get3A_569 = arith.index_cast %add3A_538 : i32 to index
      %get3A_570 = arith.constant 32 : index
      %get3A_571 = tpu.vector_load %arg18[%get3A_569, %get3A_570] {strides = array<i32>} : memref<200x64xf32, #tpu.memory_space<vmem>>, vector<1x16xf32>,
      %get3A_572 = vector.shape_cast %get3A_571 : vector<1x16xf32> to vector<16xf32>
      %add3A_573 = arith.addf %get3A_568, %get3A_572 : vector<16xf32>
      %swap3A_574 = arith.index_cast %add3A_538 : i32 to index
      %swap3A_575 = arith.constant 32 : index
      %swap3A_576 = tpu.vector_load %arg14[%swap3A_574, %swap3A_575] {strides = array<i32>} : memref<200x64xf32, #tpu.memory_space<vmem>>, vector<1x16xf32>,
      %swap3A_577 = vector.shape_cast %swap3A_576 : vector<1x16xf32> to vector<16xf32>
      %swap3A_578 = vector.shape_cast %add3A_573 : vector<16xf32> to vector<1x16xf32>
      tpu.vector_store %arg14[%swap3A_574, %swap3A_575], %swap3A_578 {strides = array<i32>} : memref<200x64xf32, #tpu.memory_space<vmem>>, vector<1x16xf32>,
      %get3A_579 = arith.index_cast %add3A_538 : i32 to index
      %get3A_580 = arith.constant 48 : index
      %get3A_581 = tpu.vector_load %arg14[%get3A_579, %get3A_580] {strides = array<i32>} : memref<200x64xf32, #tpu.memory_space<vmem>>, vector<1x16xf32>,
      %get3A_582 = vector.shape_cast %get3A_581 : vector<1x16xf32> to vector<16xf32>
      %get3A_583 = arith.index_cast %add3A_538 : i32 to index
      %get3A_584 = arith.constant 48 : index
      %get3A_585 = tpu.vector_load %arg18[%get3A_583, %get3A_584] {strides = array<i32>} : memref<200x64xf32, #tpu.memory_space<vmem>>, vector<1x16xf32>,
      %get3A_586 = vector.shape_cast %get3A_585 : vector<1x16xf32> to vector<16xf32>
      %add3A_587 = arith.addf %get3A_582, %get3A_586 : vector<16xf32>
      %swap3A_588 = arith.index_cast %add3A_538 : i32 to index
      %swap3A_589 = arith.constant 48 : index
      %swap3A_590 = tpu.vector_load %arg14[%swap3A_588, %swap3A_589] {strides = array<i32>} : memref<200x64xf32, #tpu.memory_space<vmem>>, vector<1x16xf32>,
      %swap3A_591 = vector.shape_cast %swap3A_590 : vector<1x16xf32> to vector<16xf32>
      %swap3A_592 = vector.shape_cast %add3A_587 : vector<16xf32> to vector<1x16xf32>
      tpu.vector_store %arg14[%swap3A_588, %swap3A_589], %swap3A_592 {strides = array<i32>} : memref<200x64xf32, #tpu.memory_space<vmem>>, vector<1x16xf32>,
      %mul3A_593 = arith.constant 2 : i32
      %mul3A_594 = arith.muli %scan3A_534, %mul3A_593 : i32
      %add3A_595 = arith.constant 1 : i32
      %add3A_596 = arith.addi %mul3A_594, %add3A_595 : i32
      %get3A_597 = arith.index_cast %add3A_596 : i32 to index
      %get3A_598 = arith.constant 0 : index
      %get3A_599 = tpu.vector_load %arg14[%get3A_597, %get3A_598] {strides = array<i32>} : memref<200x64xf32, #tpu.memory_space<vmem>>, vector<1x16xf32>,
      %get3A_600 = vector.shape_cast %get3A_599 : vector<1x16xf32> to vector<16xf32>
      %get3A_601 = arith.index_cast %add3A_596 : i32 to index
      %get3A_602 = arith.constant 0 : index
      %get3A_603 = tpu.vector_load %arg18[%get3A_601, %get3A_602] {strides = array<i32>} : memref<200x64xf32, #tpu.memory_space<vmem>>, vector<1x16xf32>,
      %get3A_604 = vector.shape_cast %get3A_603 : vector<1x16xf32> to vector<16xf32>
      %add3A_605 = arith.addf %get3A_600, %get3A_604 : vector<16xf32>
      %swap3A_606 = arith.index_cast %add3A_596 : i32 to index
      %swap3A_607 = arith.constant 0 : index
      %swap3A_608 = tpu.vector_load %arg14[%swap3A_606, %swap3A_607] {strides = array<i32>} : memref<200x64xf32, #tpu.memory_space<vmem>>, vector<1x16xf32>,
      %swap3A_609 = vector.shape_cast %swap3A_608 : vector<1x16xf32> to vector<16xf32>
      %swap3A_610 = vector.shape_cast %add3A_605 : vector<16xf32> to vector<1x16xf32>
      tpu.vector_store %arg14[%swap3A_606, %swap3A_607], %swap3A_610 {strides = array<i32>} : memref<200x64xf32, #tpu.memory_space<vmem>>, vector<1x16xf32>,
      %get3A_611 = arith.index_cast %add3A_596 : i32 to index
      %get3A_612 = arith.constant 16 : index
      %get3A_613 = tpu.vector_load %arg14[%get3A_611, %get3A_612] {strides = array<i32>} : memref<200x64xf32, #tpu.memory_space<vmem>>, vector<1x16xf32>,
      %get3A_614 = vector.shape_cast %get3A_613 : vector<1x16xf32> to vector<16xf32>
      %get3A_615 = arith.index_cast %add3A_596 : i32 to index
      %get3A_616 = arith.constant 16 : index
      %get3A_617 = tpu.vector_load %arg18[%get3A_615, %get3A_616] {strides = array<i32>} : memref<200x64xf32, #tpu.memory_space<vmem>>, vector<1x16xf32>,
      %get3A_618 = vector.shape_cast %get3A_617 : vector<1x16xf32> to vector<16xf32>
      %add3A_619 = arith.addf %get3A_614, %get3A_618 : vector<16xf32>
      %swap3A_620 = arith.index_cast %add3A_596 : i32 to index
      %swap3A_621 = arith.constant 16 : index
      %swap3A_622 = tpu.vector_load %arg14[%swap3A_620, %swap3A_621] {strides = array<i32>} : memref<200x64xf32, #tpu.memory_space<vmem>>, vector<1x16xf32>,
      %swap3A_623 = vector.shape_cast %swap3A_622 : vector<1x16xf32> to vector<16xf32>
      %swap3A_624 = vector.shape_cast %add3A_619 : vector<16xf32> to vector<1x16xf32>
      tpu.vector_store %arg14[%swap3A_620, %swap3A_621], %swap3A_624 {strides = array<i32>} : memref<200x64xf32, #tpu.memory_space<vmem>>, vector<1x16xf32>,
      %get3A_625 = arith.index_cast %add3A_596 : i32 to index
      %get3A_626 = arith.constant 32 : index
      %get3A_627 = tpu.vector_load %arg14[%get3A_625, %get3A_626] {strides = array<i32>} : memref<200x64xf32, #tpu.memory_space<vmem>>, vector<1x16xf32>,
      %get3A_628 = vector.shape_cast %get3A_627 : vector<1x16xf32> to vector<16xf32>
      %get3A_629 = arith.index_cast %add3A_596 : i32 to index
      %get3A_630 = arith.constant 32 : index
      %get3A_631 = tpu.vector_load %arg18[%get3A_629, %get3A_630] {strides = array<i32>} : memref<200x64xf32, #tpu.memory_space<vmem>>, vector<1x16xf32>,
      %get3A_632 = vector.shape_cast %get3A_631 : vector<1x16xf32> to vector<16xf32>
      %add3A_633 = arith.addf %get3A_628, %get3A_632 : vector<16xf32>
      %swap3A_634 = arith.index_cast %add3A_596 : i32 to index
      %swap3A_635 = arith.constant 32 : index
      %swap3A_636 = tpu.vector_load %arg14[%swap3A_634, %swap3A_635] {strides = array<i32>} : memref<200x64xf32, #tpu.memory_space<vmem>>, vector<1x16xf32>,
      %swap3A_637 = vector.shape_cast %swap3A_636 : vector<1x16xf32> to vector<16xf32>
      %swap3A_638 = vector.shape_cast %add3A_633 : vector<16xf32> to vector<1x16xf32>
      tpu.vector_store %arg14[%swap3A_634, %swap3A_635], %swap3A_638 {strides = array<i32>} : memref<200x64xf32, #tpu.memory_space<vmem>>, vector<1x16xf32>,
      %get3A_639 = arith.index_cast %add3A_596 : i32 to index
      %get3A_640 = arith.constant 48 : index
      %get3A_641 = tpu.vector_load %arg14[%get3A_639, %get3A_640] {strides = array<i32>} : memref<200x64xf32, #tpu.memory_space<vmem>>, vector<1x16xf32>,
      %get3A_642 = vector.shape_cast %get3A_641 : vector<1x16xf32> to vector<16xf32>
      %get3A_643 = arith.index_cast %add3A_596 : i32 to index
      %get3A_644 = arith.constant 48 : index
      %get3A_645 = tpu.vector_load %arg18[%get3A_643, %get3A_644] {strides = array<i32>} : memref<200x64xf32, #tpu.memory_space<vmem>>, vector<1x16xf32>,
      %get3A_646 = vector.shape_cast %get3A_645 : vector<1x16xf32> to vector<16xf32>
      %add3A_647 = arith.addf %get3A_642, %get3A_646 : vector<16xf32>
      %swap3A_648 = arith.index_cast %add3A_596 : i32 to index
      %swap3A_649 = arith.constant 48 : index
      %swap3A_650 = tpu.vector_load %arg14[%swap3A_648, %swap3A_649] {strides = array<i32>} : memref<200x64xf32, #tpu.memory_space<vmem>>, vector<1x16xf32>,
      %swap3A_651 = vector.shape_cast %swap3A_650 : vector<1x16xf32> to vector<16xf32>
      %swap3A_652 = vector.shape_cast %add3A_647 : vector<16xf32> to vector<1x16xf32>
      tpu.vector_store %arg14[%swap3A_648, %swap3A_649], %swap3A_652 {strides = array<i32>} : memref<200x64xf32, #tpu.memory_space<vmem>>, vector<1x16xf32>,
    }
    %scan3A_341 = arith.constant 100 : i32
    %add3A_342 = arith.constant 124 : i32
    %add3A_343 = arith.addi %mul3A_2, %add3A_342 : i32
    %dma_start3A_344 = arith.constant 0 : i32
    %dma_start3A_345 = arith.constant 0 : i32
    %dma_start3A_346 = tpu.memref_slice %arg5[%add3A_343, %dma_start3A_344, %dma_start3A_345] : memref<4096x200x128xf32, #tpu.memory_space<hbm>> -> memref<1x200x64xf32, #tpu.memory_space<hbm>>
    %dma_start3A_347 = tpu.memref_squeeze %dma_start3A_346 : memref<1x200x64xf32, #tpu.memory_space<hbm>> -> memref<200x64xf32, #tpu.memory_space<hbm>>
    %dma_start3A_348 = arith.constant 0 : i32
    %dma_start3A_349 = arith.constant 0 : i32
    %dma_start3A_350 = tpu.memref_slice %arg5[%add3A_343, %dma_start3A_348, %dma_start3A_349] : memref<4096x200x128xf32, #tpu.memory_space<hbm>> -> memref<1x200x64xf32, #tpu.memory_space<hbm>>
    %dma_start3A_351 = tpu.memref_squeeze %dma_start3A_350 : memref<1x200x64xf32, #tpu.memory_space<hbm>> -> memref<200x64xf32, #tpu.memory_space<hbm>>
    tpu.enqueue_dma source(%arg14 : memref<200x64xf32, #tpu.memory_space<vmem>>) target(%dma_start3A_351 : memref<200x64xf32, #tpu.memory_space<hbm>>) target_semaphore(%arg27 : memref<!tpu.dma_semaphore, #tpu.memory_space<semaphore_mem>>)
    %add3A_352 = arith.constant 127 : i32
    %add3A_353 = arith.addi %mul3A_2, %add3A_352 : i32
    %mul3A_354 = arith.constant 200 : i32
    %mul3A_355 = arith.muli %add3A_353, %mul3A_354 : i32
    %dma_start3A_356 = tpu.memref_slice %arg2[%mul3A_355] : memref<819200xi32, #tpu.memory_space<hbm>> -> memref<96xi32, #tpu.memory_space<hbm>>
    %dma_start3A_357 = tpu.memref_slice %arg2[%mul3A_355] : memref<819200xi32, #tpu.memory_space<hbm>> -> memref<96xi32, #tpu.memory_space<hbm>>
    tpu.enqueue_dma source(%dma_start3A_357 : memref<96xi32, #tpu.memory_space<hbm>>) target(%arg9 : memref<96xi32, #tpu.memory_space<vmem>>) target_semaphore(%arg22 : memref<!tpu.dma_semaphore, #tpu.memory_space<semaphore_mem>>)
    %add3A_358 = arith.constant 96 : i32
    %add3A_359 = arith.addi %mul3A_355, %add3A_358 : i32
    %dma_start3A_360 = tpu.memref_slice %arg2[%add3A_359] : memref<819200xi32, #tpu.memory_space<hbm>> -> memref<104xi32, #tpu.memory_space<hbm>>
    %dma_start3A_361 = tpu.memref_slice %arg2[%add3A_359] : memref<819200xi32, #tpu.memory_space<hbm>> -> memref<104xi32, #tpu.memory_space<hbm>>
    tpu.enqueue_dma source(%dma_start3A_361 : memref<104xi32, #tpu.memory_space<hbm>>) target(%arg13 : memref<104xi32, #tpu.memory_space<vmem>>) target_semaphore(%arg22 : memref<!tpu.dma_semaphore, #tpu.memory_space<semaphore_mem>>)
    %dma_wait3A_362 = arith.constant 0 : i32
    %dma_wait3A_363 = tpu.memref_slice %arg2[%dma_wait3A_362] : memref<819200xi32, #tpu.memory_space<hbm>> -> memref<96xi32, #tpu.memory_space<hbm>>
    %dma_wait3A_364 = arith.constant 0 : i32
    %dma_wait3A_365 = tpu.memref_slice %arg2[%dma_wait3A_364] : memref<819200xi32, #tpu.memory_space<hbm>> -> memref<96xi32, #tpu.memory_space<hbm>>
    tpu.wait_dma2 semaphore(%arg21 : memref<!tpu.dma_semaphore, #tpu.memory_space<semaphore_mem>>) src(%dma_wait3A_365 : memref<96xi32, #tpu.memory_space<hbm>>) dst(%arg8 : memref<96xi32, #tpu.memory_space<vmem>>)
    %dma_wait3A_366 = arith.constant 0 : i32
    %dma_wait3A_367 = tpu.memref_slice %arg2[%dma_wait3A_366] : memref<819200xi32, #tpu.memory_space<hbm>> -> memref<104xi32, #tpu.memory_space<hbm>>
    %dma_wait3A_368 = arith.constant 0 : i32
    %dma_wait3A_369 = tpu.memref_slice %arg2[%dma_wait3A_368] : memref<819200xi32, #tpu.memory_space<hbm>> -> memref<104xi32, #tpu.memory_space<hbm>>
    tpu.wait_dma2 semaphore(%arg21 : memref<!tpu.dma_semaphore, #tpu.memory_space<semaphore_mem>>) src(%dma_wait3A_369 : memref<104xi32, #tpu.memory_space<hbm>>) dst(%arg12 : memref<104xi32, #tpu.memory_space<vmem>>)
    %dma_wait3A_370 = arith.constant 0 : i32
    %dma_wait3A_371 = arith.constant 0 : i32
    %dma_wait3A_372 = tpu.memref_slice %arg5[%mul3A_2, %dma_wait3A_370, %dma_wait3A_371] : memref<4096x200x128xf32, #tpu.memory_space<hbm>> -> memref<1x200x64xf32, #tpu.memory_space<hbm>>
    %dma_wait3A_373 = tpu.memref_squeeze %dma_wait3A_372 : memref<1x200x64xf32, #tpu.memory_space<hbm>> -> memref<200x64xf32, #tpu.memory_space<hbm>>
    %dma_wait3A_374 = arith.constant 0 : i32
    %dma_wait3A_375 = arith.constant 0 : i32
    %dma_wait3A_376 = tpu.memref_slice %arg5[%mul3A_2, %dma_wait3A_374, %dma_wait3A_375] : memref<4096x200x128xf32, #tpu.memory_space<hbm>> -> memref<1x200x64xf32, #tpu.memory_space<hbm>>
    %dma_wait3A_377 = tpu.memref_squeeze %dma_wait3A_376 : memref<1x200x64xf32, #tpu.memory_space<hbm>> -> memref<200x64xf32, #tpu.memory_space<hbm>>
    tpu.wait_dma2 semaphore(%arg29 : memref<!tpu.dma_semaphore, #tpu.memory_space<semaphore_mem>>) src(%arg16 : memref<200x64xf32, #tpu.memory_space<vmem>>) dst(%dma_wait3A_377 : memref<200x64xf32, #tpu.memory_space<hbm>>)
    %dma_start3A_378 = arith.constant 0 : i32
    %dma_start3A_379 = arith.constant 0 : i32
    %dma_start3A_380 = tpu.memref_slice %arg16[%dma_start3A_378, %dma_start3A_379] : memref<200x64xf32, #tpu.memory_space<vmem>> -> memref<96x64xf32, #tpu.memory_space<vmem>>
    %dma_start3A_381 = arith.constant 0 : i32
    %dma_start3A_382 = arith.constant 0 : i32
    %dma_start3A_383 = tpu.memref_slice %arg3[%dma_start3A_381, %dma_start3A_382] : memref<1000000x64xf32, #tpu.memory_space<hbm>> -> memref<1000000x64xf32, #tpu.memory_space<hbm>>
    tpu.enqueue_indirect_dma source(%dma_start3A_383 : memref<1000000x64xf32, #tpu.memory_space<hbm>>) target(%dma_start3A_380 : memref<96x64xf32, #tpu.memory_space<vmem>>) offsets(%arg8 : memref<96xi32, #tpu.memory_space<vmem>>) semaphore(%arg25 : memref<!tpu.dma_semaphore, #tpu.memory_space<semaphore_mem>>)
    %dma_start3A_384 = arith.constant 96 : i32
    %dma_start3A_385 = arith.constant 0 : i32
    %dma_start3A_386 = tpu.memref_slice %arg16[%dma_start3A_384, %dma_start3A_385] : memref<200x64xf32, #tpu.memory_space<vmem>> -> memref<104x64xf32, #tpu.memory_space<vmem>>
    %dma_start3A_387 = arith.constant 0 : i32
    %dma_start3A_388 = arith.constant 0 : i32
    %dma_start3A_389 = tpu.memref_slice %arg3[%dma_start3A_387, %dma_start3A_388] : memref<1000000x64xf32, #tpu.memory_space<hbm>> -> memref<1000000x64xf32, #tpu.memory_space<hbm>>
    tpu.enqueue_indirect_dma source(%dma_start3A_389 : memref<1000000x64xf32, #tpu.memory_space<hbm>>) target(%dma_start3A_386 : memref<104x64xf32, #tpu.memory_space<vmem>>) offsets(%arg12 : memref<104xi32, #tpu.memory_space<vmem>>) semaphore(%arg25 : memref<!tpu.dma_semaphore, #tpu.memory_space<semaphore_mem>>)
    %dma_wait3A_390 = arith.constant 0 : i32
    %dma_wait3A_391 = arith.constant 0 : i32
    %dma_wait3A_392 = tpu.memref_slice %arg15[%dma_wait3A_390, %dma_wait3A_391] : memref<200x64xf32, #tpu.memory_space<vmem>> -> memref<96x64xf32, #tpu.memory_space<vmem>>
    %dma_wait3A_393 = arith.constant 0 : i32
    %dma_wait3A_394 = arith.constant 0 : i32
    %dma_wait3A_395 = tpu.memref_slice %arg3[%dma_wait3A_393, %dma_wait3A_394] : memref<1000000x64xf32, #tpu.memory_space<hbm>> -> memref<1000000x64xf32, #tpu.memory_space<hbm>>
    tpu.wait_indirect_dma semaphore(%arg24 : memref<!tpu.dma_semaphore, #tpu.memory_space<semaphore_mem>>) src(%dma_wait3A_395 : memref<1000000x64xf32, #tpu.memory_space<hbm>>) dst(%dma_wait3A_392 : memref<96x64xf32, #tpu.memory_space<vmem>>)
    %dma_wait3A_396 = arith.constant 96 : i32
    %dma_wait3A_397 = arith.constant 0 : i32
    %dma_wait3A_398 = tpu.memref_slice %arg15[%dma_wait3A_396, %dma_wait3A_397] : memref<200x64xf32, #tpu.memory_space<vmem>> -> memref<104x64xf32, #tpu.memory_space<vmem>>
    %dma_wait3A_399 = arith.constant 0 : i32
    %dma_wait3A_400 = arith.constant 0 : i32
    %dma_wait3A_401 = tpu.memref_slice %arg3[%dma_wait3A_399, %dma_wait3A_400] : memref<1000000x64xf32, #tpu.memory_space<hbm>> -> memref<1000000x64xf32, #tpu.memory_space<hbm>>
    tpu.wait_indirect_dma semaphore(%arg24 : memref<!tpu.dma_semaphore, #tpu.memory_space<semaphore_mem>>) src(%dma_wait3A_401 : memref<1000000x64xf32, #tpu.memory_space<hbm>>) dst(%dma_wait3A_398 : memref<104x64xf32, #tpu.memory_space<vmem>>)
    %scan3A_402 = arith.constant 0 : i32
    %scan3A_403 = arith.constant 0 : i32
    %scan3A_404 = arith.constant 100 : i32
    %scan3A_405 = arith.addi %scan3A_403, %scan3A_404 : i32
    %scan3A_406 = arith.constant 1 : i32
    scf.for %scan3A_534 = %scan3A_403 to %scan3A_405 step %scan3A_406  : i32 {
      %mul3A_535 = arith.constant 2 : i32
      %mul3A_536 = arith.muli %scan3A_534, %mul3A_535 : i32
      %add3A_537 = arith.constant 0 : i32
      %add3A_538 = arith.addi %mul3A_536, %add3A_537 : i32
      %get3A = arith.index_cast %add3A_538 : i32 to index
      %get3A_539 = arith.constant 0 : index
      %get3A_540 = tpu.vector_load %arg15[%get3A, %get3A_539] {strides = array<i32>} : memref<200x64xf32, #tpu.memory_space<vmem>>, vector<1x16xf32>,
      %get3A_541 = vector.shape_cast %get3A_540 : vector<1x16xf32> to vector<16xf32>
      %get3A_542 = arith.index_cast %add3A_538 : i32 to index
      %get3A_543 = arith.constant 0 : index
      %get3A_544 = tpu.vector_load %arg18[%get3A_542, %get3A_543] {strides = array<i32>} : memref<200x64xf32, #tpu.memory_space<vmem>>, vector<1x16xf32>,
      %get3A_545 = vector.shape_cast %get3A_544 : vector<1x16xf32> to vector<16xf32>
      %add3A_546 = arith.addf %get3A_541, %get3A_545 : vector<16xf32>
      %swap3A = arith.index_cast %add3A_538 : i32 to index
      %swap3A_547 = arith.constant 0 : index
      %swap3A_548 = tpu.vector_load %arg15[%swap3A, %swap3A_547] {strides = array<i32>} : memref<200x64xf32, #tpu.memory_space<vmem>>, vector<1x16xf32>,
      %swap3A_549 = vector.shape_cast %swap3A_548 : vector<1x16xf32> to vector<16xf32>
      %swap3A_550 = vector.shape_cast %add3A_546 : vector<16xf32> to vector<1x16xf32>
      tpu.vector_store %arg15[%swap3A, %swap3A_547], %swap3A_550 {strides = array<i32>} : memref<200x64xf32, #tpu.memory_space<vmem>>, vector<1x16xf32>,
      %get3A_551 = arith.index_cast %add3A_538 : i32 to index
      %get3A_552 = arith.constant 16 : index
      %get3A_553 = tpu.vector_load %arg15[%get3A_551, %get3A_552] {strides = array<i32>} : memref<200x64xf32, #tpu.memory_space<vmem>>, vector<1x16xf32>,
      %get3A_554 = vector.shape_cast %get3A_553 : vector<1x16xf32> to vector<16xf32>
      %get3A_555 = arith.index_cast %add3A_538 : i32 to index
      %get3A_556 = arith.constant 16 : index
      %get3A_557 = tpu.vector_load %arg18[%get3A_555, %get3A_556] {strides = array<i32>} : memref<200x64xf32, #tpu.memory_space<vmem>>, vector<1x16xf32>,
      %get3A_558 = vector.shape_cast %get3A_557 : vector<1x16xf32> to vector<16xf32>
      %add3A_559 = arith.addf %get3A_554, %get3A_558 : vector<16xf32>
      %swap3A_560 = arith.index_cast %add3A_538 : i32 to index
      %swap3A_561 = arith.constant 16 : index
      %swap3A_562 = tpu.vector_load %arg15[%swap3A_560, %swap3A_561] {strides = array<i32>} : memref<200x64xf32, #tpu.memory_space<vmem>>, vector<1x16xf32>,
      %swap3A_563 = vector.shape_cast %swap3A_562 : vector<1x16xf32> to vector<16xf32>
      %swap3A_564 = vector.shape_cast %add3A_559 : vector<16xf32> to vector<1x16xf32>
      tpu.vector_store %arg15[%swap3A_560, %swap3A_561], %swap3A_564 {strides = array<i32>} : memref<200x64xf32, #tpu.memory_space<vmem>>, vector<1x16xf32>,
      %get3A_565 = arith.index_cast %add3A_538 : i32 to index
      %get3A_566 = arith.constant 32 : index
      %get3A_567 = tpu.vector_load %arg15[%get3A_565, %get3A_566] {strides = array<i32>} : memref<200x64xf32, #tpu.memory_space<vmem>>, vector<1x16xf32>,
      %get3A_568 = vector.shape_cast %get3A_567 : vector<1x16xf32> to vector<16xf32>
      %get3A_569 = arith.index_cast %add3A_538 : i32 to index
      %get3A_570 = arith.constant 32 : index
      %get3A_571 = tpu.vector_load %arg18[%get3A_569, %get3A_570] {strides = array<i32>} : memref<200x64xf32, #tpu.memory_space<vmem>>, vector<1x16xf32>,
      %get3A_572 = vector.shape_cast %get3A_571 : vector<1x16xf32> to vector<16xf32>
      %add3A_573 = arith.addf %get3A_568, %get3A_572 : vector<16xf32>
      %swap3A_574 = arith.index_cast %add3A_538 : i32 to index
      %swap3A_575 = arith.constant 32 : index
      %swap3A_576 = tpu.vector_load %arg15[%swap3A_574, %swap3A_575] {strides = array<i32>} : memref<200x64xf32, #tpu.memory_space<vmem>>, vector<1x16xf32>,
      %swap3A_577 = vector.shape_cast %swap3A_576 : vector<1x16xf32> to vector<16xf32>
      %swap3A_578 = vector.shape_cast %add3A_573 : vector<16xf32> to vector<1x16xf32>
      tpu.vector_store %arg15[%swap3A_574, %swap3A_575], %swap3A_578 {strides = array<i32>} : memref<200x64xf32, #tpu.memory_space<vmem>>, vector<1x16xf32>,
      %get3A_579 = arith.index_cast %add3A_538 : i32 to index
      %get3A_580 = arith.constant 48 : index
      %get3A_581 = tpu.vector_load %arg15[%get3A_579, %get3A_580] {strides = array<i32>} : memref<200x64xf32, #tpu.memory_space<vmem>>, vector<1x16xf32>,
      %get3A_582 = vector.shape_cast %get3A_581 : vector<1x16xf32> to vector<16xf32>
      %get3A_583 = arith.index_cast %add3A_538 : i32 to index
      %get3A_584 = arith.constant 48 : index
      %get3A_585 = tpu.vector_load %arg18[%get3A_583, %get3A_584] {strides = array<i32>} : memref<200x64xf32, #tpu.memory_space<vmem>>, vector<1x16xf32>,
      %get3A_586 = vector.shape_cast %get3A_585 : vector<1x16xf32> to vector<16xf32>
      %add3A_587 = arith.addf %get3A_582, %get3A_586 : vector<16xf32>
      %swap3A_588 = arith.index_cast %add3A_538 : i32 to index
      %swap3A_589 = arith.constant 48 : index
      %swap3A_590 = tpu.vector_load %arg15[%swap3A_588, %swap3A_589] {strides = array<i32>} : memref<200x64xf32, #tpu.memory_space<vmem>>, vector<1x16xf32>,
      %swap3A_591 = vector.shape_cast %swap3A_590 : vector<1x16xf32> to vector<16xf32>
      %swap3A_592 = vector.shape_cast %add3A_587 : vector<16xf32> to vector<1x16xf32>
      tpu.vector_store %arg15[%swap3A_588, %swap3A_589], %swap3A_592 {strides = array<i32>} : memref<200x64xf32, #tpu.memory_space<vmem>>, vector<1x16xf32>,
      %mul3A_593 = arith.constant 2 : i32
      %mul3A_594 = arith.muli %scan3A_534, %mul3A_593 : i32
      %add3A_595 = arith.constant 1 : i32
      %add3A_596 = arith.addi %mul3A_594, %add3A_595 : i32
      %get3A_597 = arith.index_cast %add3A_596 : i32 to index
      %get3A_598 = arith.constant 0 : index
      %get3A_599 = tpu.vector_load %arg15[%get3A_597, %get3A_598] {strides = array<i32>} : memref<200x64xf32, #tpu.memory_space<vmem>>, vector<1x16xf32>,
      %get3A_600 = vector.shape_cast %get3A_599 : vector<1x16xf32> to vector<16xf32>
      %get3A_601 = arith.index_cast %add3A_596 : i32 to index
      %get3A_602 = arith.constant 0 : index
      %get3A_603 = tpu.vector_load %arg18[%get3A_601, %get3A_602] {strides = array<i32>} : memref<200x64xf32, #tpu.memory_space<vmem>>, vector<1x16xf32>,
      %get3A_604 = vector.shape_cast %get3A_603 : vector<1x16xf32> to vector<16xf32>
      %add3A_605 = arith.addf %get3A_600, %get3A_604 : vector<16xf32>
      %swap3A_606 = arith.index_cast %add3A_596 : i32 to index
      %swap3A_607 = arith.constant 0 : index
      %swap3A_608 = tpu.vector_load %arg15[%swap3A_606, %swap3A_607] {strides = array<i32>} : memref<200x64xf32, #tpu.memory_space<vmem>>, vector<1x16xf32>,
      %swap3A_609 = vector.shape_cast %swap3A_608 : vector<1x16xf32> to vector<16xf32>
      %swap3A_610 = vector.shape_cast %add3A_605 : vector<16xf32> to vector<1x16xf32>
      tpu.vector_store %arg15[%swap3A_606, %swap3A_607], %swap3A_610 {strides = array<i32>} : memref<200x64xf32, #tpu.memory_space<vmem>>, vector<1x16xf32>,
      %get3A_611 = arith.index_cast %add3A_596 : i32 to index
      %get3A_612 = arith.constant 16 : index
      %get3A_613 = tpu.vector_load %arg15[%get3A_611, %get3A_612] {strides = array<i32>} : memref<200x64xf32, #tpu.memory_space<vmem>>, vector<1x16xf32>,
      %get3A_614 = vector.shape_cast %get3A_613 : vector<1x16xf32> to vector<16xf32>
      %get3A_615 = arith.index_cast %add3A_596 : i32 to index
      %get3A_616 = arith.constant 16 : index
      %get3A_617 = tpu.vector_load %arg18[%get3A_615, %get3A_616] {strides = array<i32>} : memref<200x64xf32, #tpu.memory_space<vmem>>, vector<1x16xf32>,
      %get3A_618 = vector.shape_cast %get3A_617 : vector<1x16xf32> to vector<16xf32>
      %add3A_619 = arith.addf %get3A_614, %get3A_618 : vector<16xf32>
      %swap3A_620 = arith.index_cast %add3A_596 : i32 to index
      %swap3A_621 = arith.constant 16 : index
      %swap3A_622 = tpu.vector_load %arg15[%swap3A_620, %swap3A_621] {strides = array<i32>} : memref<200x64xf32, #tpu.memory_space<vmem>>, vector<1x16xf32>,
      %swap3A_623 = vector.shape_cast %swap3A_622 : vector<1x16xf32> to vector<16xf32>
      %swap3A_624 = vector.shape_cast %add3A_619 : vector<16xf32> to vector<1x16xf32>
      tpu.vector_store %arg15[%swap3A_620, %swap3A_621], %swap3A_624 {strides = array<i32>} : memref<200x64xf32, #tpu.memory_space<vmem>>, vector<1x16xf32>,
      %get3A_625 = arith.index_cast %add3A_596 : i32 to index
      %get3A_626 = arith.constant 32 : index
      %get3A_627 = tpu.vector_load %arg15[%get3A_625, %get3A_626] {strides = array<i32>} : memref<200x64xf32, #tpu.memory_space<vmem>>, vector<1x16xf32>,
      %get3A_628 = vector.shape_cast %get3A_627 : vector<1x16xf32> to vector<16xf32>
      %get3A_629 = arith.index_cast %add3A_596 : i32 to index
      %get3A_630 = arith.constant 32 : index
      %get3A_631 = tpu.vector_load %arg18[%get3A_629, %get3A_630] {strides = array<i32>} : memref<200x64xf32, #tpu.memory_space<vmem>>, vector<1x16xf32>,
      %get3A_632 = vector.shape_cast %get3A_631 : vector<1x16xf32> to vector<16xf32>
      %add3A_633 = arith.addf %get3A_628, %get3A_632 : vector<16xf32>
      %swap3A_634 = arith.index_cast %add3A_596 : i32 to index
      %swap3A_635 = arith.constant 32 : index
      %swap3A_636 = tpu.vector_load %arg15[%swap3A_634, %swap3A_635] {strides = array<i32>} : memref<200x64xf32, #tpu.memory_space<vmem>>, vector<1x16xf32>,
      %swap3A_637 = vector.shape_cast %swap3A_636 : vector<1x16xf32> to vector<16xf32>
      %swap3A_638 = vector.shape_cast %add3A_633 : vector<16xf32> to vector<1x16xf32>
      tpu.vector_store %arg15[%swap3A_634, %swap3A_635], %swap3A_638 {strides = array<i32>} : memref<200x64xf32, #tpu.memory_space<vmem>>, vector<1x16xf32>,
      %get3A_639 = arith.index_cast %add3A_596 : i32 to index
      %get3A_640 = arith.constant 48 : index
      %get3A_641 = tpu.vector_load %arg15[%get3A_639, %get3A_640] {strides = array<i32>} : memref<200x64xf32, #tpu.memory_space<vmem>>, vector<1x16xf32>,
      %get3A_642 = vector.shape_cast %get3A_641 : vector<1x16xf32> to vector<16xf32>
      %get3A_643 = arith.index_cast %add3A_596 : i32 to index
      %get3A_644 = arith.constant 48 : index
      %get3A_645 = tpu.vector_load %arg18[%get3A_643, %get3A_644] {strides = array<i32>} : memref<200x64xf32, #tpu.memory_space<vmem>>, vector<1x16xf32>,
      %get3A_646 = vector.shape_cast %get3A_645 : vector<1x16xf32> to vector<16xf32>
      %add3A_647 = arith.addf %get3A_642, %get3A_646 : vector<16xf32>
      %swap3A_648 = arith.index_cast %add3A_596 : i32 to index
      %swap3A_649 = arith.constant 48 : index
      %swap3A_650 = tpu.vector_load %arg15[%swap3A_648, %swap3A_649] {strides = array<i32>} : memref<200x64xf32, #tpu.memory_space<vmem>>, vector<1x16xf32>,
      %swap3A_651 = vector.shape_cast %swap3A_650 : vector<1x16xf32> to vector<16xf32>
      %swap3A_652 = vector.shape_cast %add3A_647 : vector<16xf32> to vector<1x16xf32>
      tpu.vector_store %arg15[%swap3A_648, %swap3A_649], %swap3A_652 {strides = array<i32>} : memref<200x64xf32, #tpu.memory_space<vmem>>, vector<1x16xf32>,
    }
    %scan3A_407 = arith.constant 100 : i32
    %add3A_408 = arith.constant 125 : i32
    %add3A_409 = arith.addi %mul3A_2, %add3A_408 : i32
    %dma_start3A_410 = arith.constant 0 : i32
    %dma_start3A_411 = arith.constant 0 : i32
    %dma_start3A_412 = tpu.memref_slice %arg5[%add3A_409, %dma_start3A_410, %dma_start3A_411] : memref<4096x200x128xf32, #tpu.memory_space<hbm>> -> memref<1x200x64xf32, #tpu.memory_space<hbm>>
    %dma_start3A_413 = tpu.memref_squeeze %dma_start3A_412 : memref<1x200x64xf32, #tpu.memory_space<hbm>> -> memref<200x64xf32, #tpu.memory_space<hbm>>
    %dma_start3A_414 = arith.constant 0 : i32
    %dma_start3A_415 = arith.constant 0 : i32
    %dma_start3A_416 = tpu.memref_slice %arg5[%add3A_409, %dma_start3A_414, %dma_start3A_415] : memref<4096x200x128xf32, #tpu.memory_space<hbm>> -> memref<1x200x64xf32, #tpu.memory_space<hbm>>
    %dma_start3A_417 = tpu.memref_squeeze %dma_start3A_416 : memref<1x200x64xf32, #tpu.memory_space<hbm>> -> memref<200x64xf32, #tpu.memory_space<hbm>>
    tpu.enqueue_dma source(%arg15 : memref<200x64xf32, #tpu.memory_space<vmem>>) target(%dma_start3A_417 : memref<200x64xf32, #tpu.memory_space<hbm>>) target_semaphore(%arg28 : memref<!tpu.dma_semaphore, #tpu.memory_space<semaphore_mem>>)
    %dma_wait3A_418 = arith.constant 0 : i32
    %dma_wait3A_419 = tpu.memref_slice %arg2[%dma_wait3A_418] : memref<819200xi32, #tpu.memory_space<hbm>> -> memref<96xi32, #tpu.memory_space<hbm>>
    %dma_wait3A_420 = arith.constant 0 : i32
    %dma_wait3A_421 = tpu.memref_slice %arg2[%dma_wait3A_420] : memref<819200xi32, #tpu.memory_space<hbm>> -> memref<96xi32, #tpu.memory_space<hbm>>
    tpu.wait_dma2 semaphore(%arg22 : memref<!tpu.dma_semaphore, #tpu.memory_space<semaphore_mem>>) src(%dma_wait3A_421 : memref<96xi32, #tpu.memory_space<hbm>>) dst(%arg9 : memref<96xi32, #tpu.memory_space<vmem>>)
    %dma_wait3A_422 = arith.constant 0 : i32
    %dma_wait3A_423 = tpu.memref_slice %arg2[%dma_wait3A_422] : memref<819200xi32, #tpu.memory_space<hbm>> -> memref<104xi32, #tpu.memory_space<hbm>>
    %dma_wait3A_424 = arith.constant 0 : i32
    %dma_wait3A_425 = tpu.memref_slice %arg2[%dma_wait3A_424] : memref<819200xi32, #tpu.memory_space<hbm>> -> memref<104xi32, #tpu.memory_space<hbm>>
    tpu.wait_dma2 semaphore(%arg22 : memref<!tpu.dma_semaphore, #tpu.memory_space<semaphore_mem>>) src(%dma_wait3A_425 : memref<104xi32, #tpu.memory_space<hbm>>) dst(%arg13 : memref<104xi32, #tpu.memory_space<vmem>>)
    %dma_wait3A_426 = arith.constant 0 : i32
    %dma_wait3A_427 = arith.constant 0 : i32
    %dma_wait3A_428 = tpu.memref_slice %arg5[%mul3A_2, %dma_wait3A_426, %dma_wait3A_427] : memref<4096x200x128xf32, #tpu.memory_space<hbm>> -> memref<1x200x64xf32, #tpu.memory_space<hbm>>
    %dma_wait3A_429 = tpu.memref_squeeze %dma_wait3A_428 : memref<1x200x64xf32, #tpu.memory_space<hbm>> -> memref<200x64xf32, #tpu.memory_space<hbm>>
    %dma_wait3A_430 = arith.constant 0 : i32
    %dma_wait3A_431 = arith.constant 0 : i32
    %dma_wait3A_432 = tpu.memref_slice %arg5[%mul3A_2, %dma_wait3A_430, %dma_wait3A_431] : memref<4096x200x128xf32, #tpu.memory_space<hbm>> -> memref<1x200x64xf32, #tpu.memory_space<hbm>>
    %dma_wait3A_433 = tpu.memref_squeeze %dma_wait3A_432 : memref<1x200x64xf32, #tpu.memory_space<hbm>> -> memref<200x64xf32, #tpu.memory_space<hbm>>
    tpu.wait_dma2 semaphore(%arg30 : memref<!tpu.dma_semaphore, #tpu.memory_space<semaphore_mem>>) src(%arg17 : memref<200x64xf32, #tpu.memory_space<vmem>>) dst(%dma_wait3A_433 : memref<200x64xf32, #tpu.memory_space<hbm>>)
    %dma_start3A_434 = arith.constant 0 : i32
    %dma_start3A_435 = arith.constant 0 : i32
    %dma_start3A_436 = tpu.memref_slice %arg17[%dma_start3A_434, %dma_start3A_435] : memref<200x64xf32, #tpu.memory_space<vmem>> -> memref<96x64xf32, #tpu.memory_space<vmem>>
    %dma_start3A_437 = arith.constant 0 : i32
    %dma_start3A_438 = arith.constant 0 : i32
    %dma_start3A_439 = tpu.memref_slice %arg3[%dma_start3A_437, %dma_start3A_438] : memref<1000000x64xf32, #tpu.memory_space<hbm>> -> memref<1000000x64xf32, #tpu.memory_space<hbm>>
    tpu.enqueue_indirect_dma source(%dma_start3A_439 : memref<1000000x64xf32, #tpu.memory_space<hbm>>) target(%dma_start3A_436 : memref<96x64xf32, #tpu.memory_space<vmem>>) offsets(%arg9 : memref<96xi32, #tpu.memory_space<vmem>>) semaphore(%arg26 : memref<!tpu.dma_semaphore, #tpu.memory_space<semaphore_mem>>)
    %dma_start3A_440 = arith.constant 96 : i32
    %dma_start3A_441 = arith.constant 0 : i32
    %dma_start3A_442 = tpu.memref_slice %arg17[%dma_start3A_440, %dma_start3A_441] : memref<200x64xf32, #tpu.memory_space<vmem>> -> memref<104x64xf32, #tpu.memory_space<vmem>>
    %dma_start3A_443 = arith.constant 0 : i32
    %dma_start3A_444 = arith.constant 0 : i32
    %dma_start3A_445 = tpu.memref_slice %arg3[%dma_start3A_443, %dma_start3A_444] : memref<1000000x64xf32, #tpu.memory_space<hbm>> -> memref<1000000x64xf32, #tpu.memory_space<hbm>>
    tpu.enqueue_indirect_dma source(%dma_start3A_445 : memref<1000000x64xf32, #tpu.memory_space<hbm>>) target(%dma_start3A_442 : memref<104x64xf32, #tpu.memory_space<vmem>>) offsets(%arg13 : memref<104xi32, #tpu.memory_space<vmem>>) semaphore(%arg26 : memref<!tpu.dma_semaphore, #tpu.memory_space<semaphore_mem>>)
    %dma_wait3A_446 = arith.constant 0 : i32
    %dma_wait3A_447 = arith.constant 0 : i32
    %dma_wait3A_448 = tpu.memref_slice %arg16[%dma_wait3A_446, %dma_wait3A_447] : memref<200x64xf32, #tpu.memory_space<vmem>> -> memref<96x64xf32, #tpu.memory_space<vmem>>
    %dma_wait3A_449 = arith.constant 0 : i32
    %dma_wait3A_450 = arith.constant 0 : i32
    %dma_wait3A_451 = tpu.memref_slice %arg3[%dma_wait3A_449, %dma_wait3A_450] : memref<1000000x64xf32, #tpu.memory_space<hbm>> -> memref<1000000x64xf32, #tpu.memory_space<hbm>>
    tpu.wait_indirect_dma semaphore(%arg25 : memref<!tpu.dma_semaphore, #tpu.memory_space<semaphore_mem>>) src(%dma_wait3A_451 : memref<1000000x64xf32, #tpu.memory_space<hbm>>) dst(%dma_wait3A_448 : memref<96x64xf32, #tpu.memory_space<vmem>>)
    %dma_wait3A_452 = arith.constant 96 : i32
    %dma_wait3A_453 = arith.constant 0 : i32
    %dma_wait3A_454 = tpu.memref_slice %arg16[%dma_wait3A_452, %dma_wait3A_453] : memref<200x64xf32, #tpu.memory_space<vmem>> -> memref<104x64xf32, #tpu.memory_space<vmem>>
    %dma_wait3A_455 = arith.constant 0 : i32
    %dma_wait3A_456 = arith.constant 0 : i32
    %dma_wait3A_457 = tpu.memref_slice %arg3[%dma_wait3A_455, %dma_wait3A_456] : memref<1000000x64xf32, #tpu.memory_space<hbm>> -> memref<1000000x64xf32, #tpu.memory_space<hbm>>
    tpu.wait_indirect_dma semaphore(%arg25 : memref<!tpu.dma_semaphore, #tpu.memory_space<semaphore_mem>>) src(%dma_wait3A_457 : memref<1000000x64xf32, #tpu.memory_space<hbm>>) dst(%dma_wait3A_454 : memref<104x64xf32, #tpu.memory_space<vmem>>)
    %scan3A_458 = arith.constant 0 : i32
    %scan3A_459 = arith.constant 0 : i32
    %scan3A_460 = arith.constant 100 : i32
    %scan3A_461 = arith.addi %scan3A_459, %scan3A_460 : i32
    %scan3A_462 = arith.constant 1 : i32
    scf.for %scan3A_534 = %scan3A_459 to %scan3A_461 step %scan3A_462  : i32 {
      %mul3A_535 = arith.constant 2 : i32
      %mul3A_536 = arith.muli %scan3A_534, %mul3A_535 : i32
      %add3A_537 = arith.constant 0 : i32
      %add3A_538 = arith.addi %mul3A_536, %add3A_537 : i32
      %get3A = arith.index_cast %add3A_538 : i32 to index
      %get3A_539 = arith.constant 0 : index
      %get3A_540 = tpu.vector_load %arg16[%get3A, %get3A_539] {strides = array<i32>} : memref<200x64xf32, #tpu.memory_space<vmem>>, vector<1x16xf32>,
      %get3A_541 = vector.shape_cast %get3A_540 : vector<1x16xf32> to vector<16xf32>
      %get3A_542 = arith.index_cast %add3A_538 : i32 to index
      %get3A_543 = arith.constant 0 : index
      %get3A_544 = tpu.vector_load %arg18[%get3A_542, %get3A_543] {strides = array<i32>} : memref<200x64xf32, #tpu.memory_space<vmem>>, vector<1x16xf32>,
      %get3A_545 = vector.shape_cast %get3A_544 : vector<1x16xf32> to vector<16xf32>
      %add3A_546 = arith.addf %get3A_541, %get3A_545 : vector<16xf32>
      %swap3A = arith.index_cast %add3A_538 : i32 to index
      %swap3A_547 = arith.constant 0 : index
      %swap3A_548 = tpu.vector_load %arg16[%swap3A, %swap3A_547] {strides = array<i32>} : memref<200x64xf32, #tpu.memory_space<vmem>>, vector<1x16xf32>,
      %swap3A_549 = vector.shape_cast %swap3A_548 : vector<1x16xf32> to vector<16xf32>
      %swap3A_550 = vector.shape_cast %add3A_546 : vector<16xf32> to vector<1x16xf32>
      tpu.vector_store %arg16[%swap3A, %swap3A_547], %swap3A_550 {strides = array<i32>} : memref<200x64xf32, #tpu.memory_space<vmem>>, vector<1x16xf32>,
      %get3A_551 = arith.index_cast %add3A_538 : i32 to index
      %get3A_552 = arith.constant 16 : index
      %get3A_553 = tpu.vector_load %arg16[%get3A_551, %get3A_552] {strides = array<i32>} : memref<200x64xf32, #tpu.memory_space<vmem>>, vector<1x16xf32>,
      %get3A_554 = vector.shape_cast %get3A_553 : vector<1x16xf32> to vector<16xf32>
      %get3A_555 = arith.index_cast %add3A_538 : i32 to index
      %get3A_556 = arith.constant 16 : index
      %get3A_557 = tpu.vector_load %arg18[%get3A_555, %get3A_556] {strides = array<i32>} : memref<200x64xf32, #tpu.memory_space<vmem>>, vector<1x16xf32>,
      %get3A_558 = vector.shape_cast %get3A_557 : vector<1x16xf32> to vector<16xf32>
      %add3A_559 = arith.addf %get3A_554, %get3A_558 : vector<16xf32>
      %swap3A_560 = arith.index_cast %add3A_538 : i32 to index
      %swap3A_561 = arith.constant 16 : index
      %swap3A_562 = tpu.vector_load %arg16[%swap3A_560, %swap3A_561] {strides = array<i32>} : memref<200x64xf32, #tpu.memory_space<vmem>>, vector<1x16xf32>,
      %swap3A_563 = vector.shape_cast %swap3A_562 : vector<1x16xf32> to vector<16xf32>
      %swap3A_564 = vector.shape_cast %add3A_559 : vector<16xf32> to vector<1x16xf32>
      tpu.vector_store %arg16[%swap3A_560, %swap3A_561], %swap3A_564 {strides = array<i32>} : memref<200x64xf32, #tpu.memory_space<vmem>>, vector<1x16xf32>,
      %get3A_565 = arith.index_cast %add3A_538 : i32 to index
      %get3A_566 = arith.constant 32 : index
      %get3A_567 = tpu.vector_load %arg16[%get3A_565, %get3A_566] {strides = array<i32>} : memref<200x64xf32, #tpu.memory_space<vmem>>, vector<1x16xf32>,
      %get3A_568 = vector.shape_cast %get3A_567 : vector<1x16xf32> to vector<16xf32>
      %get3A_569 = arith.index_cast %add3A_538 : i32 to index
      %get3A_570 = arith.constant 32 : index
      %get3A_571 = tpu.vector_load %arg18[%get3A_569, %get3A_570] {strides = array<i32>} : memref<200x64xf32, #tpu.memory_space<vmem>>, vector<1x16xf32>,
      %get3A_572 = vector.shape_cast %get3A_571 : vector<1x16xf32> to vector<16xf32>
      %add3A_573 = arith.addf %get3A_568, %get3A_572 : vector<16xf32>
      %swap3A_574 = arith.index_cast %add3A_538 : i32 to index
      %swap3A_575 = arith.constant 32 : index
      %swap3A_576 = tpu.vector_load %arg16[%swap3A_574, %swap3A_575] {strides = array<i32>} : memref<200x64xf32, #tpu.memory_space<vmem>>, vector<1x16xf32>,
      %swap3A_577 = vector.shape_cast %swap3A_576 : vector<1x16xf32> to vector<16xf32>
      %swap3A_578 = vector.shape_cast %add3A_573 : vector<16xf32> to vector<1x16xf32>
      tpu.vector_store %arg16[%swap3A_574, %swap3A_575], %swap3A_578 {strides = array<i32>} : memref<200x64xf32, #tpu.memory_space<vmem>>, vector<1x16xf32>,
      %get3A_579 = arith.index_cast %add3A_538 : i32 to index
      %get3A_580 = arith.constant 48 : index
      %get3A_581 = tpu.vector_load %arg16[%get3A_579, %get3A_580] {strides = array<i32>} : memref<200x64xf32, #tpu.memory_space<vmem>>, vector<1x16xf32>,
      %get3A_582 = vector.shape_cast %get3A_581 : vector<1x16xf32> to vector<16xf32>
      %get3A_583 = arith.index_cast %add3A_538 : i32 to index
      %get3A_584 = arith.constant 48 : index
      %get3A_585 = tpu.vector_load %arg18[%get3A_583, %get3A_584] {strides = array<i32>} : memref<200x64xf32, #tpu.memory_space<vmem>>, vector<1x16xf32>,
      %get3A_586 = vector.shape_cast %get3A_585 : vector<1x16xf32> to vector<16xf32>
      %add3A_587 = arith.addf %get3A_582, %get3A_586 : vector<16xf32>
      %swap3A_588 = arith.index_cast %add3A_538 : i32 to index
      %swap3A_589 = arith.constant 48 : index
      %swap3A_590 = tpu.vector_load %arg16[%swap3A_588, %swap3A_589] {strides = array<i32>} : memref<200x64xf32, #tpu.memory_space<vmem>>, vector<1x16xf32>,
      %swap3A_591 = vector.shape_cast %swap3A_590 : vector<1x16xf32> to vector<16xf32>
      %swap3A_592 = vector.shape_cast %add3A_587 : vector<16xf32> to vector<1x16xf32>
      tpu.vector_store %arg16[%swap3A_588, %swap3A_589], %swap3A_592 {strides = array<i32>} : memref<200x64xf32, #tpu.memory_space<vmem>>, vector<1x16xf32>,
      %mul3A_593 = arith.constant 2 : i32
      %mul3A_594 = arith.muli %scan3A_534, %mul3A_593 : i32
      %add3A_595 = arith.constant 1 : i32
      %add3A_596 = arith.addi %mul3A_594, %add3A_595 : i32
      %get3A_597 = arith.index_cast %add3A_596 : i32 to index
      %get3A_598 = arith.constant 0 : index
      %get3A_599 = tpu.vector_load %arg16[%get3A_597, %get3A_598] {strides = array<i32>} : memref<200x64xf32, #tpu.memory_space<vmem>>, vector<1x16xf32>,
      %get3A_600 = vector.shape_cast %get3A_599 : vector<1x16xf32> to vector<16xf32>
      %get3A_601 = arith.index_cast %add3A_596 : i32 to index
      %get3A_602 = arith.constant 0 : index
      %get3A_603 = tpu.vector_load %arg18[%get3A_601, %get3A_602] {strides = array<i32>} : memref<200x64xf32, #tpu.memory_space<vmem>>, vector<1x16xf32>,
      %get3A_604 = vector.shape_cast %get3A_603 : vector<1x16xf32> to vector<16xf32>
      %add3A_605 = arith.addf %get3A_600, %get3A_604 : vector<16xf32>
      %swap3A_606 = arith.index_cast %add3A_596 : i32 to index
      %swap3A_607 = arith.constant 0 : index
      %swap3A_608 = tpu.vector_load %arg16[%swap3A_606, %swap3A_607] {strides = array<i32>} : memref<200x64xf32, #tpu.memory_space<vmem>>, vector<1x16xf32>,
      %swap3A_609 = vector.shape_cast %swap3A_608 : vector<1x16xf32> to vector<16xf32>
      %swap3A_610 = vector.shape_cast %add3A_605 : vector<16xf32> to vector<1x16xf32>
      tpu.vector_store %arg16[%swap3A_606, %swap3A_607], %swap3A_610 {strides = array<i32>} : memref<200x64xf32, #tpu.memory_space<vmem>>, vector<1x16xf32>,
      %get3A_611 = arith.index_cast %add3A_596 : i32 to index
      %get3A_612 = arith.constant 16 : index
      %get3A_613 = tpu.vector_load %arg16[%get3A_611, %get3A_612] {strides = array<i32>} : memref<200x64xf32, #tpu.memory_space<vmem>>, vector<1x16xf32>,
      %get3A_614 = vector.shape_cast %get3A_613 : vector<1x16xf32> to vector<16xf32>
      %get3A_615 = arith.index_cast %add3A_596 : i32 to index
      %get3A_616 = arith.constant 16 : index
      %get3A_617 = tpu.vector_load %arg18[%get3A_615, %get3A_616] {strides = array<i32>} : memref<200x64xf32, #tpu.memory_space<vmem>>, vector<1x16xf32>,
      %get3A_618 = vector.shape_cast %get3A_617 : vector<1x16xf32> to vector<16xf32>
      %add3A_619 = arith.addf %get3A_614, %get3A_618 : vector<16xf32>
      %swap3A_620 = arith.index_cast %add3A_596 : i32 to index
      %swap3A_621 = arith.constant 16 : index
      %swap3A_622 = tpu.vector_load %arg16[%swap3A_620, %swap3A_621] {strides = array<i32>} : memref<200x64xf32, #tpu.memory_space<vmem>>, vector<1x16xf32>,
      %swap3A_623 = vector.shape_cast %swap3A_622 : vector<1x16xf32> to vector<16xf32>
      %swap3A_624 = vector.shape_cast %add3A_619 : vector<16xf32> to vector<1x16xf32>
      tpu.vector_store %arg16[%swap3A_620, %swap3A_621], %swap3A_624 {strides = array<i32>} : memref<200x64xf32, #tpu.memory_space<vmem>>, vector<1x16xf32>,
      %get3A_625 = arith.index_cast %add3A_596 : i32 to index
      %get3A_626 = arith.constant 32 : index
      %get3A_627 = tpu.vector_load %arg16[%get3A_625, %get3A_626] {strides = array<i32>} : memref<200x64xf32, #tpu.memory_space<vmem>>, vector<1x16xf32>,
      %get3A_628 = vector.shape_cast %get3A_627 : vector<1x16xf32> to vector<16xf32>
      %get3A_629 = arith.index_cast %add3A_596 : i32 to index
      %get3A_630 = arith.constant 32 : index
      %get3A_631 = tpu.vector_load %arg18[%get3A_629, %get3A_630] {strides = array<i32>} : memref<200x64xf32, #tpu.memory_space<vmem>>, vector<1x16xf32>,
      %get3A_632 = vector.shape_cast %get3A_631 : vector<1x16xf32> to vector<16xf32>
      %add3A_633 = arith.addf %get3A_628, %get3A_632 : vector<16xf32>
      %swap3A_634 = arith.index_cast %add3A_596 : i32 to index
      %swap3A_635 = arith.constant 32 : index
      %swap3A_636 = tpu.vector_load %arg16[%swap3A_634, %swap3A_635] {strides = array<i32>} : memref<200x64xf32, #tpu.memory_space<vmem>>, vector<1x16xf32>,
      %swap3A_637 = vector.shape_cast %swap3A_636 : vector<1x16xf32> to vector<16xf32>
      %swap3A_638 = vector.shape_cast %add3A_633 : vector<16xf32> to vector<1x16xf32>
      tpu.vector_store %arg16[%swap3A_634, %swap3A_635], %swap3A_638 {strides = array<i32>} : memref<200x64xf32, #tpu.memory_space<vmem>>, vector<1x16xf32>,
      %get3A_639 = arith.index_cast %add3A_596 : i32 to index
      %get3A_640 = arith.constant 48 : index
      %get3A_641 = tpu.vector_load %arg16[%get3A_639, %get3A_640] {strides = array<i32>} : memref<200x64xf32, #tpu.memory_space<vmem>>, vector<1x16xf32>,
      %get3A_642 = vector.shape_cast %get3A_641 : vector<1x16xf32> to vector<16xf32>
      %get3A_643 = arith.index_cast %add3A_596 : i32 to index
      %get3A_644 = arith.constant 48 : index
      %get3A_645 = tpu.vector_load %arg18[%get3A_643, %get3A_644] {strides = array<i32>} : memref<200x64xf32, #tpu.memory_space<vmem>>, vector<1x16xf32>,
      %get3A_646 = vector.shape_cast %get3A_645 : vector<1x16xf32> to vector<16xf32>
      %add3A_647 = arith.addf %get3A_642, %get3A_646 : vector<16xf32>
      %swap3A_648 = arith.index_cast %add3A_596 : i32 to index
      %swap3A_649 = arith.constant 48 : index
      %swap3A_650 = tpu.vector_load %arg16[%swap3A_648, %swap3A_649] {strides = array<i32>} : memref<200x64xf32, #tpu.memory_space<vmem>>, vector<1x16xf32>,
      %swap3A_651 = vector.shape_cast %swap3A_650 : vector<1x16xf32> to vector<16xf32>
      %swap3A_652 = vector.shape_cast %add3A_647 : vector<16xf32> to vector<1x16xf32>
      tpu.vector_store %arg16[%swap3A_648, %swap3A_649], %swap3A_652 {strides = array<i32>} : memref<200x64xf32, #tpu.memory_space<vmem>>, vector<1x16xf32>,
    }
    %scan3A_463 = arith.constant 100 : i32
    %add3A_464 = arith.constant 126 : i32
    %add3A_465 = arith.addi %mul3A_2, %add3A_464 : i32
    %dma_start3A_466 = arith.constant 0 : i32
    %dma_start3A_467 = arith.constant 0 : i32
    %dma_start3A_468 = tpu.memref_slice %arg5[%add3A_465, %dma_start3A_466, %dma_start3A_467] : memref<4096x200x128xf32, #tpu.memory_space<hbm>> -> memref<1x200x64xf32, #tpu.memory_space<hbm>>
    %dma_start3A_469 = tpu.memref_squeeze %dma_start3A_468 : memref<1x200x64xf32, #tpu.memory_space<hbm>> -> memref<200x64xf32, #tpu.memory_space<hbm>>
    %dma_start3A_470 = arith.constant 0 : i32
    %dma_start3A_471 = arith.constant 0 : i32
    %dma_start3A_472 = tpu.memref_slice %arg5[%add3A_465, %dma_start3A_470, %dma_start3A_471] : memref<4096x200x128xf32, #tpu.memory_space<hbm>> -> memref<1x200x64xf32, #tpu.memory_space<hbm>>
    %dma_start3A_473 = tpu.memref_squeeze %dma_start3A_472 : memref<1x200x64xf32, #tpu.memory_space<hbm>> -> memref<200x64xf32, #tpu.memory_space<hbm>>
    tpu.enqueue_dma source(%arg16 : memref<200x64xf32, #tpu.memory_space<vmem>>) target(%dma_start3A_473 : memref<200x64xf32, #tpu.memory_space<hbm>>) target_semaphore(%arg29 : memref<!tpu.dma_semaphore, #tpu.memory_space<semaphore_mem>>)
    %dma_wait3A_474 = arith.constant 0 : i32
    %dma_wait3A_475 = arith.constant 0 : i32
    %dma_wait3A_476 = tpu.memref_slice %arg17[%dma_wait3A_474, %dma_wait3A_475] : memref<200x64xf32, #tpu.memory_space<vmem>> -> memref<96x64xf32, #tpu.memory_space<vmem>>
    %dma_wait3A_477 = arith.constant 0 : i32
    %dma_wait3A_478 = arith.constant 0 : i32
    %dma_wait3A_479 = tpu.memref_slice %arg3[%dma_wait3A_477, %dma_wait3A_478] : memref<1000000x64xf32, #tpu.memory_space<hbm>> -> memref<1000000x64xf32, #tpu.memory_space<hbm>>
    tpu.wait_indirect_dma semaphore(%arg26 : memref<!tpu.dma_semaphore, #tpu.memory_space<semaphore_mem>>) src(%dma_wait3A_479 : memref<1000000x64xf32, #tpu.memory_space<hbm>>) dst(%dma_wait3A_476 : memref<96x64xf32, #tpu.memory_space<vmem>>)
    %dma_wait3A_480 = arith.constant 96 : i32
    %dma_wait3A_481 = arith.constant 0 : i32
    %dma_wait3A_482 = tpu.memref_slice %arg17[%dma_wait3A_480, %dma_wait3A_481] : memref<200x64xf32, #tpu.memory_space<vmem>> -> memref<104x64xf32, #tpu.memory_space<vmem>>
    %dma_wait3A_483 = arith.constant 0 : i32
    %dma_wait3A_484 = arith.constant 0 : i32
    %dma_wait3A_485 = tpu.memref_slice %arg3[%dma_wait3A_483, %dma_wait3A_484] : memref<1000000x64xf32, #tpu.memory_space<hbm>> -> memref<1000000x64xf32, #tpu.memory_space<hbm>>
    tpu.wait_indirect_dma semaphore(%arg26 : memref<!tpu.dma_semaphore, #tpu.memory_space<semaphore_mem>>) src(%dma_wait3A_485 : memref<1000000x64xf32, #tpu.memory_space<hbm>>) dst(%dma_wait3A_482 : memref<104x64xf32, #tpu.memory_space<vmem>>)
    %scan3A_486 = arith.constant 0 : i32
    %scan3A_487 = arith.constant 0 : i32
    %scan3A_488 = arith.constant 100 : i32
    %scan3A_489 = arith.addi %scan3A_487, %scan3A_488 : i32
    %scan3A_490 = arith.constant 1 : i32
    scf.for %scan3A_534 = %scan3A_487 to %scan3A_489 step %scan3A_490  : i32 {
      %mul3A_535 = arith.constant 2 : i32
      %mul3A_536 = arith.muli %scan3A_534, %mul3A_535 : i32
      %add3A_537 = arith.constant 0 : i32
      %add3A_538 = arith.addi %mul3A_536, %add3A_537 : i32
      %get3A = arith.index_cast %add3A_538 : i32 to index
      %get3A_539 = arith.constant 0 : index
      %get3A_540 = tpu.vector_load %arg17[%get3A, %get3A_539] {strides = array<i32>} : memref<200x64xf32, #tpu.memory_space<vmem>>, vector<1x16xf32>,
      %get3A_541 = vector.shape_cast %get3A_540 : vector<1x16xf32> to vector<16xf32>
      %get3A_542 = arith.index_cast %add3A_538 : i32 to index
      %get3A_543 = arith.constant 0 : index
      %get3A_544 = tpu.vector_load %arg18[%get3A_542, %get3A_543] {strides = array<i32>} : memref<200x64xf32, #tpu.memory_space<vmem>>, vector<1x16xf32>,
      %get3A_545 = vector.shape_cast %get3A_544 : vector<1x16xf32> to vector<16xf32>
      %add3A_546 = arith.addf %get3A_541, %get3A_545 : vector<16xf32>
      %swap3A = arith.index_cast %add3A_538 : i32 to index
      %swap3A_547 = arith.constant 0 : index
      %swap3A_548 = tpu.vector_load %arg17[%swap3A, %swap3A_547] {strides = array<i32>} : memref<200x64xf32, #tpu.memory_space<vmem>>, vector<1x16xf32>,
      %swap3A_549 = vector.shape_cast %swap3A_548 : vector<1x16xf32> to vector<16xf32>
      %swap3A_550 = vector.shape_cast %add3A_546 : vector<16xf32> to vector<1x16xf32>
      tpu.vector_store %arg17[%swap3A, %swap3A_547], %swap3A_550 {strides = array<i32>} : memref<200x64xf32, #tpu.memory_space<vmem>>, vector<1x16xf32>,
      %get3A_551 = arith.index_cast %add3A_538 : i32 to index
      %get3A_552 = arith.constant 16 : index
      %get3A_553 = tpu.vector_load %arg17[%get3A_551, %get3A_552] {strides = array<i32>} : memref<200x64xf32, #tpu.memory_space<vmem>>, vector<1x16xf32>,
      %get3A_554 = vector.shape_cast %get3A_553 : vector<1x16xf32> to vector<16xf32>
      %get3A_555 = arith.index_cast %add3A_538 : i32 to index
      %get3A_556 = arith.constant 16 : index
      %get3A_557 = tpu.vector_load %arg18[%get3A_555, %get3A_556] {strides = array<i32>} : memref<200x64xf32, #tpu.memory_space<vmem>>, vector<1x16xf32>,
      %get3A_558 = vector.shape_cast %get3A_557 : vector<1x16xf32> to vector<16xf32>
      %add3A_559 = arith.addf %get3A_554, %get3A_558 : vector<16xf32>
      %swap3A_560 = arith.index_cast %add3A_538 : i32 to index
      %swap3A_561 = arith.constant 16 : index
      %swap3A_562 = tpu.vector_load %arg17[%swap3A_560, %swap3A_561] {strides = array<i32>} : memref<200x64xf32, #tpu.memory_space<vmem>>, vector<1x16xf32>,
      %swap3A_563 = vector.shape_cast %swap3A_562 : vector<1x16xf32> to vector<16xf32>
      %swap3A_564 = vector.shape_cast %add3A_559 : vector<16xf32> to vector<1x16xf32>
      tpu.vector_store %arg17[%swap3A_560, %swap3A_561], %swap3A_564 {strides = array<i32>} : memref<200x64xf32, #tpu.memory_space<vmem>>, vector<1x16xf32>,
      %get3A_565 = arith.index_cast %add3A_538 : i32 to index
      %get3A_566 = arith.constant 32 : index
      %get3A_567 = tpu.vector_load %arg17[%get3A_565, %get3A_566] {strides = array<i32>} : memref<200x64xf32, #tpu.memory_space<vmem>>, vector<1x16xf32>,
      %get3A_568 = vector.shape_cast %get3A_567 : vector<1x16xf32> to vector<16xf32>
      %get3A_569 = arith.index_cast %add3A_538 : i32 to index
      %get3A_570 = arith.constant 32 : index
      %get3A_571 = tpu.vector_load %arg18[%get3A_569, %get3A_570] {strides = array<i32>} : memref<200x64xf32, #tpu.memory_space<vmem>>, vector<1x16xf32>,
      %get3A_572 = vector.shape_cast %get3A_571 : vector<1x16xf32> to vector<16xf32>
      %add3A_573 = arith.addf %get3A_568, %get3A_572 : vector<16xf32>
      %swap3A_574 = arith.index_cast %add3A_538 : i32 to index
      %swap3A_575 = arith.constant 32 : index
      %swap3A_576 = tpu.vector_load %arg17[%swap3A_574, %swap3A_575] {strides = array<i32>} : memref<200x64xf32, #tpu.memory_space<vmem>>, vector<1x16xf32>,
      %swap3A_577 = vector.shape_cast %swap3A_576 : vector<1x16xf32> to vector<16xf32>
      %swap3A_578 = vector.shape_cast %add3A_573 : vector<16xf32> to vector<1x16xf32>
      tpu.vector_store %arg17[%swap3A_574, %swap3A_575], %swap3A_578 {strides = array<i32>} : memref<200x64xf32, #tpu.memory_space<vmem>>, vector<1x16xf32>,
      %get3A_579 = arith.index_cast %add3A_538 : i32 to index
      %get3A_580 = arith.constant 48 : index
      %get3A_581 = tpu.vector_load %arg17[%get3A_579, %get3A_580] {strides = array<i32>} : memref<200x64xf32, #tpu.memory_space<vmem>>, vector<1x16xf32>,
      %get3A_582 = vector.shape_cast %get3A_581 : vector<1x16xf32> to vector<16xf32>
      %get3A_583 = arith.index_cast %add3A_538 : i32 to index
      %get3A_584 = arith.constant 48 : index
      %get3A_585 = tpu.vector_load %arg18[%get3A_583, %get3A_584] {strides = array<i32>} : memref<200x64xf32, #tpu.memory_space<vmem>>, vector<1x16xf32>,
      %get3A_586 = vector.shape_cast %get3A_585 : vector<1x16xf32> to vector<16xf32>
      %add3A_587 = arith.addf %get3A_582, %get3A_586 : vector<16xf32>
      %swap3A_588 = arith.index_cast %add3A_538 : i32 to index
      %swap3A_589 = arith.constant 48 : index
      %swap3A_590 = tpu.vector_load %arg17[%swap3A_588, %swap3A_589] {strides = array<i32>} : memref<200x64xf32, #tpu.memory_space<vmem>>, vector<1x16xf32>,
      %swap3A_591 = vector.shape_cast %swap3A_590 : vector<1x16xf32> to vector<16xf32>
      %swap3A_592 = vector.shape_cast %add3A_587 : vector<16xf32> to vector<1x16xf32>
      tpu.vector_store %arg17[%swap3A_588, %swap3A_589], %swap3A_592 {strides = array<i32>} : memref<200x64xf32, #tpu.memory_space<vmem>>, vector<1x16xf32>,
      %mul3A_593 = arith.constant 2 : i32
      %mul3A_594 = arith.muli %scan3A_534, %mul3A_593 : i32
      %add3A_595 = arith.constant 1 : i32
      %add3A_596 = arith.addi %mul3A_594, %add3A_595 : i32
      %get3A_597 = arith.index_cast %add3A_596 : i32 to index
      %get3A_598 = arith.constant 0 : index
      %get3A_599 = tpu.vector_load %arg17[%get3A_597, %get3A_598] {strides = array<i32>} : memref<200x64xf32, #tpu.memory_space<vmem>>, vector<1x16xf32>,
      %get3A_600 = vector.shape_cast %get3A_599 : vector<1x16xf32> to vector<16xf32>
      %get3A_601 = arith.index_cast %add3A_596 : i32 to index
      %get3A_602 = arith.constant 0 : index
      %get3A_603 = tpu.vector_load %arg18[%get3A_601, %get3A_602] {strides = array<i32>} : memref<200x64xf32, #tpu.memory_space<vmem>>, vector<1x16xf32>,
      %get3A_604 = vector.shape_cast %get3A_603 : vector<1x16xf32> to vector<16xf32>
      %add3A_605 = arith.addf %get3A_600, %get3A_604 : vector<16xf32>
      %swap3A_606 = arith.index_cast %add3A_596 : i32 to index
      %swap3A_607 = arith.constant 0 : index
      %swap3A_608 = tpu.vector_load %arg17[%swap3A_606, %swap3A_607] {strides = array<i32>} : memref<200x64xf32, #tpu.memory_space<vmem>>, vector<1x16xf32>,
      %swap3A_609 = vector.shape_cast %swap3A_608 : vector<1x16xf32> to vector<16xf32>
      %swap3A_610 = vector.shape_cast %add3A_605 : vector<16xf32> to vector<1x16xf32>
      tpu.vector_store %arg17[%swap3A_606, %swap3A_607], %swap3A_610 {strides = array<i32>} : memref<200x64xf32, #tpu.memory_space<vmem>>, vector<1x16xf32>,
      %get3A_611 = arith.index_cast %add3A_596 : i32 to index
      %get3A_612 = arith.constant 16 : index
      %get3A_613 = tpu.vector_load %arg17[%get3A_611, %get3A_612] {strides = array<i32>} : memref<200x64xf32, #tpu.memory_space<vmem>>, vector<1x16xf32>,
      %get3A_614 = vector.shape_cast %get3A_613 : vector<1x16xf32> to vector<16xf32>
      %get3A_615 = arith.index_cast %add3A_596 : i32 to index
      %get3A_616 = arith.constant 16 : index
      %get3A_617 = tpu.vector_load %arg18[%get3A_615, %get3A_616] {strides = array<i32>} : memref<200x64xf32, #tpu.memory_space<vmem>>, vector<1x16xf32>,
      %get3A_618 = vector.shape_cast %get3A_617 : vector<1x16xf32> to vector<16xf32>
      %add3A_619 = arith.addf %get3A_614, %get3A_618 : vector<16xf32>
      %swap3A_620 = arith.index_cast %add3A_596 : i32 to index
      %swap3A_621 = arith.constant 16 : index
      %swap3A_622 = tpu.vector_load %arg17[%swap3A_620, %swap3A_621] {strides = array<i32>} : memref<200x64xf32, #tpu.memory_space<vmem>>, vector<1x16xf32>,
      %swap3A_623 = vector.shape_cast %swap3A_622 : vector<1x16xf32> to vector<16xf32>
      %swap3A_624 = vector.shape_cast %add3A_619 : vector<16xf32> to vector<1x16xf32>
      tpu.vector_store %arg17[%swap3A_620, %swap3A_621], %swap3A_624 {strides = array<i32>} : memref<200x64xf32, #tpu.memory_space<vmem>>, vector<1x16xf32>,
      %get3A_625 = arith.index_cast %add3A_596 : i32 to index
      %get3A_626 = arith.constant 32 : index
      %get3A_627 = tpu.vector_load %arg17[%get3A_625, %get3A_626] {strides = array<i32>} : memref<200x64xf32, #tpu.memory_space<vmem>>, vector<1x16xf32>,
      %get3A_628 = vector.shape_cast %get3A_627 : vector<1x16xf32> to vector<16xf32>
      %get3A_629 = arith.index_cast %add3A_596 : i32 to index
      %get3A_630 = arith.constant 32 : index
      %get3A_631 = tpu.vector_load %arg18[%get3A_629, %get3A_630] {strides = array<i32>} : memref<200x64xf32, #tpu.memory_space<vmem>>, vector<1x16xf32>,
      %get3A_632 = vector.shape_cast %get3A_631 : vector<1x16xf32> to vector<16xf32>
      %add3A_633 = arith.addf %get3A_628, %get3A_632 : vector<16xf32>
      %swap3A_634 = arith.index_cast %add3A_596 : i32 to index
      %swap3A_635 = arith.constant 32 : index
      %swap3A_636 = tpu.vector_load %arg17[%swap3A_634, %swap3A_635] {strides = array<i32>} : memref<200x64xf32, #tpu.memory_space<vmem>>, vector<1x16xf32>,
      %swap3A_637 = vector.shape_cast %swap3A_636 : vector<1x16xf32> to vector<16xf32>
      %swap3A_638 = vector.shape_cast %add3A_633 : vector<16xf32> to vector<1x16xf32>
      tpu.vector_store %arg17[%swap3A_634, %swap3A_635], %swap3A_638 {strides = array<i32>} : memref<200x64xf32, #tpu.memory_space<vmem>>, vector<1x16xf32>,
      %get3A_639 = arith.index_cast %add3A_596 : i32 to index
      %get3A_640 = arith.constant 48 : index
      %get3A_641 = tpu.vector_load %arg17[%get3A_639, %get3A_640] {strides = array<i32>} : memref<200x64xf32, #tpu.memory_space<vmem>>, vector<1x16xf32>,
      %get3A_642 = vector.shape_cast %get3A_641 : vector<1x16xf32> to vector<16xf32>
      %get3A_643 = arith.index_cast %add3A_596 : i32 to index
      %get3A_644 = arith.constant 48 : index
      %get3A_645 = tpu.vector_load %arg18[%get3A_643, %get3A_644] {strides = array<i32>} : memref<200x64xf32, #tpu.memory_space<vmem>>, vector<1x16xf32>,
      %get3A_646 = vector.shape_cast %get3A_645 : vector<1x16xf32> to vector<16xf32>
      %add3A_647 = arith.addf %get3A_642, %get3A_646 : vector<16xf32>
      %swap3A_648 = arith.index_cast %add3A_596 : i32 to index
      %swap3A_649 = arith.constant 48 : index
      %swap3A_650 = tpu.vector_load %arg17[%swap3A_648, %swap3A_649] {strides = array<i32>} : memref<200x64xf32, #tpu.memory_space<vmem>>, vector<1x16xf32>,
      %swap3A_651 = vector.shape_cast %swap3A_650 : vector<1x16xf32> to vector<16xf32>
      %swap3A_652 = vector.shape_cast %add3A_647 : vector<16xf32> to vector<1x16xf32>
      tpu.vector_store %arg17[%swap3A_648, %swap3A_649], %swap3A_652 {strides = array<i32>} : memref<200x64xf32, #tpu.memory_space<vmem>>, vector<1x16xf32>,
    }
    %scan3A_491 = arith.constant 100 : i32
    %add3A_492 = arith.constant 127 : i32
    %add3A_493 = arith.addi %mul3A_2, %add3A_492 : i32
    %dma_start3A_494 = arith.constant 0 : i32
    %dma_start3A_495 = arith.constant 0 : i32
    %dma_start3A_496 = tpu.memref_slice %arg5[%add3A_493, %dma_start3A_494, %dma_start3A_495] : memref<4096x200x128xf32, #tpu.memory_space<hbm>> -> memref<1x200x64xf32, #tpu.memory_space<hbm>>
    %dma_start3A_497 = tpu.memref_squeeze %dma_start3A_496 : memref<1x200x64xf32, #tpu.memory_space<hbm>> -> memref<200x64xf32, #tpu.memory_space<hbm>>
    %dma_start3A_498 = arith.constant 0 : i32
    %dma_start3A_499 = arith.constant 0 : i32
    %dma_start3A_500 = tpu.memref_slice %arg5[%add3A_493, %dma_start3A_498, %dma_start3A_499] : memref<4096x200x128xf32, #tpu.memory_space<hbm>> -> memref<1x200x64xf32, #tpu.memory_space<hbm>>
    %dma_start3A_501 = tpu.memref_squeeze %dma_start3A_500 : memref<1x200x64xf32, #tpu.memory_space<hbm>> -> memref<200x64xf32, #tpu.memory_space<hbm>>
    tpu.enqueue_dma source(%arg17 : memref<200x64xf32, #tpu.memory_space<vmem>>) target(%dma_start3A_501 : memref<200x64xf32, #tpu.memory_space<hbm>>) target_semaphore(%arg30 : memref<!tpu.dma_semaphore, #tpu.memory_space<semaphore_mem>>)
    %dma_wait3A_502 = arith.constant 0 : i32
    %dma_wait3A_503 = arith.constant 0 : i32
    %dma_wait3A_504 = tpu.memref_slice %arg5[%mul3A_2, %dma_wait3A_502, %dma_wait3A_503] : memref<4096x200x128xf32, #tpu.memory_space<hbm>> -> memref<1x200x64xf32, #tpu.memory_space<hbm>>
    %dma_wait3A_505 = tpu.memref_squeeze %dma_wait3A_504 : memref<1x200x64xf32, #tpu.memory_space<hbm>> -> memref<200x64xf32, #tpu.memory_space<hbm>>
    %dma_wait3A_506 = arith.constant 0 : i32
    %dma_wait3A_507 = arith.constant 0 : i32
    %dma_wait3A_508 = tpu.memref_slice %arg5[%mul3A_2, %dma_wait3A_506, %dma_wait3A_507] : memref<4096x200x128xf32, #tpu.memory_space<hbm>> -> memref<1x200x64xf32, #tpu.memory_space<hbm>>
    %dma_wait3A_509 = tpu.memref_squeeze %dma_wait3A_508 : memref<1x200x64xf32, #tpu.memory_space<hbm>> -> memref<200x64xf32, #tpu.memory_space<hbm>>
    tpu.wait_dma2 semaphore(%arg27 : memref<!tpu.dma_semaphore, #tpu.memory_space<semaphore_mem>>) src(%arg14 : memref<200x64xf32, #tpu.memory_space<vmem>>) dst(%dma_wait3A_509 : memref<200x64xf32, #tpu.memory_space<hbm>>)
    %dma_wait3A_510 = arith.constant 0 : i32
    %dma_wait3A_511 = arith.constant 0 : i32
    %dma_wait3A_512 = tpu.memref_slice %arg5[%mul3A_2, %dma_wait3A_510, %dma_wait3A_511] : memref<4096x200x128xf32, #tpu.memory_space<hbm>> -> memref<1x200x64xf32, #tpu.memory_space<hbm>>
    %dma_wait3A_513 = tpu.memref_squeeze %dma_wait3A_512 : memref<1x200x64xf32, #tpu.memory_space<hbm>> -> memref<200x64xf32, #tpu.memory_space<hbm>>
    %dma_wait3A_514 = arith.constant 0 : i32
    %dma_wait3A_515 = arith.constant 0 : i32
    %dma_wait3A_516 = tpu.memref_slice %arg5[%mul3A_2, %dma_wait3A_514, %dma_wait3A_515] : memref<4096x200x128xf32, #tpu.memory_space<hbm>> -> memref<1x200x64xf32, #tpu.memory_space<hbm>>
    %dma_wait3A_517 = tpu.memref_squeeze %dma_wait3A_516 : memref<1x200x64xf32, #tpu.memory_space<hbm>> -> memref<200x64xf32, #tpu.memory_space<hbm>>
    tpu.wait_dma2 semaphore(%arg28 : memref<!tpu.dma_semaphore, #tpu.memory_space<semaphore_mem>>) src(%arg15 : memref<200x64xf32, #tpu.memory_space<vmem>>) dst(%dma_wait3A_517 : memref<200x64xf32, #tpu.memory_space<hbm>>)
    %dma_wait3A_518 = arith.constant 0 : i32
    %dma_wait3A_519 = arith.constant 0 : i32
    %dma_wait3A_520 = tpu.memref_slice %arg5[%mul3A_2, %dma_wait3A_518, %dma_wait3A_519] : memref<4096x200x128xf32, #tpu.memory_space<hbm>> -> memref<1x200x64xf32, #tpu.memory_space<hbm>>
    %dma_wait3A_521 = tpu.memref_squeeze %dma_wait3A_520 : memref<1x200x64xf32, #tpu.memory_space<hbm>> -> memref<200x64xf32, #tpu.memory_space<hbm>>
    %dma_wait3A_522 = arith.constant 0 : i32
    %dma_wait3A_523 = arith.constant 0 : i32
    %dma_wait3A_524 = tpu.memref_slice %arg5[%mul3A_2, %dma_wait3A_522, %dma_wait3A_523] : memref<4096x200x128xf32, #tpu.memory_space<hbm>> -> memref<1x200x64xf32, #tpu.memory_space<hbm>>
    %dma_wait3A_525 = tpu.memref_squeeze %dma_wait3A_524 : memref<1x200x64xf32, #tpu.memory_space<hbm>> -> memref<200x64xf32, #tpu.memory_space<hbm>>
    tpu.wait_dma2 semaphore(%arg29 : memref<!tpu.dma_semaphore, #tpu.memory_space<semaphore_mem>>) src(%arg16 : memref<200x64xf32, #tpu.memory_space<vmem>>) dst(%dma_wait3A_525 : memref<200x64xf32, #tpu.memory_space<hbm>>)
    %dma_wait3A_526 = arith.constant 0 : i32
    %dma_wait3A_527 = arith.constant 0 : i32
    %dma_wait3A_528 = tpu.memref_slice %arg5[%mul3A_2, %dma_wait3A_526, %dma_wait3A_527] : memref<4096x200x128xf32, #tpu.memory_space<hbm>> -> memref<1x200x64xf32, #tpu.memory_space<hbm>>
    %dma_wait3A_529 = tpu.memref_squeeze %dma_wait3A_528 : memref<1x200x64xf32, #tpu.memory_space<hbm>> -> memref<200x64xf32, #tpu.memory_space<hbm>>
    %dma_wait3A_530 = arith.constant 0 : i32
    %dma_wait3A_531 = arith.constant 0 : i32
    %dma_wait3A_532 = tpu.memref_slice %arg5[%mul3A_2, %dma_wait3A_530, %dma_wait3A_531] : memref<4096x200x128xf32, #tpu.memory_space<hbm>> -> memref<1x200x64xf32, #tpu.memory_space<hbm>>
    %dma_wait3A_533 = tpu.memref_squeeze %dma_wait3A_532 : memref<1x200x64xf32, #tpu.memory_space<hbm>> -> memref<200x64xf32, #tpu.memory_space<hbm>>
    tpu.wait_dma2 semaphore(%arg30 : memref<!tpu.dma_semaphore, #tpu.memory_space<semaphore_mem>>) src(%arg17 : memref<200x64xf32, #tpu.memory_space<vmem>>) dst(%dma_wait3A_533 : memref<200x64xf32, #tpu.memory_space<hbm>>)
    return
  }
}

</mosaic_0001>

<sc_bundles>
// kernel: kernel.3.cloned.1.call-start
scs
__scs_entry_jumppad:
0x0: {  	(pc) =	sbr.rel $0x88, $3  }
0x1: {  	(tag) =	ssettag $0x0;
	lr =	simm.s32 $0x1  }
0x2: {  	[smem:$0x3F9E] =	sst lr;
	_ =	strace $0xD0000000  }
0x3: {  	_ = 	snop  }
0x4: {  	_ = 	snop  }
0x5: {  	_ = 	snop  }
0x6: {  	_ = 	snop  }
0x7: {  	_ = 	snop  }
__scs_overlays_trampoline_lowered:
0x8: {  	[smem:$0x3FAD] =	sst s0  }
0x9: {  	[smem:$0x3FAE] =	sst s1  }
0xa: {  	[smem:$0x3FAF] =	sst s2  }
0xb: {  	[smem:$0x3FB0] =	sst s3  }
0xc: {  	[smem:$0x3FB1] =	sst s4  }
0xd: {  	[smem:$0x3FB2] =	sst s5  }
0xe: {  	[smem:$0x3FB3] =	sst s6  }
0xf: {  	[smem:$0x3FB4] =	sst s7  }
0x10: {  	[smem:$0x3FB5] =	sst s8  }
0x11: {  	[smem:$0x3FB6] =	sst s9;
	s0 =	simm.s32 @!p0 $0x0  }
0x12: {  	s1 =	sld [smem:$0x3F9C];
	s0 =	simm.s32 @p0 $0x1  }
0x13: {  	[smem:$0x3FB7] =	sst s0;
	s0 =	simm.s32 @!p1 $0x0  }
0x14: {  	s2 =	sld [smem:$0x3F9B];
	s0 =	simm.s32 @p1 $0x1  }
0x15: {  	[smem:$0x3FB8] =	sst s0;
	s0 =	simm.s32 @!p2 $0x0  }
0x16: {  	s3 =	sld [smem:$0x3FDB];
	s0 =	simm.s32 @p2 $0x1  }
0x17: {  	s4 =	simm.s32 $0x1BF5;
	[smem:$0x3FBA] =	sst s0  }
0x18: {  	s0 =	sld [smem:$0x3F9D];
	_ =	swait.ge [sflag:s4], $0x0  }
0x19: {  	s7 =	sld [smem:$0x3F9E]  }
0x1a: {  	s8 =	sadd.s32 $0xFFFFE003, lr  }
0x1b: {  	s9 =	sadd.s32 $0xFFFFFEF7, lr;
	s5 =	simm.s32 $0xFFFFFFFF;
	p2 =	slt.u32 s8, $0xFFFFF086  }
0x1c: {  	p1 =	slt.u32 s9, $0xF7A;
	s5 =	simm.s32 @!p2 $0x0  }
0x1d: {  	s5 =	simm.s32 @p1 $0x1;
	p0 =	seq.s32 s7, s2  }
0x1e: {  	s7 =	smul.u32 @!p0 $0xF7A, s2;
	p2 =	seq.s32 @!p0 s5, $0x0  }
0x1f: {  	s9 =	smul.u32 $0xF7A, s1;
	s8 =	simm.s32 @!p0 $0x1BF5;
	p2 =	por !p2, p0  }
0x20: {  	[sflag:s8] =	ssyncset.s32 @!p0 $0xFFFFF086;
	s6 =	sadd.s32 @!p0 s3, s7;
	s7 =	simm.s32 @!p0 $0x108  }
0x21: {  	s3 =	sadd.s32 s3, s9;
	s6 =	sadd.s32 @!p0 $0x88, s6;
	s7 =	simm.s32 @p2 $0x1082  }
0x22: {  	[simem:s7], [sflag:s8] =	dma.local @!p0 [hbm:s6], $0xF7A  }
0x23: {  	s9 =	sor.u32 $0xD0000000, s2;
	s6 =	simm.s32 $0x108;
	_ =	swait.ge @!p0 [sflag:s8], $0x0  }
0x24: {  	s3 =	sadd.s32 $0x88, s3;
	s6 =	simm.s32 @!p1 $0x1082;
	[sflag:s4] =	ssyncset.s32 $0xFFFFF086  }
0x25: {  	[simem:s6], [sflag:s4] =	dma.local [hbm:s3], $0xF7A  }
0x26: {  	[smem:$0x3F9E] =	sst s1;
	(tag) =	ssettag s2;
	_ =	strace s9  }
0x27: {  	s1 =	sld [smem:$0x3FAE]  }
0x28: {  	s2 =	sld [smem:$0x3FAF]  }
0x29: {  	s4 =	sld [smem:$0x3FB1]  }
0x2a: {  	p0 =	seq.s32 s5, $0x0;
	s5 =	sld [smem:$0x3FB2]  }
0x2b: {  	s6 =	sld [smem:$0x3FB3]  }
0x2c: {  	s7 =	sld [smem:$0x3FB4]  }
0x2d: {  	s3 =	simm.s32 $0x108;
	s8 =	sld [smem:$0x3FB5]  }
0x2e: {  	s3 =	simm.s32 @!p0 $0x1082;
	s9 =	sld [smem:$0x3FB6]  }
0x2f: {  	lr =	sadd.s32 s0, s3;
	s0 =	sld [smem:$0x3FAD]  }
0x30: {  	s3 =	sld [smem:$0x3FB0]  }
0x31: {  	[smem:$0x3FB9] =	sst s10  }
0x32: {  	s10 =	sld [smem:$0x3FB7];
	_ =	sdelay $0x3  }
0x33: {  	p0 =	seq.s32 s10, $0x1;
	s10 =	sld [smem:$0x3FB9];
	_ =	sdelay $0x3  }
0x34: {  	[smem:$0x3FB9] =	sst s10  }
0x35: {  	s10 =	sld [smem:$0x3FB8];
	_ =	sdelay $0x3  }
0x36: {  	p1 =	seq.s32 s10, $0x1;
	s10 =	sld [smem:$0x3FB9];
	_ =	sdelay $0x3  }
0x37: {  	[smem:$0x3FB9] =	sst s10  }
0x38: {  	s10 =	sld [smem:$0x3FBA]  }
0x39: {  	_ = 	snop;
	(pc) =	sbr.ind lr, $3  }
0x3a: {  	_ = 	snop  }
0x3b: {  	_ = 	snop  }
0x3c: {  	p2 =	seq.s32 s10, $0x1;
	s10 =	sld [smem:$0x3FB9]  }
0x3d: {  	_ =	shalt  }
0x3e: {  	_ =	shalt  }
0x3f: {  	_ =	shalt  }
0x40: {  	_ =	shalt  }
0x41: {  	_ =	shalt  }
0x42: {  	_ =	shalt  }
0x43: {  	_ =	shalt  }
0x44: {  	_ =	shalt  }
0x45: {  	_ =	shalt  }
0x46: {  	_ =	shalt  }
0x47: {  	_ =	shalt  }
0x48: {  	_ =	shalt  }
0x49: {  	_ =	shalt  }
0x4a: {  	_ =	shalt  }
0x4b: {  	_ =	shalt  }
0x4c: {  	_ =	shalt  }
0x4d: {  	_ =	shalt  }
0x4e: {  	_ =	shalt  }
0x4f: {  	_ =	shalt  }
0x50: {  	_ =	shalt  }
0x51: {  	_ =	shalt  }
0x52: {  	_ =	shalt  }
0x53: {  	_ =	shalt  }
0x54: {  	_ =	shalt  }
0x55: {  	_ =	shalt  }
0x56: {  	_ =	shalt  }
0x57: {  	_ =	shalt  }
0x58: {  	_ =	shalt  }
0x59: {  	_ =	shalt  }
0x5a: {  	_ =	shalt  }
0x5b: {  	_ =	shalt  }
0x5c: {  	_ =	shalt  }
0x5d: {  	_ =	shalt  }
0x5e: {  	_ =	shalt  }
0x5f: {  	_ =	shalt  }
0x60: {  	_ =	shalt  }
0x61: {  	_ =	shalt  }
0x62: {  	_ =	shalt  }
0x63: {  	_ =	shalt  }
0x64: {  	_ =	shalt  }
0x65: {  	_ =	shalt  }
0x66: {  	_ =	shalt  }
0x67: {  	_ =	shalt  }
0x68: {  	_ =	shalt  }
0x69: {  	_ =	shalt  }
0x6a: {  	_ =	shalt  }
0x6b: {  	_ =	shalt  }
0x6c: {  	_ =	shalt  }
0x6d: {  	_ =	shalt  }
0x6e: {  	_ =	shalt  }
0x6f: {  	_ =	shalt  }
0x70: {  	_ =	shalt  }
0x71: {  	_ =	shalt  }
0x72: {  	_ =	shalt  }
0x73: {  	_ =	shalt  }
0x74: {  	_ =	shalt  }
0x75: {  	_ =	shalt  }
0x76: {  	_ =	shalt  }
0x77: {  	_ =	shalt  }
0x78: {  	_ =	shalt  }
0x79: {  	_ =	shalt  }
0x7a: {  	_ =	shalt  }
0x7b: {  	_ =	shalt  }
0x7c: {  	_ =	shalt  }
0x7d: {  	_ =	shalt  }
0x7e: {  	_ =	shalt  }
0x7f: {  	_ =	shalt  }
0x80: {  	_ =	shalt  }
0x81: {  	_ =	shalt  }
0x82: {  	_ =	shalt  }
0x83: {  	_ =	shalt  }
0x84: {  	_ =	shalt  }
0x85: {  	_ =	shalt  }
0x86: {  	_ =	shalt  }
0x87: {  	_ =	shalt  }
.Lfunc_end0:
.L_simem_size_0:
called_computation.1_lowered:
.L_overlay_start_0:
0x88: {  	s2 =	sld [smem:$0x3FD9]  }
0x89: {  	s3 =	sld [smem:$0x3FFE];
	_ =	sdelay $0x1  }
0x8a: {  	s1 =	srdreg.scid  }
0x8b: {  	s0 =	sand.u32 $0x1, s1  }
0x8c: {  	s17 =	sshll.u32 s0, $0xA;
	s2 =	sadd.s32 s3, s2  }
0x8d: {  	s2 =	sadd.s32 s2, s17  }
0x8e: {  	[smem:$0x3FC5] =	sst s2  }
0x8f: {  	_ = 	snop  }
0x90: {  	s2 =	sld [smem:$0x3FD0];
	(tm) =	ssettm $0x1  }
0x91: {  	s18 =	sld [smem:$0x3FFB];
	_ =	sdelay $0x3  }
0x92: {  	_ =	strace s18  }
0x93: {  	s3 =	sld [smem:$0x3FFC];
	_ =	sdelay $0x3  }
0x94: {  	_ =	strace s3  }
0x95: {  	s3 =	sld [smem:$0x3FFD];
	_ =	sdelay $0x3  }
0x96: {  	_ =	strace s3  }
0x97: {  	_ =	strace $0x8FFFFFFF  }
0x98: {  	s19 =	sld [smem:$0x3FDB];
	_ =	sdelay $0x1  }
0x99: {  	s4 =	simm.s32 $_scs_section_size  }
0x9a: {  	s5 =	simm.s32 $_size__tile_overlayer_lowered;
	s6 =	simm.s32 $_tile_overlayer_lowered  }
0x9b: {  	s22 =	simm.s32 $0x1BFF;
	s21 =	sshll.u32 s6, $0x1;
	s3 =	sadd.s32 s4, s19  }
0x9c: {  	s7 =	simm.s32 $0x0;
	s20 =	sshll.u32 s5, $0x1;
	s5 =	sadd.s32 s21, s3  }
0x9d: {  	[timem:s7], [sflag:s22] =	dma.local [hbm:s5], s20  }
0x9e: {  	_ =	swait.ge [sflag:s22], s20  }
0x9f: {  	s4 =	ssub.s32 $0x0, s20;
	[sflag:s22] =	ssyncset.done $0x0  }
0xa0: {  	[sflag:s22] =	ssyncadd.s32 s4;
	_ =	sdelay $0x1  }
0xa1: {  	s23 =	simm.s32 $0x1B8B  }
0xa2: {  	_ =	swait.ge [sflag:s23], $0x1  }
0xa3: {  	[sflag:s23] =	ssyncset.done $0x0  }
0xa4: {  	s25 =	simm.s32 $0x1B8E;
	s24 =	sld [smem:$0x3FFE];
	[sflag:s23] =	ssyncadd.s32 $0xFFFFFFFF  }
0xa5: {  	s26 =	simm.s32 $execute0_lowered;
	[smem:$0x3FD2] =	sst s25  }
0xa6: {  	s5 =	sshll.u32 s26, $0x1;
	_ =	strace $0x80000046;
	[dreg:$0x1] =	wrdreg $0xFFFFFFFF  }
0xa7: {  	s28 =	simm.s32 $_size_execute0_lowered;
	s3 =	sadd.s32 s3, s5;
	[dreg:$0x0] =	wrdreg $0x0  }
0xa8: {  	s5 =	sshll.u32 s28, $0x1;
	[dreg:$0x2] =	wrdreg s3  }
0xa9: {  	[dreg:$0x3] =	wrdreg s5  }
0xaa: {  	[dreg:$0x4] =	wrdreg $0xC0  }
0xab: {  	_ =	task [dreg:s7], $0x5FFFF  }
0xac: {  	[dreg:$0x1] =	wrdreg $0xFFFFFFFF  }
0xad: {  	[dreg:$0x0] =	wrdreg $0x60  }
0xae: {  	[dreg:$0x2] =	wrdreg s2  }
0xaf: {  	[dreg:$0x3] =	wrdreg s24  }
0xb0: {  	[dreg:$0x4] =	wrdreg $0x9  }
0xb1: {  	_ =	task.clear_ibuf [dreg:s7], $0x5FFFF;
	_ =	strace $0x90000046  }
0xb2: {  	s29 =	simm.s32 $0x9;
	_ =	strace $0x80000048  }
0xb3: {  	_ =	swait.ge [sflag:s29], $0x1  }
0xb4: {  	[sflag:s29] =	ssyncadd.s32 $0xFFFFFFFF  }
0xb5: {  	_ =	strace $0x90000048  }
0xb6: {  	_ =	sfence  }
0xb7: {  	s30 =	sld [smem:$0x0];
	_ =	sdelay $0x2  }
0xb8: {  	s31 =	sshll.u32 s1, $0xD;
	s1 =	sshrl.u32 s1, $0x2  }
0xb9: {  	s3 =	sand.u32 $0x4000, s31;
	s1 =	sadd.s32 s1, s30  }
0xba: {  	s0 =	sor.u32 s3, s0;
	s1 =	sshll.u32 s1, $0x11  }
0xbb: {  	s0 =	sor.u32 s1, s0  }
0xbc: {  	s0 =	sadd.s32 $0x8F2B, s0  }
0xbd: {  	[sflag:s0] =	ssyncadd.remote.s32 $0x1  }
0xbe: {  	_ =	sfence.sel $0xFFFF  }
0xbf: {  	[dreg:$0x0] =	wrdreg $0xFFFFFFFF;
	(pc) =	sbr.abs _section_cstart, $3  }
0xc0: {  	[dreg:$0x1] =	wrdreg $0xFFFFFFFF  }
0xc1: {  	_ =	task.clear_ibuf [dreg:s7], $0x2FFFF;
	_ =	strace $0x9FFFFFFF  }
0xc2: {  	(tm) =	ssettm $0x7FFFFFFF  }
0xc3: {  	_ =	shalt  }
tec
execute0_lowered:
.L_overlay_start_1:
0x0: {  	(tag) =	ssettag $0x1  }
0x1: {  	s1 =	rddreg [dreg:$0x0]  }
0x2: {  	s0 =	rddreg [dreg:$0x1];
	s3 =	simm.s32 $0x0  }
0x3: {  	s2 =	srdreg.scid;
	s4 =	stileid.u32;
	s28 =	simm.s32 $0x5  }
0x4: {  	s29 =	simm.s32 $0x40;
	s30 =	simm.s32 $0x80;
	[smem:$0x7FF] =	sst s3  }
0x5: {  	s2 =	sand.u32 $0x1, s2;
	s5 =	sshll.u32 s4, $0x1;
	s4 =	sadd.s32 $0xF43000, s0  }
0x6: {  	s6 =	sadd.s32 $0xC00, s0;
	_ =	strace $0x80000047;
	s5 =	sor.u32 s2, s5  }
0x7: {  	[dreg:$0x3] =	wrdreg s6;
	s6 =	sshll.u32 s5, $0x7;
	s8 =	smul.u32 $0x6400, s5  }
0x8: {  	s7 =	sadd.s32 $0x1400, s0;
	s14 =	smul.u32 $0x64000, s5;
	s9 =	sor.u32 $0x1, s6  }
0x9: {  	s2 =	ssub.s32 $0x2, s2;
	s12 =	sor.u32 $0x2, s6;
	s11 =	smul.u32 $0xC8, s9  }
0xa: {  	s23 =	sshrl.u32 s2, $0x1;
	s15 =	sor.u32 $0x3, s6;
	s24 =	smul.u32 $0x19, s12  }
0xb: {  	s13 =	sadd.s32 $0xC, s1;
	s0 =	ssub.s32 s2, s23;
	s26 =	smul.u32 $0xC8, s15  }
0xc: {  	s22 =	sor.u32 $0x7E, s6;
	s10 =	sshrl.u32 s8, $0x3;
	s9 =	smul.u32 $0xC80, s9  }
0xd: {  	s14 =	sadd.s32 s7, s14;
	s20 =	smul.u32 $0xC80, s12;
	s8 =	sadd.s32 $0x448, s8  }
0xe: {  	s21 =	smul.u32 $0xC80, s15;
	s0 =	smax.u32 s0, $0x1;
	[dreg:$0x9] =	wrdreg s14  }
0xf: {  	s16 =	sadd.s32 s1, s10;
	s10 =	sadd.s32 s10, s13;
	[dreg:$0x15] =	wrdreg s0  }
0x10: {  	s23 =	sshrl.u32 s8, $0x3;
	s0 =	simm.s32 $0xB;
	[dreg:$0x5] =	wrdreg s10  }
0x11: {  	s25 =	sshrl.u32 s11, $0x3;
	s31 =	sadd.s32 s1, s24;
	[dreg:$0x4] =	wrdreg s16  }
0x12: {  	s2 =	sadd.s32 s24, s13;
	s18 =	sshrl.u32 s26, $0x3;
	[dreg:$0x7] =	wrdreg s31  }
0x13: {  	s19 =	sadd.s32 s7, s9;
	s24 =	smul.u32 $0xC8, s22;
	[dreg:$0x8] =	wrdreg s2  }
0x14: {  	s9 =	sadd.s32 s7, s21;
	s13 =	smul.u32 $0xC80, s22;
	[dreg:$0xb] =	wrdreg s19  }
0x15: {  	s21 =	sadd.s32 $0x64, s16;
	s22 =	sadd.s32 $0x70, s16;
	[dreg:$0xe] =	wrdreg s9  }
0x16: {  	s10 =	simm.s32 $0x6720;
	s17 =	sadd.s32 s1, s25;
	[dreg:$0x18] =	wrdreg s21  }
0x17: {  	s2 =	sadd.s32 s7, s20;
	s25 =	smul.u32 $0x320000, s5;
	[dreg:$0x19] =	wrdreg s22  }
0x18: {  	s11 =	sadd.s32 s1, s18;
	s5 =	sshllo.u32 s5, $0x7;
	[dreg:$0xc] =	wrdreg s2  }
0x19: {  	s21 =	simm.s32 $0x4;
	s2 =	sadd.s32 s1, s23;
	[dreg:$0x6] =	wrdreg s17  }
0x1a: {  	s8 =	sshrl.u32 s24, $0x3;
	s26 =	smul.u32 $0xC8, s5;
	[dreg:$0xa] =	wrdreg s11  }
0x1b: {  	s5 =	smul.u32 $0xC80, s5;
	s15 =	sadd.s32 s7, s13;
	[dreg:$0xd] =	wrdreg s2  }
0x1c: {  	s19 =	sadd.s32 $0xC, s17;
	s20 =	sadd.s32 $0xC, s11;
	[dreg:$0x13] =	wrdreg s15  }
0x1d: {  	s23 =	sadd.s32 $0x7D, s16;
	s24 =	sor.u32 $0x4, s6;
	[dreg:$0x16] =	wrdreg s19  }
0x1e: {  	s13 =	simm.s32 $0x60;
	s16 =	simm.s32 $0x1;
	[dreg:$0x17] =	wrdreg s20  }
0x1f: {  	s11 =	simm.s32 $0xA;
	s31 =	sadd.s32 s1, s8;
	[dreg:$0x1a] =	wrdreg s23  }
0x20: {  	s2 =	sshrl.u32 s25, $0x3;
	[dreg:$0x1b] =	wrdreg s24;
	s25 =	sor.u32 $0x5, s6  }
0x21: {  	s24 =	simm.s32 $0x2;
	s19 =	simm.s32 $0x6;
	s8 =	simm.s32 $0x9920  }
0x22: {  	s20 =	simm.s32 $0x7;
	s2 =	sadd.s32 s7, s2;
	[dreg:$0x1c] =	wrdreg s25  }
0x23: {  	s9 =	sshrl.u32 s26, $0x3;
	s18 =	sadd.s32 s7, s5;
	[dreg:$0xf] =	wrdreg s31  }
0x24: {  	s26 =	sadd.s32 $0xC, s31;
	s25 =	simm.s32 $0x1E8;
	[dreg:$0x14] =	wrdreg s18  }
0x25: {  	s5 =	simm.s32 $0x0;
	s14 =	sadd.s32 $0x60E00, s2;
	[dreg:$0x1d] =	wrdreg s26  }
0x26: {  	s9 =	sadd.s32 s1, s9;
	s2 =	sadd.s32 $0x61A80, s2;
	[dreg:$0x10] =	wrdreg s14  }
0x27: {  	s18 =	simm.s32 $0x68;
	s26 =	simm.s32 $0x9;
	[dreg:$0x12] =	wrdreg s2  }
0x28: {  	[dreg:$0x11] =	wrdreg s9;
	s31 =	sadd.s32 $0xC, s9;
	s9 =	simm.s32 $0x3  }
0x29: {  	s14 =	simm.s32 $0x8;
	s2 =	simm.s32 $0xC;
	[dreg:$0x1e] =	wrdreg s31  }
.LBB2_1:
0x2a: {  	s12 =	rddreg [dreg:$0x3];
	s15 =	simm.s32 $0xCB20  }
0x2b: {  	[tilespmem:s15], [sflag:$0xD] =	stream.linear.gather [hbm4b:s12+s3], $0x3200, $0x38;
	[tilespmem:$0xFD20] =	vst v63  }
0x2c: {  	[dreg:$0x1f] =	wrdreg s5;
	s15 =	simm.s32 $0xD  }
0x2d: {  	_ =	swait.ge [sflag:s15], $0x3200  }
0x2e: {  	[sflag:s15] =	ssyncset.done $0x0  }
0x2f: {  	s17 =	rddreg [dreg:$0x4];
	[sflag:s15] =	ssyncadd.s32 $0xFFFFCE00  }
0x30: {  	[tilespmem:s3], [sflag:$0x1] =	stream.linear.gather [hbm4b:s17+s3], $0x60, $0x38;
	[tilespmem:$0xFD20] =	vst v63  }
0x31: {  	s23 =	simm.s32 $0x180;
	s22 =	rddreg [dreg:$0x5]  }
0x32: {  	[tilespmem:s23], [sflag:$0x1] =	stream.linear.gather [hbm4b:s22+s3], $0x68, $0x38;
	[tilespmem:$0xFD20] =	vst v63  }
0x33: {  	s31 =	rddreg [dreg:$0x6]  }
0x34: {  	[tilespmem:s13], [sflag:$0x2] =	stream.linear.gather [hbm4b:s31+s3], $0x60, $0x38;
	[tilespmem:$0xFD20] =	vst v63  }
0x35: {  	s5 =	rddreg [dreg:$0x16]  }
0x36: {  	[tilespmem:s25], [sflag:$0x2] =	stream.linear.gather [hbm4b:s5+s3], $0x68, $0x38;
	[tilespmem:$0xFD20] =	vst v63  }
0x37: {  	_ =	swait.ge [sflag:s16], $0x60  }
0x38: {  	[sflag:s16] =	ssyncset.done $0x0  }
0x39: {  	[sflag:s16] =	ssyncadd.s32 $0xFFFFFFA0  }
0x3a: {  	_ =	swait.ge [sflag:s16], $0x68  }
0x3b: {  	[sflag:s16] =	ssyncset.done $0x0  }
0x3c: {  	s17 =	simm.s32 $0x320;
	[sflag:s16] =	ssyncadd.s32 $0xFFFFFF98  }
0x3d: {  	[tilespmem:s17], [sflag:$0x5] =	stream.indirect.gather [hbm4b:s4+s13], $0x40, s3, s13, $0xb8;
	[tilespmem:$0xFD20] =	vst v63  }
0x3e: {  	s22 =	simm.s32 $0x1B20  }
0x3f: {  	[tilespmem:s22], [sflag:$0x5] =	stream.indirect.gather [hbm4b:s4+s18], $0x40, s23, s18, $0xb8;
	[tilespmem:$0xFD20] =	vst v63  }
0x40: {  	s31 =	simm.s32 $0xC0;
	s23 =	rddreg [dreg:$0x7]  }
0x41: {  	[tilespmem:s31], [sflag:$0x3] =	stream.linear.gather [hbm4b:s23+s3], $0x60, $0x38;
	[tilespmem:$0xFD20] =	vst v63  }
0x42: {  	s17 =	rddreg [dreg:$0x8];
	s22 =	simm.s32 $0x250  }
0x43: {  	[tilespmem:s22], [sflag:$0x3] =	stream.linear.gather [hbm4b:s17+s3], $0x68, $0x38;
	[tilespmem:$0xFD20] =	vst v63  }
0x44: {  	_ =	swait.ge [sflag:s24], $0x60  }
0x45: {  	[sflag:s24] =	ssyncset.done $0x0  }
0x46: {  	[sflag:s24] =	ssyncadd.s32 $0xFFFFFFA0  }
0x47: {  	_ =	swait.ge [sflag:s24], $0x68  }
0x48: {  	[sflag:s24] =	ssyncset.done $0x0  }
0x49: {  	s23 =	simm.s32 $0x3520;
	[sflag:s24] =	ssyncadd.s32 $0xFFFFFF98  }
0x4a: {  	[tilespmem:s23], [sflag:$0x6] =	stream.indirect.gather [hbm4b:s4+s13], $0x40, s13, s13, $0xb8;
	[tilespmem:$0xFD20] =	vst v63  }
0x4b: {  	s31 =	simm.s32 $0x4D20  }
0x4c: {  	[tilespmem:s31], [sflag:$0x6] =	stream.indirect.gather [hbm4b:s4+s18], $0x40, s25, s18, $0xb8;
	[tilespmem:$0xFD20] =	vst v63  }
0x4d: {  	_ =	swait.ge [sflag:s28], $0x1800  }
0x4e: {  	[sflag:s28] =	ssyncset.done $0x0  }
0x4f: {  	[sflag:s28] =	ssyncadd.s32 $0xFFFFE800  }
0x50: {  	_ =	swait.ge [sflag:s28], $0x1A00  }
0x51: {  	[sflag:s28] =	ssyncset.done $0x0  }
0x52: {  	s12 =	simm.s32 $0x70;
	[sflag:s28] =	ssyncadd.s32 $0xFFFFE600  }
0x53: {  	v7 =	vld [tilespmem:s12+$0xCAB0]  }
0x54: {  	v11 =	vld [tilespmem:s12+$0xCAC0]  }
0x55: {  	v5 =	vld [tilespmem:s12+$0xCAD0]  }
0x56: {  	v4 =	vld [tilespmem:s12+$0xCAE0]  }
0x57: {  	v3 =	vld [tilespmem:s12+$0xCAF0]  }
0x58: {  	v2 =	vld [tilespmem:s12+$0xCB00]  }
0x59: {  	v1 =	vld [tilespmem:s12+$0xCB10]  }
0x5a: {  	v0 =	vld [tilespmem:s12+$0xCB20]  }
0x5b: {  	v12 =	vld [tilespmem:s12+$0x2B0]  }
0x5c: {  	v13 =	vld [tilespmem:s12+$0x2C0]  }
0x5d: {  	v10 =	vld [tilespmem:s12+$0x2D0]  }
0x5e: {  	v9 =	vld [tilespmem:s12+$0x2E0]  }
0x5f: {  	v8 =	vld [tilespmem:s12+$0x2F0]  }
0x60: {  	v6 =	vld [tilespmem:s12+$0x300];
	v12 =	vadd.f32 v7, v12  }
0x61: {  	s15 =	simm.s32 $0x3C0;
	s5 =	simm.s32 $0x180;
	v11 =	vadd.f32 v11, v13;
	v7 =	vld [tilespmem:s12+$0x310]  }
.LBB2_2:
0x62: {  	s17 =	sshra.s32 s15, $0x2;
	p0 =	sne.s32 s15, $0xC7C0;
	[tilespmem:s12+$0x2B0] =	vst v12;
	v5 =	vadd.f32 v5, v10;
	v10 =	vld [tilespmem:s12+$0x320]  }
0x63: {  	v12 =	vld [tilespmem:s17+$0xCAB0];
	[tilespmem:s12+$0x2C0] =	vst v11;
	v4 =	vadd.f32 v4, v9  }
0x64: {  	v11 =	vld [tilespmem:s17+$0xCAC0];
	[tilespmem:s12+$0x2D0] =	vst v5;
	v3 =	vadd.f32 v3, v8  }
0x65: {  	v5 =	vld [tilespmem:s17+$0xCAD0];
	[tilespmem:s12+$0x2E0] =	vst v4;
	v2 =	vadd.f32 v2, v6  }
0x66: {  	v4 =	vld [tilespmem:s17+$0xCAE0];
	[tilespmem:s12+$0x2F0] =	vst v3;
	v1 =	vadd.f32 v1, v7  }
0x67: {  	v3 =	vld [tilespmem:s17+$0xCAF0];
	[tilespmem:s12+$0x300] =	vst v2;
	v0 =	vadd.f32 v0, v10  }
0x68: {  	v2 =	vld [tilespmem:s17+$0xCB00];
	[tilespmem:s12+$0x310] =	vst v1  }
0x69: {  	v1 =	vld [tilespmem:s17+$0xCB10];
	[tilespmem:s12+$0x320] =	vst v0;
	s12 =	smov.u32 s17  }
0x6a: {  	v0 =	vld [tilespmem:s12+$0xCB20]  }
0x6b: {  	v6 =	vld [tilespmem:s12+$0x2B0]  }
0x6c: {  	v7 =	vld [tilespmem:s12+$0x2C0]  }
.Ltmp0:
0x6d: {  	v10 =	vld [tilespmem:s12+$0x2D0];
	(pc) =	sbr.rel @p0 .LBB2_2-.Ltmp0, $4  }
0x6e: {  	v9 =	vld [tilespmem:s12+$0x2E0]  }
0x6f: {  	v8 =	vld [tilespmem:s12+$0x2F0]  }
0x70: {  	v12 =	vadd.f32 v12, v6;
	v6 =	vld [tilespmem:s12+$0x300]  }
0x71: {  	s15 =	sadd.s32 $0x200, s15;
	v11 =	vadd.f32 v11, v7;
	v7 =	vld [tilespmem:s12+$0x310]  }
0x72: {  	[tilespmem:s12+$0x2B0] =	vst v12;
	v5 =	vadd.f32 v5, v10;
	v10 =	vld [tilespmem:s12+$0x320]  }
0x73: {  	[tilespmem:s12+$0x2C0] =	vst v11;
	v4 =	vadd.f32 v4, v9  }
0x74: {  	[tilespmem:s12+$0x2D0] =	vst v5;
	v3 =	vadd.f32 v3, v8  }
0x75: {  	[tilespmem:s12+$0x2E0] =	vst v4;
	v2 =	vadd.f32 v2, v6  }
0x76: {  	[tilespmem:s12+$0x2F0] =	vst v3;
	v1 =	vadd.f32 v1, v7  }
0x77: {  	[tilespmem:s12+$0x300] =	vst v2;
	v0 =	vadd.f32 v0, v10  }
0x78: {  	[tilespmem:s12+$0x310] =	vst v1  }
0x79: {  	s22 =	rddreg [dreg:$0x9];
	s15 =	simm.s32 $0x320;
	[tilespmem:s12+$0x320] =	vst v0  }
0x7a: {  	[hbm4b:s22+s29] =	stream.strided.scatter [tilespmem:s15], [sflag:$0x9], $0x3200, s30, s29, $0x38;
	[tilespmem:$0xFD20] =	vst v63  }
0x7b: {  	s23 =	rddreg [dreg:$0xa];
	s31 =	simm.s32 $0x120  }
0x7c: {  	[tilespmem:s31], [sflag:$0x4] =	stream.linear.gather [hbm4b:s23+s3], $0x60, $0x38;
	[tilespmem:$0xFD20] =	vst v63  }
0x7d: {  	s17 =	simm.s32 $0x2B8;
	s15 =	rddreg [dreg:$0x17]  }
0x7e: {  	[tilespmem:s17], [sflag:$0x4] =	stream.linear.gather [hbm4b:s15+s3], $0x68, $0x38;
	[tilespmem:$0xFD20] =	vst v63  }
0x7f: {  	_ =	swait.ge [sflag:s9], $0x60  }
0x80: {  	[sflag:s9] =	ssyncset.done $0x0  }
0x81: {  	[sflag:s9] =	ssyncadd.s32 $0xFFFFFFA0  }
0x82: {  	_ =	swait.ge [sflag:s9], $0x68  }
0x83: {  	[sflag:s9] =	ssyncset.done $0x0  }
0x84: {  	s22 =	simm.s32 $0xC0;
	[sflag:s9] =	ssyncadd.s32 $0xFFFFFF98  }
0x85: {  	[tilespmem:s10], [sflag:$0x7] =	stream.indirect.gather [hbm4b:s4+s13], $0x40, s22, s13, $0xb8;
	[tilespmem:$0xFD20] =	vst v63  }
0x86: {  	s23 =	simm.s32 $0x250;
	s31 =	simm.s32 $0x7F20  }
0x87: {  	[tilespmem:s31], [sflag:$0x7] =	stream.indirect.gather [hbm4b:s4+s18], $0x40, s23, s18, $0xb8;
	[tilespmem:$0xFD20] =	vst v63  }
0x88: {  	_ =	swait.ge [sflag:s19], $0x1800  }
0x89: {  	[sflag:s19] =	ssyncset.done $0x0  }
0x8a: {  	[sflag:s19] =	ssyncadd.s32 $0xFFFFE800  }
0x8b: {  	_ =	swait.ge [sflag:s19], $0x1A00  }
0x8c: {  	[sflag:s19] =	ssyncset.done $0x0  }
0x8d: {  	s12 =	simm.s32 $0x70;
	[sflag:s19] =	ssyncadd.s32 $0xFFFFE600  }
0x8e: {  	v7 =	vld [tilespmem:s12+$0xCAB0]  }
0x8f: {  	v11 =	vld [tilespmem:s12+$0xCAC0]  }
0x90: {  	v5 =	vld [tilespmem:s12+$0xCAD0]  }
0x91: {  	v4 =	vld [tilespmem:s12+$0xCAE0]  }
0x92: {  	v3 =	vld [tilespmem:s12+$0xCAF0]  }
0x93: {  	v2 =	vld [tilespmem:s12+$0xCB00]  }
0x94: {  	v1 =	vld [tilespmem:s12+$0xCB10]  }
0x95: {  	v0 =	vld [tilespmem:s12+$0xCB20]  }
0x96: {  	v12 =	vld [tilespmem:s12+$0x34B0]  }
0x97: {  	v13 =	vld [tilespmem:s12+$0x34C0]  }
0x98: {  	v10 =	vld [tilespmem:s12+$0x34D0]  }
0x99: {  	v9 =	vld [tilespmem:s12+$0x34E0]  }
0x9a: {  	v8 =	vld [tilespmem:s12+$0x34F0]  }
0x9b: {  	v6 =	vld [tilespmem:s12+$0x3500];
	v12 =	vadd.f32 v7, v12  }
0x9c: {  	s15 =	simm.s32 $0x3C0;
	v11 =	vadd.f32 v11, v13;
	v7 =	vld [tilespmem:s12+$0x3510]  }
.LBB2_4:
0x9d: {  	s17 =	sshra.s32 s15, $0x2;
	p0 =	sne.s32 s15, $0xC7C0;
	[tilespmem:s12+$0x34B0] =	vst v12;
	v5 =	vadd.f32 v5, v10;
	v10 =	vld [tilespmem:s12+$0x3520]  }
0x9e: {  	v12 =	vld [tilespmem:s17+$0xCAB0];
	[tilespmem:s12+$0x34C0] =	vst v11;
	v4 =	vadd.f32 v4, v9  }
0x9f: {  	v11 =	vld [tilespmem:s17+$0xCAC0];
	[tilespmem:s12+$0x34D0] =	vst v5;
	v3 =	vadd.f32 v3, v8  }
0xa0: {  	v5 =	vld [tilespmem:s17+$0xCAD0];
	[tilespmem:s12+$0x34E0] =	vst v4;
	v2 =	vadd.f32 v2, v6  }
0xa1: {  	v4 =	vld [tilespmem:s17+$0xCAE0];
	[tilespmem:s12+$0x34F0] =	vst v3;
	v1 =	vadd.f32 v1, v7  }
0xa2: {  	v3 =	vld [tilespmem:s17+$0xCAF0];
	[tilespmem:s12+$0x3500] =	vst v2;
	v0 =	vadd.f32 v0, v10  }
0xa3: {  	v2 =	vld [tilespmem:s17+$0xCB00];
	[tilespmem:s12+$0x3510] =	vst v1  }
0xa4: {  	v1 =	vld [tilespmem:s17+$0xCB10];
	[tilespmem:s12+$0x3520] =	vst v0;
	s12 =	smov.u32 s17  }
0xa5: {  	v0 =	vld [tilespmem:s12+$0xCB20]  }
0xa6: {  	v6 =	vld [tilespmem:s12+$0x34B0]  }
0xa7: {  	v7 =	vld [tilespmem:s12+$0x34C0]  }
.Ltmp1:
0xa8: {  	v10 =	vld [tilespmem:s12+$0x34D0];
	(pc) =	sbr.rel @p0 .LBB2_4-.Ltmp1, $4  }
0xa9: {  	v9 =	vld [tilespmem:s12+$0x34E0]  }
0xaa: {  	v8 =	vld [tilespmem:s12+$0x34F0]  }
0xab: {  	v12 =	vadd.f32 v12, v6;
	v6 =	vld [tilespmem:s12+$0x3500]  }
0xac: {  	s15 =	sadd.s32 $0x200, s15;
	v11 =	vadd.f32 v11, v7;
	v7 =	vld [tilespmem:s12+$0x3510]  }
0xad: {  	[tilespmem:s12+$0x34B0] =	vst v12;
	v5 =	vadd.f32 v5, v10;
	v10 =	vld [tilespmem:s12+$0x3520]  }
0xae: {  	[tilespmem:s12+$0x34C0] =	vst v11;
	v4 =	vadd.f32 v4, v9  }
0xaf: {  	[tilespmem:s12+$0x34D0] =	vst v5;
	v3 =	vadd.f32 v3, v8  }
0xb0: {  	[tilespmem:s12+$0x34E0] =	vst v4;
	v2 =	vadd.f32 v2, v6  }
0xb1: {  	[tilespmem:s12+$0x34F0] =	vst v3;
	v1 =	vadd.f32 v1, v7  }
0xb2: {  	[tilespmem:s12+$0x3500] =	vst v2;
	v0 =	vadd.f32 v0, v10  }
0xb3: {  	[tilespmem:s12+$0x3510] =	vst v1  }
0xb4: {  	s31 =	rddreg [dreg:$0xb];
	s15 =	simm.s32 $0x3520;
	[tilespmem:s12+$0x3520] =	vst v0  }
0xb5: {  	[hbm4b:s31+s29] =	stream.strided.scatter [tilespmem:s15], [sflag:$0xA], $0x3200, s30, s29, $0x38;
	[tilespmem:$0xFD20] =	vst v63  }
0xb6: {  	s15 =	rddreg [dreg:$0x18]  }
0xb7: {  	[tilespmem:s3], [sflag:$0x1] =	stream.linear.gather [hbm4b:s15+s3], $0x60, $0x38;
	[tilespmem:$0xFD20] =	vst v63  }
0xb8: {  	s17 =	rddreg [dreg:$0x19]  }
0xb9: {  	[tilespmem:s5], [sflag:$0x1] =	stream.linear.gather [hbm4b:s17+s3], $0x68, $0x38;
	[tilespmem:$0xFD20] =	vst v63  }
0xba: {  	_ =	swait.ge [sflag:s21], $0x60  }
0xbb: {  	[sflag:s21] =	ssyncset.done $0x0  }
0xbc: {  	[sflag:s21] =	ssyncadd.s32 $0xFFFFFFA0  }
0xbd: {  	_ =	swait.ge [sflag:s21], $0x68  }
0xbe: {  	[sflag:s21] =	ssyncset.done $0x0  }
0xbf: {  	s22 =	simm.s32 $0x120;
	[sflag:s21] =	ssyncadd.s32 $0xFFFFFF98  }
0xc0: {  	[tilespmem:s8], [sflag:$0x8] =	stream.indirect.gather [hbm4b:s4+s13], $0x40, s22, s13, $0xb8;
	[tilespmem:$0xFD20] =	vst v63  }
0xc1: {  	s23 =	simm.s32 $0x2B8;
	s31 =	simm.s32 $0xB120  }
0xc2: {  	[tilespmem:s31], [sflag:$0x8] =	stream.indirect.gather [hbm4b:s4+s18], $0x40, s23, s18, $0xb8;
	[tilespmem:$0xFD20] =	vst v63  }
0xc3: {  	_ =	swait.ge [sflag:s20], $0x1800  }
0xc4: {  	[sflag:s20] =	ssyncset.done $0x0  }
0xc5: {  	[sflag:s20] =	ssyncadd.s32 $0xFFFFE800  }
0xc6: {  	_ =	swait.ge [sflag:s20], $0x1A00  }
0xc7: {  	[sflag:s20] =	ssyncset.done $0x0  }
0xc8: {  	s12 =	simm.s32 $0x70;
	[sflag:s20] =	ssyncadd.s32 $0xFFFFE600  }
0xc9: {  	v7 =	vld [tilespmem:s12+$0xCAB0]  }
0xca: {  	v11 =	vld [tilespmem:s12+$0xCAC0]  }
0xcb: {  	v5 =	vld [tilespmem:s12+$0xCAD0]  }
0xcc: {  	v4 =	vld [tilespmem:s12+$0xCAE0]  }
0xcd: {  	v3 =	vld [tilespmem:s12+$0xCAF0]  }
0xce: {  	v2 =	vld [tilespmem:s12+$0xCB00]  }
0xcf: {  	v1 =	vld [tilespmem:s12+$0xCB10]  }
0xd0: {  	v0 =	vld [tilespmem:s12+$0xCB20]  }
0xd1: {  	v12 =	vld [tilespmem:s12+$0x66B0]  }
0xd2: {  	v13 =	vld [tilespmem:s12+$0x66C0]  }
0xd3: {  	v10 =	vld [tilespmem:s12+$0x66D0]  }
0xd4: {  	v9 =	vld [tilespmem:s12+$0x66E0]  }
0xd5: {  	v8 =	vld [tilespmem:s12+$0x66F0]  }
0xd6: {  	v6 =	vld [tilespmem:s12+$0x6700];
	v12 =	vadd.f32 v7, v12  }
0xd7: {  	s15 =	simm.s32 $0x3C0;
	v11 =	vadd.f32 v11, v13;
	v7 =	vld [tilespmem:s12+$0x6710]  }
.LBB2_6:
0xd8: {  	s17 =	sshra.s32 s15, $0x2;
	p0 =	sne.s32 s15, $0xC7C0;
	[tilespmem:s12+$0x66B0] =	vst v12;
	v5 =	vadd.f32 v5, v10;
	v10 =	vld [tilespmem:s12+$0x6720]  }
0xd9: {  	v12 =	vld [tilespmem:s17+$0xCAB0];
	[tilespmem:s12+$0x66C0] =	vst v11;
	v4 =	vadd.f32 v4, v9  }
0xda: {  	v11 =	vld [tilespmem:s17+$0xCAC0];
	[tilespmem:s12+$0x66D0] =	vst v5;
	v3 =	vadd.f32 v3, v8  }
0xdb: {  	v5 =	vld [tilespmem:s17+$0xCAD0];
	[tilespmem:s12+$0x66E0] =	vst v4;
	v2 =	vadd.f32 v2, v6  }
0xdc: {  	v4 =	vld [tilespmem:s17+$0xCAE0];
	[tilespmem:s12+$0x66F0] =	vst v3;
	v1 =	vadd.f32 v1, v7  }
0xdd: {  	v3 =	vld [tilespmem:s17+$0xCAF0];
	[tilespmem:s12+$0x6700] =	vst v2;
	v0 =	vadd.f32 v0, v10  }
0xde: {  	v2 =	vld [tilespmem:s17+$0xCB00];
	[tilespmem:s12+$0x6710] =	vst v1  }
0xdf: {  	v1 =	vld [tilespmem:s17+$0xCB10];
	[tilespmem:s12+$0x6720] =	vst v0;
	s12 =	smov.u32 s17  }
0xe0: {  	v0 =	vld [tilespmem:s12+$0xCB20]  }
0xe1: {  	v6 =	vld [tilespmem:s12+$0x66B0]  }
0xe2: {  	v7 =	vld [tilespmem:s12+$0x66C0]  }
.Ltmp2:
0xe3: {  	v10 =	vld [tilespmem:s12+$0x66D0];
	(pc) =	sbr.rel @p0 .LBB2_6-.Ltmp2, $4  }
0xe4: {  	v9 =	vld [tilespmem:s12+$0x66E0]  }
0xe5: {  	v8 =	vld [tilespmem:s12+$0x66F0]  }
0xe6: {  	v12 =	vadd.f32 v12, v6;
	v6 =	vld [tilespmem:s12+$0x6700]  }
0xe7: {  	s15 =	sadd.s32 $0x200, s15;
	v11 =	vadd.f32 v11, v7;
	v7 =	vld [tilespmem:s12+$0x6710]  }
0xe8: {  	[tilespmem:s12+$0x66B0] =	vst v12;
	v5 =	vadd.f32 v5, v10;
	v10 =	vld [tilespmem:s12+$0x6720]  }
0xe9: {  	[tilespmem:s12+$0x66C0] =	vst v11;
	v4 =	vadd.f32 v4, v9  }
0xea: {  	[tilespmem:s12+$0x66D0] =	vst v5;
	v3 =	vadd.f32 v3, v8  }
0xeb: {  	[tilespmem:s12+$0x66E0] =	vst v4;
	v2 =	vadd.f32 v2, v6  }
0xec: {  	[tilespmem:s12+$0x66F0] =	vst v3;
	v1 =	vadd.f32 v1, v7  }
0xed: {  	[tilespmem:s12+$0x6700] =	vst v2;
	v0 =	vadd.f32 v0, v10  }
0xee: {  	[tilespmem:s12+$0x6710] =	vst v1  }
0xef: {  	s15 =	rddreg [dreg:$0xc];
	[tilespmem:s12+$0x6720] =	vst v0  }
0xf0: {  	[hbm4b:s15+s29] =	stream.strided.scatter [tilespmem:s10], [sflag:$0xB], $0x3200, s30, s29, $0x38;
	[tilespmem:$0xFD20] =	vst v63  }
0xf1: {  	s17 =	rddreg [dreg:$0x1a]  }
0xf2: {  	[tilespmem:s13], [sflag:$0x2] =	stream.linear.gather [hbm4b:s17+s3], $0x60, $0x38;
	[tilespmem:$0xFD20] =	vst v63  }
0xf3: {  	s22 =	rddreg [dreg:$0xd]  }
0xf4: {  	[tilespmem:s25], [sflag:$0x2] =	stream.linear.gather [hbm4b:s22+s3], $0x68, $0x38;
	[tilespmem:$0xFD20] =	vst v63  }
0xf5: {  	_ =	swait.ge [sflag:s16], $0x60  }
0xf6: {  	[sflag:s16] =	ssyncset.done $0x0  }
0xf7: {  	[sflag:s16] =	ssyncadd.s32 $0xFFFFFFA0  }
0xf8: {  	_ =	swait.ge [sflag:s16], $0x68  }
0xf9: {  	[sflag:s16] =	ssyncset.done $0x0  }
0xfa: {  	[sflag:s16] =	ssyncadd.s32 $0xFFFFFF98  }
0xfb: {  	_ =	swait.ge [sflag:s26], $0x3200  }
0xfc: {  	[sflag:s26] =	ssyncset.done $0x0  }
0xfd: {  	s23 =	simm.s32 $0x320;
	[sflag:s26] =	ssyncadd.s32 $0xFFFFCE00  }
0xfe: {  	[tilespmem:s23], [sflag:$0x5] =	stream.indirect.gather [hbm4b:s4+s13], $0x40, s3, s13, $0xb8;
	[tilespmem:$0xFD20] =	vst v63  }
0xff: {  	s31 =	simm.s32 $0x1B20  }
0x100: {  	[tilespmem:s31], [sflag:$0x5] =	stream.indirect.gather [hbm4b:s4+s18], $0x40, s5, s18, $0xb8;
	[tilespmem:$0xFD20] =	vst v63  }
0x101: {  	_ =	swait.ge [sflag:s14], $0x1800  }
0x102: {  	[sflag:s14] =	ssyncset.done $0x0  }
0x103: {  	[sflag:s14] =	ssyncadd.s32 $0xFFFFE800  }
0x104: {  	_ =	swait.ge [sflag:s14], $0x1A00  }
0x105: {  	[sflag:s14] =	ssyncset.done $0x0  }
0x106: {  	s12 =	simm.s32 $0x70;
	[sflag:s14] =	ssyncadd.s32 $0xFFFFE600  }
0x107: {  	v7 =	vld [tilespmem:s12+$0xCAB0]  }
0x108: {  	v11 =	vld [tilespmem:s12+$0xCAC0]  }
0x109: {  	v5 =	vld [tilespmem:s12+$0xCAD0]  }
0x10a: {  	v4 =	vld [tilespmem:s12+$0xCAE0]  }
0x10b: {  	v3 =	vld [tilespmem:s12+$0xCAF0]  }
0x10c: {  	v2 =	vld [tilespmem:s12+$0xCB00]  }
0x10d: {  	v1 =	vld [tilespmem:s12+$0xCB10]  }
0x10e: {  	v0 =	vld [tilespmem:s12+$0xCB20]  }
0x10f: {  	v12 =	vld [tilespmem:s12+$0x98B0]  }
0x110: {  	v13 =	vld [tilespmem:s12+$0x98C0]  }
0x111: {  	v10 =	vld [tilespmem:s12+$0x98D0]  }
0x112: {  	v9 =	vld [tilespmem:s12+$0x98E0]  }
0x113: {  	v8 =	vld [tilespmem:s12+$0x98F0]  }
0x114: {  	v6 =	vld [tilespmem:s12+$0x9900];
	v12 =	vadd.f32 v7, v12  }
0x115: {  	s15 =	simm.s32 $0x3C0;
	v11 =	vadd.f32 v11, v13;
	v7 =	vld [tilespmem:s12+$0x9910]  }
.LBB2_8:
0x116: {  	s17 =	sshra.s32 s15, $0x2;
	p0 =	sne.s32 s15, $0xC7C0;
	[tilespmem:s12+$0x98B0] =	vst v12;
	v5 =	vadd.f32 v5, v10;
	v10 =	vld [tilespmem:s12+$0x9920]  }
0x117: {  	v12 =	vld [tilespmem:s17+$0xCAB0];
	[tilespmem:s12+$0x98C0] =	vst v11;
	v4 =	vadd.f32 v4, v9  }
0x118: {  	v11 =	vld [tilespmem:s17+$0xCAC0];
	[tilespmem:s12+$0x98D0] =	vst v5;
	v3 =	vadd.f32 v3, v8  }
0x119: {  	v5 =	vld [tilespmem:s17+$0xCAD0];
	[tilespmem:s12+$0x98E0] =	vst v4;
	v2 =	vadd.f32 v2, v6  }
0x11a: {  	v4 =	vld [tilespmem:s17+$0xCAE0];
	[tilespmem:s12+$0x98F0] =	vst v3;
	v1 =	vadd.f32 v1, v7  }
0x11b: {  	v3 =	vld [tilespmem:s17+$0xCAF0];
	[tilespmem:s12+$0x9900] =	vst v2;
	v0 =	vadd.f32 v0, v10  }
0x11c: {  	v2 =	vld [tilespmem:s17+$0xCB00];
	[tilespmem:s12+$0x9910] =	vst v1  }
0x11d: {  	v1 =	vld [tilespmem:s17+$0xCB10];
	[tilespmem:s12+$0x9920] =	vst v0;
	s12 =	smov.u32 s17  }
0x11e: {  	v0 =	vld [tilespmem:s12+$0xCB20]  }
0x11f: {  	v6 =	vld [tilespmem:s12+$0x98B0]  }
0x120: {  	v7 =	vld [tilespmem:s12+$0x98C0]  }
.Ltmp3:
0x121: {  	v10 =	vld [tilespmem:s12+$0x98D0];
	(pc) =	sbr.rel @p0 .LBB2_8-.Ltmp3, $4  }
0x122: {  	v9 =	vld [tilespmem:s12+$0x98E0]  }
0x123: {  	v8 =	vld [tilespmem:s12+$0x98F0]  }
0x124: {  	v12 =	vadd.f32 v12, v6;
	v6 =	vld [tilespmem:s12+$0x9900]  }
0x125: {  	s15 =	sadd.s32 $0x200, s15;
	v11 =	vadd.f32 v11, v7;
	v7 =	vld [tilespmem:s12+$0x9910]  }
0x126: {  	[tilespmem:s12+$0x98B0] =	vst v12;
	v5 =	vadd.f32 v5, v10;
	v63 =	vld [tilespmem:s12+$0x9920]  }
0x127: {  	[tilespmem:s12+$0x98C0] =	vst v11;
	v4 =	vadd.f32 v4, v9  }
0x128: {  	[tilespmem:s12+$0x98D0] =	vst v5;
	v3 =	vadd.f32 v3, v8  }
0x129: {  	[tilespmem:s12+$0x98E0] =	vst v4;
	v2 =	vadd.f32 v2, v6  }
0x12a: {  	[tilespmem:s12+$0x98F0] =	vst v3;
	v1 =	vadd.f32 v1, v7  }
0x12b: {  	[tilespmem:s12+$0x9900] =	vst v2;
	v0 =	vadd.f32 v0, v63  }
0x12c: {  	[tilespmem:s12+$0x9910] =	vst v1  }
0x12d: {  	s31 =	rddreg [dreg:$0xe];
	[tilespmem:s12+$0x9920] =	vst v0;
	s12 =	simm.s32 $0x1  }
0x12e: {  	[hbm4b:s31+s29] =	stream.strided.scatter [tilespmem:s8], [sflag:$0xC], $0x3200, s30, s29, $0x38;
	[tilespmem:$0xFD20] =	vst v63  }
.LBB2_10:
0x12f: {  	s15 =	sshll.u32 s12, $0x2  }
0x130: {  	s17 =	sor.u32 s15, s6  }
0x131: {  	s22 =	sor.u32 $0x2, s17  }
0x132: {  	s23 =	smul.u32 $0xC8, s22;
	_ =	sdelay $0x1  }
0x133: {  	s23 =	sshrl.u32 s23, $0x3  }
0x134: {  	s31 =	simm.s32 $0xC0;
	s23 =	sadd.s32 s1, s23  }
0x135: {  	[tilespmem:s31], [sflag:$0x3] =	stream.linear.gather [hbm4b:s23+s3], $0x60, $0x38;
	[tilespmem:$0xFD20] =	vst v63  }
0x136: {  	s23 =	sadd.s32 $0xC, s23;
	s31 =	simm.s32 $0x250  }
0x137: {  	[tilespmem:s31], [sflag:$0x3] =	stream.linear.gather [hbm4b:s23+s3], $0x68, $0x38;
	[tilespmem:$0xFD20] =	vst v63  }
0x138: {  	_ =	swait.ge [sflag:s24], $0x60  }
0x139: {  	[sflag:s24] =	ssyncset.done $0x0  }
0x13a: {  	[sflag:s24] =	ssyncadd.s32 $0xFFFFFFA0  }
0x13b: {  	_ =	swait.ge [sflag:s24], $0x68  }
0x13c: {  	[sflag:s24] =	ssyncset.done $0x0  }
0x13d: {  	[sflag:s24] =	ssyncadd.s32 $0xFFFFFF98  }
0x13e: {  	_ =	swait.ge [sflag:s11], $0x3200  }
0x13f: {  	[sflag:s11] =	ssyncset.done $0x0  }
0x140: {  	s31 =	simm.s32 $0x3520;
	[sflag:s11] =	ssyncadd.s32 $0xFFFFCE00  }
0x141: {  	[tilespmem:s31], [sflag:$0x6] =	stream.indirect.gather [hbm4b:s4+s13], $0x40, s13, s13, $0xb8;
	[tilespmem:$0xFD20] =	vst v63  }
0x142: {  	s31 =	simm.s32 $0x4D20  }
0x143: {  	[tilespmem:s31], [sflag:$0x6] =	stream.indirect.gather [hbm4b:s4+s18], $0x40, s25, s18, $0xb8;
	[tilespmem:$0xFD20] =	vst v63  }
0x144: {  	_ =	swait.ge [sflag:s28], $0x1800  }
0x145: {  	[sflag:s28] =	ssyncset.done $0x0  }
0x146: {  	[sflag:s28] =	ssyncadd.s32 $0xFFFFE800  }
0x147: {  	_ =	swait.ge [sflag:s28], $0x1A00  }
0x148: {  	[sflag:s28] =	ssyncset.done $0x0  }
0x149: {  	s23 =	simm.s32 $0x70;
	[sflag:s28] =	ssyncadd.s32 $0xFFFFE600  }
0x14a: {  	v7 =	vld [tilespmem:s23+$0xCAB0]  }
0x14b: {  	v11 =	vld [tilespmem:s23+$0xCAC0]  }
0x14c: {  	v5 =	vld [tilespmem:s23+$0xCAD0]  }
0x14d: {  	v4 =	vld [tilespmem:s23+$0xCAE0]  }
0x14e: {  	v3 =	vld [tilespmem:s23+$0xCAF0]  }
0x14f: {  	v2 =	vld [tilespmem:s23+$0xCB00]  }
0x150: {  	v1 =	vld [tilespmem:s23+$0xCB10]  }
0x151: {  	v0 =	vld [tilespmem:s23+$0xCB20]  }
0x152: {  	v12 =	vld [tilespmem:s23+$0x2B0]  }
0x153: {  	v13 =	vld [tilespmem:s23+$0x2C0]  }
0x154: {  	v10 =	vld [tilespmem:s23+$0x2D0]  }
0x155: {  	v9 =	vld [tilespmem:s23+$0x2E0]  }
0x156: {  	v8 =	vld [tilespmem:s23+$0x2F0]  }
0x157: {  	v6 =	vld [tilespmem:s23+$0x300];
	v12 =	vadd.f32 v7, v12  }
0x158: {  	s25 =	simm.s32 $0x3C0;
	v11 =	vadd.f32 v11, v13;
	v7 =	vld [tilespmem:s23+$0x310]  }
.LBB2_11:
0x159: {  	s31 =	sshra.s32 s25, $0x2;
	p0 =	sne.s32 s25, $0xC7C0;
	[tilespmem:s23+$0x2B0] =	vst v12;
	v5 =	vadd.f32 v5, v10;
	v10 =	vld [tilespmem:s23+$0x320]  }
0x15a: {  	v12 =	vld [tilespmem:s31+$0xCAB0];
	[tilespmem:s23+$0x2C0] =	vst v11;
	v4 =	vadd.f32 v4, v9  }
0x15b: {  	v11 =	vld [tilespmem:s31+$0xCAC0];
	[tilespmem:s23+$0x2D0] =	vst v5;
	v3 =	vadd.f32 v3, v8  }
0x15c: {  	v5 =	vld [tilespmem:s31+$0xCAD0];
	[tilespmem:s23+$0x2E0] =	vst v4;
	v2 =	vadd.f32 v2, v6  }
0x15d: {  	v4 =	vld [tilespmem:s31+$0xCAE0];
	[tilespmem:s23+$0x2F0] =	vst v3;
	v1 =	vadd.f32 v1, v7  }
0x15e: {  	v3 =	vld [tilespmem:s31+$0xCAF0];
	[tilespmem:s23+$0x300] =	vst v2;
	v0 =	vadd.f32 v0, v10  }
0x15f: {  	v2 =	vld [tilespmem:s31+$0xCB00];
	[tilespmem:s23+$0x310] =	vst v1  }
0x160: {  	v1 =	vld [tilespmem:s31+$0xCB10];
	[tilespmem:s23+$0x320] =	vst v0;
	s23 =	smov.u32 s31  }
0x161: {  	v0 =	vld [tilespmem:s23+$0xCB20]  }
0x162: {  	v6 =	vld [tilespmem:s23+$0x2B0]  }
0x163: {  	v7 =	vld [tilespmem:s23+$0x2C0]  }
.Ltmp4:
0x164: {  	v10 =	vld [tilespmem:s23+$0x2D0];
	(pc) =	sbr.rel @p0 .LBB2_11-.Ltmp4, $4  }
0x165: {  	v9 =	vld [tilespmem:s23+$0x2E0]  }
0x166: {  	v8 =	vld [tilespmem:s23+$0x2F0]  }
0x167: {  	v12 =	vadd.f32 v12, v6;
	v6 =	vld [tilespmem:s23+$0x300]  }
0x168: {  	s25 =	sadd.s32 $0x200, s25;
	v11 =	vadd.f32 v11, v7;
	v7 =	vld [tilespmem:s23+$0x310]  }
0x169: {  	[tilespmem:s23+$0x2B0] =	vst v12;
	v5 =	vadd.f32 v5, v10;
	v10 =	vld [tilespmem:s23+$0x320]  }
0x16a: {  	[tilespmem:s23+$0x2C0] =	vst v11;
	v4 =	vadd.f32 v4, v9  }
0x16b: {  	[tilespmem:s23+$0x2D0] =	vst v5;
	v3 =	vadd.f32 v3, v8  }
0x16c: {  	[tilespmem:s23+$0x2E0] =	vst v4;
	v2 =	vadd.f32 v2, v6  }
0x16d: {  	s25 =	sadd.s32 s6, s15;
	[tilespmem:s23+$0x2F0] =	vst v3;
	v1 =	vadd.f32 v1, v7  }
0x16e: {  	s25 =	smul.u32 $0xC80, s25;
	[tilespmem:s23+$0x300] =	vst v2;
	v0 =	vadd.f32 v0, v10  }
0x16f: {  	s17 =	sor.u32 $0x3, s17;
	[tilespmem:s23+$0x310] =	vst v1  }
0x170: {  	s31 =	simm.s32 $0x320;
	[tilespmem:s23+$0x320] =	vst v0;
	s23 =	sadd.s32 s7, s25;
	s25 =	smul.u32 $0xC8, s17  }
0x171: {  	[hbm4b:s23+s29] =	stream.strided.scatter [tilespmem:s31], [sflag:$0x9], $0x3200, s30, s29, $0x38;
	[tilespmem:$0xFD20] =	vst v63  }
0x172: {  	s25 =	sshrl.u32 s25, $0x3  }
0x173: {  	s31 =	simm.s32 $0x120;
	s23 =	sadd.s32 s1, s25  }
0x174: {  	[tilespmem:s31], [sflag:$0x4] =	stream.linear.gather [hbm4b:s23+s3], $0x60, $0x38;
	[tilespmem:$0xFD20] =	vst v63  }
0x175: {  	s23 =	sadd.s32 $0xC, s23;
	s31 =	simm.s32 $0x2B8  }
0x176: {  	[tilespmem:s31], [sflag:$0x4] =	stream.linear.gather [hbm4b:s23+s3], $0x68, $0x38;
	[tilespmem:$0xFD20] =	vst v63  }
0x177: {  	_ =	swait.ge [sflag:s9], $0x60  }
0x178: {  	[sflag:s9] =	ssyncset.done $0x0  }
0x179: {  	[sflag:s9] =	ssyncadd.s32 $0xFFFFFFA0  }
0x17a: {  	_ =	swait.ge [sflag:s9], $0x68  }
0x17b: {  	[sflag:s9] =	ssyncset.done $0x0  }
0x17c: {  	[sflag:s9] =	ssyncadd.s32 $0xFFFFFF98  }
0x17d: {  	_ =	swait.ge [sflag:s0], $0x3200  }
0x17e: {  	[sflag:s0] =	ssyncset.done $0x0  }
0x17f: {  	s31 =	simm.s32 $0xC0;
	[sflag:s0] =	ssyncadd.s32 $0xFFFFCE00  }
0x180: {  	[tilespmem:s10], [sflag:$0x7] =	stream.indirect.gather [hbm4b:s4+s13], $0x40, s31, s13, $0xb8;
	[tilespmem:$0xFD20] =	vst v63  }
0x181: {  	s25 =	simm.s32 $0x250;
	s31 =	simm.s32 $0x7F20  }
0x182: {  	[tilespmem:s31], [sflag:$0x7] =	stream.indirect.gather [hbm4b:s4+s18], $0x40, s25, s18, $0xb8;
	[tilespmem:$0xFD20] =	vst v63  }
0x183: {  	_ =	swait.ge [sflag:s19], $0x1800  }
0x184: {  	[sflag:s19] =	ssyncset.done $0x0  }
0x185: {  	[sflag:s19] =	ssyncadd.s32 $0xFFFFE800  }
0x186: {  	_ =	swait.ge [sflag:s19], $0x1A00  }
0x187: {  	[sflag:s19] =	ssyncset.done $0x0  }
0x188: {  	s23 =	simm.s32 $0x70;
	[sflag:s19] =	ssyncadd.s32 $0xFFFFE600  }
0x189: {  	v6 =	vld [tilespmem:s23+$0xCAB0]  }
0x18a: {  	v11 =	vld [tilespmem:s23+$0xCAC0]  }
0x18b: {  	v5 =	vld [tilespmem:s23+$0xCAD0]  }
0x18c: {  	v4 =	vld [tilespmem:s23+$0xCAE0]  }
0x18d: {  	v3 =	vld [tilespmem:s23+$0xCAF0]  }
0x18e: {  	v2 =	vld [tilespmem:s23+$0xCB00]  }
0x18f: {  	v1 =	vld [tilespmem:s23+$0xCB10]  }
0x190: {  	v0 =	vld [tilespmem:s23+$0xCB20]  }
0x191: {  	v12 =	vld [tilespmem:s23+$0x34B0]  }
0x192: {  	v13 =	vld [tilespmem:s23+$0x34C0]  }
0x193: {  	v10 =	vld [tilespmem:s23+$0x34D0]  }
0x194: {  	v9 =	vld [tilespmem:s23+$0x34E0]  }
0x195: {  	v8 =	vld [tilespmem:s23+$0x34F0]  }
0x196: {  	v7 =	vld [tilespmem:s23+$0x3500];
	v12 =	vadd.f32 v6, v12  }
0x197: {  	s25 =	simm.s32 $0x3C0;
	v11 =	vadd.f32 v11, v13;
	v6 =	vld [tilespmem:s23+$0x3510]  }
.LBB2_13:
0x198: {  	s31 =	sshra.s32 s25, $0x2;
	p0 =	sne.s32 s25, $0xC7C0;
	[tilespmem:s23+$0x34B0] =	vst v12;
	v5 =	vadd.f32 v5, v10;
	v10 =	vld [tilespmem:s23+$0x3520]  }
0x199: {  	v12 =	vld [tilespmem:s31+$0xCAB0];
	[tilespmem:s23+$0x34C0] =	vst v11;
	v4 =	vadd.f32 v4, v9  }
0x19a: {  	v11 =	vld [tilespmem:s31+$0xCAC0];
	[tilespmem:s23+$0x34D0] =	vst v5;
	v3 =	vadd.f32 v3, v8  }
0x19b: {  	v5 =	vld [tilespmem:s31+$0xCAD0];
	[tilespmem:s23+$0x34E0] =	vst v4;
	v2 =	vadd.f32 v2, v7  }
0x19c: {  	v4 =	vld [tilespmem:s31+$0xCAE0];
	[tilespmem:s23+$0x34F0] =	vst v3;
	v1 =	vadd.f32 v1, v6  }
0x19d: {  	v3 =	vld [tilespmem:s31+$0xCAF0];
	[tilespmem:s23+$0x3500] =	vst v2;
	v0 =	vadd.f32 v0, v10  }
0x19e: {  	v2 =	vld [tilespmem:s31+$0xCB00];
	[tilespmem:s23+$0x3510] =	vst v1  }
0x19f: {  	v1 =	vld [tilespmem:s31+$0xCB10];
	[tilespmem:s23+$0x3520] =	vst v0;
	s23 =	smov.u32 s31  }
0x1a0: {  	v0 =	vld [tilespmem:s23+$0xCB20]  }
0x1a1: {  	v6 =	vld [tilespmem:s23+$0x34B0]  }
0x1a2: {  	v13 =	vld [tilespmem:s23+$0x34C0]  }
.Ltmp5:
0x1a3: {  	v10 =	vld [tilespmem:s23+$0x34D0];
	(pc) =	sbr.rel @p0 .LBB2_13-.Ltmp5, $4  }
0x1a4: {  	v9 =	vld [tilespmem:s23+$0x34E0]  }
0x1a5: {  	v8 =	vld [tilespmem:s23+$0x34F0]  }
0x1a6: {  	v12 =	vadd.f32 v12, v6;
	v7 =	vld [tilespmem:s23+$0x3500]  }
0x1a7: {  	s25 =	sadd.s32 $0x200, s25;
	v11 =	vadd.f32 v11, v13;
	v6 =	vld [tilespmem:s23+$0x3510]  }
0x1a8: {  	[tilespmem:s23+$0x34B0] =	vst v12;
	v5 =	vadd.f32 v5, v10;
	v10 =	vld [tilespmem:s23+$0x3520]  }
0x1a9: {  	[tilespmem:s23+$0x34C0] =	vst v11;
	v4 =	vadd.f32 v4, v9  }
0x1aa: {  	[tilespmem:s23+$0x34D0] =	vst v5;
	v3 =	vadd.f32 v3, v8  }
0x1ab: {  	s25 =	sadd.s32 s15, s6;
	[tilespmem:s23+$0x34E0] =	vst v4;
	v2 =	vadd.f32 v2, v7  }
0x1ac: {  	s25 =	smul.u32 $0xC80, s25;
	[tilespmem:s23+$0x34F0] =	vst v3;
	v1 =	vadd.f32 v1, v6  }
0x1ad: {  	s31 =	rddreg [dreg:$0x1b];
	[tilespmem:s23+$0x3500] =	vst v2;
	v0 =	vadd.f32 v0, v10  }
0x1ae: {  	s31 =	sadd.s32 s15, s31;
	s25 =	sadd.s32 s7, s25;
	[tilespmem:s23+$0x3510] =	vst v1  }
0x1af: {  	[tilespmem:s23+$0x3520] =	vst v0;
	s23 =	sadd.s32 $0xC80, s25;
	s25 =	smul.u32 $0xC8, s31;
	s31 =	simm.s32 $0x3520  }
0x1b0: {  	[hbm4b:s23+s29] =	stream.strided.scatter [tilespmem:s31], [sflag:$0xA], $0x3200, s30, s29, $0x38;
	[tilespmem:$0xFD20] =	vst v63  }
0x1b1: {  	s25 =	sshrl.u32 s25, $0x3  }
0x1b2: {  	s23 =	sadd.s32 s1, s25  }
0x1b3: {  	[tilespmem:s3], [sflag:$0x1] =	stream.linear.gather [hbm4b:s23+s3], $0x60, $0x38;
	[tilespmem:$0xFD20] =	vst v63  }
0x1b4: {  	s23 =	sadd.s32 $0xC, s23  }
0x1b5: {  	[tilespmem:s5], [sflag:$0x1] =	stream.linear.gather [hbm4b:s23+s3], $0x68, $0x38;
	[tilespmem:$0xFD20] =	vst v63  }
0x1b6: {  	_ =	swait.ge [sflag:s21], $0x60  }
0x1b7: {  	[sflag:s21] =	ssyncset.done $0x0  }
0x1b8: {  	[sflag:s21] =	ssyncadd.s32 $0xFFFFFFA0  }
0x1b9: {  	_ =	swait.ge [sflag:s21], $0x68  }
0x1ba: {  	[sflag:s21] =	ssyncset.done $0x0  }
0x1bb: {  	[sflag:s21] =	ssyncadd.s32 $0xFFFFFF98  }
0x1bc: {  	_ =	swait.ge [sflag:s2], $0x3200  }
0x1bd: {  	[sflag:s2] =	ssyncset.done $0x0  }
0x1be: {  	s31 =	simm.s32 $0x120;
	[sflag:s2] =	ssyncadd.s32 $0xFFFFCE00  }
0x1bf: {  	[tilespmem:s8], [sflag:$0x8] =	stream.indirect.gather [hbm4b:s4+s13], $0x40, s31, s13, $0xb8;
	[tilespmem:$0xFD20] =	vst v63  }
0x1c0: {  	s25 =	simm.s32 $0x2B8;
	s31 =	simm.s32 $0xB120  }
0x1c1: {  	[tilespmem:s31], [sflag:$0x8] =	stream.indirect.gather [hbm4b:s4+s18], $0x40, s25, s18, $0xb8;
	[tilespmem:$0xFD20] =	vst v63  }
0x1c2: {  	_ =	swait.ge [sflag:s20], $0x1800  }
0x1c3: {  	[sflag:s20] =	ssyncset.done $0x0  }
0x1c4: {  	[sflag:s20] =	ssyncadd.s32 $0xFFFFE800  }
0x1c5: {  	_ =	swait.ge [sflag:s20], $0x1A00  }
0x1c6: {  	[sflag:s20] =	ssyncset.done $0x0  }
0x1c7: {  	s23 =	simm.s32 $0x70;
	[sflag:s20] =	ssyncadd.s32 $0xFFFFE600  }
0x1c8: {  	v7 =	vld [tilespmem:s23+$0xCAB0]  }
0x1c9: {  	v11 =	vld [tilespmem:s23+$0xCAC0]  }
0x1ca: {  	v5 =	vld [tilespmem:s23+$0xCAD0]  }
0x1cb: {  	v4 =	vld [tilespmem:s23+$0xCAE0]  }
0x1cc: {  	v3 =	vld [tilespmem:s23+$0xCAF0]  }
0x1cd: {  	v2 =	vld [tilespmem:s23+$0xCB00]  }
0x1ce: {  	v1 =	vld [tilespmem:s23+$0xCB10]  }
0x1cf: {  	v0 =	vld [tilespmem:s23+$0xCB20]  }
0x1d0: {  	v12 =	vld [tilespmem:s23+$0x66B0]  }
0x1d1: {  	v13 =	vld [tilespmem:s23+$0x66C0]  }
0x1d2: {  	v10 =	vld [tilespmem:s23+$0x66D0]  }
0x1d3: {  	v9 =	vld [tilespmem:s23+$0x66E0]  }
0x1d4: {  	v8 =	vld [tilespmem:s23+$0x66F0]  }
0x1d5: {  	v6 =	vld [tilespmem:s23+$0x6700];
	v12 =	vadd.f32 v7, v12  }
0x1d6: {  	s25 =	simm.s32 $0x3C0;
	v11 =	vadd.f32 v11, v13;
	v7 =	vld [tilespmem:s23+$0x6710]  }
.LBB2_15:
0x1d7: {  	s31 =	sshra.s32 s25, $0x2;
	p0 =	sne.s32 s25, $0xC7C0;
	[tilespmem:s23+$0x66B0] =	vst v12;
	v5 =	vadd.f32 v5, v10;
	v10 =	vld [tilespmem:s23+$0x6720]  }
0x1d8: {  	v12 =	vld [tilespmem:s31+$0xCAB0];
	[tilespmem:s23+$0x66C0] =	vst v11;
	v4 =	vadd.f32 v4, v9  }
0x1d9: {  	v11 =	vld [tilespmem:s31+$0xCAC0];
	[tilespmem:s23+$0x66D0] =	vst v5;
	v3 =	vadd.f32 v3, v8  }
0x1da: {  	v5 =	vld [tilespmem:s31+$0xCAD0];
	[tilespmem:s23+$0x66E0] =	vst v4;
	v2 =	vadd.f32 v2, v6  }
0x1db: {  	v4 =	vld [tilespmem:s31+$0xCAE0];
	[tilespmem:s23+$0x66F0] =	vst v3;
	v1 =	vadd.f32 v1, v7  }
0x1dc: {  	v3 =	vld [tilespmem:s31+$0xCAF0];
	[tilespmem:s23+$0x6700] =	vst v2;
	v0 =	vadd.f32 v0, v10  }
0x1dd: {  	v2 =	vld [tilespmem:s31+$0xCB00];
	[tilespmem:s23+$0x6710] =	vst v1  }
0x1de: {  	v1 =	vld [tilespmem:s31+$0xCB10];
	[tilespmem:s23+$0x6720] =	vst v0;
	s23 =	smov.u32 s31  }
0x1df: {  	v0 =	vld [tilespmem:s23+$0xCB20]  }
0x1e0: {  	v6 =	vld [tilespmem:s23+$0x66B0]  }
0x1e1: {  	v7 =	vld [tilespmem:s23+$0x66C0]  }
.Ltmp6:
0x1e2: {  	v10 =	vld [tilespmem:s23+$0x66D0];
	(pc) =	sbr.rel @p0 .LBB2_15-.Ltmp6, $4  }
0x1e3: {  	v9 =	vld [tilespmem:s23+$0x66E0]  }
0x1e4: {  	v8 =	vld [tilespmem:s23+$0x66F0]  }
0x1e5: {  	v12 =	vadd.f32 v12, v6;
	v6 =	vld [tilespmem:s23+$0x6700]  }
0x1e6: {  	s25 =	sadd.s32 $0x200, s25;
	v11 =	vadd.f32 v11, v7;
	v7 =	vld [tilespmem:s23+$0x6710]  }
0x1e7: {  	[tilespmem:s23+$0x66B0] =	vst v12;
	v5 =	vadd.f32 v5, v10;
	v10 =	vld [tilespmem:s23+$0x6720]  }
0x1e8: {  	[tilespmem:s23+$0x66C0] =	vst v11;
	v4 =	vadd.f32 v4, v9  }
0x1e9: {  	[tilespmem:s23+$0x66D0] =	vst v5;
	v3 =	vadd.f32 v3, v8  }
0x1ea: {  	s25 =	rddreg [dreg:$0x1c];
	[tilespmem:s23+$0x66E0] =	vst v4;
	v2 =	vadd.f32 v2, v6  }
0x1eb: {  	s22 =	smul.u32 $0xC80, s22;
	s15 =	sadd.s32 s15, s25;
	[tilespmem:s23+$0x66F0] =	vst v3;
	v1 =	vadd.f32 v1, v7  }
0x1ec: {  	s15 =	smul.u32 $0xC8, s15;
	[tilespmem:s23+$0x6700] =	vst v2;
	v0 =	vadd.f32 v0, v10  }
0x1ed: {  	[tilespmem:s23+$0x6710] =	vst v1  }
0x1ee: {  	s22 =	sadd.s32 s7, s22;
	s15 =	sshrl.u32 s15, $0x3;
	[tilespmem:s23+$0x6720] =	vst v0  }
0x1ef: {  	[hbm4b:s22+s29] =	stream.strided.scatter [tilespmem:s10], [sflag:$0xB], $0x3200, s30, s29, $0x38;
	[tilespmem:$0xFD20] =	vst v63  }
0x1f0: {  	s15 =	sadd.s32 s1, s15  }
0x1f1: {  	[tilespmem:s13], [sflag:$0x2] =	stream.linear.gather [hbm4b:s15+s3], $0x60, $0x38;
	[tilespmem:$0xFD20] =	vst v63  }
0x1f2: {  	s25 =	simm.s32 $0x1E8;
	s15 =	sadd.s32 $0xC, s15  }
0x1f3: {  	[tilespmem:s25], [sflag:$0x2] =	stream.linear.gather [hbm4b:s15+s3], $0x68, $0x38;
	[tilespmem:$0xFD20] =	vst v63  }
0x1f4: {  	_ =	swait.ge [sflag:s16], $0x60  }
0x1f5: {  	[sflag:s16] =	ssyncset.done $0x0  }
0x1f6: {  	[sflag:s16] =	ssyncadd.s32 $0xFFFFFFA0  }
0x1f7: {  	_ =	swait.ge [sflag:s16], $0x68  }
0x1f8: {  	[sflag:s16] =	ssyncset.done $0x0  }
0x1f9: {  	[sflag:s16] =	ssyncadd.s32 $0xFFFFFF98  }
0x1fa: {  	_ =	swait.ge [sflag:s26], $0x3200  }
0x1fb: {  	[sflag:s26] =	ssyncset.done $0x0  }
0x1fc: {  	s23 =	simm.s32 $0x320;
	[sflag:s26] =	ssyncadd.s32 $0xFFFFCE00  }
0x1fd: {  	[tilespmem:s23], [sflag:$0x5] =	stream.indirect.gather [hbm4b:s4+s13], $0x40, s3, s13, $0xb8;
	[tilespmem:$0xFD20] =	vst v63  }
0x1fe: {  	s31 =	simm.s32 $0x1B20  }
0x1ff: {  	[tilespmem:s31], [sflag:$0x5] =	stream.indirect.gather [hbm4b:s4+s18], $0x40, s5, s18, $0xb8;
	[tilespmem:$0xFD20] =	vst v63  }
0x200: {  	_ =	swait.ge [sflag:s14], $0x1800  }
0x201: {  	[sflag:s14] =	ssyncset.done $0x0  }
0x202: {  	[sflag:s14] =	ssyncadd.s32 $0xFFFFE800  }
0x203: {  	_ =	swait.ge [sflag:s14], $0x1A00  }
0x204: {  	[sflag:s14] =	ssyncset.done $0x0  }
0x205: {  	s15 =	simm.s32 $0x70;
	[sflag:s14] =	ssyncadd.s32 $0xFFFFE600  }
0x206: {  	v7 =	vld [tilespmem:s15+$0xCAB0]  }
0x207: {  	v11 =	vld [tilespmem:s15+$0xCAC0]  }
0x208: {  	v5 =	vld [tilespmem:s15+$0xCAD0]  }
0x209: {  	v4 =	vld [tilespmem:s15+$0xCAE0]  }
0x20a: {  	v3 =	vld [tilespmem:s15+$0xCAF0]  }
0x20b: {  	v2 =	vld [tilespmem:s15+$0xCB00]  }
0x20c: {  	v1 =	vld [tilespmem:s15+$0xCB10]  }
0x20d: {  	v0 =	vld [tilespmem:s15+$0xCB20]  }
0x20e: {  	v12 =	vld [tilespmem:s15+$0x98B0]  }
0x20f: {  	v13 =	vld [tilespmem:s15+$0x98C0]  }
0x210: {  	v10 =	vld [tilespmem:s15+$0x98D0]  }
0x211: {  	v9 =	vld [tilespmem:s15+$0x98E0]  }
0x212: {  	v8 =	vld [tilespmem:s15+$0x98F0]  }
0x213: {  	v6 =	vld [tilespmem:s15+$0x9900];
	v12 =	vadd.f32 v7, v12  }
0x214: {  	s22 =	simm.s32 $0x3C0;
	v11 =	vadd.f32 v11, v13;
	v7 =	vld [tilespmem:s15+$0x9910]  }
.LBB2_17:
0x215: {  	s23 =	sshra.s32 s22, $0x2;
	p0 =	sne.s32 s22, $0xC7C0;
	[tilespmem:s15+$0x98B0] =	vst v12;
	v5 =	vadd.f32 v5, v10;
	v10 =	vld [tilespmem:s15+$0x9920]  }
0x216: {  	v12 =	vld [tilespmem:s23+$0xCAB0];
	[tilespmem:s15+$0x98C0] =	vst v11;
	v4 =	vadd.f32 v4, v9  }
0x217: {  	v11 =	vld [tilespmem:s23+$0xCAC0];
	[tilespmem:s15+$0x98D0] =	vst v5;
	v3 =	vadd.f32 v3, v8  }
0x218: {  	v5 =	vld [tilespmem:s23+$0xCAD0];
	[tilespmem:s15+$0x98E0] =	vst v4;
	v2 =	vadd.f32 v2, v6  }
0x219: {  	v4 =	vld [tilespmem:s23+$0xCAE0];
	[tilespmem:s15+$0x98F0] =	vst v3;
	v1 =	vadd.f32 v1, v7  }
0x21a: {  	v3 =	vld [tilespmem:s23+$0xCAF0];
	[tilespmem:s15+$0x9900] =	vst v2;
	v0 =	vadd.f32 v0, v10  }
0x21b: {  	v2 =	vld [tilespmem:s23+$0xCB00];
	[tilespmem:s15+$0x9910] =	vst v1  }
0x21c: {  	v1 =	vld [tilespmem:s23+$0xCB10];
	[tilespmem:s15+$0x9920] =	vst v0;
	s15 =	smov.u32 s23  }
0x21d: {  	v0 =	vld [tilespmem:s15+$0xCB20]  }
0x21e: {  	v6 =	vld [tilespmem:s15+$0x98B0]  }
0x21f: {  	v7 =	vld [tilespmem:s15+$0x98C0]  }
.Ltmp7:
0x220: {  	v10 =	vld [tilespmem:s15+$0x98D0];
	(pc) =	sbr.rel @p0 .LBB2_17-.Ltmp7, $4  }
0x221: {  	v9 =	vld [tilespmem:s15+$0x98E0]  }
0x222: {  	v8 =	vld [tilespmem:s15+$0x98F0]  }
0x223: {  	v12 =	vadd.f32 v12, v6;
	v6 =	vld [tilespmem:s15+$0x9900]  }
0x224: {  	s22 =	sadd.s32 $0x200, s22;
	v11 =	vadd.f32 v11, v7;
	v7 =	vld [tilespmem:s15+$0x9910]  }
0x225: {  	[tilespmem:s15+$0x98B0] =	vst v12;
	v5 =	vadd.f32 v5, v10;
	v63 =	vld [tilespmem:s15+$0x9920]  }
0x226: {  	[tilespmem:s15+$0x98C0] =	vst v11;
	v4 =	vadd.f32 v4, v9  }
0x227: {  	s12 =	sadd.s32 $0x1, s12;
	[tilespmem:s15+$0x98D0] =	vst v5;
	v3 =	vadd.f32 v3, v8  }
0x228: {  	p0 =	sne.s32 s12, $0x1F;
	[tilespmem:s15+$0x98E0] =	vst v4;
	v2 =	vadd.f32 v2, v6  }
.Ltmp8:
0x229: {  	[tilespmem:s15+$0x98F0] =	vst v3;
	v1 =	vadd.f32 v1, v7;
	(pc) =	sbr.rel @p0 .LBB2_10-.Ltmp8, $4  }
0x22a: {  	s17 =	smul.u32 $0xC80, s17;
	[tilespmem:s15+$0x9900] =	vst v2;
	v0 =	vadd.f32 v0, v63  }
0x22b: {  	[tilespmem:s15+$0x9910] =	vst v1  }
0x22c: {  	s31 =	sadd.s32 s7, s17;
	[tilespmem:s15+$0x9920] =	vst v0  }
0x22d: {  	[hbm4b:s31+s29] =	stream.strided.scatter [tilespmem:s8], [sflag:$0xC], $0x3200, s30, s29, $0x38;
	[tilespmem:$0xFD20] =	vst v63  }
0x22e: {  	s12 =	rddreg [dreg:$0xf];
	s5 =	simm.s32 $0xC0  }
0x22f: {  	[tilespmem:s5], [sflag:$0x3] =	stream.linear.gather [hbm4b:s12+s3], $0x60, $0x38;
	[tilespmem:$0xFD20] =	vst v63  }
0x230: {  	s17 =	rddreg [dreg:$0x1d];
	s22 =	simm.s32 $0x250  }
0x231: {  	[tilespmem:s22], [sflag:$0x3] =	stream.linear.gather [hbm4b:s17+s3], $0x68, $0x38;
	[tilespmem:$0xFD20] =	vst v63  }
0x232: {  	_ =	swait.ge [sflag:s24], $0x60  }
0x233: {  	[sflag:s24] =	ssyncset.done $0x0  }
0x234: {  	[sflag:s24] =	ssyncadd.s32 $0xFFFFFFA0  }
0x235: {  	_ =	swait.ge [sflag:s24], $0x68  }
0x236: {  	[sflag:s24] =	ssyncset.done $0x0  }
0x237: {  	[sflag:s24] =	ssyncadd.s32 $0xFFFFFF98  }
0x238: {  	_ =	swait.ge [sflag:s11], $0x3200  }
0x239: {  	[sflag:s11] =	ssyncset.done $0x0  }
0x23a: {  	s23 =	simm.s32 $0x3520;
	[sflag:s11] =	ssyncadd.s32 $0xFFFFCE00  }
0x23b: {  	[tilespmem:s23], [sflag:$0x6] =	stream.indirect.gather [hbm4b:s4+s13], $0x40, s13, s13, $0xb8;
	[tilespmem:$0xFD20] =	vst v63  }
0x23c: {  	s31 =	simm.s32 $0x4D20  }
0x23d: {  	[tilespmem:s31], [sflag:$0x6] =	stream.indirect.gather [hbm4b:s4+s18], $0x40, s25, s18, $0xb8;
	[tilespmem:$0xFD20] =	vst v63  }
0x23e: {  	_ =	swait.ge [sflag:s28], $0x1800  }
0x23f: {  	[sflag:s28] =	ssyncset.done $0x0  }
0x240: {  	[sflag:s28] =	ssyncadd.s32 $0xFFFFE800  }
0x241: {  	_ =	swait.ge [sflag:s28], $0x1A00  }
0x242: {  	[sflag:s28] =	ssyncset.done $0x0  }
0x243: {  	s12 =	simm.s32 $0x70;
	[sflag:s28] =	ssyncadd.s32 $0xFFFFE600  }
0x244: {  	v7 =	vld [tilespmem:s12+$0xCAB0]  }
0x245: {  	v11 =	vld [tilespmem:s12+$0xCAC0]  }
0x246: {  	v5 =	vld [tilespmem:s12+$0xCAD0]  }
0x247: {  	v4 =	vld [tilespmem:s12+$0xCAE0]  }
0x248: {  	v3 =	vld [tilespmem:s12+$0xCAF0]  }
0x249: {  	v2 =	vld [tilespmem:s12+$0xCB00]  }
0x24a: {  	v1 =	vld [tilespmem:s12+$0xCB10]  }
0x24b: {  	v0 =	vld [tilespmem:s12+$0xCB20]  }
0x24c: {  	v12 =	vld [tilespmem:s12+$0x2B0]  }
0x24d: {  	v13 =	vld [tilespmem:s12+$0x2C0]  }
0x24e: {  	v10 =	vld [tilespmem:s12+$0x2D0]  }
0x24f: {  	v9 =	vld [tilespmem:s12+$0x2E0]  }
0x250: {  	v8 =	vld [tilespmem:s12+$0x2F0]  }
0x251: {  	v6 =	vld [tilespmem:s12+$0x300];
	v12 =	vadd.f32 v7, v12  }
0x252: {  	s15 =	simm.s32 $0x3C0;
	v11 =	vadd.f32 v11, v13;
	v7 =	vld [tilespmem:s12+$0x310]  }
.LBB2_20:
0x253: {  	s17 =	sshra.s32 s15, $0x2;
	p0 =	sne.s32 s15, $0xC7C0;
	[tilespmem:s12+$0x2B0] =	vst v12;
	v5 =	vadd.f32 v5, v10;
	v10 =	vld [tilespmem:s12+$0x320]  }
0x254: {  	v12 =	vld [tilespmem:s17+$0xCAB0];
	[tilespmem:s12+$0x2C0] =	vst v11;
	v4 =	vadd.f32 v4, v9  }
0x255: {  	v11 =	vld [tilespmem:s17+$0xCAC0];
	[tilespmem:s12+$0x2D0] =	vst v5;
	v3 =	vadd.f32 v3, v8  }
0x256: {  	v5 =	vld [tilespmem:s17+$0xCAD0];
	[tilespmem:s12+$0x2E0] =	vst v4;
	v2 =	vadd.f32 v2, v6  }
0x257: {  	v4 =	vld [tilespmem:s17+$0xCAE0];
	[tilespmem:s12+$0x2F0] =	vst v3;
	v1 =	vadd.f32 v1, v7  }
0x258: {  	v3 =	vld [tilespmem:s17+$0xCAF0];
	[tilespmem:s12+$0x300] =	vst v2;
	v0 =	vadd.f32 v0, v10  }
0x259: {  	v2 =	vld [tilespmem:s17+$0xCB00];
	[tilespmem:s12+$0x310] =	vst v1  }
0x25a: {  	v1 =	vld [tilespmem:s17+$0xCB10];
	[tilespmem:s12+$0x320] =	vst v0;
	s12 =	smov.u32 s17  }
0x25b: {  	v0 =	vld [tilespmem:s12+$0xCB20]  }
0x25c: {  	v6 =	vld [tilespmem:s12+$0x2B0]  }
0x25d: {  	v7 =	vld [tilespmem:s12+$0x2C0]  }
.Ltmp9:
0x25e: {  	v10 =	vld [tilespmem:s12+$0x2D0];
	(pc) =	sbr.rel @p0 .LBB2_20-.Ltmp9, $4  }
0x25f: {  	v9 =	vld [tilespmem:s12+$0x2E0]  }
0x260: {  	v8 =	vld [tilespmem:s12+$0x2F0]  }
0x261: {  	v12 =	vadd.f32 v12, v6;
	v6 =	vld [tilespmem:s12+$0x300]  }
0x262: {  	s15 =	sadd.s32 $0x200, s15;
	v11 =	vadd.f32 v11, v7;
	v7 =	vld [tilespmem:s12+$0x310]  }
0x263: {  	[tilespmem:s12+$0x2B0] =	vst v12;
	v5 =	vadd.f32 v5, v10;
	v10 =	vld [tilespmem:s12+$0x320]  }
0x264: {  	[tilespmem:s12+$0x2C0] =	vst v11;
	v4 =	vadd.f32 v4, v9  }
0x265: {  	[tilespmem:s12+$0x2D0] =	vst v5;
	v3 =	vadd.f32 v3, v8  }
0x266: {  	[tilespmem:s12+$0x2E0] =	vst v4;
	v2 =	vadd.f32 v2, v6  }
0x267: {  	[tilespmem:s12+$0x2F0] =	vst v3;
	v1 =	vadd.f32 v1, v7  }
0x268: {  	[tilespmem:s12+$0x300] =	vst v2;
	v0 =	vadd.f32 v0, v10  }
0x269: {  	[tilespmem:s12+$0x310] =	vst v1  }
0x26a: {  	s22 =	rddreg [dreg:$0x10];
	s5 =	simm.s32 $0x320;
	[tilespmem:s12+$0x320] =	vst v0  }
0x26b: {  	[hbm4b:s22+s29] =	stream.strided.scatter [tilespmem:s5], [sflag:$0x9], $0x3200, s30, s29, $0x38;
	[tilespmem:$0xFD20] =	vst v63  }
0x26c: {  	s23 =	rddreg [dreg:$0x11];
	s31 =	simm.s32 $0x120  }
0x26d: {  	[tilespmem:s31], [sflag:$0x4] =	stream.linear.gather [hbm4b:s23+s3], $0x60, $0x38;
	[tilespmem:$0xFD20] =	vst v63  }
0x26e: {  	s15 =	rddreg [dreg:$0x1e];
	s17 =	simm.s32 $0x2B8  }
0x26f: {  	[tilespmem:s17], [sflag:$0x4] =	stream.linear.gather [hbm4b:s15+s3], $0x68, $0x38;
	[tilespmem:$0xFD20] =	vst v63  }
0x270: {  	_ =	swait.ge [sflag:s9], $0x60  }
0x271: {  	[sflag:s9] =	ssyncset.done $0x0  }
0x272: {  	[sflag:s9] =	ssyncadd.s32 $0xFFFFFFA0  }
0x273: {  	_ =	swait.ge [sflag:s9], $0x68  }
0x274: {  	[sflag:s9] =	ssyncset.done $0x0  }
0x275: {  	[sflag:s9] =	ssyncadd.s32 $0xFFFFFF98  }
0x276: {  	_ =	swait.ge [sflag:s0], $0x3200  }
0x277: {  	[sflag:s0] =	ssyncset.done $0x0  }
0x278: {  	s22 =	simm.s32 $0xC0;
	[sflag:s0] =	ssyncadd.s32 $0xFFFFCE00  }
0x279: {  	[tilespmem:s10], [sflag:$0x7] =	stream.indirect.gather [hbm4b:s4+s13], $0x40, s22, s13, $0xb8;
	[tilespmem:$0xFD20] =	vst v63  }
0x27a: {  	s23 =	simm.s32 $0x250;
	s31 =	simm.s32 $0x7F20  }
0x27b: {  	[tilespmem:s31], [sflag:$0x7] =	stream.indirect.gather [hbm4b:s4+s18], $0x40, s23, s18, $0xb8;
	[tilespmem:$0xFD20] =	vst v63  }
0x27c: {  	_ =	swait.ge [sflag:s19], $0x1800  }
0x27d: {  	[sflag:s19] =	ssyncset.done $0x0  }
0x27e: {  	[sflag:s19] =	ssyncadd.s32 $0xFFFFE800  }
0x27f: {  	_ =	swait.ge [sflag:s19], $0x1A00  }
0x280: {  	[sflag:s19] =	ssyncset.done $0x0  }
0x281: {  	s12 =	simm.s32 $0x70;
	[sflag:s19] =	ssyncadd.s32 $0xFFFFE600  }
0x282: {  	v7 =	vld [tilespmem:s12+$0xCAB0]  }
0x283: {  	v11 =	vld [tilespmem:s12+$0xCAC0]  }
0x284: {  	v5 =	vld [tilespmem:s12+$0xCAD0]  }
0x285: {  	v4 =	vld [tilespmem:s12+$0xCAE0]  }
0x286: {  	v3 =	vld [tilespmem:s12+$0xCAF0]  }
0x287: {  	v2 =	vld [tilespmem:s12+$0xCB00]  }
0x288: {  	v1 =	vld [tilespmem:s12+$0xCB10]  }
0x289: {  	v0 =	vld [tilespmem:s12+$0xCB20]  }
0x28a: {  	v12 =	vld [tilespmem:s12+$0x34B0]  }
0x28b: {  	v13 =	vld [tilespmem:s12+$0x34C0]  }
0x28c: {  	v10 =	vld [tilespmem:s12+$0x34D0]  }
0x28d: {  	v9 =	vld [tilespmem:s12+$0x34E0]  }
0x28e: {  	v8 =	vld [tilespmem:s12+$0x34F0]  }
0x28f: {  	v6 =	vld [tilespmem:s12+$0x3500];
	v12 =	vadd.f32 v7, v12  }
0x290: {  	s15 =	simm.s32 $0x3C0;
	v11 =	vadd.f32 v11, v13;
	v7 =	vld [tilespmem:s12+$0x3510]  }
.LBB2_22:
0x291: {  	s17 =	sshra.s32 s15, $0x2;
	p0 =	sne.s32 s15, $0xC7C0;
	[tilespmem:s12+$0x34B0] =	vst v12;
	v5 =	vadd.f32 v5, v10;
	v10 =	vld [tilespmem:s12+$0x3520]  }
0x292: {  	v12 =	vld [tilespmem:s17+$0xCAB0];
	[tilespmem:s12+$0x34C0] =	vst v11;
	v4 =	vadd.f32 v4, v9  }
0x293: {  	v11 =	vld [tilespmem:s17+$0xCAC0];
	[tilespmem:s12+$0x34D0] =	vst v5;
	v3 =	vadd.f32 v3, v8  }
0x294: {  	v5 =	vld [tilespmem:s17+$0xCAD0];
	[tilespmem:s12+$0x34E0] =	vst v4;
	v2 =	vadd.f32 v2, v6  }
0x295: {  	v4 =	vld [tilespmem:s17+$0xCAE0];
	[tilespmem:s12+$0x34F0] =	vst v3;
	v1 =	vadd.f32 v1, v7  }
0x296: {  	v3 =	vld [tilespmem:s17+$0xCAF0];
	[tilespmem:s12+$0x3500] =	vst v2;
	v0 =	vadd.f32 v0, v10  }
0x297: {  	v2 =	vld [tilespmem:s17+$0xCB00];
	[tilespmem:s12+$0x3510] =	vst v1  }
0x298: {  	v1 =	vld [tilespmem:s17+$0xCB10];
	[tilespmem:s12+$0x3520] =	vst v0;
	s12 =	smov.u32 s17  }
0x299: {  	v0 =	vld [tilespmem:s12+$0xCB20]  }
0x29a: {  	v6 =	vld [tilespmem:s12+$0x34B0]  }
0x29b: {  	v7 =	vld [tilespmem:s12+$0x34C0]  }
.Ltmp10:
0x29c: {  	v10 =	vld [tilespmem:s12+$0x34D0];
	(pc) =	sbr.rel @p0 .LBB2_22-.Ltmp10, $4  }
0x29d: {  	v9 =	vld [tilespmem:s12+$0x34E0]  }
0x29e: {  	v8 =	vld [tilespmem:s12+$0x34F0]  }
0x29f: {  	v12 =	vadd.f32 v12, v6;
	v6 =	vld [tilespmem:s12+$0x3500]  }
0x2a0: {  	s15 =	sadd.s32 $0x200, s15;
	v11 =	vadd.f32 v11, v7;
	v7 =	vld [tilespmem:s12+$0x3510]  }
0x2a1: {  	[tilespmem:s12+$0x34B0] =	vst v12;
	v5 =	vadd.f32 v5, v10;
	v10 =	vld [tilespmem:s12+$0x3520]  }
0x2a2: {  	[tilespmem:s12+$0x34C0] =	vst v11;
	v4 =	vadd.f32 v4, v9  }
0x2a3: {  	[tilespmem:s12+$0x34D0] =	vst v5;
	v3 =	vadd.f32 v3, v8  }
0x2a4: {  	[tilespmem:s12+$0x34E0] =	vst v4;
	v2 =	vadd.f32 v2, v6  }
0x2a5: {  	[tilespmem:s12+$0x34F0] =	vst v3;
	v1 =	vadd.f32 v1, v7  }
0x2a6: {  	[tilespmem:s12+$0x3500] =	vst v2;
	v0 =	vadd.f32 v0, v10  }
0x2a7: {  	[tilespmem:s12+$0x3510] =	vst v1  }
0x2a8: {  	s17 =	rddreg [dreg:$0x12];
	s5 =	simm.s32 $0x3520;
	[tilespmem:s12+$0x3520] =	vst v0  }
0x2a9: {  	[hbm4b:s17+s29] =	stream.strided.scatter [tilespmem:s5], [sflag:$0xA], $0x3200, s30, s29, $0x38;
	[tilespmem:$0xFD20] =	vst v63  }
0x2aa: {  	_ =	swait.ge [sflag:s21], $0x60  }
0x2ab: {  	[sflag:s21] =	ssyncset.done $0x0  }
0x2ac: {  	[sflag:s21] =	ssyncadd.s32 $0xFFFFFFA0  }
0x2ad: {  	_ =	swait.ge [sflag:s21], $0x68  }
0x2ae: {  	[sflag:s21] =	ssyncset.done $0x0  }
0x2af: {  	[sflag:s21] =	ssyncadd.s32 $0xFFFFFF98  }
0x2b0: {  	_ =	swait.ge [sflag:s2], $0x3200  }
0x2b1: {  	[sflag:s2] =	ssyncset.done $0x0  }
0x2b2: {  	s22 =	simm.s32 $0x120;
	[sflag:s2] =	ssyncadd.s32 $0xFFFFCE00  }
0x2b3: {  	[tilespmem:s8], [sflag:$0x8] =	stream.indirect.gather [hbm4b:s4+s13], $0x40, s22, s13, $0xb8;
	[tilespmem:$0xFD20] =	vst v63  }
0x2b4: {  	s23 =	simm.s32 $0x2B8;
	s31 =	simm.s32 $0xB120  }
0x2b5: {  	[tilespmem:s31], [sflag:$0x8] =	stream.indirect.gather [hbm4b:s4+s18], $0x40, s23, s18, $0xb8;
	[tilespmem:$0xFD20] =	vst v63  }
0x2b6: {  	_ =	swait.ge [sflag:s20], $0x1800  }
0x2b7: {  	[sflag:s20] =	ssyncset.done $0x0  }
0x2b8: {  	[sflag:s20] =	ssyncadd.s32 $0xFFFFE800  }
0x2b9: {  	_ =	swait.ge [sflag:s20], $0x1A00  }
0x2ba: {  	[sflag:s20] =	ssyncset.done $0x0  }
0x2bb: {  	s12 =	simm.s32 $0x70;
	[sflag:s20] =	ssyncadd.s32 $0xFFFFE600  }
0x2bc: {  	v7 =	vld [tilespmem:s12+$0xCAB0]  }
0x2bd: {  	v11 =	vld [tilespmem:s12+$0xCAC0]  }
0x2be: {  	v5 =	vld [tilespmem:s12+$0xCAD0]  }
0x2bf: {  	v4 =	vld [tilespmem:s12+$0xCAE0]  }
0x2c0: {  	v3 =	vld [tilespmem:s12+$0xCAF0]  }
0x2c1: {  	v2 =	vld [tilespmem:s12+$0xCB00]  }
0x2c2: {  	v1 =	vld [tilespmem:s12+$0xCB10]  }
0x2c3: {  	v0 =	vld [tilespmem:s12+$0xCB20]  }
0x2c4: {  	v12 =	vld [tilespmem:s12+$0x66B0]  }
0x2c5: {  	v13 =	vld [tilespmem:s12+$0x66C0]  }
0x2c6: {  	v10 =	vld [tilespmem:s12+$0x66D0]  }
0x2c7: {  	v9 =	vld [tilespmem:s12+$0x66E0]  }
0x2c8: {  	v8 =	vld [tilespmem:s12+$0x66F0]  }
0x2c9: {  	v6 =	vld [tilespmem:s12+$0x6700];
	v12 =	vadd.f32 v7, v12  }
0x2ca: {  	s15 =	simm.s32 $0x3C0;
	v11 =	vadd.f32 v11, v13;
	v7 =	vld [tilespmem:s12+$0x6710]  }
.LBB2_24:
0x2cb: {  	s17 =	sshra.s32 s15, $0x2;
	p0 =	sne.s32 s15, $0xC7C0;
	[tilespmem:s12+$0x66B0] =	vst v12;
	v5 =	vadd.f32 v5, v10;
	v10 =	vld [tilespmem:s12+$0x6720]  }
0x2cc: {  	v12 =	vld [tilespmem:s17+$0xCAB0];
	[tilespmem:s12+$0x66C0] =	vst v11;
	v4 =	vadd.f32 v4, v9  }
0x2cd: {  	v11 =	vld [tilespmem:s17+$0xCAC0];
	[tilespmem:s12+$0x66D0] =	vst v5;
	v3 =	vadd.f32 v3, v8  }
0x2ce: {  	v5 =	vld [tilespmem:s17+$0xCAD0];
	[tilespmem:s12+$0x66E0] =	vst v4;
	v2 =	vadd.f32 v2, v6  }
0x2cf: {  	v4 =	vld [tilespmem:s17+$0xCAE0];
	[tilespmem:s12+$0x66F0] =	vst v3;
	v1 =	vadd.f32 v1, v7  }
0x2d0: {  	v3 =	vld [tilespmem:s17+$0xCAF0];
	[tilespmem:s12+$0x6700] =	vst v2;
	v0 =	vadd.f32 v0, v10  }
0x2d1: {  	v2 =	vld [tilespmem:s17+$0xCB00];
	[tilespmem:s12+$0x6710] =	vst v1  }
0x2d2: {  	v1 =	vld [tilespmem:s17+$0xCB10];
	[tilespmem:s12+$0x6720] =	vst v0;
	s12 =	smov.u32 s17  }
0x2d3: {  	v0 =	vld [tilespmem:s12+$0xCB20]  }
0x2d4: {  	v6 =	vld [tilespmem:s12+$0x66B0]  }
0x2d5: {  	v7 =	vld [tilespmem:s12+$0x66C0]  }
.Ltmp11:
0x2d6: {  	v10 =	vld [tilespmem:s12+$0x66D0];
	(pc) =	sbr.rel @p0 .LBB2_24-.Ltmp11, $4  }
0x2d7: {  	v9 =	vld [tilespmem:s12+$0x66E0]  }
0x2d8: {  	v8 =	vld [tilespmem:s12+$0x66F0]  }
0x2d9: {  	v12 =	vadd.f32 v12, v6;
	v6 =	vld [tilespmem:s12+$0x6700]  }
0x2da: {  	s15 =	sadd.s32 $0x200, s15;
	v11 =	vadd.f32 v11, v7;
	v7 =	vld [tilespmem:s12+$0x6710]  }
0x2db: {  	[tilespmem:s12+$0x66B0] =	vst v12;
	v5 =	vadd.f32 v5, v10;
	v10 =	vld [tilespmem:s12+$0x6720]  }
0x2dc: {  	[tilespmem:s12+$0x66C0] =	vst v11;
	v4 =	vadd.f32 v4, v9  }
0x2dd: {  	[tilespmem:s12+$0x66D0] =	vst v5;
	v3 =	vadd.f32 v3, v8  }
0x2de: {  	[tilespmem:s12+$0x66E0] =	vst v4;
	v2 =	vadd.f32 v2, v6  }
0x2df: {  	[tilespmem:s12+$0x66F0] =	vst v3;
	v1 =	vadd.f32 v1, v7  }
0x2e0: {  	[tilespmem:s12+$0x6700] =	vst v2;
	v0 =	vadd.f32 v0, v10  }
0x2e1: {  	[tilespmem:s12+$0x6710] =	vst v1  }
0x2e2: {  	s31 =	rddreg [dreg:$0x13];
	[tilespmem:s12+$0x6720] =	vst v0  }
0x2e3: {  	[hbm4b:s31+s29] =	stream.strided.scatter [tilespmem:s10], [sflag:$0xB], $0x3200, s30, s29, $0x38;
	[tilespmem:$0xFD20] =	vst v63  }
0x2e4: {  	_ =	swait.ge [sflag:s14], $0x1800  }
0x2e5: {  	[sflag:s14] =	ssyncset.done $0x0  }
0x2e6: {  	[sflag:s14] =	ssyncadd.s32 $0xFFFFE800  }
0x2e7: {  	_ =	swait.ge [sflag:s14], $0x1A00  }
0x2e8: {  	[sflag:s14] =	ssyncset.done $0x0  }
0x2e9: {  	s12 =	simm.s32 $0x70;
	[sflag:s14] =	ssyncadd.s32 $0xFFFFE600  }
0x2ea: {  	v7 =	vld [tilespmem:s12+$0xCAB0]  }
0x2eb: {  	v11 =	vld [tilespmem:s12+$0xCAC0]  }
0x2ec: {  	v5 =	vld [tilespmem:s12+$0xCAD0]  }
0x2ed: {  	v4 =	vld [tilespmem:s12+$0xCAE0]  }
0x2ee: {  	v3 =	vld [tilespmem:s12+$0xCAF0]  }
0x2ef: {  	v2 =	vld [tilespmem:s12+$0xCB00]  }
0x2f0: {  	v1 =	vld [tilespmem:s12+$0xCB10]  }
0x2f1: {  	v0 =	vld [tilespmem:s12+$0xCB20]  }
0x2f2: {  	v12 =	vld [tilespmem:s12+$0x98B0]  }
0x2f3: {  	v13 =	vld [tilespmem:s12+$0x98C0]  }
0x2f4: {  	v10 =	vld [tilespmem:s12+$0x98D0]  }
0x2f5: {  	v9 =	vld [tilespmem:s12+$0x98E0]  }
0x2f6: {  	v8 =	vld [tilespmem:s12+$0x98F0]  }
0x2f7: {  	v6 =	vld [tilespmem:s12+$0x9900];
	v12 =	vadd.f32 v7, v12  }
0x2f8: {  	s15 =	simm.s32 $0x3C0;
	s5 =	rddreg [dreg:$0x1f];
	v11 =	vadd.f32 v11, v13;
	v7 =	vld [tilespmem:s12+$0x9910]  }
.LBB2_26:
0x2f9: {  	s17 =	sshra.s32 s15, $0x2;
	p0 =	sne.s32 s15, $0xC7C0;
	[tilespmem:s12+$0x98B0] =	vst v12;
	v5 =	vadd.f32 v5, v10;
	v10 =	vld [tilespmem:s12+$0x9920]  }
0x2fa: {  	v12 =	vld [tilespmem:s17+$0xCAB0];
	[tilespmem:s12+$0x98C0] =	vst v11;
	v4 =	vadd.f32 v4, v9  }
0x2fb: {  	v11 =	vld [tilespmem:s17+$0xCAC0];
	[tilespmem:s12+$0x98D0] =	vst v5;
	v3 =	vadd.f32 v3, v8  }
0x2fc: {  	v5 =	vld [tilespmem:s17+$0xCAD0];
	[tilespmem:s12+$0x98E0] =	vst v4;
	v2 =	vadd.f32 v2, v6  }
0x2fd: {  	v4 =	vld [tilespmem:s17+$0xCAE0];
	[tilespmem:s12+$0x98F0] =	vst v3;
	v1 =	vadd.f32 v1, v7  }
0x2fe: {  	v3 =	vld [tilespmem:s17+$0xCAF0];
	[tilespmem:s12+$0x9900] =	vst v2;
	v0 =	vadd.f32 v0, v10  }
0x2ff: {  	v2 =	vld [tilespmem:s17+$0xCB00];
	[tilespmem:s12+$0x9910] =	vst v1  }
0x300: {  	v1 =	vld [tilespmem:s17+$0xCB10];
	[tilespmem:s12+$0x9920] =	vst v0;
	s12 =	smov.u32 s17  }
0x301: {  	v0 =	vld [tilespmem:s12+$0xCB20]  }
0x302: {  	v6 =	vld [tilespmem:s12+$0x98B0]  }
0x303: {  	v7 =	vld [tilespmem:s12+$0x98C0]  }
.Ltmp12:
0x304: {  	v10 =	vld [tilespmem:s12+$0x98D0];
	(pc) =	sbr.rel @p0 .LBB2_26-.Ltmp12, $4  }
0x305: {  	v9 =	vld [tilespmem:s12+$0x98E0]  }
0x306: {  	v8 =	vld [tilespmem:s12+$0x98F0]  }
0x307: {  	v12 =	vadd.f32 v12, v6;
	v6 =	vld [tilespmem:s12+$0x9900]  }
0x308: {  	s15 =	sadd.s32 $0x200, s15;
	v11 =	vadd.f32 v11, v7;
	v7 =	vld [tilespmem:s12+$0x9910]  }
0x309: {  	[tilespmem:s12+$0x98B0] =	vst v12;
	v5 =	vadd.f32 v5, v10;
	v63 =	vld [tilespmem:s12+$0x9920]  }
0x30a: {  	[tilespmem:s12+$0x98C0] =	vst v11;
	v4 =	vadd.f32 v4, v9  }
0x30b: {  	[tilespmem:s12+$0x98D0] =	vst v5;
	v3 =	vadd.f32 v3, v8  }
0x30c: {  	[tilespmem:s12+$0x98E0] =	vst v4;
	v2 =	vadd.f32 v2, v6  }
0x30d: {  	[tilespmem:s12+$0x98F0] =	vst v3;
	v1 =	vadd.f32 v1, v7  }
0x30e: {  	[tilespmem:s12+$0x9900] =	vst v2;
	v0 =	vadd.f32 v0, v63  }
0x30f: {  	[tilespmem:s12+$0x9910] =	vst v1  }
0x310: {  	s23 =	rddreg [dreg:$0x14];
	[tilespmem:s12+$0x9920] =	vst v0  }
0x311: {  	[hbm4b:s23+s29] =	stream.strided.scatter [tilespmem:s8], [sflag:$0xC], $0x3200, s30, s29, $0x38;
	[tilespmem:$0xFD20] =	vst v63  }
0x312: {  	_ =	swait.ge [sflag:s26], $0x3200  }
0x313: {  	[sflag:s26] =	ssyncset.done $0x0  }
0x314: {  	[sflag:s26] =	ssyncadd.s32 $0xFFFFCE00  }
0x315: {  	_ =	swait.ge [sflag:s11], $0x3200  }
0x316: {  	[sflag:s11] =	ssyncset.done $0x0  }
0x317: {  	[sflag:s11] =	ssyncadd.s32 $0xFFFFCE00  }
0x318: {  	_ =	swait.ge [sflag:s0], $0x3200  }
0x319: {  	[sflag:s0] =	ssyncset.done $0x0  }
0x31a: {  	[sflag:s0] =	ssyncadd.s32 $0xFFFFCE00  }
0x31b: {  	_ =	swait.ge [sflag:s2], $0x3200  }
0x31c: {  	s5 =	sadd.s32 $0x1, s5;
	s31 =	rddreg [dreg:$0x15]  }
0x31d: {  	p0 =	sne.s32 s5, s31  }
.Ltmp13:
0x31e: {  	_ = 	snop;
	(pc) =	sbr.rel @p0 .LBB2_1-.Ltmp13, $3  }
0x31f: {  	_ =	sdelay $0x1  }
0x320: {  	[sflag:s2] =	ssyncset.done $0x0  }
0x321: {  	[sflag:s2] =	ssyncadd.s32 $0xFFFFCE00  }
0x322: {  	_ =	sfence.sel $0x180000  }
0x323: {  	[bflag:$0x0] =	sbarrier.arrive $0xFFFF  }
0x324: {  	_ =	strace $0x90000047  }
0x325: {  	s0 =	stileid.u32;
	[bflag:$0x2] =	sbarrier.arrive $0xFFFF  }
0x326: {  	p0 =	sne.s32 s0, $0x0;
	s0 =	rddreg [dreg:$0x2]  }
0x327: {  	s0 =	sadd.s32 @!p0 $0x100000, s0  }
0x328: {  	[sflag:s0] =	ssyncadd.tile.s32 @!p0 $0x1;
	_ =	shalt  }
.Lfunc_end2:
_tile_overlayer_lowered:
.L_overlay_start_2:
0x329: {  	(tag) =	ssettag $0x2  }
0x32a: {  	s0 =	rddreg [dreg:$0x0];
	s2 =	stileid.u32  }
0x32b: {  	s1 =	rddreg [dreg:$0x1];
	p0 =	sne.s32 s2, $0x0  }
0x32c: {  	s3 =	rddreg [dreg:$0x2];
	[bflag:$0x3] =	sbarrier.arrive $0xFFFF;
	s2 =	simm.s32 @!p0 $0x1C0D  }
0x32d: {  	[timem:s3], [sflag:s2] =	dma.local @!p0 [hbm:s0], s1  }
0x32e: {  	s0 =	simm.s32 @!p0 $0xD  }
0x32f: {  	_ =	swait.ge @!p0 [sflag:s0], s1  }
0x330: {  	s1 =	ssub.s32 @!p0 $0x0, s1;
	[sflag:s0] =	ssyncset.done @!p0 $0x0  }
0x331: {  	[sflag:s0] =	ssyncadd.s32 @!p0 s1  }
0x332: {  	[bflag:$0x3] =	sbarrier.arrive $0xFFFF  }
0x333: {  	_ =	shalt  }

// kernel: sparse-core-data-format-call.cloned.1.call-start
scs
called_computation_lowered:
.L_overlay_start_0:
0x0: {  	s2 =	sld [smem:$0x3FD9]  }
0x1: {  	s3 =	sld [smem:$0x3FFE];
	_ =	sdelay $0x1  }
0x2: {  	s1 =	srdreg.scid  }
0x3: {  	s0 =	sand.u32 $0x1, s1  }
0x4: {  	s18 =	sshll.u32 s0, $0xA;
	s2 =	sadd.s32 s3, s2  }
0x5: {  	s2 =	sadd.s32 s2, s18  }
0x6: {  	[smem:$0x3FC5] =	sst s2  }
0x7: {  	_ = 	snop  }
0x8: {  	s2 =	sld [smem:$0x3FD0];
	(tm) =	ssettm $0x1  }
0x9: {  	s19 =	sld [smem:$0x3FFB];
	_ =	sdelay $0x3  }
0xa: {  	_ =	strace s19  }
0xb: {  	s3 =	sld [smem:$0x3FFC];
	_ =	sdelay $0x3  }
0xc: {  	_ =	strace s3  }
0xd: {  	s3 =	sld [smem:$0x3FFD];
	_ =	sdelay $0x3  }
0xe: {  	_ =	strace s3  }
0xf: {  	_ =	strace $0x8FFFFFFF  }
0x10: {  	s20 =	sld [smem:$0x3FDB];
	_ =	sdelay $0x1  }
0x11: {  	s4 =	simm.s32 $_scs_section_size  }
0x12: {  	s5 =	simm.s32 $_size__tile_overlayer_lowered;
	s6 =	simm.s32 $_tile_overlayer_lowered  }
0x13: {  	s23 =	simm.s32 $0x1BFF;
	s22 =	sshll.u32 s6, $0x1;
	s3 =	sadd.s32 s4, s20  }
0x14: {  	s7 =	simm.s32 $0x0;
	s21 =	sshll.u32 s5, $0x1;
	s5 =	sadd.s32 s22, s3  }
0x15: {  	[timem:s7], [sflag:s23] =	dma.local [hbm:s5], s21  }
0x16: {  	_ =	swait.ge [sflag:s23], s21  }
0x17: {  	s4 =	ssub.s32 $0x0, s21;
	[sflag:s23] =	ssyncset.done $0x0  }
0x18: {  	[sflag:s23] =	ssyncadd.s32 s4;
	_ =	sdelay $0x1  }
0x19: {  	s24 =	simm.s32 $0x1B8B  }
0x1a: {  	_ =	swait.ge [sflag:s24], $0x1  }
0x1b: {  	[sflag:s24] =	ssyncset.done $0x0  }
0x1c: {  	s26 =	simm.s32 $0x1B8E;
	s25 =	sld [smem:$0x3FFE];
	[sflag:s24] =	ssyncadd.s32 $0xFFFFFFFF  }
0x1d: {  	s27 =	simm.s32 $execute0_lowered;
	[smem:$0x3FD2] =	sst s26  }
0x1e: {  	s5 =	sshll.u32 s27, $0x1;
	_ =	strace $0x80000049;
	[dreg:$0x1] =	wrdreg $0xFFFFFFFF  }
0x1f: {  	s28 =	simm.s32 $_size_execute0_lowered;
	s3 =	sadd.s32 s3, s5;
	[dreg:$0x0] =	wrdreg $0x0  }
0x20: {  	s5 =	sshll.u32 s28, $0x1;
	[dreg:$0x2] =	wrdreg s3  }
0x21: {  	[dreg:$0x3] =	wrdreg s5  }
0x22: {  	[dreg:$0x4] =	wrdreg $0xC0  }
0x23: {  	_ =	task [dreg:s7], $0x5FFFF  }
0x24: {  	[dreg:$0x1] =	wrdreg $0xFFFFFFFF  }
0x25: {  	[dreg:$0x0] =	wrdreg $0x60  }
0x26: {  	[dreg:$0x2] =	wrdreg s25  }
0x27: {  	[dreg:$0x3] =	wrdreg s2  }
0x28: {  	[dreg:$0x4] =	wrdreg $0x9  }
0x29: {  	_ =	task.clear_ibuf [dreg:s7], $0x5FFFF;
	_ =	strace $0x90000049  }
0x2a: {  	s29 =	simm.s32 $0x9;
	_ =	strace $0x8000004B  }
0x2b: {  	_ =	swait.ge [sflag:s29], $0x1  }
0x2c: {  	[sflag:s29] =	ssyncadd.s32 $0xFFFFFFFF  }
0x2d: {  	_ =	strace $0x9000004B  }
0x2e: {  	_ =	sfence  }
0x2f: {  	s30 =	sld [smem:$0x0];
	_ =	sdelay $0x2  }
0x30: {  	s31 =	sshll.u32 s1, $0xD;
	s1 =	sshrl.u32 s1, $0x2  }
0x31: {  	s3 =	sand.u32 $0x4000, s31;
	s1 =	sadd.s32 s1, s30  }
0x32: {  	s0 =	sor.u32 s3, s0;
	s1 =	sshll.u32 s1, $0x11  }
0x33: {  	s0 =	sor.u32 s1, s0  }
0x34: {  	s0 =	sadd.s32 $0x8F2B, s0  }
0x35: {  	[sflag:s0] =	ssyncadd.remote.s32 $0x1  }
0x36: {  	_ =	sfence.sel $0xFFFF  }
0x37: {  	[dreg:$0x0] =	wrdreg $0xFFFFFFFF;
	(pc) =	sbr.abs _section_cstart, $3  }
0x38: {  	[dreg:$0x1] =	wrdreg $0xFFFFFFFF  }
0x39: {  	_ =	task.clear_ibuf [dreg:s7], $0x2FFFF;
	_ =	strace $0x9FFFFFFF  }
0x3a: {  	(tm) =	ssettm $0x7FFFFFFF  }
0x3b: {  	_ =	shalt  }
tec
execute0_lowered:
.L_overlay_start_1:
0x0: {  	(tag) =	ssettag $0x1  }
0x1: {  	s0 =	srdreg.scid  }
0x2: {  	s1 =	sshll.u32 s0, $0x4  }
0x3: {  	s0 =	stileid.u32;
	s1 =	sand.u32 $0x10, s1  }
0x4: {  	s1 =	sor.u32 s0, s1  }
0x5: {  	s6 =	rddreg [dreg:$0x0];
	s4 =	simm.s32 $0x1;
	s2 =	sshll.u32 s1, $0x7  }
0x6: {  	s7 =	simm.s32 $0x2;
	s12 =	simm.s32 $0x0;
	s1 =	ssub.s32 $0x1000, s2  }
0x7: {  	s8 =	simm.s32 $0x8000;
	s13 =	simm.s32 $0x0;
	s3 =	sand.u32 $0xF80, s1  }
0x8: {  	s9 =	simm.s32 $0x0;
	s5 =	sshrl.u32 s1, $0xC;
	p0 =	sne.s32 s3, $0x0  }
.Ltmp0:
0x9: {  	s1 =	rddreg [dreg:$0x2];
	s4 =	simm.s32 @!p0 $0x0;
	(pc) =	sbr.rel .LBB1_1-.Ltmp0, $4  }
0xa: {  	s11 =	simm.s32 $0x0;
	s3 =	rddreg [dreg:$0x1];
	s5 =	sadd.s32 s4, s5  }
0xb: {  	_ =	strace $0x8000004A;
	s4 =	simm.s32 $0x1;
	s5 =	smul.u32 $0xC8, s5  }
0xc: {  	s6 =	sadd.s32 $0x1400, s6;
	s10 =	smov.u32 s2;
	[sflag:s4] =	ssyncpa.u1 $0x0  }
0xd: {  	p0 =	por $0x0, $0x0;
	[sflag:s7] =	ssyncpa.u1 $0x0;
	s7 =	sor.u32 $0x1, s5  }
.LBB1_4:
0xe: {  	s16 =	sshll.u32 s13, $0x3;
	s17 =	sand.u32 $0x78, s13  }
0xf: {  	s30 =	sand.u32 $0x7E00, s13;
	s12 =	sshll.u32 s12, $0xF;
	s16 =	sand.u32 $0xC00, s16  }
0x10: {  	[tilespmem:s15+$0x810 ss:$0x81] =	vst.msk $0xffff, v2;
	s31 =	sand.u32 $0x7, s13;
	s16 =	sor.u32 s17, s16;
	s17 =	sadd.s32 s3, s30  }
0x11: {  	[tilespmem:s15+$0x1020 ss:$0x81] =	vst.msk $0xffff, v0;
	s13 =	sshll.u32 s31, $0x12;
	s12 =	sadd.s32 s12, s17;
	s16 =	sshrl.u32 s16, $0x3  }
0x12: {  	[tilespmem:s15+$0x0 ss:$0x81] =	vst.msk $0xffff, v1;
	s13 =	sor.u32 $0x400, s13;
	s12 =	sadd.s32 s16, s12  }
0x13: {  	[hbm4b:s12+s13] =	stream.strided.scatter [tilespmem:s14], [sflag:$0x2], $0x2000, s8, s13, $0x20;
	[tilespmem:$0x8080] =	vst v63  }
.LBB1_5:
0x14: {  	s14 =	sadd.s32 $0x1, s9  }
0x15: {  	s12 =	sadd.s32 $0x1000, s10;
	s16 =	smov.u32 s10;
	p2 =	sgt.s32 s14, $0xC7  }
0x16: {  	s16 =	smov.u32 @p2 s12  }
0x17: {  	s14 =	simm.s32 @p2 $0x0;
	p2 =	sgt.s32 s16, $0xFFF  }
0x18: {  	s16 =	smov.u32 @p2 s2;
	p2 =	sne.s32 s11, s7  }
.Ltmp1:
0x19: {  	p1 =	slt.u32 s11, $0x2;
	(pc) =	sbr.rel @!p2 .LBB1_6-.Ltmp1, $4  }
0x1a: {  	s15 =	simm.s32 @!p1 $0x2  }
0x1b: {  	s13 =	smov.u32 s10;
	p0 =	por !p0, !p0;
	_ =	swait.ge @!p1 [sflag:s15], $0x2000  }
0x1c: {  	s12 =	smov.u32 s9;
	[sflag:s15] =	ssyncset.done @!p1 $0x0;
	s9 =	smov.u32 s14  }
0x1d: {  	s11 =	sadd.s32 $0x1, s11;
	[sflag:s15] =	ssyncadd.s32 @!p1 $0xFFFFE000;
	s10 =	smov.u32 s16  }
.LBB1_1:
0x1e: {  	p1 =	sge.u32 s11, s5  }
0x1f: {  	s14 =	sand.u32 @!p1 $0x1FFFFFF, s9  }
0x20: {  	s15 =	smulhi.u32 @!p1 $0x147AE15, s14;
	_ =	sdelay $0x1  }
0x21: {  	s15 =	smul.u32 @!p1 $0xC8, s15  }
0x22: {  	s16 =	sxor.u32 @!p1 $0xFFFFFFFF, s11;
	s17 =	smul.u32 @!p1 $0xC80, s10  }
0x23: {  	s31 =	sadd.s32 $0xFFFFFFFF, s11;
	s16 =	sshll.u32 @!p1 s16, $0xD;
	s14 =	ssub.s32 @!p1 s14, s15  }
0x24: {  	s15 =	sand.u32 @!p1 $0x2000, s16;
	s16 =	sadd.s32 @!p1 s6, s17;
	s14 =	sshll.u32 @!p1 s14, $0x4  }
0x25: {  	s17 =	simm.s32 @!p1 $0x6400;
	s14 =	sadd.s32 @!p1 s14, s16;
	s16 =	simm.s32 @!p1 $0x40  }
0x26: {  	[tilespmem:s15], [sflag:$0x1] =	stream.strided.gather @!p1 [hbm4b:s14+s16], $0x2000, s17, s16, $0x38;
	[tilespmem:$0x8080] =	vst v63  }
0x27: {  	p1 =	sge.u32 s31, s5  }
.Ltmp2:
0x28: {  	_ = 	snop;
	(pc) =	sbr.rel @p1 .LBB1_5-.Ltmp2, $1  }
0x29: {  	_ =	sdelay $0x3  }
0x2a: {  	s14 =	simm.s32 $0x1  }
0x2b: {  	_ =	swait.ge [sflag:s4], $0x2000;
	s14 =	simm.s32 @!p0 $0x0  }
0x2c: {  	[sflag:s4] =	ssyncset.done $0x0;
	s15 =	sshll.u32 s14, $0xD  }
0x2d: {  	[sflag:s4] =	ssyncadd.s32 $0xFFFFE000;
	s18 =	sor.u32 $0x20, s15  }
0x2e: {  	s14 =	smul.u32 $0x8100, s14;
	v3 =	vld [tilespmem:s18+$0x10]  }
0x2f: {  	s30 =	sand.u32 $0x1, s11;
	v2 =	vld [tilespmem:s18+$0xFFFFFFF0]  }
0x30: {  	s15 =	smul.u32 $0x8100, s30;
	s14 =	sshrl.u32 s14, $0x2;
	v0 =	vld [tilespmem:s18+$0x0]  }
0x31: {  	v1 =	vld [tilespmem:s18+$0xFFFFFFE0];
	s16 =	sor.u32 $0x4000, s14  }
0x32: {  	s31 =	sshrl.u32 s15, $0x2;
	s15 =	sadd.s32 $0x0, s16  }
0x33: {  	s17 =	simm.s32 $0x4;
	s18 =	sadd.s32 $0x40, s18;
	s14 =	sor.u32 $0x4000, s31;
	[tilespmem:s15+$0x1830 ss:$0x81] =	vst.msk $0xffff, v3  }
.LBB1_3:
0x34: {  	v3 =	vld [tilespmem:s18+$0x10];
	p1 =	sne.s32 s17, $0x1FC;
	[tilespmem:s15+$0x810 ss:$0x81] =	vst.msk $0xffff, v2;
	s19 =	smov.u32 s17;
	s17 =	sadd.s32 $0x4, s17  }
.Ltmp3:
0x35: {  	v2 =	vld [tilespmem:s18+$0xFFFFFFF0];
	[tilespmem:s15+$0x1020 ss:$0x81] =	vst.msk $0xffff, v0;
	(pc) =	sbr.rel @p1 .LBB1_3-.Ltmp3, $4  }
0x36: {  	v0 =	vld [tilespmem:s18+$0x0];
	[tilespmem:s15+$0x0 ss:$0x81] =	vst.msk $0xffff, v1  }
0x37: {  	s15 =	sshra.s32 s19, $0x2;
	v1 =	vld [tilespmem:s18+$0xFFFFFFE0]  }
0x38: {  	s15 =	sadd.s32 s15, s16  }
0x39: {  	s18 =	sadd.s32 $0x40, s18;
	[tilespmem:s15+$0x1830 ss:$0x81] =	vst.msk $0xffff, v3  }
.Ltmp4:
0x3a: {  	_ = 	snop;
	(pc) =	sbr.rel .LBB1_4-.Ltmp4, $1  }
0x3b: {  	_ =	sdelay $0x3  }
.LBB1_6:
0x3c: {  	_ =	sfence.sel $0x180000  }
0x3d: {  	s2 =	simm.s32 $0x1;
	[bflag:$0x0] =	sbarrier.arrive $0xFFFF  }
0x3e: {  	s31 =	simm.s32 $0x2;
	[sflag:s2] =	ssyncpa.u1 $0x1  }
0x3f: {  	[sflag:s31] =	ssyncpa.u1 $0x1  }
0x40: {  	p0 =	sne.s32 s0, $0x0;
	_ =	strace $0x9000004A  }
0x41: {  	s0 =	sadd.s32 @!p0 $0x100000, s1;
	[bflag:$0x2] =	sbarrier.arrive $0xFFFF  }
0x42: {  	[sflag:s0] =	ssyncadd.tile.s32 @!p0 $0x1;
	_ =	shalt  }
.Lfunc_end1:
_tile_overlayer_lowered:
.L_overlay_start_2:
0x43: {  	(tag) =	ssettag $0x2  }
0x44: {  	s0 =	rddreg [dreg:$0x0];
	s2 =	stileid.u32  }
0x45: {  	s1 =	rddreg [dreg:$0x1];
	p0 =	sne.s32 s2, $0x0  }
0x46: {  	s3 =	rddreg [dreg:$0x2];
	[bflag:$0x3] =	sbarrier.arrive $0xFFFF;
	s2 =	simm.s32 @!p0 $0x1C01  }
0x47: {  	[timem:s3], [sflag:s2] =	dma.local @!p0 [hbm:s0], s1  }
0x48: {  	s0 =	simm.s32 @!p0 $0x1  }
0x49: {  	_ =	swait.ge @!p0 [sflag:s0], s1  }
0x4a: {  	s1 =	ssub.s32 @!p0 $0x0, s1;
	[sflag:s0] =	ssyncset.done @!p0 $0x0  }
0x4b: {  	[sflag:s0] =	ssyncadd.s32 @!p0 s1  }
0x4c: {  	[bflag:$0x3] =	sbarrier.arrive $0xFFFF  }
0x4d: {  	_ =	shalt  }

</sc_bundles>
